<compile_context>
chip_gen: v7x
topology: tpu7x:2x2x1
jax: 0.10.2.dev20260603
libtpu: 0.0.44.dev20260713+nightly
codegen_flags: <defaults>
</compile_context>

<pallas_src>
import jax
import jax.numpy as jnp
from jax import lax
from jax.experimental import pallas as pl
from jax.experimental.pallas import tpu as pltpu
from jax.experimental.pallas import tpu_sc as plsc

N = 10000
N2 = 10240
E = 160000
E2 = 163840
DIN = 256
DHID = 512
DOUT = 256
HALF = 128
NT = 16
_f32 = jnp.float32

CH = 80
NB = 8
NCHUNK = E2 // (NT * CH)
NBLK = NCHUNK // NB
RPT = N2 // NT


def _sc_agg_body(table, srcs, dsts, dep, agg_out, accum, sidx, didx,
                 gb0, gb1, gb2, gb3, gs0, gs1, gs2, gs3,
                 ss0, ss1, ss2, ss3, isem):
    del dep
    c = lax.axis_index("c")
    s = lax.axis_index("s")
    base = s * RPT
    GB = (gb0, gb1, gb2, gb3)
    GS = (gs0, gs1, gs2, gs3)
    SS = (ss0, ss1, ss2, ss3)

    def _zrow(i, _):
        for k in range(HALF // 16):
            gb0[i, pl.ds(k * 16, 16)] = jnp.zeros((16,), _f32)
        return 0
    lax.fori_loop(0, CH, _zrow, 0)
    for q in range(RPT // CH):
        pltpu.sync_copy(gb0, accum.at[pl.ds(base + q * CH, CH)])

    plsc.subcore_barrier()

    def _idx_start(b, par):
        pltpu.async_copy(srcs.at[s, pl.ds(b * NB, NB)], sidx.at[par], isem)
        pltpu.async_copy(dsts.at[s, pl.ds(b * NB, NB)], didx.at[par], isem)

    def _idx_wait(b, par):
        pltpu.make_async_copy(srcs.at[s, pl.ds(b * NB, NB)], sidx.at[par],
                              isem).wait()
        pltpu.make_async_copy(dsts.at[s, pl.ds(b * NB, NB)], didx.at[par],
                              isem).wait()

    _idx_start(0, 0)

    def _blk(b, _):
        par = lax.rem(b, 2)
        _idx_wait(b, par)

        @pl.when(b + 1 < NBLK)
        def _():
            _idx_start(b + 1, 1 - par)

        si = sidx.at[par]
        di = didx.at[par]

        def _fix(j, _):
            for k in range(CH // 16):
                sl = si[j, pl.ds(k * 16, 16)]
                si[j, pl.ds(k * 16, 16)] = sl * 2 + c
            return 0
        lax.fori_loop(0, NB, _fix, 0)

        def _swait(l):
            pltpu.make_async_copy(GB[l % 4], accum.at[di.at[0]],
                                  SS[l % 4]).wait()

        for l in (0, 1):
            @pl.when(b > 0)
            def _():
                _swait(l)
            pltpu.async_copy(table.at[si.at[l]], GB[l], GS[l])

        for l in range(NB):
            X = l % 4
            pltpu.make_async_copy(table.at[si.at[l]], GB[X], GS[X]).wait()
            pltpu.async_copy(GB[X], accum.at[di.at[l]], SS[X], add=True)
            if l < NB - 2:
                Y = (l + 2) % 4

                @pl.when((b > 0) | (l >= 2))
                def _():
                    _swait(l + 2)
                pltpu.async_copy(table.at[si.at[l + 2]], GB[Y], GS[Y])
        return 0
    lax.fori_loop(0, NBLK, _blk, 0)

    for l in range(4):
        pltpu.make_async_copy(GB[l], accum.at[didx.at[1, 0]], SS[l]).wait()

    plsc.subcore_barrier()

    pltpu.sync_copy(accum.at[pl.ds(base, RPT)],
                    agg_out.at[pl.ds(base, RPT), c])


def _sc_deg_body(dsts, deg_out, deg2d, didx, ones_v, dsem):
    c = lax.axis_index("c")
    s = lax.axis_index("s")
    base = s * RPT

    def _zrow(i, _):
        for k in range(HALF // 16):
            ones_v[i, pl.ds(k * 16, 16)] = jnp.zeros((16,), _f32)
        return 0
    lax.fori_loop(0, CH, _zrow, 0)
    for q in range(RPT // CH):
        pltpu.sync_copy(ones_v, deg2d.at[pl.ds(base + q * CH, CH)])

    def _orow(i, _):
        for k in range(HALF // 16):
            ones_v[i, pl.ds(k * 16, 16)] = jnp.full((16,), 1.0, _f32)
        return 0
    lax.fori_loop(0, CH, _orow, 0)

    plsc.subcore_barrier()

    def _blk(b, _):
        blk = c * (NBLK // 2) + b
        pltpu.sync_copy(dsts.at[s, pl.ds(blk * NB, NB)], didx)
        for j in range(NB):
            pltpu.async_copy(ones_v, deg2d.at[didx.at[j]], dsem, add=True)
        for j in range(NB):
            pltpu.make_async_copy(ones_v, deg2d.at[didx.at[j]], dsem).wait()
        return 0
    lax.fori_loop(0, NBLK // 2, _blk, 0)

    plsc.subcore_barrier()

    pltpu.sync_copy(deg2d.at[pl.ds(base, RPT)],
                    deg_out.at[pl.ds(base, RPT), c])


_SC_MESH = plsc.VectorSubcoreMesh(core_axis_name="c", subcore_axis_name="s")

_sc_agg = pl.kernel(
    _sc_agg_body,
    out_type=[jax.ShapeDtypeStruct((N2, 2, HALF), _f32)],
    mesh=_SC_MESH,
    scratch_types=[
        pltpu.VMEM_SHARED((N2, HALF), _f32),
        pltpu.VMEM((2, NB, CH), jnp.int32),
        pltpu.VMEM((2, NB, CH), jnp.int32),
        pltpu.VMEM((CH, HALF), _f32),
        pltpu.VMEM((CH, HALF), _f32),
        pltpu.VMEM((CH, HALF), _f32),
        pltpu.VMEM((CH, HALF), _f32),
        pltpu.SemaphoreType.DMA,
        pltpu.SemaphoreType.DMA,
        pltpu.SemaphoreType.DMA,
        pltpu.SemaphoreType.DMA,
        pltpu.SemaphoreType.DMA,
        pltpu.SemaphoreType.DMA,
        pltpu.SemaphoreType.DMA,
        pltpu.SemaphoreType.DMA,
        pltpu.SemaphoreType.DMA,
    ],
)

_sc_deg = pl.kernel(
    _sc_deg_body,
    out_type=[jax.ShapeDtypeStruct((N2, 2, HALF), _f32)],
    mesh=_SC_MESH,
    scratch_types=[
        pltpu.VMEM_SHARED((N2, HALF), _f32),
        pltpu.VMEM((NB, CH), jnp.int32),
        pltpu.VMEM((CH, HALF), _f32),
        pltpu.SemaphoreType.DMA,
    ],
)



BR = 400
_bf16 = jnp.bfloat16


def _tcinv_body(deg, inv):
    inv[...] = 1.0 / jnp.maximum(deg[:, 0, 0:1] + deg[:, 1, 0:1], 1.0)


def _tcinv(deg):
    return pl.pallas_call(
        _tcinv_body,
        grid=(N // BR,),
        in_specs=[pl.BlockSpec((BR, 2, HALF), lambda i: (i, 0, 0))],
        out_specs=pl.BlockSpec((BR, 1), lambda i: (i, 0)),
        out_shape=jax.ShapeDtypeStruct((N, 1), _f32),
    )(deg)


def _tc1_body(a, inv, x, wl, wr, b, w2l, h_out, p_out):
    iv = inv[...]
    acc = jnp.dot((a[:, 0, :] * iv).astype(_bf16), wl[:HALF],
                  preferred_element_type=_f32)
    acc += jnp.dot((a[:, 1, :] * iv).astype(_bf16), wl[HALF:],
                   preferred_element_type=_f32)
    acc += jnp.dot(x[...], wr[...], preferred_element_type=_f32)
    hb = jnp.maximum(acc + b[...], 0.0).astype(_bf16)
    h_out[...] = hb
    pp = jnp.dot(hb, w2l[...], preferred_element_type=_f32)
    p_out[:, 0, :] = pp[:, :HALF]
    p_out[:, 1, :] = pp[:, HALF:]


def _tc1(agg, inv, x, w1l, w1r, b1, w2l):
    return pl.pallas_call(
        _tc1_body,
        grid=(N // BR,),
        in_specs=[
            pl.BlockSpec((BR, 2, HALF), lambda i: (i, 0, 0)),
            pl.BlockSpec((BR, 1), lambda i: (i, 0)),
            pl.BlockSpec((BR, DIN), lambda i: (i, 0)),
            pl.BlockSpec((DIN, DHID), lambda i: (0, 0)),
            pl.BlockSpec((DIN, DHID), lambda i: (0, 0)),
            pl.BlockSpec((1, DHID), lambda i: (0, 0)),
            pl.BlockSpec((DHID, DOUT), lambda i: (0, 0)),
        ],
        out_specs=[
            pl.BlockSpec((BR, DHID), lambda i: (i, 0)),
            pl.BlockSpec((BR, 2, HALF), lambda i: (i, 0, 0)),
        ],
        out_shape=[
            jax.ShapeDtypeStruct((N, DHID), _bf16),
            jax.ShapeDtypeStruct((N, 2, HALF), _f32),
        ],
    )(agg, inv, x, w1l, w1r, b1, w2l)


def _tc2r_body(h, wr, b, r_out):
    rr = jnp.dot(h[...], wr[...], preferred_element_type=_f32) + b[...]
    r_out[:, 0, :] = rr[:, :HALF].astype(_bf16)
    r_out[:, 1, :] = rr[:, HALF:].astype(_bf16)


def _tc2r(h, w2r, b2):
    return pl.pallas_call(
        _tc2r_body,
        grid=(N // BR,),
        in_specs=[
            pl.BlockSpec((BR, DHID), lambda i: (i, 0)),
            pl.BlockSpec((DHID, DOUT), lambda i: (0, 0)),
            pl.BlockSpec((1, DOUT), lambda i: (0, 0)),
        ],
        out_specs=pl.BlockSpec((BR, 2, HALF), lambda i: (i, 0, 0)),
        out_shape=jax.ShapeDtypeStruct((N, 2, HALF), _bf16),
    )(h, w2r, b2)


def _tc3_body(a, inv, r, z):
    iv = inv[...]
    rr = r[...].astype(_f32)
    z[...] = jnp.concatenate(
        [a[:, 0, :] * iv + rr[:, 0, :], a[:, 1, :] * iv + rr[:, 1, :]],
        axis=1)


def _tc3(agg2, inv, r3):
    return pl.pallas_call(
        _tc3_body,
        grid=(N // BR,),
        in_specs=[
            pl.BlockSpec((BR, 2, HALF), lambda i: (i, 0, 0)),
            pl.BlockSpec((BR, 1), lambda i: (i, 0)),
            pl.BlockSpec((BR, 2, HALF), lambda i: (i, 0, 0)),
        ],
        out_specs=pl.BlockSpec((BR, DOUT), lambda i: (i, 0)),
        out_shape=jax.ShapeDtypeStruct((N, DOUT), _f32),
    )(agg2, inv, r3)


def kernel(x, edge_index, W1_l, W1_r, b1, W2_l, W2_r, b2):
    src = edge_index[0].astype(jnp.int32)
    dst = edge_index[1].astype(jnp.int32)
    pad = jnp.arange(E2 - E, dtype=jnp.int32) % 16
    srcs = jnp.concatenate([src, pad]).reshape(NT, NCHUNK, CH)
    dsts = jnp.concatenate([dst, pad + N]).reshape(NT, NCHUNK, CH)

    xflat = x.reshape(2 * N, HALF)

    (deg,) = _sc_deg(dsts)
    inv = _tcinv(deg)
    (agg1,) = _sc_agg(xflat, srcs, dsts, deg)
    h, p3 = _tc1(agg1, inv, x.astype(_bf16), W1_l.astype(_bf16),
                 W1_r.astype(_bf16), b1.reshape(1, DHID), W2_l.astype(_bf16))
    r3 = _tc2r(h, W2_r.astype(_bf16), b2.reshape(1, DOUT))
    (agg2,) = _sc_agg(p3.reshape(2 * N, HALF), srcs, dsts, deg)
    return _tc3(agg2, inv, r3)

# --- scband reference (transcript-rebuilt; emitter-appended) ---
"""Pipeline reference for scband-net-70806830842433 (READ-ONLY COPY).

The authoritative reference and input builder live on the scoring server;
editing this copy changes nothing except your own understanding.
"""

import jax, jax.numpy as jnp
import numpy as np

N_NODES = 10000
N_EDGES = 160000
D_IN = 256
D_HID = 512
D_OUT = 256


def setup_inputs(seed: int = 0) -> dict:
    key = jax.random.key(seed)
    ks = jax.random.split(key, 9)
    x = jax.random.normal(ks[0], (N_NODES, D_IN), dtype=jnp.float32)
    edge_index = jax.random.randint(ks[1], (2, N_EDGES), 0, N_NODES, dtype=jnp.int64)
    # SAGEConv params: lin_l (applied to aggregated neighbors, with bias), lin_r (applied to root)
    s1 = 1.0 / np.sqrt(D_IN)
    s2 = 1.0 / np.sqrt(D_HID)
    W1_l = jax.random.uniform(ks[2], (D_IN, D_HID), minval=-s1, maxval=s1, dtype=jnp.float32)
    W1_r = jax.random.uniform(ks[3], (D_IN, D_HID), minval=-s1, maxval=s1, dtype=jnp.float32)
    b1 = jax.random.uniform(ks[4], (D_HID,), minval=-s1, maxval=s1, dtype=jnp.float32)
    W2_l = jax.random.uniform(ks[5], (D_HID, D_OUT), minval=-s2, maxval=s2, dtype=jnp.float32)
    W2_r = jax.random.uniform(ks[6], (D_HID, D_OUT), minval=-s2, maxval=s2, dtype=jnp.float32)
    b2 = jax.random.uniform(ks[7], (D_OUT,), minval=-s2, maxval=s2, dtype=jnp.float32)
    return {"x": x, "edge_index": edge_index, "W1_l": W1_l, "W1_r": W1_r, "b1": b1,
            "W2_l": W2_l, "W2_r": W2_r, "b2": b2}


def _sage_conv(x, edge_index, W_l, W_r, b):
    src = edge_index[0]
    dst = edge_index[1]
    n = x.shape[0]
    msg = jnp.take(x, src, axis=0)
    agg = jax.ops.segment_sum(msg, dst, num_segments=n)
    deg = jax.ops.segment_sum(jnp.ones((edge_index.shape[1],), x.dtype), dst, num_segments=n)
    agg = agg / jnp.clip(deg, 1.0, None)[:, None]
    return agg @ W_l + x @ W_r + b


def reference(x, edge_index, W1_l, W1_r, b1, W2_l, W2_r, b2):
    # encode() in eval mode (dropout is identity when not training)
    h = jax.nn.relu(_sage_conv(x, edge_index, W1_l, W1_r, b1))
    z = _sage_conv(h, edge_index, W2_l, W2_r, b2)
    return z

if __name__ == "__main__":
    import jax
    _d = setup_inputs()
    print(jax.jit(kernel)(*tuple(_d.values())))

</pallas_src>

<mosaic_0001>
#map = affine_map<(d0, d1) -> (0, 0)>
#map1 = affine_map<(d0, d1) -> (0, 0, 0)>
module attributes {stable_mosaic.version = 14 : i64} {
  func.func @_sc_agg_body(%arg0: i32, %arg1: i32, %arg2: memref<20000x128xf32, #tpu.memory_space<hbm>>, %arg3: memref<16x128x80xi32, #tpu.memory_space<hbm>>, %arg4: memref<16x128x80xi32, #tpu.memory_space<hbm>>, %arg5: memref<10240x2x128xf32, #tpu.memory_space<hbm>>, %arg6: memref<10240x2x128xf32, #tpu.memory_space<hbm>>, %arg7: memref<10240x128xf32, #tpu.memory_space<vmem_shared>>, %arg8: memref<2x8x80xi32, #tpu.memory_space<vmem>>, %arg9: memref<2x8x80xi32, #tpu.memory_space<vmem>>, %arg10: memref<80x128xf32, #tpu.memory_space<vmem>>, %arg11: memref<80x128xf32, #tpu.memory_space<vmem>>, %arg12: memref<80x128xf32, #tpu.memory_space<vmem>>, %arg13: memref<80x128xf32, #tpu.memory_space<vmem>>, %arg14: memref<!tpu.dma_semaphore, #tpu.memory_space<semaphore_mem>>, %arg15: memref<!tpu.dma_semaphore, #tpu.memory_space<semaphore_mem>>, %arg16: memref<!tpu.dma_semaphore, #tpu.memory_space<semaphore_mem>>, %arg17: memref<!tpu.dma_semaphore, #tpu.memory_space<semaphore_mem>>, %arg18: memref<!tpu.dma_semaphore, #tpu.memory_space<semaphore_mem>>, %arg19: memref<!tpu.dma_semaphore, #tpu.memory_space<semaphore_mem>>, %arg20: memref<!tpu.dma_semaphore, #tpu.memory_space<semaphore_mem>>, %arg21: memref<!tpu.dma_semaphore, #tpu.memory_space<semaphore_mem>>, %arg22: memref<!tpu.dma_semaphore, #tpu.memory_space<semaphore_mem>>) attributes {dimension_semantics = [#tpu.dimension_semantics<core_parallel>, #tpu.dimension_semantics<subcore_parallel>], iteration_bounds = array<i64: 2, 16>, scalar_prefetch = 0 : i64, scratch_operands = 16 : i64, tpu.core_type = #tpu.core_type<sc_vector_subcore>, window_params = [{transform_indices = #map}, {transform_indices = #map1}, {transform_indices = #map1}, {transform_indices = #map1}, {transform_indices = #map1}]} {
    %mul3A = arith.constant 640 : i32
    %mul3A_0 = arith.muli %arg1, %mul3A : i32
    %scan3A = arith.constant 0 : i32
    %scan3A_1 = arith.constant 0 : i32
    %scan3A_2 = arith.constant 80 : i32
    %scan3A_3 = arith.addi %scan3A_1, %scan3A_2 : i32
    %scan3A_4 = arith.constant 1 : i32
    %scan3A_5 = scf.for %scan3A_94 = %scan3A_1 to %scan3A_3 step %scan3A_4 iter_args(%scan3A_95 = %scan3A) -> (i32)  : i32 {
      %broadcast_in_dim3A = arith.constant 0.000000e+00 : f32
      %broadcast_in_dim3A_96 = vector.broadcast %broadcast_in_dim3A : f32 to vector<16xf32>
      %swap3A = arith.index_cast %scan3A_94 : i32 to index
      %swap3A_97 = arith.constant 0 : index
      %swap3A_98 = tpu.vector_load %arg10[%swap3A, %swap3A_97] {strides = array<i32>} : memref<80x128xf32, #tpu.memory_space<vmem>>, vector<1x16xf32>,
      %swap3A_99 = vector.shape_cast %swap3A_98 : vector<1x16xf32> to vector<16xf32>
      %swap3A_100 = vector.shape_cast %broadcast_in_dim3A_96 : vector<16xf32> to vector<1x16xf32>
      tpu.vector_store %arg10[%swap3A, %swap3A_97], %swap3A_100 {strides = array<i32>} : memref<80x128xf32, #tpu.memory_space<vmem>>, vector<1x16xf32>,
      %broadcast_in_dim3A_101 = arith.constant 0.000000e+00 : f32
      %broadcast_in_dim3A_102 = vector.broadcast %broadcast_in_dim3A_101 : f32 to vector<16xf32>
      %swap3A_103 = arith.index_cast %scan3A_94 : i32 to index
      %swap3A_104 = arith.constant 16 : index
      %swap3A_105 = tpu.vector_load %arg10[%swap3A_103, %swap3A_104] {strides = array<i32>} : memref<80x128xf32, #tpu.memory_space<vmem>>, vector<1x16xf32>,
      %swap3A_106 = vector.shape_cast %swap3A_105 : vector<1x16xf32> to vector<16xf32>
      %swap3A_107 = vector.shape_cast %broadcast_in_dim3A_102 : vector<16xf32> to vector<1x16xf32>
      tpu.vector_store %arg10[%swap3A_103, %swap3A_104], %swap3A_107 {strides = array<i32>} : memref<80x128xf32, #tpu.memory_space<vmem>>, vector<1x16xf32>,
      %broadcast_in_dim3A_108 = arith.constant 0.000000e+00 : f32
      %broadcast_in_dim3A_109 = vector.broadcast %broadcast_in_dim3A_108 : f32 to vector<16xf32>
      %swap3A_110 = arith.index_cast %scan3A_94 : i32 to index
      %swap3A_111 = arith.constant 32 : index
      %swap3A_112 = tpu.vector_load %arg10[%swap3A_110, %swap3A_111] {strides = array<i32>} : memref<80x128xf32, #tpu.memory_space<vmem>>, vector<1x16xf32>,
      %swap3A_113 = vector.shape_cast %swap3A_112 : vector<1x16xf32> to vector<16xf32>
      %swap3A_114 = vector.shape_cast %broadcast_in_dim3A_109 : vector<16xf32> to vector<1x16xf32>
      tpu.vector_store %arg10[%swap3A_110, %swap3A_111], %swap3A_114 {strides = array<i32>} : memref<80x128xf32, #tpu.memory_space<vmem>>, vector<1x16xf32>,
      %broadcast_in_dim3A_115 = arith.constant 0.000000e+00 : f32
      %broadcast_in_dim3A_116 = vector.broadcast %broadcast_in_dim3A_115 : f32 to vector<16xf32>
      %swap3A_117 = arith.index_cast %scan3A_94 : i32 to index
      %swap3A_118 = arith.constant 48 : index
      %swap3A_119 = tpu.vector_load %arg10[%swap3A_117, %swap3A_118] {strides = array<i32>} : memref<80x128xf32, #tpu.memory_space<vmem>>, vector<1x16xf32>,
      %swap3A_120 = vector.shape_cast %swap3A_119 : vector<1x16xf32> to vector<16xf32>
      %swap3A_121 = vector.shape_cast %broadcast_in_dim3A_116 : vector<16xf32> to vector<1x16xf32>
      tpu.vector_store %arg10[%swap3A_117, %swap3A_118], %swap3A_121 {strides = array<i32>} : memref<80x128xf32, #tpu.memory_space<vmem>>, vector<1x16xf32>,
      %broadcast_in_dim3A_122 = arith.constant 0.000000e+00 : f32
      %broadcast_in_dim3A_123 = vector.broadcast %broadcast_in_dim3A_122 : f32 to vector<16xf32>
      %swap3A_124 = arith.index_cast %scan3A_94 : i32 to index
      %swap3A_125 = arith.constant 64 : index
      %swap3A_126 = tpu.vector_load %arg10[%swap3A_124, %swap3A_125] {strides = array<i32>} : memref<80x128xf32, #tpu.memory_space<vmem>>, vector<1x16xf32>,
      %swap3A_127 = vector.shape_cast %swap3A_126 : vector<1x16xf32> to vector<16xf32>
      %swap3A_128 = vector.shape_cast %broadcast_in_dim3A_123 : vector<16xf32> to vector<1x16xf32>
      tpu.vector_store %arg10[%swap3A_124, %swap3A_125], %swap3A_128 {strides = array<i32>} : memref<80x128xf32, #tpu.memory_space<vmem>>, vector<1x16xf32>,
      %broadcast_in_dim3A_129 = arith.constant 0.000000e+00 : f32
      %broadcast_in_dim3A_130 = vector.broadcast %broadcast_in_dim3A_129 : f32 to vector<16xf32>
      %swap3A_131 = arith.index_cast %scan3A_94 : i32 to index
      %swap3A_132 = arith.constant 80 : index
      %swap3A_133 = tpu.vector_load %arg10[%swap3A_131, %swap3A_132] {strides = array<i32>} : memref<80x128xf32, #tpu.memory_space<vmem>>, vector<1x16xf32>,
      %swap3A_134 = vector.shape_cast %swap3A_133 : vector<1x16xf32> to vector<16xf32>
      %swap3A_135 = vector.shape_cast %broadcast_in_dim3A_130 : vector<16xf32> to vector<1x16xf32>
      tpu.vector_store %arg10[%swap3A_131, %swap3A_132], %swap3A_135 {strides = array<i32>} : memref<80x128xf32, #tpu.memory_space<vmem>>, vector<1x16xf32>,
      %broadcast_in_dim3A_136 = arith.constant 0.000000e+00 : f32
      %broadcast_in_dim3A_137 = vector.broadcast %broadcast_in_dim3A_136 : f32 to vector<16xf32>
      %swap3A_138 = arith.index_cast %scan3A_94 : i32 to index
      %swap3A_139 = arith.constant 96 : index
      %swap3A_140 = tpu.vector_load %arg10[%swap3A_138, %swap3A_139] {strides = array<i32>} : memref<80x128xf32, #tpu.memory_space<vmem>>, vector<1x16xf32>,
      %swap3A_141 = vector.shape_cast %swap3A_140 : vector<1x16xf32> to vector<16xf32>
      %swap3A_142 = vector.shape_cast %broadcast_in_dim3A_137 : vector<16xf32> to vector<1x16xf32>
      tpu.vector_store %arg10[%swap3A_138, %swap3A_139], %swap3A_142 {strides = array<i32>} : memref<80x128xf32, #tpu.memory_space<vmem>>, vector<1x16xf32>,
      %broadcast_in_dim3A_143 = arith.constant 0.000000e+00 : f32
      %broadcast_in_dim3A_144 = vector.broadcast %broadcast_in_dim3A_143 : f32 to vector<16xf32>
      %swap3A_145 = arith.index_cast %scan3A_94 : i32 to index
      %swap3A_146 = arith.constant 112 : index
      %swap3A_147 = tpu.vector_load %arg10[%swap3A_145, %swap3A_146] {strides = array<i32>} : memref<80x128xf32, #tpu.memory_space<vmem>>, vector<1x16xf32>,
      %swap3A_148 = vector.shape_cast %swap3A_147 : vector<1x16xf32> to vector<16xf32>
      %swap3A_149 = vector.shape_cast %broadcast_in_dim3A_144 : vector<16xf32> to vector<1x16xf32>
      tpu.vector_store %arg10[%swap3A_145, %swap3A_146], %swap3A_149 {strides = array<i32>} : memref<80x128xf32, #tpu.memory_space<vmem>>, vector<1x16xf32>,
      %scan3A_150 = arith.constant 0 : i32
      scf.yield %scan3A_150 : i32
    }
    %scan3A_6 = arith.constant 80 : i32
    %add3A = arith.constant 0 : i32
    %add3A_7 = arith.addi %mul3A_0, %add3A : i32
    "tpu.region"() ({
      %run_scoped3A = tpu.sem_alloc : memref<!tpu.dma_semaphore, #tpu.memory_space<semaphore_mem>>
      %dma_start3A_94 = arith.constant 0 : i32
      %dma_start3A_95 = tpu.memref_slice %arg7[%add3A_7, %dma_start3A_94] : memref<10240x128xf32, #tpu.memory_space<vmem_shared>> -> memref<80x128xf32, #tpu.memory_space<vmem_shared>>
      %dma_start3A_96 = arith.constant 0 : i32
      %dma_start3A_97 = tpu.memref_slice %arg7[%add3A_7, %dma_start3A_96] : memref<10240x128xf32, #tpu.memory_space<vmem_shared>> -> memref<80x128xf32, #tpu.memory_space<vmem_shared>>
      tpu.enqueue_dma source(%arg10 : memref<80x128xf32, #tpu.memory_space<vmem>>) target(%dma_start3A_97 : memref<80x128xf32, #tpu.memory_space<vmem_shared>>) target_semaphore(%run_scoped3A : memref<!tpu.dma_semaphore, #tpu.memory_space<semaphore_mem>>)
      %dma_wait3A_98 = arith.constant 0 : i32
      %dma_wait3A_99 = tpu.memref_slice %arg7[%add3A_7, %dma_wait3A_98] : memref<10240x128xf32, #tpu.memory_space<vmem_shared>> -> memref<80x128xf32, #tpu.memory_space<vmem_shared>>
      %dma_wait3A_100 = arith.constant 0 : i32
      %dma_wait3A_101 = tpu.memref_slice %arg7[%add3A_7, %dma_wait3A_100] : memref<10240x128xf32, #tpu.memory_space<vmem_shared>> -> memref<80x128xf32, #tpu.memory_space<vmem_shared>>
      tpu.wait_dma2 semaphore(%run_scoped3A : memref<!tpu.dma_semaphore, #tpu.memory_space<semaphore_mem>>) src(%arg10 : memref<80x128xf32, #tpu.memory_space<vmem>>) dst(%dma_wait3A_101 : memref<80x128xf32, #tpu.memory_space<vmem_shared>>)
      tpu.yield
    }) : () -> ()
    %add3A_8 = arith.constant 80 : i32
    %add3A_9 = arith.addi %mul3A_0, %add3A_8 : i32
    "tpu.region"() ({
      %run_scoped3A = tpu.sem_alloc : memref<!tpu.dma_semaphore, #tpu.memory_space<semaphore_mem>>
      %dma_start3A_94 = arith.constant 0 : i32
      %dma_start3A_95 = tpu.memref_slice %arg7[%add3A_9, %dma_start3A_94] : memref<10240x128xf32, #tpu.memory_space<vmem_shared>> -> memref<80x128xf32, #tpu.memory_space<vmem_shared>>
      %dma_start3A_96 = arith.constant 0 : i32
      %dma_start3A_97 = tpu.memref_slice %arg7[%add3A_9, %dma_start3A_96] : memref<10240x128xf32, #tpu.memory_space<vmem_shared>> -> memref<80x128xf32, #tpu.memory_space<vmem_shared>>
      tpu.enqueue_dma source(%arg10 : memref<80x128xf32, #tpu.memory_space<vmem>>) target(%dma_start3A_97 : memref<80x128xf32, #tpu.memory_space<vmem_shared>>) target_semaphore(%run_scoped3A : memref<!tpu.dma_semaphore, #tpu.memory_space<semaphore_mem>>)
      %dma_wait3A_98 = arith.constant 0 : i32
      %dma_wait3A_99 = tpu.memref_slice %arg7[%add3A_9, %dma_wait3A_98] : memref<10240x128xf32, #tpu.memory_space<vmem_shared>> -> memref<80x128xf32, #tpu.memory_space<vmem_shared>>
      %dma_wait3A_100 = arith.constant 0 : i32
      %dma_wait3A_101 = tpu.memref_slice %arg7[%add3A_9, %dma_wait3A_100] : memref<10240x128xf32, #tpu.memory_space<vmem_shared>> -> memref<80x128xf32, #tpu.memory_space<vmem_shared>>
      tpu.wait_dma2 semaphore(%run_scoped3A : memref<!tpu.dma_semaphore, #tpu.memory_space<semaphore_mem>>) src(%arg10 : memref<80x128xf32, #tpu.memory_space<vmem>>) dst(%dma_wait3A_101 : memref<80x128xf32, #tpu.memory_space<vmem_shared>>)
      tpu.yield
    }) : () -> ()
    %add3A_10 = arith.constant 160 : i32
    %add3A_11 = arith.addi %mul3A_0, %add3A_10 : i32
    "tpu.region"() ({
      %run_scoped3A = tpu.sem_alloc : memref<!tpu.dma_semaphore, #tpu.memory_space<semaphore_mem>>
      %dma_start3A_94 = arith.constant 0 : i32
      %dma_start3A_95 = tpu.memref_slice %arg7[%add3A_11, %dma_start3A_94] : memref<10240x128xf32, #tpu.memory_space<vmem_shared>> -> memref<80x128xf32, #tpu.memory_space<vmem_shared>>
      %dma_start3A_96 = arith.constant 0 : i32
      %dma_start3A_97 = tpu.memref_slice %arg7[%add3A_11, %dma_start3A_96] : memref<10240x128xf32, #tpu.memory_space<vmem_shared>> -> memref<80x128xf32, #tpu.memory_space<vmem_shared>>
      tpu.enqueue_dma source(%arg10 : memref<80x128xf32, #tpu.memory_space<vmem>>) target(%dma_start3A_97 : memref<80x128xf32, #tpu.memory_space<vmem_shared>>) target_semaphore(%run_scoped3A : memref<!tpu.dma_semaphore, #tpu.memory_space<semaphore_mem>>)
      %dma_wait3A_98 = arith.constant 0 : i32
      %dma_wait3A_99 = tpu.memref_slice %arg7[%add3A_11, %dma_wait3A_98] : memref<10240x128xf32, #tpu.memory_space<vmem_shared>> -> memref<80x128xf32, #tpu.memory_space<vmem_shared>>
      %dma_wait3A_100 = arith.constant 0 : i32
      %dma_wait3A_101 = tpu.memref_slice %arg7[%add3A_11, %dma_wait3A_100] : memref<10240x128xf32, #tpu.memory_space<vmem_shared>> -> memref<80x128xf32, #tpu.memory_space<vmem_shared>>
      tpu.wait_dma2 semaphore(%run_scoped3A : memref<!tpu.dma_semaphore, #tpu.memory_space<semaphore_mem>>) src(%arg10 : memref<80x128xf32, #tpu.memory_space<vmem>>) dst(%dma_wait3A_101 : memref<80x128xf32, #tpu.memory_space<vmem_shared>>)
      tpu.yield
    }) : () -> ()
    %add3A_12 = arith.constant 240 : i32
    %add3A_13 = arith.addi %mul3A_0, %add3A_12 : i32
    "tpu.region"() ({
      %run_scoped3A = tpu.sem_alloc : memref<!tpu.dma_semaphore, #tpu.memory_space<semaphore_mem>>
      %dma_start3A_94 = arith.constant 0 : i32
      %dma_start3A_95 = tpu.memref_slice %arg7[%add3A_13, %dma_start3A_94] : memref<10240x128xf32, #tpu.memory_space<vmem_shared>> -> memref<80x128xf32, #tpu.memory_space<vmem_shared>>
      %dma_start3A_96 = arith.constant 0 : i32
      %dma_start3A_97 = tpu.memref_slice %arg7[%add3A_13, %dma_start3A_96] : memref<10240x128xf32, #tpu.memory_space<vmem_shared>> -> memref<80x128xf32, #tpu.memory_space<vmem_shared>>
      tpu.enqueue_dma source(%arg10 : memref<80x128xf32, #tpu.memory_space<vmem>>) target(%dma_start3A_97 : memref<80x128xf32, #tpu.memory_space<vmem_shared>>) target_semaphore(%run_scoped3A : memref<!tpu.dma_semaphore, #tpu.memory_space<semaphore_mem>>)
      %dma_wait3A_98 = arith.constant 0 : i32
      %dma_wait3A_99 = tpu.memref_slice %arg7[%add3A_13, %dma_wait3A_98] : memref<10240x128xf32, #tpu.memory_space<vmem_shared>> -> memref<80x128xf32, #tpu.memory_space<vmem_shared>>
      %dma_wait3A_100 = arith.constant 0 : i32
      %dma_wait3A_101 = tpu.memref_slice %arg7[%add3A_13, %dma_wait3A_100] : memref<10240x128xf32, #tpu.memory_space<vmem_shared>> -> memref<80x128xf32, #tpu.memory_space<vmem_shared>>
      tpu.wait_dma2 semaphore(%run_scoped3A : memref<!tpu.dma_semaphore, #tpu.memory_space<semaphore_mem>>) src(%arg10 : memref<80x128xf32, #tpu.memory_space<vmem>>) dst(%dma_wait3A_101 : memref<80x128xf32, #tpu.memory_space<vmem_shared>>)
      tpu.yield
    }) : () -> ()
    %add3A_14 = arith.constant 320 : i32
    %add3A_15 = arith.addi %mul3A_0, %add3A_14 : i32
    "tpu.region"() ({
      %run_scoped3A = tpu.sem_alloc : memref<!tpu.dma_semaphore, #tpu.memory_space<semaphore_mem>>
      %dma_start3A_94 = arith.constant 0 : i32
      %dma_start3A_95 = tpu.memref_slice %arg7[%add3A_15, %dma_start3A_94] : memref<10240x128xf32, #tpu.memory_space<vmem_shared>> -> memref<80x128xf32, #tpu.memory_space<vmem_shared>>
      %dma_start3A_96 = arith.constant 0 : i32
      %dma_start3A_97 = tpu.memref_slice %arg7[%add3A_15, %dma_start3A_96] : memref<10240x128xf32, #tpu.memory_space<vmem_shared>> -> memref<80x128xf32, #tpu.memory_space<vmem_shared>>
      tpu.enqueue_dma source(%arg10 : memref<80x128xf32, #tpu.memory_space<vmem>>) target(%dma_start3A_97 : memref<80x128xf32, #tpu.memory_space<vmem_shared>>) target_semaphore(%run_scoped3A : memref<!tpu.dma_semaphore, #tpu.memory_space<semaphore_mem>>)
      %dma_wait3A_98 = arith.constant 0 : i32
      %dma_wait3A_99 = tpu.memref_slice %arg7[%add3A_15, %dma_wait3A_98] : memref<10240x128xf32, #tpu.memory_space<vmem_shared>> -> memref<80x128xf32, #tpu.memory_space<vmem_shared>>
      %dma_wait3A_100 = arith.constant 0 : i32
      %dma_wait3A_101 = tpu.memref_slice %arg7[%add3A_15, %dma_wait3A_100] : memref<10240x128xf32, #tpu.memory_space<vmem_shared>> -> memref<80x128xf32, #tpu.memory_space<vmem_shared>>
      tpu.wait_dma2 semaphore(%run_scoped3A : memref<!tpu.dma_semaphore, #tpu.memory_space<semaphore_mem>>) src(%arg10 : memref<80x128xf32, #tpu.memory_space<vmem>>) dst(%dma_wait3A_101 : memref<80x128xf32, #tpu.memory_space<vmem_shared>>)
      tpu.yield
    }) : () -> ()
    %add3A_16 = arith.constant 400 : i32
    %add3A_17 = arith.addi %mul3A_0, %add3A_16 : i32
    "tpu.region"() ({
      %run_scoped3A = tpu.sem_alloc : memref<!tpu.dma_semaphore, #tpu.memory_space<semaphore_mem>>
      %dma_start3A_94 = arith.constant 0 : i32
      %dma_start3A_95 = tpu.memref_slice %arg7[%add3A_17, %dma_start3A_94] : memref<10240x128xf32, #tpu.memory_space<vmem_shared>> -> memref<80x128xf32, #tpu.memory_space<vmem_shared>>
      %dma_start3A_96 = arith.constant 0 : i32
      %dma_start3A_97 = tpu.memref_slice %arg7[%add3A_17, %dma_start3A_96] : memref<10240x128xf32, #tpu.memory_space<vmem_shared>> -> memref<80x128xf32, #tpu.memory_space<vmem_shared>>
      tpu.enqueue_dma source(%arg10 : memref<80x128xf32, #tpu.memory_space<vmem>>) target(%dma_start3A_97 : memref<80x128xf32, #tpu.memory_space<vmem_shared>>) target_semaphore(%run_scoped3A : memref<!tpu.dma_semaphore, #tpu.memory_space<semaphore_mem>>)
      %dma_wait3A_98 = arith.constant 0 : i32
      %dma_wait3A_99 = tpu.memref_slice %arg7[%add3A_17, %dma_wait3A_98] : memref<10240x128xf32, #tpu.memory_space<vmem_shared>> -> memref<80x128xf32, #tpu.memory_space<vmem_shared>>
      %dma_wait3A_100 = arith.constant 0 : i32
      %dma_wait3A_101 = tpu.memref_slice %arg7[%add3A_17, %dma_wait3A_100] : memref<10240x128xf32, #tpu.memory_space<vmem_shared>> -> memref<80x128xf32, #tpu.memory_space<vmem_shared>>
      tpu.wait_dma2 semaphore(%run_scoped3A : memref<!tpu.dma_semaphore, #tpu.memory_space<semaphore_mem>>) src(%arg10 : memref<80x128xf32, #tpu.memory_space<vmem>>) dst(%dma_wait3A_101 : memref<80x128xf32, #tpu.memory_space<vmem_shared>>)
      tpu.yield
    }) : () -> ()
    %add3A_18 = arith.constant 480 : i32
    %add3A_19 = arith.addi %mul3A_0, %add3A_18 : i32
    "tpu.region"() ({
      %run_scoped3A = tpu.sem_alloc : memref<!tpu.dma_semaphore, #tpu.memory_space<semaphore_mem>>
      %dma_start3A_94 = arith.constant 0 : i32
      %dma_start3A_95 = tpu.memref_slice %arg7[%add3A_19, %dma_start3A_94] : memref<10240x128xf32, #tpu.memory_space<vmem_shared>> -> memref<80x128xf32, #tpu.memory_space<vmem_shared>>
      %dma_start3A_96 = arith.constant 0 : i32
      %dma_start3A_97 = tpu.memref_slice %arg7[%add3A_19, %dma_start3A_96] : memref<10240x128xf32, #tpu.memory_space<vmem_shared>> -> memref<80x128xf32, #tpu.memory_space<vmem_shared>>
      tpu.enqueue_dma source(%arg10 : memref<80x128xf32, #tpu.memory_space<vmem>>) target(%dma_start3A_97 : memref<80x128xf32, #tpu.memory_space<vmem_shared>>) target_semaphore(%run_scoped3A : memref<!tpu.dma_semaphore, #tpu.memory_space<semaphore_mem>>)
      %dma_wait3A_98 = arith.constant 0 : i32
      %dma_wait3A_99 = tpu.memref_slice %arg7[%add3A_19, %dma_wait3A_98] : memref<10240x128xf32, #tpu.memory_space<vmem_shared>> -> memref<80x128xf32, #tpu.memory_space<vmem_shared>>
      %dma_wait3A_100 = arith.constant 0 : i32
      %dma_wait3A_101 = tpu.memref_slice %arg7[%add3A_19, %dma_wait3A_100] : memref<10240x128xf32, #tpu.memory_space<vmem_shared>> -> memref<80x128xf32, #tpu.memory_space<vmem_shared>>
      tpu.wait_dma2 semaphore(%run_scoped3A : memref<!tpu.dma_semaphore, #tpu.memory_space<semaphore_mem>>) src(%arg10 : memref<80x128xf32, #tpu.memory_space<vmem>>) dst(%dma_wait3A_101 : memref<80x128xf32, #tpu.memory_space<vmem_shared>>)
      tpu.yield
    }) : () -> ()
    %add3A_20 = arith.constant 560 : i32
    %add3A_21 = arith.addi %mul3A_0, %add3A_20 : i32
    "tpu.region"() ({
      %run_scoped3A = tpu.sem_alloc : memref<!tpu.dma_semaphore, #tpu.memory_space<semaphore_mem>>
      %dma_start3A_94 = arith.constant 0 : i32
      %dma_start3A_95 = tpu.memref_slice %arg7[%add3A_21, %dma_start3A_94] : memref<10240x128xf32, #tpu.memory_space<vmem_shared>> -> memref<80x128xf32, #tpu.memory_space<vmem_shared>>
      %dma_start3A_96 = arith.constant 0 : i32
      %dma_start3A_97 = tpu.memref_slice %arg7[%add3A_21, %dma_start3A_96] : memref<10240x128xf32, #tpu.memory_space<vmem_shared>> -> memref<80x128xf32, #tpu.memory_space<vmem_shared>>
      tpu.enqueue_dma source(%arg10 : memref<80x128xf32, #tpu.memory_space<vmem>>) target(%dma_start3A_97 : memref<80x128xf32, #tpu.memory_space<vmem_shared>>) target_semaphore(%run_scoped3A : memref<!tpu.dma_semaphore, #tpu.memory_space<semaphore_mem>>)
      %dma_wait3A_98 = arith.constant 0 : i32
      %dma_wait3A_99 = tpu.memref_slice %arg7[%add3A_21, %dma_wait3A_98] : memref<10240x128xf32, #tpu.memory_space<vmem_shared>> -> memref<80x128xf32, #tpu.memory_space<vmem_shared>>
      %dma_wait3A_100 = arith.constant 0 : i32
      %dma_wait3A_101 = tpu.memref_slice %arg7[%add3A_21, %dma_wait3A_100] : memref<10240x128xf32, #tpu.memory_space<vmem_shared>> -> memref<80x128xf32, #tpu.memory_space<vmem_shared>>
      tpu.wait_dma2 semaphore(%run_scoped3A : memref<!tpu.dma_semaphore, #tpu.memory_space<semaphore_mem>>) src(%arg10 : memref<80x128xf32, #tpu.memory_space<vmem>>) dst(%dma_wait3A_101 : memref<80x128xf32, #tpu.memory_space<vmem_shared>>)
      tpu.yield
    }) : () -> ()
    %barrier3A = arith.constant 0 : index
    tpu.barrier barrier_id(%barrier3A)
    %dma_start3A = arith.constant 0 : i32
    %dma_start3A_22 = arith.constant 0 : i32
    %dma_start3A_23 = arith.constant 0 : i32
    %dma_start3A_24 = tpu.memref_slice %arg8[%dma_start3A, %dma_start3A_22, %dma_start3A_23] : memref<2x8x80xi32, #tpu.memory_space<vmem>> -> memref<1x8x80xi32, #tpu.memory_space<vmem>>
    %dma_start3A_25 = tpu.memref_squeeze %dma_start3A_24 : memref<1x8x80xi32, #tpu.memory_space<vmem>> -> memref<8x80xi32, #tpu.memory_space<vmem>>
    %dma_start3A_26 = arith.constant 0 : i32
    %dma_start3A_27 = arith.constant 0 : i32
    %dma_start3A_28 = tpu.memref_slice %arg3[%arg1, %dma_start3A_26, %dma_start3A_27] : memref<16x128x80xi32, #tpu.memory_space<hbm>> -> memref<1x8x80xi32, #tpu.memory_space<hbm>>
    %dma_start3A_29 = tpu.memref_squeeze %dma_start3A_28 : memref<1x8x80xi32, #tpu.memory_space<hbm>> -> memref<8x80xi32, #tpu.memory_space<hbm>>
    %dma_start3A_30 = arith.constant 0 : i32
    %dma_start3A_31 = arith.constant 0 : i32
    %dma_start3A_32 = tpu.memref_slice %arg8[%dma_start3A, %dma_start3A_30, %dma_start3A_31] : memref<2x8x80xi32, #tpu.memory_space<vmem>> -> memref<1x8x80xi32, #tpu.memory_space<vmem>>
    %dma_start3A_33 = tpu.memref_squeeze %dma_start3A_32 : memref<1x8x80xi32, #tpu.memory_space<vmem>> -> memref<8x80xi32, #tpu.memory_space<vmem>>
    %dma_start3A_34 = arith.constant 0 : i32
    %dma_start3A_35 = arith.constant 0 : i32
    %dma_start3A_36 = tpu.memref_slice %arg3[%arg1, %dma_start3A_34, %dma_start3A_35] : memref<16x128x80xi32, #tpu.memory_space<hbm>> -> memref<1x8x80xi32, #tpu.memory_space<hbm>>
    %dma_start3A_37 = tpu.memref_squeeze %dma_start3A_36 : memref<1x8x80xi32, #tpu.memory_space<hbm>> -> memref<8x80xi32, #tpu.memory_space<hbm>>
    tpu.enqueue_dma source(%dma_start3A_37 : memref<8x80xi32, #tpu.memory_space<hbm>>) target(%dma_start3A_33 : memref<8x80xi32, #tpu.memory_space<vmem>>) target_semaphore(%arg22 : memref<!tpu.dma_semaphore, #tpu.memory_space<semaphore_mem>>)
    %dma_start3A_38 = arith.constant 0 : i32
    %dma_start3A_39 = arith.constant 0 : i32
    %dma_start3A_40 = arith.constant 0 : i32
    %dma_start3A_41 = tpu.memref_slice %arg9[%dma_start3A_38, %dma_start3A_39, %dma_start3A_40] : memref<2x8x80xi32, #tpu.memory_space<vmem>> -> memref<1x8x80xi32, #tpu.memory_space<vmem>>
    %dma_start3A_42 = tpu.memref_squeeze %dma_start3A_41 : memref<1x8x80xi32, #tpu.memory_space<vmem>> -> memref<8x80xi32, #tpu.memory_space<vmem>>
    %dma_start3A_43 = arith.constant 0 : i32
    %dma_start3A_44 = arith.constant 0 : i32
    %dma_start3A_45 = tpu.memref_slice %arg4[%arg1, %dma_start3A_43, %dma_start3A_44] : memref<16x128x80xi32, #tpu.memory_space<hbm>> -> memref<1x8x80xi32, #tpu.memory_space<hbm>>
    %dma_start3A_46 = tpu.memref_squeeze %dma_start3A_45 : memref<1x8x80xi32, #tpu.memory_space<hbm>> -> memref<8x80xi32, #tpu.memory_space<hbm>>
    %dma_start3A_47 = arith.constant 0 : i32
    %dma_start3A_48 = arith.constant 0 : i32
    %dma_start3A_49 = tpu.memref_slice %arg9[%dma_start3A_38, %dma_start3A_47, %dma_start3A_48] : memref<2x8x80xi32, #tpu.memory_space<vmem>> -> memref<1x8x80xi32, #tpu.memory_space<vmem>>
    %dma_start3A_50 = tpu.memref_squeeze %dma_start3A_49 : memref<1x8x80xi32, #tpu.memory_space<vmem>> -> memref<8x80xi32, #tpu.memory_space<vmem>>
    %dma_start3A_51 = arith.constant 0 : i32
    %dma_start3A_52 = arith.constant 0 : i32
    %dma_start3A_53 = tpu.memref_slice %arg4[%arg1, %dma_start3A_51, %dma_start3A_52] : memref<16x128x80xi32, #tpu.memory_space<hbm>> -> memref<1x8x80xi32, #tpu.memory_space<hbm>>
    %dma_start3A_54 = tpu.memref_squeeze %dma_start3A_53 : memref<1x8x80xi32, #tpu.memory_space<hbm>> -> memref<8x80xi32, #tpu.memory_space<hbm>>
    tpu.enqueue_dma source(%dma_start3A_54 : memref<8x80xi32, #tpu.memory_space<hbm>>) target(%dma_start3A_50 : memref<8x80xi32, #tpu.memory_space<vmem>>) target_semaphore(%arg22 : memref<!tpu.dma_semaphore, #tpu.memory_space<semaphore_mem>>)
    %scan3A_55 = arith.constant 0 : i32
    %scan3A_56 = arith.constant 0 : i32
    %scan3A_57 = arith.constant 16 : i32
    %scan3A_58 = arith.addi %scan3A_56, %scan3A_57 : i32
    %scan3A_59 = arith.constant 1 : i32
    %scan3A_60 = scf.for %scan3A_94 = %scan3A_56 to %scan3A_58 step %scan3A_59 iter_args(%scan3A_95 = %scan3A_55) -> (i32)  : i32 {
      %rem3A = arith.constant 2 : i32
      %rem3A_96 = arith.remsi %scan3A_94, %rem3A : i32
      %mul3A_97 = arith.constant 8 : i32
      %mul3A_98 = arith.muli %scan3A_94, %mul3A_97 : i32
      %dma_wait3A_99 = arith.constant 0 : i32
      %dma_wait3A_100 = arith.constant 0 : i32
      %dma_wait3A_101 = tpu.memref_slice %arg8[%rem3A_96, %dma_wait3A_99, %dma_wait3A_100] : memref<2x8x80xi32, #tpu.memory_space<vmem>> -> memref<1x8x80xi32, #tpu.memory_space<vmem>>
      %dma_wait3A_102 = tpu.memref_squeeze %dma_wait3A_101 : memref<1x8x80xi32, #tpu.memory_space<vmem>> -> memref<8x80xi32, #tpu.memory_space<vmem>>
      %dma_wait3A_103 = arith.constant 0 : i32
      %dma_wait3A_104 = tpu.memref_slice %arg3[%arg1, %mul3A_98, %dma_wait3A_103] : memref<16x128x80xi32, #tpu.memory_space<hbm>> -> memref<1x8x80xi32, #tpu.memory_space<hbm>>
      %dma_wait3A_105 = tpu.memref_squeeze %dma_wait3A_104 : memref<1x8x80xi32, #tpu.memory_space<hbm>> -> memref<8x80xi32, #tpu.memory_space<hbm>>
      %dma_wait3A_106 = arith.constant 0 : i32
      %dma_wait3A_107 = arith.constant 0 : i32
      %dma_wait3A_108 = tpu.memref_slice %arg8[%rem3A_96, %dma_wait3A_106, %dma_wait3A_107] : memref<2x8x80xi32, #tpu.memory_space<vmem>> -> memref<1x8x80xi32, #tpu.memory_space<vmem>>
      %dma_wait3A_109 = tpu.memref_squeeze %dma_wait3A_108 : memref<1x8x80xi32, #tpu.memory_space<vmem>> -> memref<8x80xi32, #tpu.memory_space<vmem>>
      %dma_wait3A_110 = arith.constant 0 : i32
      %dma_wait3A_111 = tpu.memref_slice %arg3[%arg1, %mul3A_98, %dma_wait3A_110] : memref<16x128x80xi32, #tpu.memory_space<hbm>> -> memref<1x8x80xi32, #tpu.memory_space<hbm>>
      %dma_wait3A_112 = tpu.memref_squeeze %dma_wait3A_111 : memref<1x8x80xi32, #tpu.memory_space<hbm>> -> memref<8x80xi32, #tpu.memory_space<hbm>>
      tpu.wait_dma2 semaphore(%arg22 : memref<!tpu.dma_semaphore, #tpu.memory_space<semaphore_mem>>) src(%dma_wait3A_112 : memref<8x80xi32, #tpu.memory_space<hbm>>) dst(%dma_wait3A_109 : memref<8x80xi32, #tpu.memory_space<vmem>>)
      %mul3A_113 = arith.constant 8 : i32
      %mul3A_114 = arith.muli %scan3A_94, %mul3A_113 : i32
      %dma_wait3A_115 = arith.constant 0 : i32
      %dma_wait3A_116 = arith.constant 0 : i32
      %dma_wait3A_117 = tpu.memref_slice %arg9[%rem3A_96, %dma_wait3A_115, %dma_wait3A_116] : memref<2x8x80xi32, #tpu.memory_space<vmem>> -> memref<1x8x80xi32, #tpu.memory_space<vmem>>
      %dma_wait3A_118 = tpu.memref_squeeze %dma_wait3A_117 : memref<1x8x80xi32, #tpu.memory_space<vmem>> -> memref<8x80xi32, #tpu.memory_space<vmem>>
      %dma_wait3A_119 = arith.constant 0 : i32
      %dma_wait3A_120 = tpu.memref_slice %arg4[%arg1, %mul3A_114, %dma_wait3A_119] : memref<16x128x80xi32, #tpu.memory_space<hbm>> -> memref<1x8x80xi32, #tpu.memory_space<hbm>>
      %dma_wait3A_121 = tpu.memref_squeeze %dma_wait3A_120 : memref<1x8x80xi32, #tpu.memory_space<hbm>> -> memref<8x80xi32, #tpu.memory_space<hbm>>
      %dma_wait3A_122 = arith.constant 0 : i32
      %dma_wait3A_123 = arith.constant 0 : i32
      %dma_wait3A_124 = tpu.memref_slice %arg9[%rem3A_96, %dma_wait3A_122, %dma_wait3A_123] : memref<2x8x80xi32, #tpu.memory_space<vmem>> -> memref<1x8x80xi32, #tpu.memory_space<vmem>>
      %dma_wait3A_125 = tpu.memref_squeeze %dma_wait3A_124 : memref<1x8x80xi32, #tpu.memory_space<vmem>> -> memref<8x80xi32, #tpu.memory_space<vmem>>
      %dma_wait3A_126 = arith.constant 0 : i32
      %dma_wait3A_127 = tpu.memref_slice %arg4[%arg1, %mul3A_114, %dma_wait3A_126] : memref<16x128x80xi32, #tpu.memory_space<hbm>> -> memref<1x8x80xi32, #tpu.memory_space<hbm>>
      %dma_wait3A_128 = tpu.memref_squeeze %dma_wait3A_127 : memref<1x8x80xi32, #tpu.memory_space<hbm>> -> memref<8x80xi32, #tpu.memory_space<hbm>>
      tpu.wait_dma2 semaphore(%arg22 : memref<!tpu.dma_semaphore, #tpu.memory_space<semaphore_mem>>) src(%dma_wait3A_128 : memref<8x80xi32, #tpu.memory_space<hbm>>) dst(%dma_wait3A_125 : memref<8x80xi32, #tpu.memory_space<vmem>>)
      %add3A_129 = arith.constant 1 : i32
      %add3A_130 = arith.addi %scan3A_94, %add3A_129 : i32
      %lt3A = arith.constant 16 : i32
      %lt3A_131 = arith.cmpi slt, %add3A_130, %lt3A : i32
      %convert_element_type3A = arith.extui %lt3A_131 : i1 to i32
      %cond3A = arith.constant 0 : i32
      %cond3A_132 = arith.cmpi ne, %convert_element_type3A, %cond3A : i32
      scf.if %cond3A_132 {
        %add3A_455 = arith.constant 1 : i32
        %add3A_456 = arith.addi %scan3A_94, %add3A_455 : i32
        %sub3A = arith.constant 1 : i32
        %sub3A_457 = arith.subi %sub3A, %rem3A_96 : i32
        %mul3A_458 = arith.constant 8 : i32
        %mul3A_459 = arith.muli %add3A_456, %mul3A_458 : i32
        %dma_start3A_460 = arith.constant 0 : i32
        %dma_start3A_461 = arith.constant 0 : i32
        %dma_start3A_462 = tpu.memref_slice %arg8[%sub3A_457, %dma_start3A_460, %dma_start3A_461] : memref<2x8x80xi32, #tpu.memory_space<vmem>> -> memref<1x8x80xi32, #tpu.memory_space<vmem>>
        %dma_start3A_463 = tpu.memref_squeeze %dma_start3A_462 : memref<1x8x80xi32, #tpu.memory_space<vmem>> -> memref<8x80xi32, #tpu.memory_space<vmem>>
        %dma_start3A_464 = arith.constant 0 : i32
        %dma_start3A_465 = tpu.memref_slice %arg3[%arg1, %mul3A_459, %dma_start3A_464] : memref<16x128x80xi32, #tpu.memory_space<hbm>> -> memref<1x8x80xi32, #tpu.memory_space<hbm>>
        %dma_start3A_466 = tpu.memref_squeeze %dma_start3A_465 : memref<1x8x80xi32, #tpu.memory_space<hbm>> -> memref<8x80xi32, #tpu.memory_space<hbm>>
        %dma_start3A_467 = arith.constant 0 : i32
        %dma_start3A_468 = arith.constant 0 : i32
        %dma_start3A_469 = tpu.memref_slice %arg8[%sub3A_457, %dma_start3A_467, %dma_start3A_468] : memref<2x8x80xi32, #tpu.memory_space<vmem>> -> memref<1x8x80xi32, #tpu.memory_space<vmem>>
        %dma_start3A_470 = tpu.memref_squeeze %dma_start3A_469 : memref<1x8x80xi32, #tpu.memory_space<vmem>> -> memref<8x80xi32, #tpu.memory_space<vmem>>
        %dma_start3A_471 = arith.constant 0 : i32
        %dma_start3A_472 = tpu.memref_slice %arg3[%arg1, %mul3A_459, %dma_start3A_471] : memref<16x128x80xi32, #tpu.memory_space<hbm>> -> memref<1x8x80xi32, #tpu.memory_space<hbm>>
        %dma_start3A_473 = tpu.memref_squeeze %dma_start3A_472 : memref<1x8x80xi32, #tpu.memory_space<hbm>> -> memref<8x80xi32, #tpu.memory_space<hbm>>
        tpu.enqueue_dma source(%dma_start3A_473 : memref<8x80xi32, #tpu.memory_space<hbm>>) target(%dma_start3A_470 : memref<8x80xi32, #tpu.memory_space<vmem>>) target_semaphore(%arg22 : memref<!tpu.dma_semaphore, #tpu.memory_space<semaphore_mem>>)
        %mul3A_474 = arith.constant 8 : i32
        %mul3A_475 = arith.muli %add3A_456, %mul3A_474 : i32
        %dma_start3A_476 = arith.constant 0 : i32
        %dma_start3A_477 = arith.constant 0 : i32
        %dma_start3A_478 = tpu.memref_slice %arg9[%sub3A_457, %dma_start3A_476, %dma_start3A_477] : memref<2x8x80xi32, #tpu.memory_space<vmem>> -> memref<1x8x80xi32, #tpu.memory_space<vmem>>
        %dma_start3A_479 = tpu.memref_squeeze %dma_start3A_478 : memref<1x8x80xi32, #tpu.memory_space<vmem>> -> memref<8x80xi32, #tpu.memory_space<vmem>>
        %dma_start3A_480 = arith.constant 0 : i32
        %dma_start3A_481 = tpu.memref_slice %arg4[%arg1, %mul3A_475, %dma_start3A_480] : memref<16x128x80xi32, #tpu.memory_space<hbm>> -> memref<1x8x80xi32, #tpu.memory_space<hbm>>
        %dma_start3A_482 = tpu.memref_squeeze %dma_start3A_481 : memref<1x8x80xi32, #tpu.memory_space<hbm>> -> memref<8x80xi32, #tpu.memory_space<hbm>>
        %dma_start3A_483 = arith.constant 0 : i32
        %dma_start3A_484 = arith.constant 0 : i32
        %dma_start3A_485 = tpu.memref_slice %arg9[%sub3A_457, %dma_start3A_483, %dma_start3A_484] : memref<2x8x80xi32, #tpu.memory_space<vmem>> -> memref<1x8x80xi32, #tpu.memory_space<vmem>>
        %dma_start3A_486 = tpu.memref_squeeze %dma_start3A_485 : memref<1x8x80xi32, #tpu.memory_space<vmem>> -> memref<8x80xi32, #tpu.memory_space<vmem>>
        %dma_start3A_487 = arith.constant 0 : i32
        %dma_start3A_488 = tpu.memref_slice %arg4[%arg1, %mul3A_475, %dma_start3A_487] : memref<16x128x80xi32, #tpu.memory_space<hbm>> -> memref<1x8x80xi32, #tpu.memory_space<hbm>>
        %dma_start3A_489 = tpu.memref_squeeze %dma_start3A_488 : memref<1x8x80xi32, #tpu.memory_space<hbm>> -> memref<8x80xi32, #tpu.memory_space<hbm>>
        tpu.enqueue_dma source(%dma_start3A_489 : memref<8x80xi32, #tpu.memory_space<hbm>>) target(%dma_start3A_486 : memref<8x80xi32, #tpu.memory_space<vmem>>) target_semaphore(%arg22 : memref<!tpu.dma_semaphore, #tpu.memory_space<semaphore_mem>>)
      } else {
      }
      %scan3A_133 = arith.constant 0 : i32
      %scan3A_134 = arith.constant 0 : i32
      %scan3A_135 = arith.constant 8 : i32
      %scan3A_136 = arith.addi %scan3A_134, %scan3A_135 : i32
      %scan3A_137 = arith.constant 1 : i32
      %scan3A_138 = scf.for %scan3A_455 = %scan3A_134 to %scan3A_136 step %scan3A_137 iter_args(%scan3A_456 = %scan3A_133) -> (i32)  : i32 {
        %get3A = arith.constant 0 : i32
        %get3A_457 = arith.constant 0 : i32
        %get3A_458 = tpu.memref_slice %arg8[%rem3A_96, %get3A, %get3A_457] : memref<2x8x80xi32, #tpu.memory_space<vmem>> -> memref<1x8x80xi32, #tpu.memory_space<vmem>>
        %get3A_459 = tpu.memref_squeeze %get3A_458 : memref<1x8x80xi32, #tpu.memory_space<vmem>> -> memref<8x80xi32, #tpu.memory_space<vmem>>
        %get3A_460 = arith.index_cast %scan3A_455 : i32 to index
        %get3A_461 = arith.constant 0 : index
        %get3A_462 = tpu.vector_load %get3A_459[%get3A_460, %get3A_461] {strides = array<i32>} : memref<8x80xi32, #tpu.memory_space<vmem>>, vector<1x16xi32>,
        %get3A_463 = vector.shape_cast %get3A_462 : vector<1x16xi32> to vector<16xi32>
        %mul3A_464 = arith.constant 2 : i32
        %mul3A_465 = vector.broadcast %mul3A_464 : i32 to vector<16xi32>
        %mul3A_466 = arith.muli %get3A_463, %mul3A_465 : vector<16xi32>
        %add3A_467 = vector.broadcast %arg0 : i32 to vector<16xi32>
        %add3A_468 = arith.addi %mul3A_466, %add3A_467 : vector<16xi32>
        %swap3A = arith.constant 0 : i32
        %swap3A_469 = arith.constant 0 : i32
        %swap3A_470 = tpu.memref_slice %arg8[%rem3A_96, %swap3A, %swap3A_469] : memref<2x8x80xi32, #tpu.memory_space<vmem>> -> memref<1x8x80xi32, #tpu.memory_space<vmem>>
        %swap3A_471 = tpu.memref_squeeze %swap3A_470 : memref<1x8x80xi32, #tpu.memory_space<vmem>> -> memref<8x80xi32, #tpu.memory_space<vmem>>
        %swap3A_472 = arith.index_cast %scan3A_455 : i32 to index
        %swap3A_473 = arith.constant 0 : index
        %swap3A_474 = tpu.vector_load %swap3A_471[%swap3A_472, %swap3A_473] {strides = array<i32>} : memref<8x80xi32, #tpu.memory_space<vmem>>, vector<1x16xi32>,
        %swap3A_475 = vector.shape_cast %swap3A_474 : vector<1x16xi32> to vector<16xi32>
        %swap3A_476 = vector.shape_cast %add3A_468 : vector<16xi32> to vector<1x16xi32>
        tpu.vector_store %swap3A_471[%swap3A_472, %swap3A_473], %swap3A_476 {strides = array<i32>} : memref<8x80xi32, #tpu.memory_space<vmem>>, vector<1x16xi32>,
        %get3A_477 = arith.constant 0 : i32
        %get3A_478 = arith.constant 0 : i32
        %get3A_479 = tpu.memref_slice %arg8[%rem3A_96, %get3A_477, %get3A_478] : memref<2x8x80xi32, #tpu.memory_space<vmem>> -> memref<1x8x80xi32, #tpu.memory_space<vmem>>
        %get3A_480 = tpu.memref_squeeze %get3A_479 : memref<1x8x80xi32, #tpu.memory_space<vmem>> -> memref<8x80xi32, #tpu.memory_space<vmem>>
        %get3A_481 = arith.index_cast %scan3A_455 : i32 to index
        %get3A_482 = arith.constant 16 : index
        %get3A_483 = tpu.vector_load %get3A_480[%get3A_481, %get3A_482] {strides = array<i32>} : memref<8x80xi32, #tpu.memory_space<vmem>>, vector<1x16xi32>,
        %get3A_484 = vector.shape_cast %get3A_483 : vector<1x16xi32> to vector<16xi32>
        %mul3A_485 = arith.constant 2 : i32
        %mul3A_486 = vector.broadcast %mul3A_485 : i32 to vector<16xi32>
        %mul3A_487 = arith.muli %get3A_484, %mul3A_486 : vector<16xi32>
        %add3A_488 = vector.broadcast %arg0 : i32 to vector<16xi32>
        %add3A_489 = arith.addi %mul3A_487, %add3A_488 : vector<16xi32>
        %swap3A_490 = arith.constant 0 : i32
        %swap3A_491 = arith.constant 0 : i32
        %swap3A_492 = tpu.memref_slice %arg8[%rem3A_96, %swap3A_490, %swap3A_491] : memref<2x8x80xi32, #tpu.memory_space<vmem>> -> memref<1x8x80xi32, #tpu.memory_space<vmem>>
        %swap3A_493 = tpu.memref_squeeze %swap3A_492 : memref<1x8x80xi32, #tpu.memory_space<vmem>> -> memref<8x80xi32, #tpu.memory_space<vmem>>
        %swap3A_494 = arith.index_cast %scan3A_455 : i32 to index
        %swap3A_495 = arith.constant 16 : index
        %swap3A_496 = tpu.vector_load %swap3A_493[%swap3A_494, %swap3A_495] {strides = array<i32>} : memref<8x80xi32, #tpu.memory_space<vmem>>, vector<1x16xi32>,
        %swap3A_497 = vector.shape_cast %swap3A_496 : vector<1x16xi32> to vector<16xi32>
        %swap3A_498 = vector.shape_cast %add3A_489 : vector<16xi32> to vector<1x16xi32>
        tpu.vector_store %swap3A_493[%swap3A_494, %swap3A_495], %swap3A_498 {strides = array<i32>} : memref<8x80xi32, #tpu.memory_space<vmem>>, vector<1x16xi32>,
        %get3A_499 = arith.constant 0 : i32
        %get3A_500 = arith.constant 0 : i32
        %get3A_501 = tpu.memref_slice %arg8[%rem3A_96, %get3A_499, %get3A_500] : memref<2x8x80xi32, #tpu.memory_space<vmem>> -> memref<1x8x80xi32, #tpu.memory_space<vmem>>
        %get3A_502 = tpu.memref_squeeze %get3A_501 : memref<1x8x80xi32, #tpu.memory_space<vmem>> -> memref<8x80xi32, #tpu.memory_space<vmem>>
        %get3A_503 = arith.index_cast %scan3A_455 : i32 to index
        %get3A_504 = arith.constant 32 : index
        %get3A_505 = tpu.vector_load %get3A_502[%get3A_503, %get3A_504] {strides = array<i32>} : memref<8x80xi32, #tpu.memory_space<vmem>>, vector<1x16xi32>,
        %get3A_506 = vector.shape_cast %get3A_505 : vector<1x16xi32> to vector<16xi32>
        %mul3A_507 = arith.constant 2 : i32
        %mul3A_508 = vector.broadcast %mul3A_507 : i32 to vector<16xi32>
        %mul3A_509 = arith.muli %get3A_506, %mul3A_508 : vector<16xi32>
        %add3A_510 = vector.broadcast %arg0 : i32 to vector<16xi32>
        %add3A_511 = arith.addi %mul3A_509, %add3A_510 : vector<16xi32>
        %swap3A_512 = arith.constant 0 : i32
        %swap3A_513 = arith.constant 0 : i32
        %swap3A_514 = tpu.memref_slice %arg8[%rem3A_96, %swap3A_512, %swap3A_513] : memref<2x8x80xi32, #tpu.memory_space<vmem>> -> memref<1x8x80xi32, #tpu.memory_space<vmem>>
        %swap3A_515 = tpu.memref_squeeze %swap3A_514 : memref<1x8x80xi32, #tpu.memory_space<vmem>> -> memref<8x80xi32, #tpu.memory_space<vmem>>
        %swap3A_516 = arith.index_cast %scan3A_455 : i32 to index
        %swap3A_517 = arith.constant 32 : index
        %swap3A_518 = tpu.vector_load %swap3A_515[%swap3A_516, %swap3A_517] {strides = array<i32>} : memref<8x80xi32, #tpu.memory_space<vmem>>, vector<1x16xi32>,
        %swap3A_519 = vector.shape_cast %swap3A_518 : vector<1x16xi32> to vector<16xi32>
        %swap3A_520 = vector.shape_cast %add3A_511 : vector<16xi32> to vector<1x16xi32>
        tpu.vector_store %swap3A_515[%swap3A_516, %swap3A_517], %swap3A_520 {strides = array<i32>} : memref<8x80xi32, #tpu.memory_space<vmem>>, vector<1x16xi32>,
        %get3A_521 = arith.constant 0 : i32
        %get3A_522 = arith.constant 0 : i32
        %get3A_523 = tpu.memref_slice %arg8[%rem3A_96, %get3A_521, %get3A_522] : memref<2x8x80xi32, #tpu.memory_space<vmem>> -> memref<1x8x80xi32, #tpu.memory_space<vmem>>
        %get3A_524 = tpu.memref_squeeze %get3A_523 : memref<1x8x80xi32, #tpu.memory_space<vmem>> -> memref<8x80xi32, #tpu.memory_space<vmem>>
        %get3A_525 = arith.index_cast %scan3A_455 : i32 to index
        %get3A_526 = arith.constant 48 : index
        %get3A_527 = tpu.vector_load %get3A_524[%get3A_525, %get3A_526] {strides = array<i32>} : memref<8x80xi32, #tpu.memory_space<vmem>>, vector<1x16xi32>,
        %get3A_528 = vector.shape_cast %get3A_527 : vector<1x16xi32> to vector<16xi32>
        %mul3A_529 = arith.constant 2 : i32
        %mul3A_530 = vector.broadcast %mul3A_529 : i32 to vector<16xi32>
        %mul3A_531 = arith.muli %get3A_528, %mul3A_530 : vector<16xi32>
        %add3A_532 = vector.broadcast %arg0 : i32 to vector<16xi32>
        %add3A_533 = arith.addi %mul3A_531, %add3A_532 : vector<16xi32>
        %swap3A_534 = arith.constant 0 : i32
        %swap3A_535 = arith.constant 0 : i32
        %swap3A_536 = tpu.memref_slice %arg8[%rem3A_96, %swap3A_534, %swap3A_535] : memref<2x8x80xi32, #tpu.memory_space<vmem>> -> memref<1x8x80xi32, #tpu.memory_space<vmem>>
        %swap3A_537 = tpu.memref_squeeze %swap3A_536 : memref<1x8x80xi32, #tpu.memory_space<vmem>> -> memref<8x80xi32, #tpu.memory_space<vmem>>
        %swap3A_538 = arith.index_cast %scan3A_455 : i32 to index
        %swap3A_539 = arith.constant 48 : index
        %swap3A_540 = tpu.vector_load %swap3A_537[%swap3A_538, %swap3A_539] {strides = array<i32>} : memref<8x80xi32, #tpu.memory_space<vmem>>, vector<1x16xi32>,
        %swap3A_541 = vector.shape_cast %swap3A_540 : vector<1x16xi32> to vector<16xi32>
        %swap3A_542 = vector.shape_cast %add3A_533 : vector<16xi32> to vector<1x16xi32>
        tpu.vector_store %swap3A_537[%swap3A_538, %swap3A_539], %swap3A_542 {strides = array<i32>} : memref<8x80xi32, #tpu.memory_space<vmem>>, vector<1x16xi32>,
        %get3A_543 = arith.constant 0 : i32
        %get3A_544 = arith.constant 0 : i32
        %get3A_545 = tpu.memref_slice %arg8[%rem3A_96, %get3A_543, %get3A_544] : memref<2x8x80xi32, #tpu.memory_space<vmem>> -> memref<1x8x80xi32, #tpu.memory_space<vmem>>
        %get3A_546 = tpu.memref_squeeze %get3A_545 : memref<1x8x80xi32, #tpu.memory_space<vmem>> -> memref<8x80xi32, #tpu.memory_space<vmem>>
        %get3A_547 = arith.index_cast %scan3A_455 : i32 to index
        %get3A_548 = arith.constant 64 : index
        %get3A_549 = tpu.vector_load %get3A_546[%get3A_547, %get3A_548] {strides = array<i32>} : memref<8x80xi32, #tpu.memory_space<vmem>>, vector<1x16xi32>,
        %get3A_550 = vector.shape_cast %get3A_549 : vector<1x16xi32> to vector<16xi32>
        %mul3A_551 = arith.constant 2 : i32
        %mul3A_552 = vector.broadcast %mul3A_551 : i32 to vector<16xi32>
        %mul3A_553 = arith.muli %get3A_550, %mul3A_552 : vector<16xi32>
        %add3A_554 = vector.broadcast %arg0 : i32 to vector<16xi32>
        %add3A_555 = arith.addi %mul3A_553, %add3A_554 : vector<16xi32>
        %swap3A_556 = arith.constant 0 : i32
        %swap3A_557 = arith.constant 0 : i32
        %swap3A_558 = tpu.memref_slice %arg8[%rem3A_96, %swap3A_556, %swap3A_557] : memref<2x8x80xi32, #tpu.memory_space<vmem>> -> memref<1x8x80xi32, #tpu.memory_space<vmem>>
        %swap3A_559 = tpu.memref_squeeze %swap3A_558 : memref<1x8x80xi32, #tpu.memory_space<vmem>> -> memref<8x80xi32, #tpu.memory_space<vmem>>
        %swap3A_560 = arith.index_cast %scan3A_455 : i32 to index
        %swap3A_561 = arith.constant 64 : index
        %swap3A_562 = tpu.vector_load %swap3A_559[%swap3A_560, %swap3A_561] {strides = array<i32>} : memref<8x80xi32, #tpu.memory_space<vmem>>, vector<1x16xi32>,
        %swap3A_563 = vector.shape_cast %swap3A_562 : vector<1x16xi32> to vector<16xi32>
        %swap3A_564 = vector.shape_cast %add3A_555 : vector<16xi32> to vector<1x16xi32>
        tpu.vector_store %swap3A_559[%swap3A_560, %swap3A_561], %swap3A_564 {strides = array<i32>} : memref<8x80xi32, #tpu.memory_space<vmem>>, vector<1x16xi32>,
        %scan3A_565 = arith.constant 0 : i32
        scf.yield %scan3A_565 : i32
      }
      %scan3A_139 = arith.constant 8 : i32
      %gt3A = arith.constant 0 : i32
      %gt3A_140 = arith.cmpi sgt, %scan3A_94, %gt3A : i32
      %convert_element_type3A_141 = arith.extui %gt3A_140 : i1 to i32
      %cond3A_142 = arith.constant 0 : i32
      %cond3A_143 = arith.cmpi ne, %convert_element_type3A_141, %cond3A_142 : i32
      scf.if %cond3A_143 {
        %dma_wait3A_455 = arith.constant 0 : i32
        %dma_wait3A_456 = arith.constant 0 : i32
        %dma_wait3A_457 = arith.constant 0 : i32
        %dma_wait3A_458 = tpu.memref_slice %arg9[%rem3A_96, %dma_wait3A_456, %dma_wait3A_457] : memref<2x8x80xi32, #tpu.memory_space<vmem>> -> memref<1x8x80xi32, #tpu.memory_space<vmem>>
        %dma_wait3A_459 = tpu.memref_squeeze %dma_wait3A_458 : memref<1x8x80xi32, #tpu.memory_space<vmem>> -> memref<8x80xi32, #tpu.memory_space<vmem>>
        %dma_wait3A_460 = arith.constant 0 : i32
        %dma_wait3A_461 = tpu.memref_slice %dma_wait3A_459[%dma_wait3A_455, %dma_wait3A_460] : memref<8x80xi32, #tpu.memory_space<vmem>> -> memref<1x80xi32, #tpu.memory_space<vmem>>
        %dma_wait3A_462 = tpu.memref_squeeze %dma_wait3A_461 : memref<1x80xi32, #tpu.memory_space<vmem>> -> memref<80xi32, #tpu.memory_space<vmem>>
        %dma_wait3A_463 = arith.constant 0 : i32
        %dma_wait3A_464 = arith.constant 0 : i32
        %dma_wait3A_465 = tpu.memref_slice %arg7[%dma_wait3A_463, %dma_wait3A_464] : memref<10240x128xf32, #tpu.memory_space<vmem_shared>> -> memref<10240x128xf32, #tpu.memory_space<vmem_shared>>
        tpu.wait_indirect_dma semaphore(%arg18 : memref<!tpu.dma_semaphore, #tpu.memory_space<semaphore_mem>>) src(%arg10 : memref<80x128xf32, #tpu.memory_space<vmem>>) dst(%dma_wait3A_465 : memref<10240x128xf32, #tpu.memory_space<vmem_shared>>)
      } else {
      }
      %dma_start3A_144 = arith.constant 0 : i32
      %dma_start3A_145 = arith.constant 0 : i32
      %dma_start3A_146 = arith.constant 0 : i32
      %dma_start3A_147 = tpu.memref_slice %arg8[%rem3A_96, %dma_start3A_145, %dma_start3A_146] : memref<2x8x80xi32, #tpu.memory_space<vmem>> -> memref<1x8x80xi32, #tpu.memory_space<vmem>>
      %dma_start3A_148 = tpu.memref_squeeze %dma_start3A_147 : memref<1x8x80xi32, #tpu.memory_space<vmem>> -> memref<8x80xi32, #tpu.memory_space<vmem>>
      %dma_start3A_149 = arith.constant 0 : i32
      %dma_start3A_150 = tpu.memref_slice %dma_start3A_148[%dma_start3A_144, %dma_start3A_149] : memref<8x80xi32, #tpu.memory_space<vmem>> -> memref<1x80xi32, #tpu.memory_space<vmem>>
      %dma_start3A_151 = tpu.memref_squeeze %dma_start3A_150 : memref<1x80xi32, #tpu.memory_space<vmem>> -> memref<80xi32, #tpu.memory_space<vmem>>
      %dma_start3A_152 = arith.constant 0 : i32
      %dma_start3A_153 = arith.constant 0 : i32
      %dma_start3A_154 = tpu.memref_slice %arg2[%dma_start3A_152, %dma_start3A_153] : memref<20000x128xf32, #tpu.memory_space<hbm>> -> memref<20000x128xf32, #tpu.memory_space<hbm>>
      tpu.enqueue_indirect_dma source(%dma_start3A_154 : memref<20000x128xf32, #tpu.memory_space<hbm>>) target(%arg10 : memref<80x128xf32, #tpu.memory_space<vmem>>) offsets(%dma_start3A_151 : memref<80xi32, #tpu.memory_space<vmem>>) semaphore(%arg14 : memref<!tpu.dma_semaphore, #tpu.memory_space<semaphore_mem>>)
      %gt3A_155 = arith.constant 0 : i32
      %gt3A_156 = arith.cmpi sgt, %scan3A_94, %gt3A_155 : i32
      %convert_element_type3A_157 = arith.extui %gt3A_156 : i1 to i32
      %cond3A_158 = arith.constant 0 : i32
      %cond3A_159 = arith.cmpi ne, %convert_element_type3A_157, %cond3A_158 : i32
      scf.if %cond3A_159 {
        %dma_wait3A_455 = arith.constant 0 : i32
        %dma_wait3A_456 = arith.constant 0 : i32
        %dma_wait3A_457 = arith.constant 0 : i32
        %dma_wait3A_458 = tpu.memref_slice %arg9[%rem3A_96, %dma_wait3A_456, %dma_wait3A_457] : memref<2x8x80xi32, #tpu.memory_space<vmem>> -> memref<1x8x80xi32, #tpu.memory_space<vmem>>
        %dma_wait3A_459 = tpu.memref_squeeze %dma_wait3A_458 : memref<1x8x80xi32, #tpu.memory_space<vmem>> -> memref<8x80xi32, #tpu.memory_space<vmem>>
        %dma_wait3A_460 = arith.constant 0 : i32
        %dma_wait3A_461 = tpu.memref_slice %dma_wait3A_459[%dma_wait3A_455, %dma_wait3A_460] : memref<8x80xi32, #tpu.memory_space<vmem>> -> memref<1x80xi32, #tpu.memory_space<vmem>>
        %dma_wait3A_462 = tpu.memref_squeeze %dma_wait3A_461 : memref<1x80xi32, #tpu.memory_space<vmem>> -> memref<80xi32, #tpu.memory_space<vmem>>
        %dma_wait3A_463 = arith.constant 0 : i32
        %dma_wait3A_464 = arith.constant 0 : i32
        %dma_wait3A_465 = tpu.memref_slice %arg7[%dma_wait3A_463, %dma_wait3A_464] : memref<10240x128xf32, #tpu.memory_space<vmem_shared>> -> memref<10240x128xf32, #tpu.memory_space<vmem_shared>>
        tpu.wait_indirect_dma semaphore(%arg19 : memref<!tpu.dma_semaphore, #tpu.memory_space<semaphore_mem>>) src(%arg11 : memref<80x128xf32, #tpu.memory_space<vmem>>) dst(%dma_wait3A_465 : memref<10240x128xf32, #tpu.memory_space<vmem_shared>>)
      } else {
      }
      %dma_start3A_160 = arith.constant 1 : i32
      %dma_start3A_161 = arith.constant 0 : i32
      %dma_start3A_162 = arith.constant 0 : i32
      %dma_start3A_163 = tpu.memref_slice %arg8[%rem3A_96, %dma_start3A_161, %dma_start3A_162] : memref<2x8x80xi32, #tpu.memory_space<vmem>> -> memref<1x8x80xi32, #tpu.memory_space<vmem>>
      %dma_start3A_164 = tpu.memref_squeeze %dma_start3A_163 : memref<1x8x80xi32, #tpu.memory_space<vmem>> -> memref<8x80xi32, #tpu.memory_space<vmem>>
      %dma_start3A_165 = arith.constant 0 : i32
      %dma_start3A_166 = tpu.memref_slice %dma_start3A_164[%dma_start3A_160, %dma_start3A_165] : memref<8x80xi32, #tpu.memory_space<vmem>> -> memref<1x80xi32, #tpu.memory_space<vmem>>
      %dma_start3A_167 = tpu.memref_squeeze %dma_start3A_166 : memref<1x80xi32, #tpu.memory_space<vmem>> -> memref<80xi32, #tpu.memory_space<vmem>>
      %dma_start3A_168 = arith.constant 0 : i32
      %dma_start3A_169 = arith.constant 0 : i32
      %dma_start3A_170 = tpu.memref_slice %arg2[%dma_start3A_168, %dma_start3A_169] : memref<20000x128xf32, #tpu.memory_space<hbm>> -> memref<20000x128xf32, #tpu.memory_space<hbm>>
      tpu.enqueue_indirect_dma source(%dma_start3A_170 : memref<20000x128xf32, #tpu.memory_space<hbm>>) target(%arg11 : memref<80x128xf32, #tpu.memory_space<vmem>>) offsets(%dma_start3A_167 : memref<80xi32, #tpu.memory_space<vmem>>) semaphore(%arg15 : memref<!tpu.dma_semaphore, #tpu.memory_space<semaphore_mem>>)
      %dma_wait3A_171 = arith.constant 0 : i32
      %dma_wait3A_172 = arith.constant 0 : i32
      %dma_wait3A_173 = arith.constant 0 : i32
      %dma_wait3A_174 = tpu.memref_slice %arg8[%rem3A_96, %dma_wait3A_172, %dma_wait3A_173] : memref<2x8x80xi32, #tpu.memory_space<vmem>> -> memref<1x8x80xi32, #tpu.memory_space<vmem>>
      %dma_wait3A_175 = tpu.memref_squeeze %dma_wait3A_174 : memref<1x8x80xi32, #tpu.memory_space<vmem>> -> memref<8x80xi32, #tpu.memory_space<vmem>>
      %dma_wait3A_176 = arith.constant 0 : i32
      %dma_wait3A_177 = tpu.memref_slice %dma_wait3A_175[%dma_wait3A_171, %dma_wait3A_176] : memref<8x80xi32, #tpu.memory_space<vmem>> -> memref<1x80xi32, #tpu.memory_space<vmem>>
      %dma_wait3A_178 = tpu.memref_squeeze %dma_wait3A_177 : memref<1x80xi32, #tpu.memory_space<vmem>> -> memref<80xi32, #tpu.memory_space<vmem>>
      %dma_wait3A_179 = arith.constant 0 : i32
      %dma_wait3A_180 = arith.constant 0 : i32
      %dma_wait3A_181 = tpu.memref_slice %arg2[%dma_wait3A_179, %dma_wait3A_180] : memref<20000x128xf32, #tpu.memory_space<hbm>> -> memref<20000x128xf32, #tpu.memory_space<hbm>>
      tpu.wait_indirect_dma semaphore(%arg14 : memref<!tpu.dma_semaphore, #tpu.memory_space<semaphore_mem>>) src(%dma_wait3A_181 : memref<20000x128xf32, #tpu.memory_space<hbm>>) dst(%arg10 : memref<80x128xf32, #tpu.memory_space<vmem>>)
      %dma_start3A_182 = arith.constant 0 : i32
      %dma_start3A_183 = arith.constant 0 : i32
      %dma_start3A_184 = arith.constant 0 : i32
      %dma_start3A_185 = tpu.memref_slice %arg9[%rem3A_96, %dma_start3A_183, %dma_start3A_184] : memref<2x8x80xi32, #tpu.memory_space<vmem>> -> memref<1x8x80xi32, #tpu.memory_space<vmem>>
      %dma_start3A_186 = tpu.memref_squeeze %dma_start3A_185 : memref<1x8x80xi32, #tpu.memory_space<vmem>> -> memref<8x80xi32, #tpu.memory_space<vmem>>
      %dma_start3A_187 = arith.constant 0 : i32
      %dma_start3A_188 = tpu.memref_slice %dma_start3A_186[%dma_start3A_182, %dma_start3A_187] : memref<8x80xi32, #tpu.memory_space<vmem>> -> memref<1x80xi32, #tpu.memory_space<vmem>>
      %dma_start3A_189 = tpu.memref_squeeze %dma_start3A_188 : memref<1x80xi32, #tpu.memory_space<vmem>> -> memref<80xi32, #tpu.memory_space<vmem>>
      %dma_start3A_190 = arith.constant 0 : i32
      %dma_start3A_191 = arith.constant 0 : i32
      %dma_start3A_192 = tpu.memref_slice %arg7[%dma_start3A_190, %dma_start3A_191] : memref<10240x128xf32, #tpu.memory_space<vmem_shared>> -> memref<10240x128xf32, #tpu.memory_space<vmem_shared>>
      tpu.enqueue_indirect_dma source(%arg10 : memref<80x128xf32, #tpu.memory_space<vmem>>) target(%dma_start3A_192 : memref<10240x128xf32, #tpu.memory_space<vmem_shared>>) offsets(%dma_start3A_189 : memref<80xi32, #tpu.memory_space<vmem>>) semaphore(%arg18 : memref<!tpu.dma_semaphore, #tpu.memory_space<semaphore_mem>>) {add = true}
      %gt3A_193 = arith.constant 0 : i32
      %gt3A_194 = arith.cmpi sgt, %scan3A_94, %gt3A_193 : i32
      %or3A = arith.constant false
      %or3A_195 = arith.ori %gt3A_194, %or3A : i1
      %convert_element_type3A_196 = arith.extui %or3A_195 : i1 to i32
      %cond3A_197 = arith.constant 0 : i32
      %cond3A_198 = arith.cmpi ne, %convert_element_type3A_196, %cond3A_197 : i32
      scf.if %cond3A_198 {
        %dma_wait3A_455 = arith.constant 0 : i32
        %dma_wait3A_456 = arith.constant 0 : i32
        %dma_wait3A_457 = arith.constant 0 : i32
        %dma_wait3A_458 = tpu.memref_slice %arg9[%rem3A_96, %dma_wait3A_456, %dma_wait3A_457] : memref<2x8x80xi32, #tpu.memory_space<vmem>> -> memref<1x8x80xi32, #tpu.memory_space<vmem>>
        %dma_wait3A_459 = tpu.memref_squeeze %dma_wait3A_458 : memref<1x8x80xi32, #tpu.memory_space<vmem>> -> memref<8x80xi32, #tpu.memory_space<vmem>>
        %dma_wait3A_460 = arith.constant 0 : i32
        %dma_wait3A_461 = tpu.memref_slice %dma_wait3A_459[%dma_wait3A_455, %dma_wait3A_460] : memref<8x80xi32, #tpu.memory_space<vmem>> -> memref<1x80xi32, #tpu.memory_space<vmem>>
        %dma_wait3A_462 = tpu.memref_squeeze %dma_wait3A_461 : memref<1x80xi32, #tpu.memory_space<vmem>> -> memref<80xi32, #tpu.memory_space<vmem>>
        %dma_wait3A_463 = arith.constant 0 : i32
        %dma_wait3A_464 = arith.constant 0 : i32
        %dma_wait3A_465 = tpu.memref_slice %arg7[%dma_wait3A_463, %dma_wait3A_464] : memref<10240x128xf32, #tpu.memory_space<vmem_shared>> -> memref<10240x128xf32, #tpu.memory_space<vmem_shared>>
        tpu.wait_indirect_dma semaphore(%arg20 : memref<!tpu.dma_semaphore, #tpu.memory_space<semaphore_mem>>) src(%arg12 : memref<80x128xf32, #tpu.memory_space<vmem>>) dst(%dma_wait3A_465 : memref<10240x128xf32, #tpu.memory_space<vmem_shared>>)
      } else {
      }
      %dma_start3A_199 = arith.constant 2 : i32
      %dma_start3A_200 = arith.constant 0 : i32
      %dma_start3A_201 = arith.constant 0 : i32
      %dma_start3A_202 = tpu.memref_slice %arg8[%rem3A_96, %dma_start3A_200, %dma_start3A_201] : memref<2x8x80xi32, #tpu.memory_space<vmem>> -> memref<1x8x80xi32, #tpu.memory_space<vmem>>
      %dma_start3A_203 = tpu.memref_squeeze %dma_start3A_202 : memref<1x8x80xi32, #tpu.memory_space<vmem>> -> memref<8x80xi32, #tpu.memory_space<vmem>>
      %dma_start3A_204 = arith.constant 0 : i32
      %dma_start3A_205 = tpu.memref_slice %dma_start3A_203[%dma_start3A_199, %dma_start3A_204] : memref<8x80xi32, #tpu.memory_space<vmem>> -> memref<1x80xi32, #tpu.memory_space<vmem>>
      %dma_start3A_206 = tpu.memref_squeeze %dma_start3A_205 : memref<1x80xi32, #tpu.memory_space<vmem>> -> memref<80xi32, #tpu.memory_space<vmem>>
      %dma_start3A_207 = arith.constant 0 : i32
      %dma_start3A_208 = arith.constant 0 : i32
      %dma_start3A_209 = tpu.memref_slice %arg2[%dma_start3A_207, %dma_start3A_208] : memref<20000x128xf32, #tpu.memory_space<hbm>> -> memref<20000x128xf32, #tpu.memory_space<hbm>>
      tpu.enqueue_indirect_dma source(%dma_start3A_209 : memref<20000x128xf32, #tpu.memory_space<hbm>>) target(%arg12 : memref<80x128xf32, #tpu.memory_space<vmem>>) offsets(%dma_start3A_206 : memref<80xi32, #tpu.memory_space<vmem>>) semaphore(%arg16 : memref<!tpu.dma_semaphore, #tpu.memory_space<semaphore_mem>>)
      %dma_wait3A_210 = arith.constant 1 : i32
      %dma_wait3A_211 = arith.constant 0 : i32
      %dma_wait3A_212 = arith.constant 0 : i32
      %dma_wait3A_213 = tpu.memref_slice %arg8[%rem3A_96, %dma_wait3A_211, %dma_wait3A_212] : memref<2x8x80xi32, #tpu.memory_space<vmem>> -> memref<1x8x80xi32, #tpu.memory_space<vmem>>
      %dma_wait3A_214 = tpu.memref_squeeze %dma_wait3A_213 : memref<1x8x80xi32, #tpu.memory_space<vmem>> -> memref<8x80xi32, #tpu.memory_space<vmem>>
      %dma_wait3A_215 = arith.constant 0 : i32
      %dma_wait3A_216 = tpu.memref_slice %dma_wait3A_214[%dma_wait3A_210, %dma_wait3A_215] : memref<8x80xi32, #tpu.memory_space<vmem>> -> memref<1x80xi32, #tpu.memory_space<vmem>>
      %dma_wait3A_217 = tpu.memref_squeeze %dma_wait3A_216 : memref<1x80xi32, #tpu.memory_space<vmem>> -> memref<80xi32, #tpu.memory_space<vmem>>
      %dma_wait3A_218 = arith.constant 0 : i32
      %dma_wait3A_219 = arith.constant 0 : i32
      %dma_wait3A_220 = tpu.memref_slice %arg2[%dma_wait3A_218, %dma_wait3A_219] : memref<20000x128xf32, #tpu.memory_space<hbm>> -> memref<20000x128xf32, #tpu.memory_space<hbm>>
      tpu.wait_indirect_dma semaphore(%arg15 : memref<!tpu.dma_semaphore, #tpu.memory_space<semaphore_mem>>) src(%dma_wait3A_220 : memref<20000x128xf32, #tpu.memory_space<hbm>>) dst(%arg11 : memref<80x128xf32, #tpu.memory_space<vmem>>)
      %dma_start3A_221 = arith.constant 1 : i32
      %dma_start3A_222 = arith.constant 0 : i32
      %dma_start3A_223 = arith.constant 0 : i32
      %dma_start3A_224 = tpu.memref_slice %arg9[%rem3A_96, %dma_start3A_222, %dma_start3A_223] : memref<2x8x80xi32, #tpu.memory_space<vmem>> -> memref<1x8x80xi32, #tpu.memory_space<vmem>>
      %dma_start3A_225 = tpu.memref_squeeze %dma_start3A_224 : memref<1x8x80xi32, #tpu.memory_space<vmem>> -> memref<8x80xi32, #tpu.memory_space<vmem>>
      %dma_start3A_226 = arith.constant 0 : i32
      %dma_start3A_227 = tpu.memref_slice %dma_start3A_225[%dma_start3A_221, %dma_start3A_226] : memref<8x80xi32, #tpu.memory_space<vmem>> -> memref<1x80xi32, #tpu.memory_space<vmem>>
      %dma_start3A_228 = tpu.memref_squeeze %dma_start3A_227 : memref<1x80xi32, #tpu.memory_space<vmem>> -> memref<80xi32, #tpu.memory_space<vmem>>
      %dma_start3A_229 = arith.constant 0 : i32
      %dma_start3A_230 = arith.constant 0 : i32
      %dma_start3A_231 = tpu.memref_slice %arg7[%dma_start3A_229, %dma_start3A_230] : memref<10240x128xf32, #tpu.memory_space<vmem_shared>> -> memref<10240x128xf32, #tpu.memory_space<vmem_shared>>
      tpu.enqueue_indirect_dma source(%arg11 : memref<80x128xf32, #tpu.memory_space<vmem>>) target(%dma_start3A_231 : memref<10240x128xf32, #tpu.memory_space<vmem_shared>>) offsets(%dma_start3A_228 : memref<80xi32, #tpu.memory_space<vmem>>) semaphore(%arg19 : memref<!tpu.dma_semaphore, #tpu.memory_space<semaphore_mem>>) {add = true}
      %gt3A_232 = arith.constant 0 : i32
      %gt3A_233 = arith.cmpi sgt, %scan3A_94, %gt3A_232 : i32
      %or3A_234 = arith.constant false
      %or3A_235 = arith.ori %gt3A_233, %or3A_234 : i1
      %convert_element_type3A_236 = arith.extui %or3A_235 : i1 to i32
      %cond3A_237 = arith.constant 0 : i32
      %cond3A_238 = arith.cmpi ne, %convert_element_type3A_236, %cond3A_237 : i32
      scf.if %cond3A_238 {
        %dma_wait3A_455 = arith.constant 0 : i32
        %dma_wait3A_456 = arith.constant 0 : i32
        %dma_wait3A_457 = arith.constant 0 : i32
        %dma_wait3A_458 = tpu.memref_slice %arg9[%rem3A_96, %dma_wait3A_456, %dma_wait3A_457] : memref<2x8x80xi32, #tpu.memory_space<vmem>> -> memref<1x8x80xi32, #tpu.memory_space<vmem>>
        %dma_wait3A_459 = tpu.memref_squeeze %dma_wait3A_458 : memref<1x8x80xi32, #tpu.memory_space<vmem>> -> memref<8x80xi32, #tpu.memory_space<vmem>>
        %dma_wait3A_460 = arith.constant 0 : i32
        %dma_wait3A_461 = tpu.memref_slice %dma_wait3A_459[%dma_wait3A_455, %dma_wait3A_460] : memref<8x80xi32, #tpu.memory_space<vmem>> -> memref<1x80xi32, #tpu.memory_space<vmem>>
        %dma_wait3A_462 = tpu.memref_squeeze %dma_wait3A_461 : memref<1x80xi32, #tpu.memory_space<vmem>> -> memref<80xi32, #tpu.memory_space<vmem>>
        %dma_wait3A_463 = arith.constant 0 : i32
        %dma_wait3A_464 = arith.constant 0 : i32
        %dma_wait3A_465 = tpu.memref_slice %arg7[%dma_wait3A_463, %dma_wait3A_464] : memref<10240x128xf32, #tpu.memory_space<vmem_shared>> -> memref<10240x128xf32, #tpu.memory_space<vmem_shared>>
        tpu.wait_indirect_dma semaphore(%arg21 : memref<!tpu.dma_semaphore, #tpu.memory_space<semaphore_mem>>) src(%arg13 : memref<80x128xf32, #tpu.memory_space<vmem>>) dst(%dma_wait3A_465 : memref<10240x128xf32, #tpu.memory_space<vmem_shared>>)
      } else {
      }
      %dma_start3A_239 = arith.constant 3 : i32
      %dma_start3A_240 = arith.constant 0 : i32
      %dma_start3A_241 = arith.constant 0 : i32
      %dma_start3A_242 = tpu.memref_slice %arg8[%rem3A_96, %dma_start3A_240, %dma_start3A_241] : memref<2x8x80xi32, #tpu.memory_space<vmem>> -> memref<1x8x80xi32, #tpu.memory_space<vmem>>
      %dma_start3A_243 = tpu.memref_squeeze %dma_start3A_242 : memref<1x8x80xi32, #tpu.memory_space<vmem>> -> memref<8x80xi32, #tpu.memory_space<vmem>>
      %dma_start3A_244 = arith.constant 0 : i32
      %dma_start3A_245 = tpu.memref_slice %dma_start3A_243[%dma_start3A_239, %dma_start3A_244] : memref<8x80xi32, #tpu.memory_space<vmem>> -> memref<1x80xi32, #tpu.memory_space<vmem>>
      %dma_start3A_246 = tpu.memref_squeeze %dma_start3A_245 : memref<1x80xi32, #tpu.memory_space<vmem>> -> memref<80xi32, #tpu.memory_space<vmem>>
      %dma_start3A_247 = arith.constant 0 : i32
      %dma_start3A_248 = arith.constant 0 : i32
      %dma_start3A_249 = tpu.memref_slice %arg2[%dma_start3A_247, %dma_start3A_248] : memref<20000x128xf32, #tpu.memory_space<hbm>> -> memref<20000x128xf32, #tpu.memory_space<hbm>>
      tpu.enqueue_indirect_dma source(%dma_start3A_249 : memref<20000x128xf32, #tpu.memory_space<hbm>>) target(%arg13 : memref<80x128xf32, #tpu.memory_space<vmem>>) offsets(%dma_start3A_246 : memref<80xi32, #tpu.memory_space<vmem>>) semaphore(%arg17 : memref<!tpu.dma_semaphore, #tpu.memory_space<semaphore_mem>>)
      %dma_wait3A_250 = arith.constant 2 : i32
      %dma_wait3A_251 = arith.constant 0 : i32
      %dma_wait3A_252 = arith.constant 0 : i32
      %dma_wait3A_253 = tpu.memref_slice %arg8[%rem3A_96, %dma_wait3A_251, %dma_wait3A_252] : memref<2x8x80xi32, #tpu.memory_space<vmem>> -> memref<1x8x80xi32, #tpu.memory_space<vmem>>
      %dma_wait3A_254 = tpu.memref_squeeze %dma_wait3A_253 : memref<1x8x80xi32, #tpu.memory_space<vmem>> -> memref<8x80xi32, #tpu.memory_space<vmem>>
      %dma_wait3A_255 = arith.constant 0 : i32
      %dma_wait3A_256 = tpu.memref_slice %dma_wait3A_254[%dma_wait3A_250, %dma_wait3A_255] : memref<8x80xi32, #tpu.memory_space<vmem>> -> memref<1x80xi32, #tpu.memory_space<vmem>>
      %dma_wait3A_257 = tpu.memref_squeeze %dma_wait3A_256 : memref<1x80xi32, #tpu.memory_space<vmem>> -> memref<80xi32, #tpu.memory_space<vmem>>
      %dma_wait3A_258 = arith.constant 0 : i32
      %dma_wait3A_259 = arith.constant 0 : i32
      %dma_wait3A_260 = tpu.memref_slice %arg2[%dma_wait3A_258, %dma_wait3A_259] : memref<20000x128xf32, #tpu.memory_space<hbm>> -> memref<20000x128xf32, #tpu.memory_space<hbm>>
      tpu.wait_indirect_dma semaphore(%arg16 : memref<!tpu.dma_semaphore, #tpu.memory_space<semaphore_mem>>) src(%dma_wait3A_260 : memref<20000x128xf32, #tpu.memory_space<hbm>>) dst(%arg12 : memref<80x128xf32, #tpu.memory_space<vmem>>)
      %dma_start3A_261 = arith.constant 2 : i32
      %dma_start3A_262 = arith.constant 0 : i32
      %dma_start3A_263 = arith.constant 0 : i32
      %dma_start3A_264 = tpu.memref_slice %arg9[%rem3A_96, %dma_start3A_262, %dma_start3A_263] : memref<2x8x80xi32, #tpu.memory_space<vmem>> -> memref<1x8x80xi32, #tpu.memory_space<vmem>>
      %dma_start3A_265 = tpu.memref_squeeze %dma_start3A_264 : memref<1x8x80xi32, #tpu.memory_space<vmem>> -> memref<8x80xi32, #tpu.memory_space<vmem>>
      %dma_start3A_266 = arith.constant 0 : i32
      %dma_start3A_267 = tpu.memref_slice %dma_start3A_265[%dma_start3A_261, %dma_start3A_266] : memref<8x80xi32, #tpu.memory_space<vmem>> -> memref<1x80xi32, #tpu.memory_space<vmem>>
      %dma_start3A_268 = tpu.memref_squeeze %dma_start3A_267 : memref<1x80xi32, #tpu.memory_space<vmem>> -> memref<80xi32, #tpu.memory_space<vmem>>
      %dma_start3A_269 = arith.constant 0 : i32
      %dma_start3A_270 = arith.constant 0 : i32
      %dma_start3A_271 = tpu.memref_slice %arg7[%dma_start3A_269, %dma_start3A_270] : memref<10240x128xf32, #tpu.memory_space<vmem_shared>> -> memref<10240x128xf32, #tpu.memory_space<vmem_shared>>
      tpu.enqueue_indirect_dma source(%arg12 : memref<80x128xf32, #tpu.memory_space<vmem>>) target(%dma_start3A_271 : memref<10240x128xf32, #tpu.memory_space<vmem_shared>>) offsets(%dma_start3A_268 : memref<80xi32, #tpu.memory_space<vmem>>) semaphore(%arg20 : memref<!tpu.dma_semaphore, #tpu.memory_space<semaphore_mem>>) {add = true}
      %gt3A_272 = arith.constant 0 : i32
      %gt3A_273 = arith.cmpi sgt, %scan3A_94, %gt3A_272 : i32
      %or3A_274 = arith.constant true
      %or3A_275 = arith.ori %gt3A_273, %or3A_274 : i1
      %convert_element_type3A_276 = arith.extui %or3A_275 : i1 to i32
      %cond3A_277 = arith.constant 0 : i32
      %cond3A_278 = arith.cmpi ne, %convert_element_type3A_276, %cond3A_277 : i32
      scf.if %cond3A_278 {
        %dma_wait3A_455 = arith.constant 0 : i32
        %dma_wait3A_456 = arith.constant 0 : i32
        %dma_wait3A_457 = arith.constant 0 : i32
        %dma_wait3A_458 = tpu.memref_slice %arg9[%rem3A_96, %dma_wait3A_456, %dma_wait3A_457] : memref<2x8x80xi32, #tpu.memory_space<vmem>> -> memref<1x8x80xi32, #tpu.memory_space<vmem>>
        %dma_wait3A_459 = tpu.memref_squeeze %dma_wait3A_458 : memref<1x8x80xi32, #tpu.memory_space<vmem>> -> memref<8x80xi32, #tpu.memory_space<vmem>>
        %dma_wait3A_460 = arith.constant 0 : i32
        %dma_wait3A_461 = tpu.memref_slice %dma_wait3A_459[%dma_wait3A_455, %dma_wait3A_460] : memref<8x80xi32, #tpu.memory_space<vmem>> -> memref<1x80xi32, #tpu.memory_space<vmem>>
        %dma_wait3A_462 = tpu.memref_squeeze %dma_wait3A_461 : memref<1x80xi32, #tpu.memory_space<vmem>> -> memref<80xi32, #tpu.memory_space<vmem>>
        %dma_wait3A_463 = arith.constant 0 : i32
        %dma_wait3A_464 = arith.constant 0 : i32
        %dma_wait3A_465 = tpu.memref_slice %arg7[%dma_wait3A_463, %dma_wait3A_464] : memref<10240x128xf32, #tpu.memory_space<vmem_shared>> -> memref<10240x128xf32, #tpu.memory_space<vmem_shared>>
        tpu.wait_indirect_dma semaphore(%arg18 : memref<!tpu.dma_semaphore, #tpu.memory_space<semaphore_mem>>) src(%arg10 : memref<80x128xf32, #tpu.memory_space<vmem>>) dst(%dma_wait3A_465 : memref<10240x128xf32, #tpu.memory_space<vmem_shared>>)
      } else {
      }
      %dma_start3A_279 = arith.constant 4 : i32
      %dma_start3A_280 = arith.constant 0 : i32
      %dma_start3A_281 = arith.constant 0 : i32
      %dma_start3A_282 = tpu.memref_slice %arg8[%rem3A_96, %dma_start3A_280, %dma_start3A_281] : memref<2x8x80xi32, #tpu.memory_space<vmem>> -> memref<1x8x80xi32, #tpu.memory_space<vmem>>
      %dma_start3A_283 = tpu.memref_squeeze %dma_start3A_282 : memref<1x8x80xi32, #tpu.memory_space<vmem>> -> memref<8x80xi32, #tpu.memory_space<vmem>>
      %dma_start3A_284 = arith.constant 0 : i32
      %dma_start3A_285 = tpu.memref_slice %dma_start3A_283[%dma_start3A_279, %dma_start3A_284] : memref<8x80xi32, #tpu.memory_space<vmem>> -> memref<1x80xi32, #tpu.memory_space<vmem>>
      %dma_start3A_286 = tpu.memref_squeeze %dma_start3A_285 : memref<1x80xi32, #tpu.memory_space<vmem>> -> memref<80xi32, #tpu.memory_space<vmem>>
      %dma_start3A_287 = arith.constant 0 : i32
      %dma_start3A_288 = arith.constant 0 : i32
      %dma_start3A_289 = tpu.memref_slice %arg2[%dma_start3A_287, %dma_start3A_288] : memref<20000x128xf32, #tpu.memory_space<hbm>> -> memref<20000x128xf32, #tpu.memory_space<hbm>>
      tpu.enqueue_indirect_dma source(%dma_start3A_289 : memref<20000x128xf32, #tpu.memory_space<hbm>>) target(%arg10 : memref<80x128xf32, #tpu.memory_space<vmem>>) offsets(%dma_start3A_286 : memref<80xi32, #tpu.memory_space<vmem>>) semaphore(%arg14 : memref<!tpu.dma_semaphore, #tpu.memory_space<semaphore_mem>>)
      %dma_wait3A_290 = arith.constant 3 : i32
      %dma_wait3A_291 = arith.constant 0 : i32
      %dma_wait3A_292 = arith.constant 0 : i32
      %dma_wait3A_293 = tpu.memref_slice %arg8[%rem3A_96, %dma_wait3A_291, %dma_wait3A_292] : memref<2x8x80xi32, #tpu.memory_space<vmem>> -> memref<1x8x80xi32, #tpu.memory_space<vmem>>
      %dma_wait3A_294 = tpu.memref_squeeze %dma_wait3A_293 : memref<1x8x80xi32, #tpu.memory_space<vmem>> -> memref<8x80xi32, #tpu.memory_space<vmem>>
      %dma_wait3A_295 = arith.constant 0 : i32
      %dma_wait3A_296 = tpu.memref_slice %dma_wait3A_294[%dma_wait3A_290, %dma_wait3A_295] : memref<8x80xi32, #tpu.memory_space<vmem>> -> memref<1x80xi32, #tpu.memory_space<vmem>>
      %dma_wait3A_297 = tpu.memref_squeeze %dma_wait3A_296 : memref<1x80xi32, #tpu.memory_space<vmem>> -> memref<80xi32, #tpu.memory_space<vmem>>
      %dma_wait3A_298 = arith.constant 0 : i32
      %dma_wait3A_299 = arith.constant 0 : i32
      %dma_wait3A_300 = tpu.memref_slice %arg2[%dma_wait3A_298, %dma_wait3A_299] : memref<20000x128xf32, #tpu.memory_space<hbm>> -> memref<20000x128xf32, #tpu.memory_space<hbm>>
      tpu.wait_indirect_dma semaphore(%arg17 : memref<!tpu.dma_semaphore, #tpu.memory_space<semaphore_mem>>) src(%dma_wait3A_300 : memref<20000x128xf32, #tpu.memory_space<hbm>>) dst(%arg13 : memref<80x128xf32, #tpu.memory_space<vmem>>)
      %dma_start3A_301 = arith.constant 3 : i32
      %dma_start3A_302 = arith.constant 0 : i32
      %dma_start3A_303 = arith.constant 0 : i32
      %dma_start3A_304 = tpu.memref_slice %arg9[%rem3A_96, %dma_start3A_302, %dma_start3A_303] : memref<2x8x80xi32, #tpu.memory_space<vmem>> -> memref<1x8x80xi32, #tpu.memory_space<vmem>>
      %dma_start3A_305 = tpu.memref_squeeze %dma_start3A_304 : memref<1x8x80xi32, #tpu.memory_space<vmem>> -> memref<8x80xi32, #tpu.memory_space<vmem>>
      %dma_start3A_306 = arith.constant 0 : i32
      %dma_start3A_307 = tpu.memref_slice %dma_start3A_305[%dma_start3A_301, %dma_start3A_306] : memref<8x80xi32, #tpu.memory_space<vmem>> -> memref<1x80xi32, #tpu.memory_space<vmem>>
      %dma_start3A_308 = tpu.memref_squeeze %dma_start3A_307 : memref<1x80xi32, #tpu.memory_space<vmem>> -> memref<80xi32, #tpu.memory_space<vmem>>
      %dma_start3A_309 = arith.constant 0 : i32
      %dma_start3A_310 = arith.constant 0 : i32
      %dma_start3A_311 = tpu.memref_slice %arg7[%dma_start3A_309, %dma_start3A_310] : memref<10240x128xf32, #tpu.memory_space<vmem_shared>> -> memref<10240x128xf32, #tpu.memory_space<vmem_shared>>
      tpu.enqueue_indirect_dma source(%arg13 : memref<80x128xf32, #tpu.memory_space<vmem>>) target(%dma_start3A_311 : memref<10240x128xf32, #tpu.memory_space<vmem_shared>>) offsets(%dma_start3A_308 : memref<80xi32, #tpu.memory_space<vmem>>) semaphore(%arg21 : memref<!tpu.dma_semaphore, #tpu.memory_space<semaphore_mem>>) {add = true}
      %gt3A_312 = arith.constant 0 : i32
      %gt3A_313 = arith.cmpi sgt, %scan3A_94, %gt3A_312 : i32
      %or3A_314 = arith.constant true
      %or3A_315 = arith.ori %gt3A_313, %or3A_314 : i1
      %convert_element_type3A_316 = arith.extui %or3A_315 : i1 to i32
      %cond3A_317 = arith.constant 0 : i32
      %cond3A_318 = arith.cmpi ne, %convert_element_type3A_316, %cond3A_317 : i32
      scf.if %cond3A_318 {
        %dma_wait3A_455 = arith.constant 0 : i32
        %dma_wait3A_456 = arith.constant 0 : i32
        %dma_wait3A_457 = arith.constant 0 : i32
        %dma_wait3A_458 = tpu.memref_slice %arg9[%rem3A_96, %dma_wait3A_456, %dma_wait3A_457] : memref<2x8x80xi32, #tpu.memory_space<vmem>> -> memref<1x8x80xi32, #tpu.memory_space<vmem>>
        %dma_wait3A_459 = tpu.memref_squeeze %dma_wait3A_458 : memref<1x8x80xi32, #tpu.memory_space<vmem>> -> memref<8x80xi32, #tpu.memory_space<vmem>>
        %dma_wait3A_460 = arith.constant 0 : i32
        %dma_wait3A_461 = tpu.memref_slice %dma_wait3A_459[%dma_wait3A_455, %dma_wait3A_460] : memref<8x80xi32, #tpu.memory_space<vmem>> -> memref<1x80xi32, #tpu.memory_space<vmem>>
        %dma_wait3A_462 = tpu.memref_squeeze %dma_wait3A_461 : memref<1x80xi32, #tpu.memory_space<vmem>> -> memref<80xi32, #tpu.memory_space<vmem>>
        %dma_wait3A_463 = arith.constant 0 : i32
        %dma_wait3A_464 = arith.constant 0 : i32
        %dma_wait3A_465 = tpu.memref_slice %arg7[%dma_wait3A_463, %dma_wait3A_464] : memref<10240x128xf32, #tpu.memory_space<vmem_shared>> -> memref<10240x128xf32, #tpu.memory_space<vmem_shared>>
        tpu.wait_indirect_dma semaphore(%arg19 : memref<!tpu.dma_semaphore, #tpu.memory_space<semaphore_mem>>) src(%arg11 : memref<80x128xf32, #tpu.memory_space<vmem>>) dst(%dma_wait3A_465 : memref<10240x128xf32, #tpu.memory_space<vmem_shared>>)
      } else {
      }
      %dma_start3A_319 = arith.constant 5 : i32
      %dma_start3A_320 = arith.constant 0 : i32
      %dma_start3A_321 = arith.constant 0 : i32
      %dma_start3A_322 = tpu.memref_slice %arg8[%rem3A_96, %dma_start3A_320, %dma_start3A_321] : memref<2x8x80xi32, #tpu.memory_space<vmem>> -> memref<1x8x80xi32, #tpu.memory_space<vmem>>
      %dma_start3A_323 = tpu.memref_squeeze %dma_start3A_322 : memref<1x8x80xi32, #tpu.memory_space<vmem>> -> memref<8x80xi32, #tpu.memory_space<vmem>>
      %dma_start3A_324 = arith.constant 0 : i32
      %dma_start3A_325 = tpu.memref_slice %dma_start3A_323[%dma_start3A_319, %dma_start3A_324] : memref<8x80xi32, #tpu.memory_space<vmem>> -> memref<1x80xi32, #tpu.memory_space<vmem>>
      %dma_start3A_326 = tpu.memref_squeeze %dma_start3A_325 : memref<1x80xi32, #tpu.memory_space<vmem>> -> memref<80xi32, #tpu.memory_space<vmem>>
      %dma_start3A_327 = arith.constant 0 : i32
      %dma_start3A_328 = arith.constant 0 : i32
      %dma_start3A_329 = tpu.memref_slice %arg2[%dma_start3A_327, %dma_start3A_328] : memref<20000x128xf32, #tpu.memory_space<hbm>> -> memref<20000x128xf32, #tpu.memory_space<hbm>>
      tpu.enqueue_indirect_dma source(%dma_start3A_329 : memref<20000x128xf32, #tpu.memory_space<hbm>>) target(%arg11 : memref<80x128xf32, #tpu.memory_space<vmem>>) offsets(%dma_start3A_326 : memref<80xi32, #tpu.memory_space<vmem>>) semaphore(%arg15 : memref<!tpu.dma_semaphore, #tpu.memory_space<semaphore_mem>>)
      %dma_wait3A_330 = arith.constant 4 : i32
      %dma_wait3A_331 = arith.constant 0 : i32
      %dma_wait3A_332 = arith.constant 0 : i32
      %dma_wait3A_333 = tpu.memref_slice %arg8[%rem3A_96, %dma_wait3A_331, %dma_wait3A_332] : memref<2x8x80xi32, #tpu.memory_space<vmem>> -> memref<1x8x80xi32, #tpu.memory_space<vmem>>
      %dma_wait3A_334 = tpu.memref_squeeze %dma_wait3A_333 : memref<1x8x80xi32, #tpu.memory_space<vmem>> -> memref<8x80xi32, #tpu.memory_space<vmem>>
      %dma_wait3A_335 = arith.constant 0 : i32
      %dma_wait3A_336 = tpu.memref_slice %dma_wait3A_334[%dma_wait3A_330, %dma_wait3A_335] : memref<8x80xi32, #tpu.memory_space<vmem>> -> memref<1x80xi32, #tpu.memory_space<vmem>>
      %dma_wait3A_337 = tpu.memref_squeeze %dma_wait3A_336 : memref<1x80xi32, #tpu.memory_space<vmem>> -> memref<80xi32, #tpu.memory_space<vmem>>
      %dma_wait3A_338 = arith.constant 0 : i32
      %dma_wait3A_339 = arith.constant 0 : i32
      %dma_wait3A_340 = tpu.memref_slice %arg2[%dma_wait3A_338, %dma_wait3A_339] : memref<20000x128xf32, #tpu.memory_space<hbm>> -> memref<20000x128xf32, #tpu.memory_space<hbm>>
      tpu.wait_indirect_dma semaphore(%arg14 : memref<!tpu.dma_semaphore, #tpu.memory_space<semaphore_mem>>) src(%dma_wait3A_340 : memref<20000x128xf32, #tpu.memory_space<hbm>>) dst(%arg10 : memref<80x128xf32, #tpu.memory_space<vmem>>)
      %dma_start3A_341 = arith.constant 4 : i32
      %dma_start3A_342 = arith.constant 0 : i32
      %dma_start3A_343 = arith.constant 0 : i32
      %dma_start3A_344 = tpu.memref_slice %arg9[%rem3A_96, %dma_start3A_342, %dma_start3A_343] : memref<2x8x80xi32, #tpu.memory_space<vmem>> -> memref<1x8x80xi32, #tpu.memory_space<vmem>>
      %dma_start3A_345 = tpu.memref_squeeze %dma_start3A_344 : memref<1x8x80xi32, #tpu.memory_space<vmem>> -> memref<8x80xi32, #tpu.memory_space<vmem>>
      %dma_start3A_346 = arith.constant 0 : i32
      %dma_start3A_347 = tpu.memref_slice %dma_start3A_345[%dma_start3A_341, %dma_start3A_346] : memref<8x80xi32, #tpu.memory_space<vmem>> -> memref<1x80xi32, #tpu.memory_space<vmem>>
      %dma_start3A_348 = tpu.memref_squeeze %dma_start3A_347 : memref<1x80xi32, #tpu.memory_space<vmem>> -> memref<80xi32, #tpu.memory_space<vmem>>
      %dma_start3A_349 = arith.constant 0 : i32
      %dma_start3A_350 = arith.constant 0 : i32
      %dma_start3A_351 = tpu.memref_slice %arg7[%dma_start3A_349, %dma_start3A_350] : memref<10240x128xf32, #tpu.memory_space<vmem_shared>> -> memref<10240x128xf32, #tpu.memory_space<vmem_shared>>
      tpu.enqueue_indirect_dma source(%arg10 : memref<80x128xf32, #tpu.memory_space<vmem>>) target(%dma_start3A_351 : memref<10240x128xf32, #tpu.memory_space<vmem_shared>>) offsets(%dma_start3A_348 : memref<80xi32, #tpu.memory_space<vmem>>) semaphore(%arg18 : memref<!tpu.dma_semaphore, #tpu.memory_space<semaphore_mem>>) {add = true}
      %gt3A_352 = arith.constant 0 : i32
      %gt3A_353 = arith.cmpi sgt, %scan3A_94, %gt3A_352 : i32
      %or3A_354 = arith.constant true
      %or3A_355 = arith.ori %gt3A_353, %or3A_354 : i1
      %convert_element_type3A_356 = arith.extui %or3A_355 : i1 to i32
      %cond3A_357 = arith.constant 0 : i32
      %cond3A_358 = arith.cmpi ne, %convert_element_type3A_356, %cond3A_357 : i32
      scf.if %cond3A_358 {
        %dma_wait3A_455 = arith.constant 0 : i32
        %dma_wait3A_456 = arith.constant 0 : i32
        %dma_wait3A_457 = arith.constant 0 : i32
        %dma_wait3A_458 = tpu.memref_slice %arg9[%rem3A_96, %dma_wait3A_456, %dma_wait3A_457] : memref<2x8x80xi32, #tpu.memory_space<vmem>> -> memref<1x8x80xi32, #tpu.memory_space<vmem>>
        %dma_wait3A_459 = tpu.memref_squeeze %dma_wait3A_458 : memref<1x8x80xi32, #tpu.memory_space<vmem>> -> memref<8x80xi32, #tpu.memory_space<vmem>>
        %dma_wait3A_460 = arith.constant 0 : i32
        %dma_wait3A_461 = tpu.memref_slice %dma_wait3A_459[%dma_wait3A_455, %dma_wait3A_460] : memref<8x80xi32, #tpu.memory_space<vmem>> -> memref<1x80xi32, #tpu.memory_space<vmem>>
        %dma_wait3A_462 = tpu.memref_squeeze %dma_wait3A_461 : memref<1x80xi32, #tpu.memory_space<vmem>> -> memref<80xi32, #tpu.memory_space<vmem>>
        %dma_wait3A_463 = arith.constant 0 : i32
        %dma_wait3A_464 = arith.constant 0 : i32
        %dma_wait3A_465 = tpu.memref_slice %arg7[%dma_wait3A_463, %dma_wait3A_464] : memref<10240x128xf32, #tpu.memory_space<vmem_shared>> -> memref<10240x128xf32, #tpu.memory_space<vmem_shared>>
        tpu.wait_indirect_dma semaphore(%arg20 : memref<!tpu.dma_semaphore, #tpu.memory_space<semaphore_mem>>) src(%arg12 : memref<80x128xf32, #tpu.memory_space<vmem>>) dst(%dma_wait3A_465 : memref<10240x128xf32, #tpu.memory_space<vmem_shared>>)
      } else {
      }
      %dma_start3A_359 = arith.constant 6 : i32
      %dma_start3A_360 = arith.constant 0 : i32
      %dma_start3A_361 = arith.constant 0 : i32
      %dma_start3A_362 = tpu.memref_slice %arg8[%rem3A_96, %dma_start3A_360, %dma_start3A_361] : memref<2x8x80xi32, #tpu.memory_space<vmem>> -> memref<1x8x80xi32, #tpu.memory_space<vmem>>
      %dma_start3A_363 = tpu.memref_squeeze %dma_start3A_362 : memref<1x8x80xi32, #tpu.memory_space<vmem>> -> memref<8x80xi32, #tpu.memory_space<vmem>>
      %dma_start3A_364 = arith.constant 0 : i32
      %dma_start3A_365 = tpu.memref_slice %dma_start3A_363[%dma_start3A_359, %dma_start3A_364] : memref<8x80xi32, #tpu.memory_space<vmem>> -> memref<1x80xi32, #tpu.memory_space<vmem>>
      %dma_start3A_366 = tpu.memref_squeeze %dma_start3A_365 : memref<1x80xi32, #tpu.memory_space<vmem>> -> memref<80xi32, #tpu.memory_space<vmem>>
      %dma_start3A_367 = arith.constant 0 : i32
      %dma_start3A_368 = arith.constant 0 : i32
      %dma_start3A_369 = tpu.memref_slice %arg2[%dma_start3A_367, %dma_start3A_368] : memref<20000x128xf32, #tpu.memory_space<hbm>> -> memref<20000x128xf32, #tpu.memory_space<hbm>>
      tpu.enqueue_indirect_dma source(%dma_start3A_369 : memref<20000x128xf32, #tpu.memory_space<hbm>>) target(%arg12 : memref<80x128xf32, #tpu.memory_space<vmem>>) offsets(%dma_start3A_366 : memref<80xi32, #tpu.memory_space<vmem>>) semaphore(%arg16 : memref<!tpu.dma_semaphore, #tpu.memory_space<semaphore_mem>>)
      %dma_wait3A_370 = arith.constant 5 : i32
      %dma_wait3A_371 = arith.constant 0 : i32
      %dma_wait3A_372 = arith.constant 0 : i32
      %dma_wait3A_373 = tpu.memref_slice %arg8[%rem3A_96, %dma_wait3A_371, %dma_wait3A_372] : memref<2x8x80xi32, #tpu.memory_space<vmem>> -> memref<1x8x80xi32, #tpu.memory_space<vmem>>
      %dma_wait3A_374 = tpu.memref_squeeze %dma_wait3A_373 : memref<1x8x80xi32, #tpu.memory_space<vmem>> -> memref<8x80xi32, #tpu.memory_space<vmem>>
      %dma_wait3A_375 = arith.constant 0 : i32
      %dma_wait3A_376 = tpu.memref_slice %dma_wait3A_374[%dma_wait3A_370, %dma_wait3A_375] : memref<8x80xi32, #tpu.memory_space<vmem>> -> memref<1x80xi32, #tpu.memory_space<vmem>>
      %dma_wait3A_377 = tpu.memref_squeeze %dma_wait3A_376 : memref<1x80xi32, #tpu.memory_space<vmem>> -> memref<80xi32, #tpu.memory_space<vmem>>
      %dma_wait3A_378 = arith.constant 0 : i32
      %dma_wait3A_379 = arith.constant 0 : i32
      %dma_wait3A_380 = tpu.memref_slice %arg2[%dma_wait3A_378, %dma_wait3A_379] : memref<20000x128xf32, #tpu.memory_space<hbm>> -> memref<20000x128xf32, #tpu.memory_space<hbm>>
      tpu.wait_indirect_dma semaphore(%arg15 : memref<!tpu.dma_semaphore, #tpu.memory_space<semaphore_mem>>) src(%dma_wait3A_380 : memref<20000x128xf32, #tpu.memory_space<hbm>>) dst(%arg11 : memref<80x128xf32, #tpu.memory_space<vmem>>)
      %dma_start3A_381 = arith.constant 5 : i32
      %dma_start3A_382 = arith.constant 0 : i32
      %dma_start3A_383 = arith.constant 0 : i32
      %dma_start3A_384 = tpu.memref_slice %arg9[%rem3A_96, %dma_start3A_382, %dma_start3A_383] : memref<2x8x80xi32, #tpu.memory_space<vmem>> -> memref<1x8x80xi32, #tpu.memory_space<vmem>>
      %dma_start3A_385 = tpu.memref_squeeze %dma_start3A_384 : memref<1x8x80xi32, #tpu.memory_space<vmem>> -> memref<8x80xi32, #tpu.memory_space<vmem>>
      %dma_start3A_386 = arith.constant 0 : i32
      %dma_start3A_387 = tpu.memref_slice %dma_start3A_385[%dma_start3A_381, %dma_start3A_386] : memref<8x80xi32, #tpu.memory_space<vmem>> -> memref<1x80xi32, #tpu.memory_space<vmem>>
      %dma_start3A_388 = tpu.memref_squeeze %dma_start3A_387 : memref<1x80xi32, #tpu.memory_space<vmem>> -> memref<80xi32, #tpu.memory_space<vmem>>
      %dma_start3A_389 = arith.constant 0 : i32
      %dma_start3A_390 = arith.constant 0 : i32
      %dma_start3A_391 = tpu.memref_slice %arg7[%dma_start3A_389, %dma_start3A_390] : memref<10240x128xf32, #tpu.memory_space<vmem_shared>> -> memref<10240x128xf32, #tpu.memory_space<vmem_shared>>
      tpu.enqueue_indirect_dma source(%arg11 : memref<80x128xf32, #tpu.memory_space<vmem>>) target(%dma_start3A_391 : memref<10240x128xf32, #tpu.memory_space<vmem_shared>>) offsets(%dma_start3A_388 : memref<80xi32, #tpu.memory_space<vmem>>) semaphore(%arg19 : memref<!tpu.dma_semaphore, #tpu.memory_space<semaphore_mem>>) {add = true}
      %gt3A_392 = arith.constant 0 : i32
      %gt3A_393 = arith.cmpi sgt, %scan3A_94, %gt3A_392 : i32
      %or3A_394 = arith.constant true
      %or3A_395 = arith.ori %gt3A_393, %or3A_394 : i1
      %convert_element_type3A_396 = arith.extui %or3A_395 : i1 to i32
      %cond3A_397 = arith.constant 0 : i32
      %cond3A_398 = arith.cmpi ne, %convert_element_type3A_396, %cond3A_397 : i32
      scf.if %cond3A_398 {
        %dma_wait3A_455 = arith.constant 0 : i32
        %dma_wait3A_456 = arith.constant 0 : i32
        %dma_wait3A_457 = arith.constant 0 : i32
        %dma_wait3A_458 = tpu.memref_slice %arg9[%rem3A_96, %dma_wait3A_456, %dma_wait3A_457] : memref<2x8x80xi32, #tpu.memory_space<vmem>> -> memref<1x8x80xi32, #tpu.memory_space<vmem>>
        %dma_wait3A_459 = tpu.memref_squeeze %dma_wait3A_458 : memref<1x8x80xi32, #tpu.memory_space<vmem>> -> memref<8x80xi32, #tpu.memory_space<vmem>>
        %dma_wait3A_460 = arith.constant 0 : i32
        %dma_wait3A_461 = tpu.memref_slice %dma_wait3A_459[%dma_wait3A_455, %dma_wait3A_460] : memref<8x80xi32, #tpu.memory_space<vmem>> -> memref<1x80xi32, #tpu.memory_space<vmem>>
        %dma_wait3A_462 = tpu.memref_squeeze %dma_wait3A_461 : memref<1x80xi32, #tpu.memory_space<vmem>> -> memref<80xi32, #tpu.memory_space<vmem>>
        %dma_wait3A_463 = arith.constant 0 : i32
        %dma_wait3A_464 = arith.constant 0 : i32
        %dma_wait3A_465 = tpu.memref_slice %arg7[%dma_wait3A_463, %dma_wait3A_464] : memref<10240x128xf32, #tpu.memory_space<vmem_shared>> -> memref<10240x128xf32, #tpu.memory_space<vmem_shared>>
        tpu.wait_indirect_dma semaphore(%arg21 : memref<!tpu.dma_semaphore, #tpu.memory_space<semaphore_mem>>) src(%arg13 : memref<80x128xf32, #tpu.memory_space<vmem>>) dst(%dma_wait3A_465 : memref<10240x128xf32, #tpu.memory_space<vmem_shared>>)
      } else {
      }
      %dma_start3A_399 = arith.constant 7 : i32
      %dma_start3A_400 = arith.constant 0 : i32
      %dma_start3A_401 = arith.constant 0 : i32
      %dma_start3A_402 = tpu.memref_slice %arg8[%rem3A_96, %dma_start3A_400, %dma_start3A_401] : memref<2x8x80xi32, #tpu.memory_space<vmem>> -> memref<1x8x80xi32, #tpu.memory_space<vmem>>
      %dma_start3A_403 = tpu.memref_squeeze %dma_start3A_402 : memref<1x8x80xi32, #tpu.memory_space<vmem>> -> memref<8x80xi32, #tpu.memory_space<vmem>>
      %dma_start3A_404 = arith.constant 0 : i32
      %dma_start3A_405 = tpu.memref_slice %dma_start3A_403[%dma_start3A_399, %dma_start3A_404] : memref<8x80xi32, #tpu.memory_space<vmem>> -> memref<1x80xi32, #tpu.memory_space<vmem>>
      %dma_start3A_406 = tpu.memref_squeeze %dma_start3A_405 : memref<1x80xi32, #tpu.memory_space<vmem>> -> memref<80xi32, #tpu.memory_space<vmem>>
      %dma_start3A_407 = arith.constant 0 : i32
      %dma_start3A_408 = arith.constant 0 : i32
      %dma_start3A_409 = tpu.memref_slice %arg2[%dma_start3A_407, %dma_start3A_408] : memref<20000x128xf32, #tpu.memory_space<hbm>> -> memref<20000x128xf32, #tpu.memory_space<hbm>>
      tpu.enqueue_indirect_dma source(%dma_start3A_409 : memref<20000x128xf32, #tpu.memory_space<hbm>>) target(%arg13 : memref<80x128xf32, #tpu.memory_space<vmem>>) offsets(%dma_start3A_406 : memref<80xi32, #tpu.memory_space<vmem>>) semaphore(%arg17 : memref<!tpu.dma_semaphore, #tpu.memory_space<semaphore_mem>>)
      %dma_wait3A_410 = arith.constant 6 : i32
      %dma_wait3A_411 = arith.constant 0 : i32
      %dma_wait3A_412 = arith.constant 0 : i32
      %dma_wait3A_413 = tpu.memref_slice %arg8[%rem3A_96, %dma_wait3A_411, %dma_wait3A_412] : memref<2x8x80xi32, #tpu.memory_space<vmem>> -> memref<1x8x80xi32, #tpu.memory_space<vmem>>
      %dma_wait3A_414 = tpu.memref_squeeze %dma_wait3A_413 : memref<1x8x80xi32, #tpu.memory_space<vmem>> -> memref<8x80xi32, #tpu.memory_space<vmem>>
      %dma_wait3A_415 = arith.constant 0 : i32
      %dma_wait3A_416 = tpu.memref_slice %dma_wait3A_414[%dma_wait3A_410, %dma_wait3A_415] : memref<8x80xi32, #tpu.memory_space<vmem>> -> memref<1x80xi32, #tpu.memory_space<vmem>>
      %dma_wait3A_417 = tpu.memref_squeeze %dma_wait3A_416 : memref<1x80xi32, #tpu.memory_space<vmem>> -> memref<80xi32, #tpu.memory_space<vmem>>
      %dma_wait3A_418 = arith.constant 0 : i32
      %dma_wait3A_419 = arith.constant 0 : i32
      %dma_wait3A_420 = tpu.memref_slice %arg2[%dma_wait3A_418, %dma_wait3A_419] : memref<20000x128xf32, #tpu.memory_space<hbm>> -> memref<20000x128xf32, #tpu.memory_space<hbm>>
      tpu.wait_indirect_dma semaphore(%arg16 : memref<!tpu.dma_semaphore, #tpu.memory_space<semaphore_mem>>) src(%dma_wait3A_420 : memref<20000x128xf32, #tpu.memory_space<hbm>>) dst(%arg12 : memref<80x128xf32, #tpu.memory_space<vmem>>)
      %dma_start3A_421 = arith.constant 6 : i32
      %dma_start3A_422 = arith.constant 0 : i32
      %dma_start3A_423 = arith.constant 0 : i32
      %dma_start3A_424 = tpu.memref_slice %arg9[%rem3A_96, %dma_start3A_422, %dma_start3A_423] : memref<2x8x80xi32, #tpu.memory_space<vmem>> -> memref<1x8x80xi32, #tpu.memory_space<vmem>>
      %dma_start3A_425 = tpu.memref_squeeze %dma_start3A_424 : memref<1x8x80xi32, #tpu.memory_space<vmem>> -> memref<8x80xi32, #tpu.memory_space<vmem>>
      %dma_start3A_426 = arith.constant 0 : i32
      %dma_start3A_427 = tpu.memref_slice %dma_start3A_425[%dma_start3A_421, %dma_start3A_426] : memref<8x80xi32, #tpu.memory_space<vmem>> -> memref<1x80xi32, #tpu.memory_space<vmem>>
      %dma_start3A_428 = tpu.memref_squeeze %dma_start3A_427 : memref<1x80xi32, #tpu.memory_space<vmem>> -> memref<80xi32, #tpu.memory_space<vmem>>
      %dma_start3A_429 = arith.constant 0 : i32
      %dma_start3A_430 = arith.constant 0 : i32
      %dma_start3A_431 = tpu.memref_slice %arg7[%dma_start3A_429, %dma_start3A_430] : memref<10240x128xf32, #tpu.memory_space<vmem_shared>> -> memref<10240x128xf32, #tpu.memory_space<vmem_shared>>
      tpu.enqueue_indirect_dma source(%arg12 : memref<80x128xf32, #tpu.memory_space<vmem>>) target(%dma_start3A_431 : memref<10240x128xf32, #tpu.memory_space<vmem_shared>>) offsets(%dma_start3A_428 : memref<80xi32, #tpu.memory_space<vmem>>) semaphore(%arg20 : memref<!tpu.dma_semaphore, #tpu.memory_space<semaphore_mem>>) {add = true}
      %dma_wait3A_432 = arith.constant 7 : i32
      %dma_wait3A_433 = arith.constant 0 : i32
      %dma_wait3A_434 = arith.constant 0 : i32
      %dma_wait3A_435 = tpu.memref_slice %arg8[%rem3A_96, %dma_wait3A_433, %dma_wait3A_434] : memref<2x8x80xi32, #tpu.memory_space<vmem>> -> memref<1x8x80xi32, #tpu.memory_space<vmem>>
      %dma_wait3A_436 = tpu.memref_squeeze %dma_wait3A_435 : memref<1x8x80xi32, #tpu.memory_space<vmem>> -> memref<8x80xi32, #tpu.memory_space<vmem>>
      %dma_wait3A_437 = arith.constant 0 : i32
      %dma_wait3A_438 = tpu.memref_slice %dma_wait3A_436[%dma_wait3A_432, %dma_wait3A_437] : memref<8x80xi32, #tpu.memory_space<vmem>> -> memref<1x80xi32, #tpu.memory_space<vmem>>
      %dma_wait3A_439 = tpu.memref_squeeze %dma_wait3A_438 : memref<1x80xi32, #tpu.memory_space<vmem>> -> memref<80xi32, #tpu.memory_space<vmem>>
      %dma_wait3A_440 = arith.constant 0 : i32
      %dma_wait3A_441 = arith.constant 0 : i32
      %dma_wait3A_442 = tpu.memref_slice %arg2[%dma_wait3A_440, %dma_wait3A_441] : memref<20000x128xf32, #tpu.memory_space<hbm>> -> memref<20000x128xf32, #tpu.memory_space<hbm>>
      tpu.wait_indirect_dma semaphore(%arg17 : memref<!tpu.dma_semaphore, #tpu.memory_space<semaphore_mem>>) src(%dma_wait3A_442 : memref<20000x128xf32, #tpu.memory_space<hbm>>) dst(%arg13 : memref<80x128xf32, #tpu.memory_space<vmem>>)
      %dma_start3A_443 = arith.constant 7 : i32
      %dma_start3A_444 = arith.constant 0 : i32
      %dma_start3A_445 = arith.constant 0 : i32
      %dma_start3A_446 = tpu.memref_slice %arg9[%rem3A_96, %dma_start3A_444, %dma_start3A_445] : memref<2x8x80xi32, #tpu.memory_space<vmem>> -> memref<1x8x80xi32, #tpu.memory_space<vmem>>
      %dma_start3A_447 = tpu.memref_squeeze %dma_start3A_446 : memref<1x8x80xi32, #tpu.memory_space<vmem>> -> memref<8x80xi32, #tpu.memory_space<vmem>>
      %dma_start3A_448 = arith.constant 0 : i32
      %dma_start3A_449 = tpu.memref_slice %dma_start3A_447[%dma_start3A_443, %dma_start3A_448] : memref<8x80xi32, #tpu.memory_space<vmem>> -> memref<1x80xi32, #tpu.memory_space<vmem>>
      %dma_start3A_450 = tpu.memref_squeeze %dma_start3A_449 : memref<1x80xi32, #tpu.memory_space<vmem>> -> memref<80xi32, #tpu.memory_space<vmem>>
      %dma_start3A_451 = arith.constant 0 : i32
      %dma_start3A_452 = arith.constant 0 : i32
      %dma_start3A_453 = tpu.memref_slice %arg7[%dma_start3A_451, %dma_start3A_452] : memref<10240x128xf32, #tpu.memory_space<vmem_shared>> -> memref<10240x128xf32, #tpu.memory_space<vmem_shared>>
      tpu.enqueue_indirect_dma source(%arg13 : memref<80x128xf32, #tpu.memory_space<vmem>>) target(%dma_start3A_453 : memref<10240x128xf32, #tpu.memory_space<vmem_shared>>) offsets(%dma_start3A_450 : memref<80xi32, #tpu.memory_space<vmem>>) semaphore(%arg21 : memref<!tpu.dma_semaphore, #tpu.memory_space<semaphore_mem>>) {add = true}
      %scan3A_454 = arith.constant 0 : i32
      scf.yield %scan3A_454 : i32
    }
    %scan3A_61 = arith.constant 16 : i32
    %dma_wait3A = arith.constant 1 : i32
    %dma_wait3A_62 = arith.constant 0 : i32
    %dma_wait3A_63 = arith.constant 0 : i32
    %dma_wait3A_64 = tpu.memref_slice %arg9[%dma_wait3A, %dma_wait3A_62, %dma_wait3A_63] : memref<2x8x80xi32, #tpu.memory_space<vmem>> -> memref<1x1x80xi32, #tpu.memory_space<vmem>>
    %dma_wait3A_65 = tpu.memref_squeeze %dma_wait3A_64 : memref<1x1x80xi32, #tpu.memory_space<vmem>> -> memref<80xi32, #tpu.memory_space<vmem>>
    %dma_wait3A_66 = arith.constant 0 : i32
    %dma_wait3A_67 = arith.constant 0 : i32
    %dma_wait3A_68 = tpu.memref_slice %arg7[%dma_wait3A_66, %dma_wait3A_67] : memref<10240x128xf32, #tpu.memory_space<vmem_shared>> -> memref<10240x128xf32, #tpu.memory_space<vmem_shared>>
    tpu.wait_indirect_dma semaphore(%arg18 : memref<!tpu.dma_semaphore, #tpu.memory_space<semaphore_mem>>) src(%arg10 : memref<80x128xf32, #tpu.memory_space<vmem>>) dst(%dma_wait3A_68 : memref<10240x128xf32, #tpu.memory_space<vmem_shared>>)
    %dma_wait3A_69 = arith.constant 1 : i32
    %dma_wait3A_70 = arith.constant 0 : i32
    %dma_wait3A_71 = arith.constant 0 : i32
    %dma_wait3A_72 = tpu.memref_slice %arg9[%dma_wait3A_69, %dma_wait3A_70, %dma_wait3A_71] : memref<2x8x80xi32, #tpu.memory_space<vmem>> -> memref<1x1x80xi32, #tpu.memory_space<vmem>>
    %dma_wait3A_73 = tpu.memref_squeeze %dma_wait3A_72 : memref<1x1x80xi32, #tpu.memory_space<vmem>> -> memref<80xi32, #tpu.memory_space<vmem>>
    %dma_wait3A_74 = arith.constant 0 : i32
    %dma_wait3A_75 = arith.constant 0 : i32
    %dma_wait3A_76 = tpu.memref_slice %arg7[%dma_wait3A_74, %dma_wait3A_75] : memref<10240x128xf32, #tpu.memory_space<vmem_shared>> -> memref<10240x128xf32, #tpu.memory_space<vmem_shared>>
    tpu.wait_indirect_dma semaphore(%arg19 : memref<!tpu.dma_semaphore, #tpu.memory_space<semaphore_mem>>) src(%arg11 : memref<80x128xf32, #tpu.memory_space<vmem>>) dst(%dma_wait3A_76 : memref<10240x128xf32, #tpu.memory_space<vmem_shared>>)
    %dma_wait3A_77 = arith.constant 1 : i32
    %dma_wait3A_78 = arith.constant 0 : i32
    %dma_wait3A_79 = arith.constant 0 : i32
    %dma_wait3A_80 = tpu.memref_slice %arg9[%dma_wait3A_77, %dma_wait3A_78, %dma_wait3A_79] : memref<2x8x80xi32, #tpu.memory_space<vmem>> -> memref<1x1x80xi32, #tpu.memory_space<vmem>>
    %dma_wait3A_81 = tpu.memref_squeeze %dma_wait3A_80 : memref<1x1x80xi32, #tpu.memory_space<vmem>> -> memref<80xi32, #tpu.memory_space<vmem>>
    %dma_wait3A_82 = arith.constant 0 : i32
    %dma_wait3A_83 = arith.constant 0 : i32
    %dma_wait3A_84 = tpu.memref_slice %arg7[%dma_wait3A_82, %dma_wait3A_83] : memref<10240x128xf32, #tpu.memory_space<vmem_shared>> -> memref<10240x128xf32, #tpu.memory_space<vmem_shared>>
    tpu.wait_indirect_dma semaphore(%arg20 : memref<!tpu.dma_semaphore, #tpu.memory_space<semaphore_mem>>) src(%arg12 : memref<80x128xf32, #tpu.memory_space<vmem>>) dst(%dma_wait3A_84 : memref<10240x128xf32, #tpu.memory_space<vmem_shared>>)
    %dma_wait3A_85 = arith.constant 1 : i32
    %dma_wait3A_86 = arith.constant 0 : i32
    %dma_wait3A_87 = arith.constant 0 : i32
    %dma_wait3A_88 = tpu.memref_slice %arg9[%dma_wait3A_85, %dma_wait3A_86, %dma_wait3A_87] : memref<2x8x80xi32, #tpu.memory_space<vmem>> -> memref<1x1x80xi32, #tpu.memory_space<vmem>>
    %dma_wait3A_89 = tpu.memref_squeeze %dma_wait3A_88 : memref<1x1x80xi32, #tpu.memory_space<vmem>> -> memref<80xi32, #tpu.memory_space<vmem>>
    %dma_wait3A_90 = arith.constant 0 : i32
    %dma_wait3A_91 = arith.constant 0 : i32
    %dma_wait3A_92 = tpu.memref_slice %arg7[%dma_wait3A_90, %dma_wait3A_91] : memref<10240x128xf32, #tpu.memory_space<vmem_shared>> -> memref<10240x128xf32, #tpu.memory_space<vmem_shared>>
    tpu.wait_indirect_dma semaphore(%arg21 : memref<!tpu.dma_semaphore, #tpu.memory_space<semaphore_mem>>) src(%arg13 : memref<80x128xf32, #tpu.memory_space<vmem>>) dst(%dma_wait3A_92 : memref<10240x128xf32, #tpu.memory_space<vmem_shared>>)
    %barrier3A_93 = arith.constant 0 : index
    tpu.barrier barrier_id(%barrier3A_93)
    "tpu.region"() ({
      %run_scoped3A = tpu.sem_alloc : memref<!tpu.dma_semaphore, #tpu.memory_space<semaphore_mem>>
      %dma_start3A_94 = arith.constant 0 : i32
      %dma_start3A_95 = tpu.memref_slice %arg6[%mul3A_0, %arg0, %dma_start3A_94] : memref<10240x2x128xf32, #tpu.memory_space<hbm>> -> memref<640x1x128xf32, #tpu.memory_space<hbm>>
      %dma_start3A_96 = tpu.memref_squeeze %dma_start3A_95 : memref<640x1x128xf32, #tpu.memory_space<hbm>> -> memref<640x128xf32, #tpu.memory_space<hbm>>
      %dma_start3A_97 = arith.constant 0 : i32
      %dma_start3A_98 = tpu.memref_slice %arg7[%mul3A_0, %dma_start3A_97] : memref<10240x128xf32, #tpu.memory_space<vmem_shared>> -> memref<640x128xf32, #tpu.memory_space<vmem_shared>>
      tpu.enqueue_dma source(%dma_start3A_98 : memref<640x128xf32, #tpu.memory_space<vmem_shared>>) target(%dma_start3A_96 : memref<640x128xf32, #tpu.memory_space<hbm>>) target_semaphore(%run_scoped3A : memref<!tpu.dma_semaphore, #tpu.memory_space<semaphore_mem>>)
      %dma_wait3A_99 = arith.constant 0 : i32
      %dma_wait3A_100 = tpu.memref_slice %arg6[%mul3A_0, %arg0, %dma_wait3A_99] : memref<10240x2x128xf32, #tpu.memory_space<hbm>> -> memref<640x1x128xf32, #tpu.memory_space<hbm>>
      %dma_wait3A_101 = tpu.memref_squeeze %dma_wait3A_100 : memref<640x1x128xf32, #tpu.memory_space<hbm>> -> memref<640x128xf32, #tpu.memory_space<hbm>>
      %dma_wait3A_102 = arith.constant 0 : i32
      %dma_wait3A_103 = tpu.memref_slice %arg7[%mul3A_0, %dma_wait3A_102] : memref<10240x128xf32, #tpu.memory_space<vmem_shared>> -> memref<640x128xf32, #tpu.memory_space<vmem_shared>>
      tpu.wait_dma2 semaphore(%run_scoped3A : memref<!tpu.dma_semaphore, #tpu.memory_space<semaphore_mem>>) src(%dma_wait3A_103 : memref<640x128xf32, #tpu.memory_space<vmem_shared>>) dst(%dma_wait3A_101 : memref<640x128xf32, #tpu.memory_space<hbm>>)
      tpu.yield
    }) : () -> ()
    return
  }
}

#map = affine_map<(d0, d1) -> (0, 0, 0)>
module attributes {stable_mosaic.version = 14 : i64} {
  func.func @_sc_deg_body(%arg0: i32, %arg1: i32, %arg2: memref<16x128x80xi32, #tpu.memory_space<hbm>>, %arg3: memref<10240x2x128xf32, #tpu.memory_space<hbm>>, %arg4: memref<10240x128xf32, #tpu.memory_space<vmem_shared>>, %arg5: memref<8x80xi32, #tpu.memory_space<vmem>>, %arg6: memref<80x128xf32, #tpu.memory_space<vmem>>, %arg7: memref<!tpu.dma_semaphore, #tpu.memory_space<semaphore_mem>>) attributes {dimension_semantics = [#tpu.dimension_semantics<core_parallel>, #tpu.dimension_semantics<subcore_parallel>], iteration_bounds = array<i64: 2, 16>, scalar_prefetch = 0 : i64, scratch_operands = 4 : i64, tpu.core_type = #tpu.core_type<sc_vector_subcore>, window_params = [{transform_indices = #map}, {transform_indices = #map}]} {
    %mul3A = arith.constant 640 : i32
    %mul3A_0 = arith.muli %arg1, %mul3A : i32
    %scan3A = arith.constant 0 : i32
    %scan3A_1 = arith.constant 0 : i32
    %scan3A_2 = arith.constant 80 : i32
    %scan3A_3 = arith.addi %scan3A_1, %scan3A_2 : i32
    %scan3A_4 = arith.constant 1 : i32
    %scan3A_5 = scf.for %scan3A_37 = %scan3A_1 to %scan3A_3 step %scan3A_4 iter_args(%scan3A_38 = %scan3A) -> (i32)  : i32 {
      %broadcast_in_dim3A = arith.constant 0.000000e+00 : f32
      %broadcast_in_dim3A_39 = vector.broadcast %broadcast_in_dim3A : f32 to vector<16xf32>
      %swap3A = arith.index_cast %scan3A_37 : i32 to index
      %swap3A_40 = arith.constant 0 : index
      %swap3A_41 = tpu.vector_load %arg6[%swap3A, %swap3A_40] {strides = array<i32>} : memref<80x128xf32, #tpu.memory_space<vmem>>, vector<1x16xf32>,
      %swap3A_42 = vector.shape_cast %swap3A_41 : vector<1x16xf32> to vector<16xf32>
      %swap3A_43 = vector.shape_cast %broadcast_in_dim3A_39 : vector<16xf32> to vector<1x16xf32>
      tpu.vector_store %arg6[%swap3A, %swap3A_40], %swap3A_43 {strides = array<i32>} : memref<80x128xf32, #tpu.memory_space<vmem>>, vector<1x16xf32>,
      %broadcast_in_dim3A_44 = arith.constant 0.000000e+00 : f32
      %broadcast_in_dim3A_45 = vector.broadcast %broadcast_in_dim3A_44 : f32 to vector<16xf32>
      %swap3A_46 = arith.index_cast %scan3A_37 : i32 to index
      %swap3A_47 = arith.constant 16 : index
      %swap3A_48 = tpu.vector_load %arg6[%swap3A_46, %swap3A_47] {strides = array<i32>} : memref<80x128xf32, #tpu.memory_space<vmem>>, vector<1x16xf32>,
      %swap3A_49 = vector.shape_cast %swap3A_48 : vector<1x16xf32> to vector<16xf32>
      %swap3A_50 = vector.shape_cast %broadcast_in_dim3A_45 : vector<16xf32> to vector<1x16xf32>
      tpu.vector_store %arg6[%swap3A_46, %swap3A_47], %swap3A_50 {strides = array<i32>} : memref<80x128xf32, #tpu.memory_space<vmem>>, vector<1x16xf32>,
      %broadcast_in_dim3A_51 = arith.constant 0.000000e+00 : f32
      %broadcast_in_dim3A_52 = vector.broadcast %broadcast_in_dim3A_51 : f32 to vector<16xf32>
      %swap3A_53 = arith.index_cast %scan3A_37 : i32 to index
      %swap3A_54 = arith.constant 32 : index
      %swap3A_55 = tpu.vector_load %arg6[%swap3A_53, %swap3A_54] {strides = array<i32>} : memref<80x128xf32, #tpu.memory_space<vmem>>, vector<1x16xf32>,
      %swap3A_56 = vector.shape_cast %swap3A_55 : vector<1x16xf32> to vector<16xf32>
      %swap3A_57 = vector.shape_cast %broadcast_in_dim3A_52 : vector<16xf32> to vector<1x16xf32>
      tpu.vector_store %arg6[%swap3A_53, %swap3A_54], %swap3A_57 {strides = array<i32>} : memref<80x128xf32, #tpu.memory_space<vmem>>, vector<1x16xf32>,
      %broadcast_in_dim3A_58 = arith.constant 0.000000e+00 : f32
      %broadcast_in_dim3A_59 = vector.broadcast %broadcast_in_dim3A_58 : f32 to vector<16xf32>
      %swap3A_60 = arith.index_cast %scan3A_37 : i32 to index
      %swap3A_61 = arith.constant 48 : index
      %swap3A_62 = tpu.vector_load %arg6[%swap3A_60, %swap3A_61] {strides = array<i32>} : memref<80x128xf32, #tpu.memory_space<vmem>>, vector<1x16xf32>,
      %swap3A_63 = vector.shape_cast %swap3A_62 : vector<1x16xf32> to vector<16xf32>
      %swap3A_64 = vector.shape_cast %broadcast_in_dim3A_59 : vector<16xf32> to vector<1x16xf32>
      tpu.vector_store %arg6[%swap3A_60, %swap3A_61], %swap3A_64 {strides = array<i32>} : memref<80x128xf32, #tpu.memory_space<vmem>>, vector<1x16xf32>,
      %broadcast_in_dim3A_65 = arith.constant 0.000000e+00 : f32
      %broadcast_in_dim3A_66 = vector.broadcast %broadcast_in_dim3A_65 : f32 to vector<16xf32>
      %swap3A_67 = arith.index_cast %scan3A_37 : i32 to index
      %swap3A_68 = arith.constant 64 : index
      %swap3A_69 = tpu.vector_load %arg6[%swap3A_67, %swap3A_68] {strides = array<i32>} : memref<80x128xf32, #tpu.memory_space<vmem>>, vector<1x16xf32>,
      %swap3A_70 = vector.shape_cast %swap3A_69 : vector<1x16xf32> to vector<16xf32>
      %swap3A_71 = vector.shape_cast %broadcast_in_dim3A_66 : vector<16xf32> to vector<1x16xf32>
      tpu.vector_store %arg6[%swap3A_67, %swap3A_68], %swap3A_71 {strides = array<i32>} : memref<80x128xf32, #tpu.memory_space<vmem>>, vector<1x16xf32>,
      %broadcast_in_dim3A_72 = arith.constant 0.000000e+00 : f32
      %broadcast_in_dim3A_73 = vector.broadcast %broadcast_in_dim3A_72 : f32 to vector<16xf32>
      %swap3A_74 = arith.index_cast %scan3A_37 : i32 to index
      %swap3A_75 = arith.constant 80 : index
      %swap3A_76 = tpu.vector_load %arg6[%swap3A_74, %swap3A_75] {strides = array<i32>} : memref<80x128xf32, #tpu.memory_space<vmem>>, vector<1x16xf32>,
      %swap3A_77 = vector.shape_cast %swap3A_76 : vector<1x16xf32> to vector<16xf32>
      %swap3A_78 = vector.shape_cast %broadcast_in_dim3A_73 : vector<16xf32> to vector<1x16xf32>
      tpu.vector_store %arg6[%swap3A_74, %swap3A_75], %swap3A_78 {strides = array<i32>} : memref<80x128xf32, #tpu.memory_space<vmem>>, vector<1x16xf32>,
      %broadcast_in_dim3A_79 = arith.constant 0.000000e+00 : f32
      %broadcast_in_dim3A_80 = vector.broadcast %broadcast_in_dim3A_79 : f32 to vector<16xf32>
      %swap3A_81 = arith.index_cast %scan3A_37 : i32 to index
      %swap3A_82 = arith.constant 96 : index
      %swap3A_83 = tpu.vector_load %arg6[%swap3A_81, %swap3A_82] {strides = array<i32>} : memref<80x128xf32, #tpu.memory_space<vmem>>, vector<1x16xf32>,
      %swap3A_84 = vector.shape_cast %swap3A_83 : vector<1x16xf32> to vector<16xf32>
      %swap3A_85 = vector.shape_cast %broadcast_in_dim3A_80 : vector<16xf32> to vector<1x16xf32>
      tpu.vector_store %arg6[%swap3A_81, %swap3A_82], %swap3A_85 {strides = array<i32>} : memref<80x128xf32, #tpu.memory_space<vmem>>, vector<1x16xf32>,
      %broadcast_in_dim3A_86 = arith.constant 0.000000e+00 : f32
      %broadcast_in_dim3A_87 = vector.broadcast %broadcast_in_dim3A_86 : f32 to vector<16xf32>
      %swap3A_88 = arith.index_cast %scan3A_37 : i32 to index
      %swap3A_89 = arith.constant 112 : index
      %swap3A_90 = tpu.vector_load %arg6[%swap3A_88, %swap3A_89] {strides = array<i32>} : memref<80x128xf32, #tpu.memory_space<vmem>>, vector<1x16xf32>,
      %swap3A_91 = vector.shape_cast %swap3A_90 : vector<1x16xf32> to vector<16xf32>
      %swap3A_92 = vector.shape_cast %broadcast_in_dim3A_87 : vector<16xf32> to vector<1x16xf32>
      tpu.vector_store %arg6[%swap3A_88, %swap3A_89], %swap3A_92 {strides = array<i32>} : memref<80x128xf32, #tpu.memory_space<vmem>>, vector<1x16xf32>,
      %scan3A_93 = arith.constant 0 : i32
      scf.yield %scan3A_93 : i32
    }
    %scan3A_6 = arith.constant 80 : i32
    %add3A = arith.constant 0 : i32
    %add3A_7 = arith.addi %mul3A_0, %add3A : i32
    "tpu.region"() ({
      %run_scoped3A = tpu.sem_alloc : memref<!tpu.dma_semaphore, #tpu.memory_space<semaphore_mem>>
      %dma_start3A = arith.constant 0 : i32
      %dma_start3A_37 = tpu.memref_slice %arg4[%add3A_7, %dma_start3A] : memref<10240x128xf32, #tpu.memory_space<vmem_shared>> -> memref<80x128xf32, #tpu.memory_space<vmem_shared>>
      %dma_start3A_38 = arith.constant 0 : i32
      %dma_start3A_39 = tpu.memref_slice %arg4[%add3A_7, %dma_start3A_38] : memref<10240x128xf32, #tpu.memory_space<vmem_shared>> -> memref<80x128xf32, #tpu.memory_space<vmem_shared>>
      tpu.enqueue_dma source(%arg6 : memref<80x128xf32, #tpu.memory_space<vmem>>) target(%dma_start3A_39 : memref<80x128xf32, #tpu.memory_space<vmem_shared>>) target_semaphore(%run_scoped3A : memref<!tpu.dma_semaphore, #tpu.memory_space<semaphore_mem>>)
      %dma_wait3A = arith.constant 0 : i32
      %dma_wait3A_40 = tpu.memref_slice %arg4[%add3A_7, %dma_wait3A] : memref<10240x128xf32, #tpu.memory_space<vmem_shared>> -> memref<80x128xf32, #tpu.memory_space<vmem_shared>>
      %dma_wait3A_41 = arith.constant 0 : i32
      %dma_wait3A_42 = tpu.memref_slice %arg4[%add3A_7, %dma_wait3A_41] : memref<10240x128xf32, #tpu.memory_space<vmem_shared>> -> memref<80x128xf32, #tpu.memory_space<vmem_shared>>
      tpu.wait_dma2 semaphore(%run_scoped3A : memref<!tpu.dma_semaphore, #tpu.memory_space<semaphore_mem>>) src(%arg6 : memref<80x128xf32, #tpu.memory_space<vmem>>) dst(%dma_wait3A_42 : memref<80x128xf32, #tpu.memory_space<vmem_shared>>)
      tpu.yield
    }) : () -> ()
    %add3A_8 = arith.constant 80 : i32
    %add3A_9 = arith.addi %mul3A_0, %add3A_8 : i32
    "tpu.region"() ({
      %run_scoped3A = tpu.sem_alloc : memref<!tpu.dma_semaphore, #tpu.memory_space<semaphore_mem>>
      %dma_start3A = arith.constant 0 : i32
      %dma_start3A_37 = tpu.memref_slice %arg4[%add3A_9, %dma_start3A] : memref<10240x128xf32, #tpu.memory_space<vmem_shared>> -> memref<80x128xf32, #tpu.memory_space<vmem_shared>>
      %dma_start3A_38 = arith.constant 0 : i32
      %dma_start3A_39 = tpu.memref_slice %arg4[%add3A_9, %dma_start3A_38] : memref<10240x128xf32, #tpu.memory_space<vmem_shared>> -> memref<80x128xf32, #tpu.memory_space<vmem_shared>>
      tpu.enqueue_dma source(%arg6 : memref<80x128xf32, #tpu.memory_space<vmem>>) target(%dma_start3A_39 : memref<80x128xf32, #tpu.memory_space<vmem_shared>>) target_semaphore(%run_scoped3A : memref<!tpu.dma_semaphore, #tpu.memory_space<semaphore_mem>>)
      %dma_wait3A = arith.constant 0 : i32
      %dma_wait3A_40 = tpu.memref_slice %arg4[%add3A_9, %dma_wait3A] : memref<10240x128xf32, #tpu.memory_space<vmem_shared>> -> memref<80x128xf32, #tpu.memory_space<vmem_shared>>
      %dma_wait3A_41 = arith.constant 0 : i32
      %dma_wait3A_42 = tpu.memref_slice %arg4[%add3A_9, %dma_wait3A_41] : memref<10240x128xf32, #tpu.memory_space<vmem_shared>> -> memref<80x128xf32, #tpu.memory_space<vmem_shared>>
      tpu.wait_dma2 semaphore(%run_scoped3A : memref<!tpu.dma_semaphore, #tpu.memory_space<semaphore_mem>>) src(%arg6 : memref<80x128xf32, #tpu.memory_space<vmem>>) dst(%dma_wait3A_42 : memref<80x128xf32, #tpu.memory_space<vmem_shared>>)
      tpu.yield
    }) : () -> ()
    %add3A_10 = arith.constant 160 : i32
    %add3A_11 = arith.addi %mul3A_0, %add3A_10 : i32
    "tpu.region"() ({
      %run_scoped3A = tpu.sem_alloc : memref<!tpu.dma_semaphore, #tpu.memory_space<semaphore_mem>>
      %dma_start3A = arith.constant 0 : i32
      %dma_start3A_37 = tpu.memref_slice %arg4[%add3A_11, %dma_start3A] : memref<10240x128xf32, #tpu.memory_space<vmem_shared>> -> memref<80x128xf32, #tpu.memory_space<vmem_shared>>
      %dma_start3A_38 = arith.constant 0 : i32
      %dma_start3A_39 = tpu.memref_slice %arg4[%add3A_11, %dma_start3A_38] : memref<10240x128xf32, #tpu.memory_space<vmem_shared>> -> memref<80x128xf32, #tpu.memory_space<vmem_shared>>
      tpu.enqueue_dma source(%arg6 : memref<80x128xf32, #tpu.memory_space<vmem>>) target(%dma_start3A_39 : memref<80x128xf32, #tpu.memory_space<vmem_shared>>) target_semaphore(%run_scoped3A : memref<!tpu.dma_semaphore, #tpu.memory_space<semaphore_mem>>)
      %dma_wait3A = arith.constant 0 : i32
      %dma_wait3A_40 = tpu.memref_slice %arg4[%add3A_11, %dma_wait3A] : memref<10240x128xf32, #tpu.memory_space<vmem_shared>> -> memref<80x128xf32, #tpu.memory_space<vmem_shared>>
      %dma_wait3A_41 = arith.constant 0 : i32
      %dma_wait3A_42 = tpu.memref_slice %arg4[%add3A_11, %dma_wait3A_41] : memref<10240x128xf32, #tpu.memory_space<vmem_shared>> -> memref<80x128xf32, #tpu.memory_space<vmem_shared>>
      tpu.wait_dma2 semaphore(%run_scoped3A : memref<!tpu.dma_semaphore, #tpu.memory_space<semaphore_mem>>) src(%arg6 : memref<80x128xf32, #tpu.memory_space<vmem>>) dst(%dma_wait3A_42 : memref<80x128xf32, #tpu.memory_space<vmem_shared>>)
      tpu.yield
    }) : () -> ()
    %add3A_12 = arith.constant 240 : i32
    %add3A_13 = arith.addi %mul3A_0, %add3A_12 : i32
    "tpu.region"() ({
      %run_scoped3A = tpu.sem_alloc : memref<!tpu.dma_semaphore, #tpu.memory_space<semaphore_mem>>
      %dma_start3A = arith.constant 0 : i32
      %dma_start3A_37 = tpu.memref_slice %arg4[%add3A_13, %dma_start3A] : memref<10240x128xf32, #tpu.memory_space<vmem_shared>> -> memref<80x128xf32, #tpu.memory_space<vmem_shared>>
      %dma_start3A_38 = arith.constant 0 : i32
      %dma_start3A_39 = tpu.memref_slice %arg4[%add3A_13, %dma_start3A_38] : memref<10240x128xf32, #tpu.memory_space<vmem_shared>> -> memref<80x128xf32, #tpu.memory_space<vmem_shared>>
      tpu.enqueue_dma source(%arg6 : memref<80x128xf32, #tpu.memory_space<vmem>>) target(%dma_start3A_39 : memref<80x128xf32, #tpu.memory_space<vmem_shared>>) target_semaphore(%run_scoped3A : memref<!tpu.dma_semaphore, #tpu.memory_space<semaphore_mem>>)
      %dma_wait3A = arith.constant 0 : i32
      %dma_wait3A_40 = tpu.memref_slice %arg4[%add3A_13, %dma_wait3A] : memref<10240x128xf32, #tpu.memory_space<vmem_shared>> -> memref<80x128xf32, #tpu.memory_space<vmem_shared>>
      %dma_wait3A_41 = arith.constant 0 : i32
      %dma_wait3A_42 = tpu.memref_slice %arg4[%add3A_13, %dma_wait3A_41] : memref<10240x128xf32, #tpu.memory_space<vmem_shared>> -> memref<80x128xf32, #tpu.memory_space<vmem_shared>>
      tpu.wait_dma2 semaphore(%run_scoped3A : memref<!tpu.dma_semaphore, #tpu.memory_space<semaphore_mem>>) src(%arg6 : memref<80x128xf32, #tpu.memory_space<vmem>>) dst(%dma_wait3A_42 : memref<80x128xf32, #tpu.memory_space<vmem_shared>>)
      tpu.yield
    }) : () -> ()
    %add3A_14 = arith.constant 320 : i32
    %add3A_15 = arith.addi %mul3A_0, %add3A_14 : i32
    "tpu.region"() ({
      %run_scoped3A = tpu.sem_alloc : memref<!tpu.dma_semaphore, #tpu.memory_space<semaphore_mem>>
      %dma_start3A = arith.constant 0 : i32
      %dma_start3A_37 = tpu.memref_slice %arg4[%add3A_15, %dma_start3A] : memref<10240x128xf32, #tpu.memory_space<vmem_shared>> -> memref<80x128xf32, #tpu.memory_space<vmem_shared>>
      %dma_start3A_38 = arith.constant 0 : i32
      %dma_start3A_39 = tpu.memref_slice %arg4[%add3A_15, %dma_start3A_38] : memref<10240x128xf32, #tpu.memory_space<vmem_shared>> -> memref<80x128xf32, #tpu.memory_space<vmem_shared>>
      tpu.enqueue_dma source(%arg6 : memref<80x128xf32, #tpu.memory_space<vmem>>) target(%dma_start3A_39 : memref<80x128xf32, #tpu.memory_space<vmem_shared>>) target_semaphore(%run_scoped3A : memref<!tpu.dma_semaphore, #tpu.memory_space<semaphore_mem>>)
      %dma_wait3A = arith.constant 0 : i32
      %dma_wait3A_40 = tpu.memref_slice %arg4[%add3A_15, %dma_wait3A] : memref<10240x128xf32, #tpu.memory_space<vmem_shared>> -> memref<80x128xf32, #tpu.memory_space<vmem_shared>>
      %dma_wait3A_41 = arith.constant 0 : i32
      %dma_wait3A_42 = tpu.memref_slice %arg4[%add3A_15, %dma_wait3A_41] : memref<10240x128xf32, #tpu.memory_space<vmem_shared>> -> memref<80x128xf32, #tpu.memory_space<vmem_shared>>
      tpu.wait_dma2 semaphore(%run_scoped3A : memref<!tpu.dma_semaphore, #tpu.memory_space<semaphore_mem>>) src(%arg6 : memref<80x128xf32, #tpu.memory_space<vmem>>) dst(%dma_wait3A_42 : memref<80x128xf32, #tpu.memory_space<vmem_shared>>)
      tpu.yield
    }) : () -> ()
    %add3A_16 = arith.constant 400 : i32
    %add3A_17 = arith.addi %mul3A_0, %add3A_16 : i32
    "tpu.region"() ({
      %run_scoped3A = tpu.sem_alloc : memref<!tpu.dma_semaphore, #tpu.memory_space<semaphore_mem>>
      %dma_start3A = arith.constant 0 : i32
      %dma_start3A_37 = tpu.memref_slice %arg4[%add3A_17, %dma_start3A] : memref<10240x128xf32, #tpu.memory_space<vmem_shared>> -> memref<80x128xf32, #tpu.memory_space<vmem_shared>>
      %dma_start3A_38 = arith.constant 0 : i32
      %dma_start3A_39 = tpu.memref_slice %arg4[%add3A_17, %dma_start3A_38] : memref<10240x128xf32, #tpu.memory_space<vmem_shared>> -> memref<80x128xf32, #tpu.memory_space<vmem_shared>>
      tpu.enqueue_dma source(%arg6 : memref<80x128xf32, #tpu.memory_space<vmem>>) target(%dma_start3A_39 : memref<80x128xf32, #tpu.memory_space<vmem_shared>>) target_semaphore(%run_scoped3A : memref<!tpu.dma_semaphore, #tpu.memory_space<semaphore_mem>>)
      %dma_wait3A = arith.constant 0 : i32
      %dma_wait3A_40 = tpu.memref_slice %arg4[%add3A_17, %dma_wait3A] : memref<10240x128xf32, #tpu.memory_space<vmem_shared>> -> memref<80x128xf32, #tpu.memory_space<vmem_shared>>
      %dma_wait3A_41 = arith.constant 0 : i32
      %dma_wait3A_42 = tpu.memref_slice %arg4[%add3A_17, %dma_wait3A_41] : memref<10240x128xf32, #tpu.memory_space<vmem_shared>> -> memref<80x128xf32, #tpu.memory_space<vmem_shared>>
      tpu.wait_dma2 semaphore(%run_scoped3A : memref<!tpu.dma_semaphore, #tpu.memory_space<semaphore_mem>>) src(%arg6 : memref<80x128xf32, #tpu.memory_space<vmem>>) dst(%dma_wait3A_42 : memref<80x128xf32, #tpu.memory_space<vmem_shared>>)
      tpu.yield
    }) : () -> ()
    %add3A_18 = arith.constant 480 : i32
    %add3A_19 = arith.addi %mul3A_0, %add3A_18 : i32
    "tpu.region"() ({
      %run_scoped3A = tpu.sem_alloc : memref<!tpu.dma_semaphore, #tpu.memory_space<semaphore_mem>>
      %dma_start3A = arith.constant 0 : i32
      %dma_start3A_37 = tpu.memref_slice %arg4[%add3A_19, %dma_start3A] : memref<10240x128xf32, #tpu.memory_space<vmem_shared>> -> memref<80x128xf32, #tpu.memory_space<vmem_shared>>
      %dma_start3A_38 = arith.constant 0 : i32
      %dma_start3A_39 = tpu.memref_slice %arg4[%add3A_19, %dma_start3A_38] : memref<10240x128xf32, #tpu.memory_space<vmem_shared>> -> memref<80x128xf32, #tpu.memory_space<vmem_shared>>
      tpu.enqueue_dma source(%arg6 : memref<80x128xf32, #tpu.memory_space<vmem>>) target(%dma_start3A_39 : memref<80x128xf32, #tpu.memory_space<vmem_shared>>) target_semaphore(%run_scoped3A : memref<!tpu.dma_semaphore, #tpu.memory_space<semaphore_mem>>)
      %dma_wait3A = arith.constant 0 : i32
      %dma_wait3A_40 = tpu.memref_slice %arg4[%add3A_19, %dma_wait3A] : memref<10240x128xf32, #tpu.memory_space<vmem_shared>> -> memref<80x128xf32, #tpu.memory_space<vmem_shared>>
      %dma_wait3A_41 = arith.constant 0 : i32
      %dma_wait3A_42 = tpu.memref_slice %arg4[%add3A_19, %dma_wait3A_41] : memref<10240x128xf32, #tpu.memory_space<vmem_shared>> -> memref<80x128xf32, #tpu.memory_space<vmem_shared>>
      tpu.wait_dma2 semaphore(%run_scoped3A : memref<!tpu.dma_semaphore, #tpu.memory_space<semaphore_mem>>) src(%arg6 : memref<80x128xf32, #tpu.memory_space<vmem>>) dst(%dma_wait3A_42 : memref<80x128xf32, #tpu.memory_space<vmem_shared>>)
      tpu.yield
    }) : () -> ()
    %add3A_20 = arith.constant 560 : i32
    %add3A_21 = arith.addi %mul3A_0, %add3A_20 : i32
    "tpu.region"() ({
      %run_scoped3A = tpu.sem_alloc : memref<!tpu.dma_semaphore, #tpu.memory_space<semaphore_mem>>
      %dma_start3A = arith.constant 0 : i32
      %dma_start3A_37 = tpu.memref_slice %arg4[%add3A_21, %dma_start3A] : memref<10240x128xf32, #tpu.memory_space<vmem_shared>> -> memref<80x128xf32, #tpu.memory_space<vmem_shared>>
      %dma_start3A_38 = arith.constant 0 : i32
      %dma_start3A_39 = tpu.memref_slice %arg4[%add3A_21, %dma_start3A_38] : memref<10240x128xf32, #tpu.memory_space<vmem_shared>> -> memref<80x128xf32, #tpu.memory_space<vmem_shared>>
      tpu.enqueue_dma source(%arg6 : memref<80x128xf32, #tpu.memory_space<vmem>>) target(%dma_start3A_39 : memref<80x128xf32, #tpu.memory_space<vmem_shared>>) target_semaphore(%run_scoped3A : memref<!tpu.dma_semaphore, #tpu.memory_space<semaphore_mem>>)
      %dma_wait3A = arith.constant 0 : i32
      %dma_wait3A_40 = tpu.memref_slice %arg4[%add3A_21, %dma_wait3A] : memref<10240x128xf32, #tpu.memory_space<vmem_shared>> -> memref<80x128xf32, #tpu.memory_space<vmem_shared>>
      %dma_wait3A_41 = arith.constant 0 : i32
      %dma_wait3A_42 = tpu.memref_slice %arg4[%add3A_21, %dma_wait3A_41] : memref<10240x128xf32, #tpu.memory_space<vmem_shared>> -> memref<80x128xf32, #tpu.memory_space<vmem_shared>>
      tpu.wait_dma2 semaphore(%run_scoped3A : memref<!tpu.dma_semaphore, #tpu.memory_space<semaphore_mem>>) src(%arg6 : memref<80x128xf32, #tpu.memory_space<vmem>>) dst(%dma_wait3A_42 : memref<80x128xf32, #tpu.memory_space<vmem_shared>>)
      tpu.yield
    }) : () -> ()
    %scan3A_22 = arith.constant 0 : i32
    %scan3A_23 = arith.constant 0 : i32
    %scan3A_24 = arith.constant 80 : i32
    %scan3A_25 = arith.addi %scan3A_23, %scan3A_24 : i32
    %scan3A_26 = arith.constant 1 : i32
    %scan3A_27 = scf.for %scan3A_37 = %scan3A_23 to %scan3A_25 step %scan3A_26 iter_args(%scan3A_38 = %scan3A_22) -> (i32)  : i32 {
      %broadcast_in_dim3A = arith.constant 1.000000e+00 : f32
      %broadcast_in_dim3A_39 = vector.broadcast %broadcast_in_dim3A : f32 to vector<16xf32>
      %swap3A = arith.index_cast %scan3A_37 : i32 to index
      %swap3A_40 = arith.constant 0 : index
      %swap3A_41 = tpu.vector_load %arg6[%swap3A, %swap3A_40] {strides = array<i32>} : memref<80x128xf32, #tpu.memory_space<vmem>>, vector<1x16xf32>,
      %swap3A_42 = vector.shape_cast %swap3A_41 : vector<1x16xf32> to vector<16xf32>
      %swap3A_43 = vector.shape_cast %broadcast_in_dim3A_39 : vector<16xf32> to vector<1x16xf32>
      tpu.vector_store %arg6[%swap3A, %swap3A_40], %swap3A_43 {strides = array<i32>} : memref<80x128xf32, #tpu.memory_space<vmem>>, vector<1x16xf32>,
      %broadcast_in_dim3A_44 = arith.constant 1.000000e+00 : f32
      %broadcast_in_dim3A_45 = vector.broadcast %broadcast_in_dim3A_44 : f32 to vector<16xf32>
      %swap3A_46 = arith.index_cast %scan3A_37 : i32 to index
      %swap3A_47 = arith.constant 16 : index
      %swap3A_48 = tpu.vector_load %arg6[%swap3A_46, %swap3A_47] {strides = array<i32>} : memref<80x128xf32, #tpu.memory_space<vmem>>, vector<1x16xf32>,
      %swap3A_49 = vector.shape_cast %swap3A_48 : vector<1x16xf32> to vector<16xf32>
      %swap3A_50 = vector.shape_cast %broadcast_in_dim3A_45 : vector<16xf32> to vector<1x16xf32>
      tpu.vector_store %arg6[%swap3A_46, %swap3A_47], %swap3A_50 {strides = array<i32>} : memref<80x128xf32, #tpu.memory_space<vmem>>, vector<1x16xf32>,
      %broadcast_in_dim3A_51 = arith.constant 1.000000e+00 : f32
      %broadcast_in_dim3A_52 = vector.broadcast %broadcast_in_dim3A_51 : f32 to vector<16xf32>
      %swap3A_53 = arith.index_cast %scan3A_37 : i32 to index
      %swap3A_54 = arith.constant 32 : index
      %swap3A_55 = tpu.vector_load %arg6[%swap3A_53, %swap3A_54] {strides = array<i32>} : memref<80x128xf32, #tpu.memory_space<vmem>>, vector<1x16xf32>,
      %swap3A_56 = vector.shape_cast %swap3A_55 : vector<1x16xf32> to vector<16xf32>
      %swap3A_57 = vector.shape_cast %broadcast_in_dim3A_52 : vector<16xf32> to vector<1x16xf32>
      tpu.vector_store %arg6[%swap3A_53, %swap3A_54], %swap3A_57 {strides = array<i32>} : memref<80x128xf32, #tpu.memory_space<vmem>>, vector<1x16xf32>,
      %broadcast_in_dim3A_58 = arith.constant 1.000000e+00 : f32
      %broadcast_in_dim3A_59 = vector.broadcast %broadcast_in_dim3A_58 : f32 to vector<16xf32>
      %swap3A_60 = arith.index_cast %scan3A_37 : i32 to index
      %swap3A_61 = arith.constant 48 : index
      %swap3A_62 = tpu.vector_load %arg6[%swap3A_60, %swap3A_61] {strides = array<i32>} : memref<80x128xf32, #tpu.memory_space<vmem>>, vector<1x16xf32>,
      %swap3A_63 = vector.shape_cast %swap3A_62 : vector<1x16xf32> to vector<16xf32>
      %swap3A_64 = vector.shape_cast %broadcast_in_dim3A_59 : vector<16xf32> to vector<1x16xf32>
      tpu.vector_store %arg6[%swap3A_60, %swap3A_61], %swap3A_64 {strides = array<i32>} : memref<80x128xf32, #tpu.memory_space<vmem>>, vector<1x16xf32>,
      %broadcast_in_dim3A_65 = arith.constant 1.000000e+00 : f32
      %broadcast_in_dim3A_66 = vector.broadcast %broadcast_in_dim3A_65 : f32 to vector<16xf32>
      %swap3A_67 = arith.index_cast %scan3A_37 : i32 to index
      %swap3A_68 = arith.constant 64 : index
      %swap3A_69 = tpu.vector_load %arg6[%swap3A_67, %swap3A_68] {strides = array<i32>} : memref<80x128xf32, #tpu.memory_space<vmem>>, vector<1x16xf32>,
      %swap3A_70 = vector.shape_cast %swap3A_69 : vector<1x16xf32> to vector<16xf32>
      %swap3A_71 = vector.shape_cast %broadcast_in_dim3A_66 : vector<16xf32> to vector<1x16xf32>
      tpu.vector_store %arg6[%swap3A_67, %swap3A_68], %swap3A_71 {strides = array<i32>} : memref<80x128xf32, #tpu.memory_space<vmem>>, vector<1x16xf32>,
      %broadcast_in_dim3A_72 = arith.constant 1.000000e+00 : f32
      %broadcast_in_dim3A_73 = vector.broadcast %broadcast_in_dim3A_72 : f32 to vector<16xf32>
      %swap3A_74 = arith.index_cast %scan3A_37 : i32 to index
      %swap3A_75 = arith.constant 80 : index
      %swap3A_76 = tpu.vector_load %arg6[%swap3A_74, %swap3A_75] {strides = array<i32>} : memref<80x128xf32, #tpu.memory_space<vmem>>, vector<1x16xf32>,
      %swap3A_77 = vector.shape_cast %swap3A_76 : vector<1x16xf32> to vector<16xf32>
      %swap3A_78 = vector.shape_cast %broadcast_in_dim3A_73 : vector<16xf32> to vector<1x16xf32>
      tpu.vector_store %arg6[%swap3A_74, %swap3A_75], %swap3A_78 {strides = array<i32>} : memref<80x128xf32, #tpu.memory_space<vmem>>, vector<1x16xf32>,
      %broadcast_in_dim3A_79 = arith.constant 1.000000e+00 : f32
      %broadcast_in_dim3A_80 = vector.broadcast %broadcast_in_dim3A_79 : f32 to vector<16xf32>
      %swap3A_81 = arith.index_cast %scan3A_37 : i32 to index
      %swap3A_82 = arith.constant 96 : index
      %swap3A_83 = tpu.vector_load %arg6[%swap3A_81, %swap3A_82] {strides = array<i32>} : memref<80x128xf32, #tpu.memory_space<vmem>>, vector<1x16xf32>,
      %swap3A_84 = vector.shape_cast %swap3A_83 : vector<1x16xf32> to vector<16xf32>
      %swap3A_85 = vector.shape_cast %broadcast_in_dim3A_80 : vector<16xf32> to vector<1x16xf32>
      tpu.vector_store %arg6[%swap3A_81, %swap3A_82], %swap3A_85 {strides = array<i32>} : memref<80x128xf32, #tpu.memory_space<vmem>>, vector<1x16xf32>,
      %broadcast_in_dim3A_86 = arith.constant 1.000000e+00 : f32
      %broadcast_in_dim3A_87 = vector.broadcast %broadcast_in_dim3A_86 : f32 to vector<16xf32>
      %swap3A_88 = arith.index_cast %scan3A_37 : i32 to index
      %swap3A_89 = arith.constant 112 : index
      %swap3A_90 = tpu.vector_load %arg6[%swap3A_88, %swap3A_89] {strides = array<i32>} : memref<80x128xf32, #tpu.memory_space<vmem>>, vector<1x16xf32>,
      %swap3A_91 = vector.shape_cast %swap3A_90 : vector<1x16xf32> to vector<16xf32>
      %swap3A_92 = vector.shape_cast %broadcast_in_dim3A_87 : vector<16xf32> to vector<1x16xf32>
      tpu.vector_store %arg6[%swap3A_88, %swap3A_89], %swap3A_92 {strides = array<i32>} : memref<80x128xf32, #tpu.memory_space<vmem>>, vector<1x16xf32>,
      %scan3A_93 = arith.constant 0 : i32
      scf.yield %scan3A_93 : i32
    }
    %scan3A_28 = arith.constant 80 : i32
    %barrier3A = arith.constant 0 : index
    tpu.barrier barrier_id(%barrier3A)
    %scan3A_29 = arith.constant 0 : i32
    %scan3A_30 = arith.constant 0 : i32
    %scan3A_31 = arith.constant 8 : i32
    %scan3A_32 = arith.addi %scan3A_30, %scan3A_31 : i32
    %scan3A_33 = arith.constant 1 : i32
    %scan3A_34 = scf.for %scan3A_37 = %scan3A_30 to %scan3A_32 step %scan3A_33 iter_args(%scan3A_38 = %scan3A_29) -> (i32)  : i32 {
      %mul3A_39 = arith.constant 8 : i32
      %mul3A_40 = arith.muli %arg0, %mul3A_39 : i32
      %add3A_41 = arith.addi %mul3A_40, %scan3A_37 : i32
      %mul3A_42 = arith.constant 8 : i32
      %mul3A_43 = arith.muli %add3A_41, %mul3A_42 : i32
      "tpu.region"() ({
        %run_scoped3A = tpu.sem_alloc : memref<!tpu.dma_semaphore, #tpu.memory_space<semaphore_mem>>
        %dma_start3A_155 = arith.constant 0 : i32
        %dma_start3A_156 = tpu.memref_slice %arg2[%arg1, %mul3A_43, %dma_start3A_155] : memref<16x128x80xi32, #tpu.memory_space<hbm>> -> memref<1x8x80xi32, #tpu.memory_space<hbm>>
        %dma_start3A_157 = tpu.memref_squeeze %dma_start3A_156 : memref<1x8x80xi32, #tpu.memory_space<hbm>> -> memref<8x80xi32, #tpu.memory_space<hbm>>
        %dma_start3A_158 = arith.constant 0 : i32
        %dma_start3A_159 = tpu.memref_slice %arg2[%arg1, %mul3A_43, %dma_start3A_158] : memref<16x128x80xi32, #tpu.memory_space<hbm>> -> memref<1x8x80xi32, #tpu.memory_space<hbm>>
        %dma_start3A_160 = tpu.memref_squeeze %dma_start3A_159 : memref<1x8x80xi32, #tpu.memory_space<hbm>> -> memref<8x80xi32, #tpu.memory_space<hbm>>
        tpu.enqueue_dma source(%dma_start3A_160 : memref<8x80xi32, #tpu.memory_space<hbm>>) target(%arg5 : memref<8x80xi32, #tpu.memory_space<vmem>>) target_semaphore(%run_scoped3A : memref<!tpu.dma_semaphore, #tpu.memory_space<semaphore_mem>>)
        %dma_wait3A_161 = arith.constant 0 : i32
        %dma_wait3A_162 = tpu.memref_slice %arg2[%arg1, %mul3A_43, %dma_wait3A_161] : memref<16x128x80xi32, #tpu.memory_space<hbm>> -> memref<1x8x80xi32, #tpu.memory_space<hbm>>
        %dma_wait3A_163 = tpu.memref_squeeze %dma_wait3A_162 : memref<1x8x80xi32, #tpu.memory_space<hbm>> -> memref<8x80xi32, #tpu.memory_space<hbm>>
        %dma_wait3A_164 = arith.constant 0 : i32
        %dma_wait3A_165 = tpu.memref_slice %arg2[%arg1, %mul3A_43, %dma_wait3A_164] : memref<16x128x80xi32, #tpu.memory_space<hbm>> -> memref<1x8x80xi32, #tpu.memory_space<hbm>>
        %dma_wait3A_166 = tpu.memref_squeeze %dma_wait3A_165 : memref<1x8x80xi32, #tpu.memory_space<hbm>> -> memref<8x80xi32, #tpu.memory_space<hbm>>
        tpu.wait_dma2 semaphore(%run_scoped3A : memref<!tpu.dma_semaphore, #tpu.memory_space<semaphore_mem>>) src(%dma_wait3A_166 : memref<8x80xi32, #tpu.memory_space<hbm>>) dst(%arg5 : memref<8x80xi32, #tpu.memory_space<vmem>>)
        tpu.yield
      }) : () -> ()
      %dma_start3A = arith.constant 0 : i32
      %dma_start3A_44 = arith.constant 0 : i32
      %dma_start3A_45 = tpu.memref_slice %arg5[%dma_start3A, %dma_start3A_44] : memref<8x80xi32, #tpu.memory_space<vmem>> -> memref<1x80xi32, #tpu.memory_space<vmem>>
      %dma_start3A_46 = tpu.memref_squeeze %dma_start3A_45 : memref<1x80xi32, #tpu.memory_space<vmem>> -> memref<80xi32, #tpu.memory_space<vmem>>
      %dma_start3A_47 = arith.constant 0 : i32
      %dma_start3A_48 = arith.constant 0 : i32
      %dma_start3A_49 = tpu.memref_slice %arg4[%dma_start3A_47, %dma_start3A_48] : memref<10240x128xf32, #tpu.memory_space<vmem_shared>> -> memref<10240x128xf32, #tpu.memory_space<vmem_shared>>
      tpu.enqueue_indirect_dma source(%arg6 : memref<80x128xf32, #tpu.memory_space<vmem>>) target(%dma_start3A_49 : memref<10240x128xf32, #tpu.memory_space<vmem_shared>>) offsets(%dma_start3A_46 : memref<80xi32, #tpu.memory_space<vmem>>) semaphore(%arg7 : memref<!tpu.dma_semaphore, #tpu.memory_space<semaphore_mem>>) {add = true}
      %dma_start3A_50 = arith.constant 1 : i32
      %dma_start3A_51 = arith.constant 0 : i32
      %dma_start3A_52 = tpu.memref_slice %arg5[%dma_start3A_50, %dma_start3A_51] : memref<8x80xi32, #tpu.memory_space<vmem>> -> memref<1x80xi32, #tpu.memory_space<vmem>>
      %dma_start3A_53 = tpu.memref_squeeze %dma_start3A_52 : memref<1x80xi32, #tpu.memory_space<vmem>> -> memref<80xi32, #tpu.memory_space<vmem>>
      %dma_start3A_54 = arith.constant 0 : i32
      %dma_start3A_55 = arith.constant 0 : i32
      %dma_start3A_56 = tpu.memref_slice %arg4[%dma_start3A_54, %dma_start3A_55] : memref<10240x128xf32, #tpu.memory_space<vmem_shared>> -> memref<10240x128xf32, #tpu.memory_space<vmem_shared>>
      tpu.enqueue_indirect_dma source(%arg6 : memref<80x128xf32, #tpu.memory_space<vmem>>) target(%dma_start3A_56 : memref<10240x128xf32, #tpu.memory_space<vmem_shared>>) offsets(%dma_start3A_53 : memref<80xi32, #tpu.memory_space<vmem>>) semaphore(%arg7 : memref<!tpu.dma_semaphore, #tpu.memory_space<semaphore_mem>>) {add = true}
      %dma_start3A_57 = arith.constant 2 : i32
      %dma_start3A_58 = arith.constant 0 : i32
      %dma_start3A_59 = tpu.memref_slice %arg5[%dma_start3A_57, %dma_start3A_58] : memref<8x80xi32, #tpu.memory_space<vmem>> -> memref<1x80xi32, #tpu.memory_space<vmem>>
      %dma_start3A_60 = tpu.memref_squeeze %dma_start3A_59 : memref<1x80xi32, #tpu.memory_space<vmem>> -> memref<80xi32, #tpu.memory_space<vmem>>
      %dma_start3A_61 = arith.constant 0 : i32
      %dma_start3A_62 = arith.constant 0 : i32
      %dma_start3A_63 = tpu.memref_slice %arg4[%dma_start3A_61, %dma_start3A_62] : memref<10240x128xf32, #tpu.memory_space<vmem_shared>> -> memref<10240x128xf32, #tpu.memory_space<vmem_shared>>
      tpu.enqueue_indirect_dma source(%arg6 : memref<80x128xf32, #tpu.memory_space<vmem>>) target(%dma_start3A_63 : memref<10240x128xf32, #tpu.memory_space<vmem_shared>>) offsets(%dma_start3A_60 : memref<80xi32, #tpu.memory_space<vmem>>) semaphore(%arg7 : memref<!tpu.dma_semaphore, #tpu.memory_space<semaphore_mem>>) {add = true}
      %dma_start3A_64 = arith.constant 3 : i32
      %dma_start3A_65 = arith.constant 0 : i32
      %dma_start3A_66 = tpu.memref_slice %arg5[%dma_start3A_64, %dma_start3A_65] : memref<8x80xi32, #tpu.memory_space<vmem>> -> memref<1x80xi32, #tpu.memory_space<vmem>>
      %dma_start3A_67 = tpu.memref_squeeze %dma_start3A_66 : memref<1x80xi32, #tpu.memory_space<vmem>> -> memref<80xi32, #tpu.memory_space<vmem>>
      %dma_start3A_68 = arith.constant 0 : i32
      %dma_start3A_69 = arith.constant 0 : i32
      %dma_start3A_70 = tpu.memref_slice %arg4[%dma_start3A_68, %dma_start3A_69] : memref<10240x128xf32, #tpu.memory_space<vmem_shared>> -> memref<10240x128xf32, #tpu.memory_space<vmem_shared>>
      tpu.enqueue_indirect_dma source(%arg6 : memref<80x128xf32, #tpu.memory_space<vmem>>) target(%dma_start3A_70 : memref<10240x128xf32, #tpu.memory_space<vmem_shared>>) offsets(%dma_start3A_67 : memref<80xi32, #tpu.memory_space<vmem>>) semaphore(%arg7 : memref<!tpu.dma_semaphore, #tpu.memory_space<semaphore_mem>>) {add = true}
      %dma_start3A_71 = arith.constant 4 : i32
      %dma_start3A_72 = arith.constant 0 : i32
      %dma_start3A_73 = tpu.memref_slice %arg5[%dma_start3A_71, %dma_start3A_72] : memref<8x80xi32, #tpu.memory_space<vmem>> -> memref<1x80xi32, #tpu.memory_space<vmem>>
      %dma_start3A_74 = tpu.memref_squeeze %dma_start3A_73 : memref<1x80xi32, #tpu.memory_space<vmem>> -> memref<80xi32, #tpu.memory_space<vmem>>
      %dma_start3A_75 = arith.constant 0 : i32
      %dma_start3A_76 = arith.constant 0 : i32
      %dma_start3A_77 = tpu.memref_slice %arg4[%dma_start3A_75, %dma_start3A_76] : memref<10240x128xf32, #tpu.memory_space<vmem_shared>> -> memref<10240x128xf32, #tpu.memory_space<vmem_shared>>
      tpu.enqueue_indirect_dma source(%arg6 : memref<80x128xf32, #tpu.memory_space<vmem>>) target(%dma_start3A_77 : memref<10240x128xf32, #tpu.memory_space<vmem_shared>>) offsets(%dma_start3A_74 : memref<80xi32, #tpu.memory_space<vmem>>) semaphore(%arg7 : memref<!tpu.dma_semaphore, #tpu.memory_space<semaphore_mem>>) {add = true}
      %dma_start3A_78 = arith.constant 5 : i32
      %dma_start3A_79 = arith.constant 0 : i32
      %dma_start3A_80 = tpu.memref_slice %arg5[%dma_start3A_78, %dma_start3A_79] : memref<8x80xi32, #tpu.memory_space<vmem>> -> memref<1x80xi32, #tpu.memory_space<vmem>>
      %dma_start3A_81 = tpu.memref_squeeze %dma_start3A_80 : memref<1x80xi32, #tpu.memory_space<vmem>> -> memref<80xi32, #tpu.memory_space<vmem>>
      %dma_start3A_82 = arith.constant 0 : i32
      %dma_start3A_83 = arith.constant 0 : i32
      %dma_start3A_84 = tpu.memref_slice %arg4[%dma_start3A_82, %dma_start3A_83] : memref<10240x128xf32, #tpu.memory_space<vmem_shared>> -> memref<10240x128xf32, #tpu.memory_space<vmem_shared>>
      tpu.enqueue_indirect_dma source(%arg6 : memref<80x128xf32, #tpu.memory_space<vmem>>) target(%dma_start3A_84 : memref<10240x128xf32, #tpu.memory_space<vmem_shared>>) offsets(%dma_start3A_81 : memref<80xi32, #tpu.memory_space<vmem>>) semaphore(%arg7 : memref<!tpu.dma_semaphore, #tpu.memory_space<semaphore_mem>>) {add = true}
      %dma_start3A_85 = arith.constant 6 : i32
      %dma_start3A_86 = arith.constant 0 : i32
      %dma_start3A_87 = tpu.memref_slice %arg5[%dma_start3A_85, %dma_start3A_86] : memref<8x80xi32, #tpu.memory_space<vmem>> -> memref<1x80xi32, #tpu.memory_space<vmem>>
      %dma_start3A_88 = tpu.memref_squeeze %dma_start3A_87 : memref<1x80xi32, #tpu.memory_space<vmem>> -> memref<80xi32, #tpu.memory_space<vmem>>
      %dma_start3A_89 = arith.constant 0 : i32
      %dma_start3A_90 = arith.constant 0 : i32
      %dma_start3A_91 = tpu.memref_slice %arg4[%dma_start3A_89, %dma_start3A_90] : memref<10240x128xf32, #tpu.memory_space<vmem_shared>> -> memref<10240x128xf32, #tpu.memory_space<vmem_shared>>
      tpu.enqueue_indirect_dma source(%arg6 : memref<80x128xf32, #tpu.memory_space<vmem>>) target(%dma_start3A_91 : memref<10240x128xf32, #tpu.memory_space<vmem_shared>>) offsets(%dma_start3A_88 : memref<80xi32, #tpu.memory_space<vmem>>) semaphore(%arg7 : memref<!tpu.dma_semaphore, #tpu.memory_space<semaphore_mem>>) {add = true}
      %dma_start3A_92 = arith.constant 7 : i32
      %dma_start3A_93 = arith.constant 0 : i32
      %dma_start3A_94 = tpu.memref_slice %arg5[%dma_start3A_92, %dma_start3A_93] : memref<8x80xi32, #tpu.memory_space<vmem>> -> memref<1x80xi32, #tpu.memory_space<vmem>>
      %dma_start3A_95 = tpu.memref_squeeze %dma_start3A_94 : memref<1x80xi32, #tpu.memory_space<vmem>> -> memref<80xi32, #tpu.memory_space<vmem>>
      %dma_start3A_96 = arith.constant 0 : i32
      %dma_start3A_97 = arith.constant 0 : i32
      %dma_start3A_98 = tpu.memref_slice %arg4[%dma_start3A_96, %dma_start3A_97] : memref<10240x128xf32, #tpu.memory_space<vmem_shared>> -> memref<10240x128xf32, #tpu.memory_space<vmem_shared>>
      tpu.enqueue_indirect_dma source(%arg6 : memref<80x128xf32, #tpu.memory_space<vmem>>) target(%dma_start3A_98 : memref<10240x128xf32, #tpu.memory_space<vmem_shared>>) offsets(%dma_start3A_95 : memref<80xi32, #tpu.memory_space<vmem>>) semaphore(%arg7 : memref<!tpu.dma_semaphore, #tpu.memory_space<semaphore_mem>>) {add = true}
      %dma_wait3A = arith.constant 0 : i32
      %dma_wait3A_99 = arith.constant 0 : i32
      %dma_wait3A_100 = tpu.memref_slice %arg5[%dma_wait3A, %dma_wait3A_99] : memref<8x80xi32, #tpu.memory_space<vmem>> -> memref<1x80xi32, #tpu.memory_space<vmem>>
      %dma_wait3A_101 = tpu.memref_squeeze %dma_wait3A_100 : memref<1x80xi32, #tpu.memory_space<vmem>> -> memref<80xi32, #tpu.memory_space<vmem>>
      %dma_wait3A_102 = arith.constant 0 : i32
      %dma_wait3A_103 = arith.constant 0 : i32
      %dma_wait3A_104 = tpu.memref_slice %arg4[%dma_wait3A_102, %dma_wait3A_103] : memref<10240x128xf32, #tpu.memory_space<vmem_shared>> -> memref<10240x128xf32, #tpu.memory_space<vmem_shared>>
      tpu.wait_indirect_dma semaphore(%arg7 : memref<!tpu.dma_semaphore, #tpu.memory_space<semaphore_mem>>) src(%arg6 : memref<80x128xf32, #tpu.memory_space<vmem>>) dst(%dma_wait3A_104 : memref<10240x128xf32, #tpu.memory_space<vmem_shared>>)
      %dma_wait3A_105 = arith.constant 1 : i32
      %dma_wait3A_106 = arith.constant 0 : i32
      %dma_wait3A_107 = tpu.memref_slice %arg5[%dma_wait3A_105, %dma_wait3A_106] : memref<8x80xi32, #tpu.memory_space<vmem>> -> memref<1x80xi32, #tpu.memory_space<vmem>>
      %dma_wait3A_108 = tpu.memref_squeeze %dma_wait3A_107 : memref<1x80xi32, #tpu.memory_space<vmem>> -> memref<80xi32, #tpu.memory_space<vmem>>
      %dma_wait3A_109 = arith.constant 0 : i32
      %dma_wait3A_110 = arith.constant 0 : i32
      %dma_wait3A_111 = tpu.memref_slice %arg4[%dma_wait3A_109, %dma_wait3A_110] : memref<10240x128xf32, #tpu.memory_space<vmem_shared>> -> memref<10240x128xf32, #tpu.memory_space<vmem_shared>>
      tpu.wait_indirect_dma semaphore(%arg7 : memref<!tpu.dma_semaphore, #tpu.memory_space<semaphore_mem>>) src(%arg6 : memref<80x128xf32, #tpu.memory_space<vmem>>) dst(%dma_wait3A_111 : memref<10240x128xf32, #tpu.memory_space<vmem_shared>>)
      %dma_wait3A_112 = arith.constant 2 : i32
      %dma_wait3A_113 = arith.constant 0 : i32
      %dma_wait3A_114 = tpu.memref_slice %arg5[%dma_wait3A_112, %dma_wait3A_113] : memref<8x80xi32, #tpu.memory_space<vmem>> -> memref<1x80xi32, #tpu.memory_space<vmem>>
      %dma_wait3A_115 = tpu.memref_squeeze %dma_wait3A_114 : memref<1x80xi32, #tpu.memory_space<vmem>> -> memref<80xi32, #tpu.memory_space<vmem>>
      %dma_wait3A_116 = arith.constant 0 : i32
      %dma_wait3A_117 = arith.constant 0 : i32
      %dma_wait3A_118 = tpu.memref_slice %arg4[%dma_wait3A_116, %dma_wait3A_117] : memref<10240x128xf32, #tpu.memory_space<vmem_shared>> -> memref<10240x128xf32, #tpu.memory_space<vmem_shared>>
      tpu.wait_indirect_dma semaphore(%arg7 : memref<!tpu.dma_semaphore, #tpu.memory_space<semaphore_mem>>) src(%arg6 : memref<80x128xf32, #tpu.memory_space<vmem>>) dst(%dma_wait3A_118 : memref<10240x128xf32, #tpu.memory_space<vmem_shared>>)
      %dma_wait3A_119 = arith.constant 3 : i32
      %dma_wait3A_120 = arith.constant 0 : i32
      %dma_wait3A_121 = tpu.memref_slice %arg5[%dma_wait3A_119, %dma_wait3A_120] : memref<8x80xi32, #tpu.memory_space<vmem>> -> memref<1x80xi32, #tpu.memory_space<vmem>>
      %dma_wait3A_122 = tpu.memref_squeeze %dma_wait3A_121 : memref<1x80xi32, #tpu.memory_space<vmem>> -> memref<80xi32, #tpu.memory_space<vmem>>
      %dma_wait3A_123 = arith.constant 0 : i32
      %dma_wait3A_124 = arith.constant 0 : i32
      %dma_wait3A_125 = tpu.memref_slice %arg4[%dma_wait3A_123, %dma_wait3A_124] : memref<10240x128xf32, #tpu.memory_space<vmem_shared>> -> memref<10240x128xf32, #tpu.memory_space<vmem_shared>>
      tpu.wait_indirect_dma semaphore(%arg7 : memref<!tpu.dma_semaphore, #tpu.memory_space<semaphore_mem>>) src(%arg6 : memref<80x128xf32, #tpu.memory_space<vmem>>) dst(%dma_wait3A_125 : memref<10240x128xf32, #tpu.memory_space<vmem_shared>>)
      %dma_wait3A_126 = arith.constant 4 : i32
      %dma_wait3A_127 = arith.constant 0 : i32
      %dma_wait3A_128 = tpu.memref_slice %arg5[%dma_wait3A_126, %dma_wait3A_127] : memref<8x80xi32, #tpu.memory_space<vmem>> -> memref<1x80xi32, #tpu.memory_space<vmem>>
      %dma_wait3A_129 = tpu.memref_squeeze %dma_wait3A_128 : memref<1x80xi32, #tpu.memory_space<vmem>> -> memref<80xi32, #tpu.memory_space<vmem>>
      %dma_wait3A_130 = arith.constant 0 : i32
      %dma_wait3A_131 = arith.constant 0 : i32
      %dma_wait3A_132 = tpu.memref_slice %arg4[%dma_wait3A_130, %dma_wait3A_131] : memref<10240x128xf32, #tpu.memory_space<vmem_shared>> -> memref<10240x128xf32, #tpu.memory_space<vmem_shared>>
      tpu.wait_indirect_dma semaphore(%arg7 : memref<!tpu.dma_semaphore, #tpu.memory_space<semaphore_mem>>) src(%arg6 : memref<80x128xf32, #tpu.memory_space<vmem>>) dst(%dma_wait3A_132 : memref<10240x128xf32, #tpu.memory_space<vmem_shared>>)
      %dma_wait3A_133 = arith.constant 5 : i32
      %dma_wait3A_134 = arith.constant 0 : i32
      %dma_wait3A_135 = tpu.memref_slice %arg5[%dma_wait3A_133, %dma_wait3A_134] : memref<8x80xi32, #tpu.memory_space<vmem>> -> memref<1x80xi32, #tpu.memory_space<vmem>>
      %dma_wait3A_136 = tpu.memref_squeeze %dma_wait3A_135 : memref<1x80xi32, #tpu.memory_space<vmem>> -> memref<80xi32, #tpu.memory_space<vmem>>
      %dma_wait3A_137 = arith.constant 0 : i32
      %dma_wait3A_138 = arith.constant 0 : i32
      %dma_wait3A_139 = tpu.memref_slice %arg4[%dma_wait3A_137, %dma_wait3A_138] : memref<10240x128xf32, #tpu.memory_space<vmem_shared>> -> memref<10240x128xf32, #tpu.memory_space<vmem_shared>>
      tpu.wait_indirect_dma semaphore(%arg7 : memref<!tpu.dma_semaphore, #tpu.memory_space<semaphore_mem>>) src(%arg6 : memref<80x128xf32, #tpu.memory_space<vmem>>) dst(%dma_wait3A_139 : memref<10240x128xf32, #tpu.memory_space<vmem_shared>>)
      %dma_wait3A_140 = arith.constant 6 : i32
      %dma_wait3A_141 = arith.constant 0 : i32
      %dma_wait3A_142 = tpu.memref_slice %arg5[%dma_wait3A_140, %dma_wait3A_141] : memref<8x80xi32, #tpu.memory_space<vmem>> -> memref<1x80xi32, #tpu.memory_space<vmem>>
      %dma_wait3A_143 = tpu.memref_squeeze %dma_wait3A_142 : memref<1x80xi32, #tpu.memory_space<vmem>> -> memref<80xi32, #tpu.memory_space<vmem>>
      %dma_wait3A_144 = arith.constant 0 : i32
      %dma_wait3A_145 = arith.constant 0 : i32
      %dma_wait3A_146 = tpu.memref_slice %arg4[%dma_wait3A_144, %dma_wait3A_145] : memref<10240x128xf32, #tpu.memory_space<vmem_shared>> -> memref<10240x128xf32, #tpu.memory_space<vmem_shared>>
      tpu.wait_indirect_dma semaphore(%arg7 : memref<!tpu.dma_semaphore, #tpu.memory_space<semaphore_mem>>) src(%arg6 : memref<80x128xf32, #tpu.memory_space<vmem>>) dst(%dma_wait3A_146 : memref<10240x128xf32, #tpu.memory_space<vmem_shared>>)
      %dma_wait3A_147 = arith.constant 7 : i32
      %dma_wait3A_148 = arith.constant 0 : i32
      %dma_wait3A_149 = tpu.memref_slice %arg5[%dma_wait3A_147, %dma_wait3A_148] : memref<8x80xi32, #tpu.memory_space<vmem>> -> memref<1x80xi32, #tpu.memory_space<vmem>>
      %dma_wait3A_150 = tpu.memref_squeeze %dma_wait3A_149 : memref<1x80xi32, #tpu.memory_space<vmem>> -> memref<80xi32, #tpu.memory_space<vmem>>
      %dma_wait3A_151 = arith.constant 0 : i32
      %dma_wait3A_152 = arith.constant 0 : i32
      %dma_wait3A_153 = tpu.memref_slice %arg4[%dma_wait3A_151, %dma_wait3A_152] : memref<10240x128xf32, #tpu.memory_space<vmem_shared>> -> memref<10240x128xf32, #tpu.memory_space<vmem_shared>>
      tpu.wait_indirect_dma semaphore(%arg7 : memref<!tpu.dma_semaphore, #tpu.memory_space<semaphore_mem>>) src(%arg6 : memref<80x128xf32, #tpu.memory_space<vmem>>) dst(%dma_wait3A_153 : memref<10240x128xf32, #tpu.memory_space<vmem_shared>>)
      %scan3A_154 = arith.constant 0 : i32
      scf.yield %scan3A_154 : i32
    }
    %scan3A_35 = arith.constant 8 : i32
    %barrier3A_36 = arith.constant 0 : index
    tpu.barrier barrier_id(%barrier3A_36)
    "tpu.region"() ({
      %run_scoped3A = tpu.sem_alloc : memref<!tpu.dma_semaphore, #tpu.memory_space<semaphore_mem>>
      %dma_start3A = arith.constant 0 : i32
      %dma_start3A_37 = tpu.memref_slice %arg3[%mul3A_0, %arg0, %dma_start3A] : memref<10240x2x128xf32, #tpu.memory_space<hbm>> -> memref<640x1x128xf32, #tpu.memory_space<hbm>>
      %dma_start3A_38 = tpu.memref_squeeze %dma_start3A_37 : memref<640x1x128xf32, #tpu.memory_space<hbm>> -> memref<640x128xf32, #tpu.memory_space<hbm>>
      %dma_start3A_39 = arith.constant 0 : i32
      %dma_start3A_40 = tpu.memref_slice %arg4[%mul3A_0, %dma_start3A_39] : memref<10240x128xf32, #tpu.memory_space<vmem_shared>> -> memref<640x128xf32, #tpu.memory_space<vmem_shared>>
      tpu.enqueue_dma source(%dma_start3A_40 : memref<640x128xf32, #tpu.memory_space<vmem_shared>>) target(%dma_start3A_38 : memref<640x128xf32, #tpu.memory_space<hbm>>) target_semaphore(%run_scoped3A : memref<!tpu.dma_semaphore, #tpu.memory_space<semaphore_mem>>)
      %dma_wait3A = arith.constant 0 : i32
      %dma_wait3A_41 = tpu.memref_slice %arg3[%mul3A_0, %arg0, %dma_wait3A] : memref<10240x2x128xf32, #tpu.memory_space<hbm>> -> memref<640x1x128xf32, #tpu.memory_space<hbm>>
      %dma_wait3A_42 = tpu.memref_squeeze %dma_wait3A_41 : memref<640x1x128xf32, #tpu.memory_space<hbm>> -> memref<640x128xf32, #tpu.memory_space<hbm>>
      %dma_wait3A_43 = arith.constant 0 : i32
      %dma_wait3A_44 = tpu.memref_slice %arg4[%mul3A_0, %dma_wait3A_43] : memref<10240x128xf32, #tpu.memory_space<vmem_shared>> -> memref<640x128xf32, #tpu.memory_space<vmem_shared>>
      tpu.wait_dma2 semaphore(%run_scoped3A : memref<!tpu.dma_semaphore, #tpu.memory_space<semaphore_mem>>) src(%dma_wait3A_44 : memref<640x128xf32, #tpu.memory_space<vmem_shared>>) dst(%dma_wait3A_42 : memref<640x128xf32, #tpu.memory_space<hbm>>)
      tpu.yield
    }) : () -> ()
    return
  }
}

#map = affine_map<(d0, d1) -> (0, 0)>
#map1 = affine_map<(d0, d1) -> (0, 0, 0)>
module attributes {stable_mosaic.version = 14 : i64} {
  func.func @_sc_agg_body(%arg0: i32, %arg1: i32, %arg2: memref<20000x128xf32, #tpu.memory_space<hbm>>, %arg3: memref<16x128x80xi32, #tpu.memory_space<hbm>>, %arg4: memref<16x128x80xi32, #tpu.memory_space<hbm>>, %arg5: memref<10240x2x128xf32, #tpu.memory_space<hbm>>, %arg6: memref<10240x2x128xf32, #tpu.memory_space<hbm>>, %arg7: memref<10240x128xf32, #tpu.memory_space<vmem_shared>>, %arg8: memref<2x8x80xi32, #tpu.memory_space<vmem>>, %arg9: memref<2x8x80xi32, #tpu.memory_space<vmem>>, %arg10: memref<80x128xf32, #tpu.memory_space<vmem>>, %arg11: memref<80x128xf32, #tpu.memory_space<vmem>>, %arg12: memref<80x128xf32, #tpu.memory_space<vmem>>, %arg13: memref<80x128xf32, #tpu.memory_space<vmem>>, %arg14: memref<!tpu.dma_semaphore, #tpu.memory_space<semaphore_mem>>, %arg15: memref<!tpu.dma_semaphore, #tpu.memory_space<semaphore_mem>>, %arg16: memref<!tpu.dma_semaphore, #tpu.memory_space<semaphore_mem>>, %arg17: memref<!tpu.dma_semaphore, #tpu.memory_space<semaphore_mem>>, %arg18: memref<!tpu.dma_semaphore, #tpu.memory_space<semaphore_mem>>, %arg19: memref<!tpu.dma_semaphore, #tpu.memory_space<semaphore_mem>>, %arg20: memref<!tpu.dma_semaphore, #tpu.memory_space<semaphore_mem>>, %arg21: memref<!tpu.dma_semaphore, #tpu.memory_space<semaphore_mem>>, %arg22: memref<!tpu.dma_semaphore, #tpu.memory_space<semaphore_mem>>) attributes {dimension_semantics = [#tpu.dimension_semantics<core_parallel>, #tpu.dimension_semantics<subcore_parallel>], iteration_bounds = array<i64: 2, 16>, scalar_prefetch = 0 : i64, scratch_operands = 16 : i64, tpu.core_type = #tpu.core_type<sc_vector_subcore>, window_params = [{transform_indices = #map}, {transform_indices = #map1}, {transform_indices = #map1}, {transform_indices = #map1}, {transform_indices = #map1}]} {
    %mul3A = arith.constant 640 : i32
    %mul3A_0 = arith.muli %arg1, %mul3A : i32
    %scan3A = arith.constant 0 : i32
    %scan3A_1 = arith.constant 0 : i32
    %scan3A_2 = arith.constant 80 : i32
    %scan3A_3 = arith.addi %scan3A_1, %scan3A_2 : i32
    %scan3A_4 = arith.constant 1 : i32
    %scan3A_5 = scf.for %scan3A_94 = %scan3A_1 to %scan3A_3 step %scan3A_4 iter_args(%scan3A_95 = %scan3A) -> (i32)  : i32 {
      %broadcast_in_dim3A = arith.constant 0.000000e+00 : f32
      %broadcast_in_dim3A_96 = vector.broadcast %broadcast_in_dim3A : f32 to vector<16xf32>
      %swap3A = arith.index_cast %scan3A_94 : i32 to index
      %swap3A_97 = arith.constant 0 : index
      %swap3A_98 = tpu.vector_load %arg10[%swap3A, %swap3A_97] {strides = array<i32>} : memref<80x128xf32, #tpu.memory_space<vmem>>, vector<1x16xf32>,
      %swap3A_99 = vector.shape_cast %swap3A_98 : vector<1x16xf32> to vector<16xf32>
      %swap3A_100 = vector.shape_cast %broadcast_in_dim3A_96 : vector<16xf32> to vector<1x16xf32>
      tpu.vector_store %arg10[%swap3A, %swap3A_97], %swap3A_100 {strides = array<i32>} : memref<80x128xf32, #tpu.memory_space<vmem>>, vector<1x16xf32>,
      %broadcast_in_dim3A_101 = arith.constant 0.000000e+00 : f32
      %broadcast_in_dim3A_102 = vector.broadcast %broadcast_in_dim3A_101 : f32 to vector<16xf32>
      %swap3A_103 = arith.index_cast %scan3A_94 : i32 to index
      %swap3A_104 = arith.constant 16 : index
      %swap3A_105 = tpu.vector_load %arg10[%swap3A_103, %swap3A_104] {strides = array<i32>} : memref<80x128xf32, #tpu.memory_space<vmem>>, vector<1x16xf32>,
      %swap3A_106 = vector.shape_cast %swap3A_105 : vector<1x16xf32> to vector<16xf32>
      %swap3A_107 = vector.shape_cast %broadcast_in_dim3A_102 : vector<16xf32> to vector<1x16xf32>
      tpu.vector_store %arg10[%swap3A_103, %swap3A_104], %swap3A_107 {strides = array<i32>} : memref<80x128xf32, #tpu.memory_space<vmem>>, vector<1x16xf32>,
      %broadcast_in_dim3A_108 = arith.constant 0.000000e+00 : f32
      %broadcast_in_dim3A_109 = vector.broadcast %broadcast_in_dim3A_108 : f32 to vector<16xf32>
      %swap3A_110 = arith.index_cast %scan3A_94 : i32 to index
      %swap3A_111 = arith.constant 32 : index
      %swap3A_112 = tpu.vector_load %arg10[%swap3A_110, %swap3A_111] {strides = array<i32>} : memref<80x128xf32, #tpu.memory_space<vmem>>, vector<1x16xf32>,
      %swap3A_113 = vector.shape_cast %swap3A_112 : vector<1x16xf32> to vector<16xf32>
      %swap3A_114 = vector.shape_cast %broadcast_in_dim3A_109 : vector<16xf32> to vector<1x16xf32>
      tpu.vector_store %arg10[%swap3A_110, %swap3A_111], %swap3A_114 {strides = array<i32>} : memref<80x128xf32, #tpu.memory_space<vmem>>, vector<1x16xf32>,
      %broadcast_in_dim3A_115 = arith.constant 0.000000e+00 : f32
      %broadcast_in_dim3A_116 = vector.broadcast %broadcast_in_dim3A_115 : f32 to vector<16xf32>
      %swap3A_117 = arith.index_cast %scan3A_94 : i32 to index
      %swap3A_118 = arith.constant 48 : index
      %swap3A_119 = tpu.vector_load %arg10[%swap3A_117, %swap3A_118] {strides = array<i32>} : memref<80x128xf32, #tpu.memory_space<vmem>>, vector<1x16xf32>,
      %swap3A_120 = vector.shape_cast %swap3A_119 : vector<1x16xf32> to vector<16xf32>
      %swap3A_121 = vector.shape_cast %broadcast_in_dim3A_116 : vector<16xf32> to vector<1x16xf32>
      tpu.vector_store %arg10[%swap3A_117, %swap3A_118], %swap3A_121 {strides = array<i32>} : memref<80x128xf32, #tpu.memory_space<vmem>>, vector<1x16xf32>,
      %broadcast_in_dim3A_122 = arith.constant 0.000000e+00 : f32
      %broadcast_in_dim3A_123 = vector.broadcast %broadcast_in_dim3A_122 : f32 to vector<16xf32>
      %swap3A_124 = arith.index_cast %scan3A_94 : i32 to index
      %swap3A_125 = arith.constant 64 : index
      %swap3A_126 = tpu.vector_load %arg10[%swap3A_124, %swap3A_125] {strides = array<i32>} : memref<80x128xf32, #tpu.memory_space<vmem>>, vector<1x16xf32>,
      %swap3A_127 = vector.shape_cast %swap3A_126 : vector<1x16xf32> to vector<16xf32>
      %swap3A_128 = vector.shape_cast %broadcast_in_dim3A_123 : vector<16xf32> to vector<1x16xf32>
      tpu.vector_store %arg10[%swap3A_124, %swap3A_125], %swap3A_128 {strides = array<i32>} : memref<80x128xf32, #tpu.memory_space<vmem>>, vector<1x16xf32>,
      %broadcast_in_dim3A_129 = arith.constant 0.000000e+00 : f32
      %broadcast_in_dim3A_130 = vector.broadcast %broadcast_in_dim3A_129 : f32 to vector<16xf32>
      %swap3A_131 = arith.index_cast %scan3A_94 : i32 to index
      %swap3A_132 = arith.constant 80 : index
      %swap3A_133 = tpu.vector_load %arg10[%swap3A_131, %swap3A_132] {strides = array<i32>} : memref<80x128xf32, #tpu.memory_space<vmem>>, vector<1x16xf32>,
      %swap3A_134 = vector.shape_cast %swap3A_133 : vector<1x16xf32> to vector<16xf32>
      %swap3A_135 = vector.shape_cast %broadcast_in_dim3A_130 : vector<16xf32> to vector<1x16xf32>
      tpu.vector_store %arg10[%swap3A_131, %swap3A_132], %swap3A_135 {strides = array<i32>} : memref<80x128xf32, #tpu.memory_space<vmem>>, vector<1x16xf32>,
      %broadcast_in_dim3A_136 = arith.constant 0.000000e+00 : f32
      %broadcast_in_dim3A_137 = vector.broadcast %broadcast_in_dim3A_136 : f32 to vector<16xf32>
      %swap3A_138 = arith.index_cast %scan3A_94 : i32 to index
      %swap3A_139 = arith.constant 96 : index
      %swap3A_140 = tpu.vector_load %arg10[%swap3A_138, %swap3A_139] {strides = array<i32>} : memref<80x128xf32, #tpu.memory_space<vmem>>, vector<1x16xf32>,
      %swap3A_141 = vector.shape_cast %swap3A_140 : vector<1x16xf32> to vector<16xf32>
      %swap3A_142 = vector.shape_cast %broadcast_in_dim3A_137 : vector<16xf32> to vector<1x16xf32>
      tpu.vector_store %arg10[%swap3A_138, %swap3A_139], %swap3A_142 {strides = array<i32>} : memref<80x128xf32, #tpu.memory_space<vmem>>, vector<1x16xf32>,
      %broadcast_in_dim3A_143 = arith.constant 0.000000e+00 : f32
      %broadcast_in_dim3A_144 = vector.broadcast %broadcast_in_dim3A_143 : f32 to vector<16xf32>
      %swap3A_145 = arith.index_cast %scan3A_94 : i32 to index
      %swap3A_146 = arith.constant 112 : index
      %swap3A_147 = tpu.vector_load %arg10[%swap3A_145, %swap3A_146] {strides = array<i32>} : memref<80x128xf32, #tpu.memory_space<vmem>>, vector<1x16xf32>,
      %swap3A_148 = vector.shape_cast %swap3A_147 : vector<1x16xf32> to vector<16xf32>
      %swap3A_149 = vector.shape_cast %broadcast_in_dim3A_144 : vector<16xf32> to vector<1x16xf32>
      tpu.vector_store %arg10[%swap3A_145, %swap3A_146], %swap3A_149 {strides = array<i32>} : memref<80x128xf32, #tpu.memory_space<vmem>>, vector<1x16xf32>,
      %scan3A_150 = arith.constant 0 : i32
      scf.yield %scan3A_150 : i32
    }
    %scan3A_6 = arith.constant 80 : i32
    %add3A = arith.constant 0 : i32
    %add3A_7 = arith.addi %mul3A_0, %add3A : i32
    "tpu.region"() ({
      %run_scoped3A = tpu.sem_alloc : memref<!tpu.dma_semaphore, #tpu.memory_space<semaphore_mem>>
      %dma_start3A_94 = arith.constant 0 : i32
      %dma_start3A_95 = tpu.memref_slice %arg7[%add3A_7, %dma_start3A_94] : memref<10240x128xf32, #tpu.memory_space<vmem_shared>> -> memref<80x128xf32, #tpu.memory_space<vmem_shared>>
      %dma_start3A_96 = arith.constant 0 : i32
      %dma_start3A_97 = tpu.memref_slice %arg7[%add3A_7, %dma_start3A_96] : memref<10240x128xf32, #tpu.memory_space<vmem_shared>> -> memref<80x128xf32, #tpu.memory_space<vmem_shared>>
      tpu.enqueue_dma source(%arg10 : memref<80x128xf32, #tpu.memory_space<vmem>>) target(%dma_start3A_97 : memref<80x128xf32, #tpu.memory_space<vmem_shared>>) target_semaphore(%run_scoped3A : memref<!tpu.dma_semaphore, #tpu.memory_space<semaphore_mem>>)
      %dma_wait3A_98 = arith.constant 0 : i32
      %dma_wait3A_99 = tpu.memref_slice %arg7[%add3A_7, %dma_wait3A_98] : memref<10240x128xf32, #tpu.memory_space<vmem_shared>> -> memref<80x128xf32, #tpu.memory_space<vmem_shared>>
      %dma_wait3A_100 = arith.constant 0 : i32
      %dma_wait3A_101 = tpu.memref_slice %arg7[%add3A_7, %dma_wait3A_100] : memref<10240x128xf32, #tpu.memory_space<vmem_shared>> -> memref<80x128xf32, #tpu.memory_space<vmem_shared>>
      tpu.wait_dma2 semaphore(%run_scoped3A : memref<!tpu.dma_semaphore, #tpu.memory_space<semaphore_mem>>) src(%arg10 : memref<80x128xf32, #tpu.memory_space<vmem>>) dst(%dma_wait3A_101 : memref<80x128xf32, #tpu.memory_space<vmem_shared>>)
      tpu.yield
    }) : () -> ()
    %add3A_8 = arith.constant 80 : i32
    %add3A_9 = arith.addi %mul3A_0, %add3A_8 : i32
    "tpu.region"() ({
      %run_scoped3A = tpu.sem_alloc : memref<!tpu.dma_semaphore, #tpu.memory_space<semaphore_mem>>
      %dma_start3A_94 = arith.constant 0 : i32
      %dma_start3A_95 = tpu.memref_slice %arg7[%add3A_9, %dma_start3A_94] : memref<10240x128xf32, #tpu.memory_space<vmem_shared>> -> memref<80x128xf32, #tpu.memory_space<vmem_shared>>
      %dma_start3A_96 = arith.constant 0 : i32
      %dma_start3A_97 = tpu.memref_slice %arg7[%add3A_9, %dma_start3A_96] : memref<10240x128xf32, #tpu.memory_space<vmem_shared>> -> memref<80x128xf32, #tpu.memory_space<vmem_shared>>
      tpu.enqueue_dma source(%arg10 : memref<80x128xf32, #tpu.memory_space<vmem>>) target(%dma_start3A_97 : memref<80x128xf32, #tpu.memory_space<vmem_shared>>) target_semaphore(%run_scoped3A : memref<!tpu.dma_semaphore, #tpu.memory_space<semaphore_mem>>)
      %dma_wait3A_98 = arith.constant 0 : i32
      %dma_wait3A_99 = tpu.memref_slice %arg7[%add3A_9, %dma_wait3A_98] : memref<10240x128xf32, #tpu.memory_space<vmem_shared>> -> memref<80x128xf32, #tpu.memory_space<vmem_shared>>
      %dma_wait3A_100 = arith.constant 0 : i32
      %dma_wait3A_101 = tpu.memref_slice %arg7[%add3A_9, %dma_wait3A_100] : memref<10240x128xf32, #tpu.memory_space<vmem_shared>> -> memref<80x128xf32, #tpu.memory_space<vmem_shared>>
      tpu.wait_dma2 semaphore(%run_scoped3A : memref<!tpu.dma_semaphore, #tpu.memory_space<semaphore_mem>>) src(%arg10 : memref<80x128xf32, #tpu.memory_space<vmem>>) dst(%dma_wait3A_101 : memref<80x128xf32, #tpu.memory_space<vmem_shared>>)
      tpu.yield
    }) : () -> ()
    %add3A_10 = arith.constant 160 : i32
    %add3A_11 = arith.addi %mul3A_0, %add3A_10 : i32
    "tpu.region"() ({
      %run_scoped3A = tpu.sem_alloc : memref<!tpu.dma_semaphore, #tpu.memory_space<semaphore_mem>>
      %dma_start3A_94 = arith.constant 0 : i32
      %dma_start3A_95 = tpu.memref_slice %arg7[%add3A_11, %dma_start3A_94] : memref<10240x128xf32, #tpu.memory_space<vmem_shared>> -> memref<80x128xf32, #tpu.memory_space<vmem_shared>>
      %dma_start3A_96 = arith.constant 0 : i32
      %dma_start3A_97 = tpu.memref_slice %arg7[%add3A_11, %dma_start3A_96] : memref<10240x128xf32, #tpu.memory_space<vmem_shared>> -> memref<80x128xf32, #tpu.memory_space<vmem_shared>>
      tpu.enqueue_dma source(%arg10 : memref<80x128xf32, #tpu.memory_space<vmem>>) target(%dma_start3A_97 : memref<80x128xf32, #tpu.memory_space<vmem_shared>>) target_semaphore(%run_scoped3A : memref<!tpu.dma_semaphore, #tpu.memory_space<semaphore_mem>>)
      %dma_wait3A_98 = arith.constant 0 : i32
      %dma_wait3A_99 = tpu.memref_slice %arg7[%add3A_11, %dma_wait3A_98] : memref<10240x128xf32, #tpu.memory_space<vmem_shared>> -> memref<80x128xf32, #tpu.memory_space<vmem_shared>>
      %dma_wait3A_100 = arith.constant 0 : i32
      %dma_wait3A_101 = tpu.memref_slice %arg7[%add3A_11, %dma_wait3A_100] : memref<10240x128xf32, #tpu.memory_space<vmem_shared>> -> memref<80x128xf32, #tpu.memory_space<vmem_shared>>
      tpu.wait_dma2 semaphore(%run_scoped3A : memref<!tpu.dma_semaphore, #tpu.memory_space<semaphore_mem>>) src(%arg10 : memref<80x128xf32, #tpu.memory_space<vmem>>) dst(%dma_wait3A_101 : memref<80x128xf32, #tpu.memory_space<vmem_shared>>)
      tpu.yield
    }) : () -> ()
    %add3A_12 = arith.constant 240 : i32
    %add3A_13 = arith.addi %mul3A_0, %add3A_12 : i32
    "tpu.region"() ({
      %run_scoped3A = tpu.sem_alloc : memref<!tpu.dma_semaphore, #tpu.memory_space<semaphore_mem>>
      %dma_start3A_94 = arith.constant 0 : i32
      %dma_start3A_95 = tpu.memref_slice %arg7[%add3A_13, %dma_start3A_94] : memref<10240x128xf32, #tpu.memory_space<vmem_shared>> -> memref<80x128xf32, #tpu.memory_space<vmem_shared>>
      %dma_start3A_96 = arith.constant 0 : i32
      %dma_start3A_97 = tpu.memref_slice %arg7[%add3A_13, %dma_start3A_96] : memref<10240x128xf32, #tpu.memory_space<vmem_shared>> -> memref<80x128xf32, #tpu.memory_space<vmem_shared>>
      tpu.enqueue_dma source(%arg10 : memref<80x128xf32, #tpu.memory_space<vmem>>) target(%dma_start3A_97 : memref<80x128xf32, #tpu.memory_space<vmem_shared>>) target_semaphore(%run_scoped3A : memref<!tpu.dma_semaphore, #tpu.memory_space<semaphore_mem>>)
      %dma_wait3A_98 = arith.constant 0 : i32
      %dma_wait3A_99 = tpu.memref_slice %arg7[%add3A_13, %dma_wait3A_98] : memref<10240x128xf32, #tpu.memory_space<vmem_shared>> -> memref<80x128xf32, #tpu.memory_space<vmem_shared>>
      %dma_wait3A_100 = arith.constant 0 : i32
      %dma_wait3A_101 = tpu.memref_slice %arg7[%add3A_13, %dma_wait3A_100] : memref<10240x128xf32, #tpu.memory_space<vmem_shared>> -> memref<80x128xf32, #tpu.memory_space<vmem_shared>>
      tpu.wait_dma2 semaphore(%run_scoped3A : memref<!tpu.dma_semaphore, #tpu.memory_space<semaphore_mem>>) src(%arg10 : memref<80x128xf32, #tpu.memory_space<vmem>>) dst(%dma_wait3A_101 : memref<80x128xf32, #tpu.memory_space<vmem_shared>>)
      tpu.yield
    }) : () -> ()
    %add3A_14 = arith.constant 320 : i32
    %add3A_15 = arith.addi %mul3A_0, %add3A_14 : i32
    "tpu.region"() ({
      %run_scoped3A = tpu.sem_alloc : memref<!tpu.dma_semaphore, #tpu.memory_space<semaphore_mem>>
      %dma_start3A_94 = arith.constant 0 : i32
      %dma_start3A_95 = tpu.memref_slice %arg7[%add3A_15, %dma_start3A_94] : memref<10240x128xf32, #tpu.memory_space<vmem_shared>> -> memref<80x128xf32, #tpu.memory_space<vmem_shared>>
      %dma_start3A_96 = arith.constant 0 : i32
      %dma_start3A_97 = tpu.memref_slice %arg7[%add3A_15, %dma_start3A_96] : memref<10240x128xf32, #tpu.memory_space<vmem_shared>> -> memref<80x128xf32, #tpu.memory_space<vmem_shared>>
      tpu.enqueue_dma source(%arg10 : memref<80x128xf32, #tpu.memory_space<vmem>>) target(%dma_start3A_97 : memref<80x128xf32, #tpu.memory_space<vmem_shared>>) target_semaphore(%run_scoped3A : memref<!tpu.dma_semaphore, #tpu.memory_space<semaphore_mem>>)
      %dma_wait3A_98 = arith.constant 0 : i32
      %dma_wait3A_99 = tpu.memref_slice %arg7[%add3A_15, %dma_wait3A_98] : memref<10240x128xf32, #tpu.memory_space<vmem_shared>> -> memref<80x128xf32, #tpu.memory_space<vmem_shared>>
      %dma_wait3A_100 = arith.constant 0 : i32
      %dma_wait3A_101 = tpu.memref_slice %arg7[%add3A_15, %dma_wait3A_100] : memref<10240x128xf32, #tpu.memory_space<vmem_shared>> -> memref<80x128xf32, #tpu.memory_space<vmem_shared>>
      tpu.wait_dma2 semaphore(%run_scoped3A : memref<!tpu.dma_semaphore, #tpu.memory_space<semaphore_mem>>) src(%arg10 : memref<80x128xf32, #tpu.memory_space<vmem>>) dst(%dma_wait3A_101 : memref<80x128xf32, #tpu.memory_space<vmem_shared>>)
      tpu.yield
    }) : () -> ()
    %add3A_16 = arith.constant 400 : i32
    %add3A_17 = arith.addi %mul3A_0, %add3A_16 : i32
    "tpu.region"() ({
      %run_scoped3A = tpu.sem_alloc : memref<!tpu.dma_semaphore, #tpu.memory_space<semaphore_mem>>
      %dma_start3A_94 = arith.constant 0 : i32
      %dma_start3A_95 = tpu.memref_slice %arg7[%add3A_17, %dma_start3A_94] : memref<10240x128xf32, #tpu.memory_space<vmem_shared>> -> memref<80x128xf32, #tpu.memory_space<vmem_shared>>
      %dma_start3A_96 = arith.constant 0 : i32
      %dma_start3A_97 = tpu.memref_slice %arg7[%add3A_17, %dma_start3A_96] : memref<10240x128xf32, #tpu.memory_space<vmem_shared>> -> memref<80x128xf32, #tpu.memory_space<vmem_shared>>
      tpu.enqueue_dma source(%arg10 : memref<80x128xf32, #tpu.memory_space<vmem>>) target(%dma_start3A_97 : memref<80x128xf32, #tpu.memory_space<vmem_shared>>) target_semaphore(%run_scoped3A : memref<!tpu.dma_semaphore, #tpu.memory_space<semaphore_mem>>)
      %dma_wait3A_98 = arith.constant 0 : i32
      %dma_wait3A_99 = tpu.memref_slice %arg7[%add3A_17, %dma_wait3A_98] : memref<10240x128xf32, #tpu.memory_space<vmem_shared>> -> memref<80x128xf32, #tpu.memory_space<vmem_shared>>
      %dma_wait3A_100 = arith.constant 0 : i32
      %dma_wait3A_101 = tpu.memref_slice %arg7[%add3A_17, %dma_wait3A_100] : memref<10240x128xf32, #tpu.memory_space<vmem_shared>> -> memref<80x128xf32, #tpu.memory_space<vmem_shared>>
      tpu.wait_dma2 semaphore(%run_scoped3A : memref<!tpu.dma_semaphore, #tpu.memory_space<semaphore_mem>>) src(%arg10 : memref<80x128xf32, #tpu.memory_space<vmem>>) dst(%dma_wait3A_101 : memref<80x128xf32, #tpu.memory_space<vmem_shared>>)
      tpu.yield
    }) : () -> ()
    %add3A_18 = arith.constant 480 : i32
    %add3A_19 = arith.addi %mul3A_0, %add3A_18 : i32
    "tpu.region"() ({
      %run_scoped3A = tpu.sem_alloc : memref<!tpu.dma_semaphore, #tpu.memory_space<semaphore_mem>>
      %dma_start3A_94 = arith.constant 0 : i32
      %dma_start3A_95 = tpu.memref_slice %arg7[%add3A_19, %dma_start3A_94] : memref<10240x128xf32, #tpu.memory_space<vmem_shared>> -> memref<80x128xf32, #tpu.memory_space<vmem_shared>>
      %dma_start3A_96 = arith.constant 0 : i32
      %dma_start3A_97 = tpu.memref_slice %arg7[%add3A_19, %dma_start3A_96] : memref<10240x128xf32, #tpu.memory_space<vmem_shared>> -> memref<80x128xf32, #tpu.memory_space<vmem_shared>>
      tpu.enqueue_dma source(%arg10 : memref<80x128xf32, #tpu.memory_space<vmem>>) target(%dma_start3A_97 : memref<80x128xf32, #tpu.memory_space<vmem_shared>>) target_semaphore(%run_scoped3A : memref<!tpu.dma_semaphore, #tpu.memory_space<semaphore_mem>>)
      %dma_wait3A_98 = arith.constant 0 : i32
      %dma_wait3A_99 = tpu.memref_slice %arg7[%add3A_19, %dma_wait3A_98] : memref<10240x128xf32, #tpu.memory_space<vmem_shared>> -> memref<80x128xf32, #tpu.memory_space<vmem_shared>>
      %dma_wait3A_100 = arith.constant 0 : i32
      %dma_wait3A_101 = tpu.memref_slice %arg7[%add3A_19, %dma_wait3A_100] : memref<10240x128xf32, #tpu.memory_space<vmem_shared>> -> memref<80x128xf32, #tpu.memory_space<vmem_shared>>
      tpu.wait_dma2 semaphore(%run_scoped3A : memref<!tpu.dma_semaphore, #tpu.memory_space<semaphore_mem>>) src(%arg10 : memref<80x128xf32, #tpu.memory_space<vmem>>) dst(%dma_wait3A_101 : memref<80x128xf32, #tpu.memory_space<vmem_shared>>)
      tpu.yield
    }) : () -> ()
    %add3A_20 = arith.constant 560 : i32
    %add3A_21 = arith.addi %mul3A_0, %add3A_20 : i32
    "tpu.region"() ({
      %run_scoped3A = tpu.sem_alloc : memref<!tpu.dma_semaphore, #tpu.memory_space<semaphore_mem>>
      %dma_start3A_94 = arith.constant 0 : i32
      %dma_start3A_95 = tpu.memref_slice %arg7[%add3A_21, %dma_start3A_94] : memref<10240x128xf32, #tpu.memory_space<vmem_shared>> -> memref<80x128xf32, #tpu.memory_space<vmem_shared>>
      %dma_start3A_96 = arith.constant 0 : i32
      %dma_start3A_97 = tpu.memref_slice %arg7[%add3A_21, %dma_start3A_96] : memref<10240x128xf32, #tpu.memory_space<vmem_shared>> -> memref<80x128xf32, #tpu.memory_space<vmem_shared>>
      tpu.enqueue_dma source(%arg10 : memref<80x128xf32, #tpu.memory_space<vmem>>) target(%dma_start3A_97 : memref<80x128xf32, #tpu.memory_space<vmem_shared>>) target_semaphore(%run_scoped3A : memref<!tpu.dma_semaphore, #tpu.memory_space<semaphore_mem>>)
      %dma_wait3A_98 = arith.constant 0 : i32
      %dma_wait3A_99 = tpu.memref_slice %arg7[%add3A_21, %dma_wait3A_98] : memref<10240x128xf32, #tpu.memory_space<vmem_shared>> -> memref<80x128xf32, #tpu.memory_space<vmem_shared>>
      %dma_wait3A_100 = arith.constant 0 : i32
      %dma_wait3A_101 = tpu.memref_slice %arg7[%add3A_21, %dma_wait3A_100] : memref<10240x128xf32, #tpu.memory_space<vmem_shared>> -> memref<80x128xf32, #tpu.memory_space<vmem_shared>>
      tpu.wait_dma2 semaphore(%run_scoped3A : memref<!tpu.dma_semaphore, #tpu.memory_space<semaphore_mem>>) src(%arg10 : memref<80x128xf32, #tpu.memory_space<vmem>>) dst(%dma_wait3A_101 : memref<80x128xf32, #tpu.memory_space<vmem_shared>>)
      tpu.yield
    }) : () -> ()
    %barrier3A = arith.constant 0 : index
    tpu.barrier barrier_id(%barrier3A)
    %dma_start3A = arith.constant 0 : i32
    %dma_start3A_22 = arith.constant 0 : i32
    %dma_start3A_23 = arith.constant 0 : i32
    %dma_start3A_24 = tpu.memref_slice %arg8[%dma_start3A, %dma_start3A_22, %dma_start3A_23] : memref<2x8x80xi32, #tpu.memory_space<vmem>> -> memref<1x8x80xi32, #tpu.memory_space<vmem>>
    %dma_start3A_25 = tpu.memref_squeeze %dma_start3A_24 : memref<1x8x80xi32, #tpu.memory_space<vmem>> -> memref<8x80xi32, #tpu.memory_space<vmem>>
    %dma_start3A_26 = arith.constant 0 : i32
    %dma_start3A_27 = arith.constant 0 : i32
    %dma_start3A_28 = tpu.memref_slice %arg3[%arg1, %dma_start3A_26, %dma_start3A_27] : memref<16x128x80xi32, #tpu.memory_space<hbm>> -> memref<1x8x80xi32, #tpu.memory_space<hbm>>
    %dma_start3A_29 = tpu.memref_squeeze %dma_start3A_28 : memref<1x8x80xi32, #tpu.memory_space<hbm>> -> memref<8x80xi32, #tpu.memory_space<hbm>>
    %dma_start3A_30 = arith.constant 0 : i32
    %dma_start3A_31 = arith.constant 0 : i32
    %dma_start3A_32 = tpu.memref_slice %arg8[%dma_start3A, %dma_start3A_30, %dma_start3A_31] : memref<2x8x80xi32, #tpu.memory_space<vmem>> -> memref<1x8x80xi32, #tpu.memory_space<vmem>>
    %dma_start3A_33 = tpu.memref_squeeze %dma_start3A_32 : memref<1x8x80xi32, #tpu.memory_space<vmem>> -> memref<8x80xi32, #tpu.memory_space<vmem>>
    %dma_start3A_34 = arith.constant 0 : i32
    %dma_start3A_35 = arith.constant 0 : i32
    %dma_start3A_36 = tpu.memref_slice %arg3[%arg1, %dma_start3A_34, %dma_start3A_35] : memref<16x128x80xi32, #tpu.memory_space<hbm>> -> memref<1x8x80xi32, #tpu.memory_space<hbm>>
    %dma_start3A_37 = tpu.memref_squeeze %dma_start3A_36 : memref<1x8x80xi32, #tpu.memory_space<hbm>> -> memref<8x80xi32, #tpu.memory_space<hbm>>
    tpu.enqueue_dma source(%dma_start3A_37 : memref<8x80xi32, #tpu.memory_space<hbm>>) target(%dma_start3A_33 : memref<8x80xi32, #tpu.memory_space<vmem>>) target_semaphore(%arg22 : memref<!tpu.dma_semaphore, #tpu.memory_space<semaphore_mem>>)
    %dma_start3A_38 = arith.constant 0 : i32
    %dma_start3A_39 = arith.constant 0 : i32
    %dma_start3A_40 = arith.constant 0 : i32
    %dma_start3A_41 = tpu.memref_slice %arg9[%dma_start3A_38, %dma_start3A_39, %dma_start3A_40] : memref<2x8x80xi32, #tpu.memory_space<vmem>> -> memref<1x8x80xi32, #tpu.memory_space<vmem>>
    %dma_start3A_42 = tpu.memref_squeeze %dma_start3A_41 : memref<1x8x80xi32, #tpu.memory_space<vmem>> -> memref<8x80xi32, #tpu.memory_space<vmem>>
    %dma_start3A_43 = arith.constant 0 : i32
    %dma_start3A_44 = arith.constant 0 : i32
    %dma_start3A_45 = tpu.memref_slice %arg4[%arg1, %dma_start3A_43, %dma_start3A_44] : memref<16x128x80xi32, #tpu.memory_space<hbm>> -> memref<1x8x80xi32, #tpu.memory_space<hbm>>
    %dma_start3A_46 = tpu.memref_squeeze %dma_start3A_45 : memref<1x8x80xi32, #tpu.memory_space<hbm>> -> memref<8x80xi32, #tpu.memory_space<hbm>>
    %dma_start3A_47 = arith.constant 0 : i32
    %dma_start3A_48 = arith.constant 0 : i32
    %dma_start3A_49 = tpu.memref_slice %arg9[%dma_start3A_38, %dma_start3A_47, %dma_start3A_48] : memref<2x8x80xi32, #tpu.memory_space<vmem>> -> memref<1x8x80xi32, #tpu.memory_space<vmem>>
    %dma_start3A_50 = tpu.memref_squeeze %dma_start3A_49 : memref<1x8x80xi32, #tpu.memory_space<vmem>> -> memref<8x80xi32, #tpu.memory_space<vmem>>
    %dma_start3A_51 = arith.constant 0 : i32
    %dma_start3A_52 = arith.constant 0 : i32
    %dma_start3A_53 = tpu.memref_slice %arg4[%arg1, %dma_start3A_51, %dma_start3A_52] : memref<16x128x80xi32, #tpu.memory_space<hbm>> -> memref<1x8x80xi32, #tpu.memory_space<hbm>>
    %dma_start3A_54 = tpu.memref_squeeze %dma_start3A_53 : memref<1x8x80xi32, #tpu.memory_space<hbm>> -> memref<8x80xi32, #tpu.memory_space<hbm>>
    tpu.enqueue_dma source(%dma_start3A_54 : memref<8x80xi32, #tpu.memory_space<hbm>>) target(%dma_start3A_50 : memref<8x80xi32, #tpu.memory_space<vmem>>) target_semaphore(%arg22 : memref<!tpu.dma_semaphore, #tpu.memory_space<semaphore_mem>>)
    %scan3A_55 = arith.constant 0 : i32
    %scan3A_56 = arith.constant 0 : i32
    %scan3A_57 = arith.constant 16 : i32
    %scan3A_58 = arith.addi %scan3A_56, %scan3A_57 : i32
    %scan3A_59 = arith.constant 1 : i32
    %scan3A_60 = scf.for %scan3A_94 = %scan3A_56 to %scan3A_58 step %scan3A_59 iter_args(%scan3A_95 = %scan3A_55) -> (i32)  : i32 {
      %rem3A = arith.constant 2 : i32
      %rem3A_96 = arith.remsi %scan3A_94, %rem3A : i32
      %mul3A_97 = arith.constant 8 : i32
      %mul3A_98 = arith.muli %scan3A_94, %mul3A_97 : i32
      %dma_wait3A_99 = arith.constant 0 : i32
      %dma_wait3A_100 = arith.constant 0 : i32
      %dma_wait3A_101 = tpu.memref_slice %arg8[%rem3A_96, %dma_wait3A_99, %dma_wait3A_100] : memref<2x8x80xi32, #tpu.memory_space<vmem>> -> memref<1x8x80xi32, #tpu.memory_space<vmem>>
      %dma_wait3A_102 = tpu.memref_squeeze %dma_wait3A_101 : memref<1x8x80xi32, #tpu.memory_space<vmem>> -> memref<8x80xi32, #tpu.memory_space<vmem>>
      %dma_wait3A_103 = arith.constant 0 : i32
      %dma_wait3A_104 = tpu.memref_slice %arg3[%arg1, %mul3A_98, %dma_wait3A_103] : memref<16x128x80xi32, #tpu.memory_space<hbm>> -> memref<1x8x80xi32, #tpu.memory_space<hbm>>
      %dma_wait3A_105 = tpu.memref_squeeze %dma_wait3A_104 : memref<1x8x80xi32, #tpu.memory_space<hbm>> -> memref<8x80xi32, #tpu.memory_space<hbm>>
      %dma_wait3A_106 = arith.constant 0 : i32
      %dma_wait3A_107 = arith.constant 0 : i32
      %dma_wait3A_108 = tpu.memref_slice %arg8[%rem3A_96, %dma_wait3A_106, %dma_wait3A_107] : memref<2x8x80xi32, #tpu.memory_space<vmem>> -> memref<1x8x80xi32, #tpu.memory_space<vmem>>
      %dma_wait3A_109 = tpu.memref_squeeze %dma_wait3A_108 : memref<1x8x80xi32, #tpu.memory_space<vmem>> -> memref<8x80xi32, #tpu.memory_space<vmem>>
      %dma_wait3A_110 = arith.constant 0 : i32
      %dma_wait3A_111 = tpu.memref_slice %arg3[%arg1, %mul3A_98, %dma_wait3A_110] : memref<16x128x80xi32, #tpu.memory_space<hbm>> -> memref<1x8x80xi32, #tpu.memory_space<hbm>>
      %dma_wait3A_112 = tpu.memref_squeeze %dma_wait3A_111 : memref<1x8x80xi32, #tpu.memory_space<hbm>> -> memref<8x80xi32, #tpu.memory_space<hbm>>
      tpu.wait_dma2 semaphore(%arg22 : memref<!tpu.dma_semaphore, #tpu.memory_space<semaphore_mem>>) src(%dma_wait3A_112 : memref<8x80xi32, #tpu.memory_space<hbm>>) dst(%dma_wait3A_109 : memref<8x80xi32, #tpu.memory_space<vmem>>)
      %mul3A_113 = arith.constant 8 : i32
      %mul3A_114 = arith.muli %scan3A_94, %mul3A_113 : i32
      %dma_wait3A_115 = arith.constant 0 : i32
      %dma_wait3A_116 = arith.constant 0 : i32
      %dma_wait3A_117 = tpu.memref_slice %arg9[%rem3A_96, %dma_wait3A_115, %dma_wait3A_116] : memref<2x8x80xi32, #tpu.memory_space<vmem>> -> memref<1x8x80xi32, #tpu.memory_space<vmem>>
      %dma_wait3A_118 = tpu.memref_squeeze %dma_wait3A_117 : memref<1x8x80xi32, #tpu.memory_space<vmem>> -> memref<8x80xi32, #tpu.memory_space<vmem>>
      %dma_wait3A_119 = arith.constant 0 : i32
      %dma_wait3A_120 = tpu.memref_slice %arg4[%arg1, %mul3A_114, %dma_wait3A_119] : memref<16x128x80xi32, #tpu.memory_space<hbm>> -> memref<1x8x80xi32, #tpu.memory_space<hbm>>
      %dma_wait3A_121 = tpu.memref_squeeze %dma_wait3A_120 : memref<1x8x80xi32, #tpu.memory_space<hbm>> -> memref<8x80xi32, #tpu.memory_space<hbm>>
      %dma_wait3A_122 = arith.constant 0 : i32
      %dma_wait3A_123 = arith.constant 0 : i32
      %dma_wait3A_124 = tpu.memref_slice %arg9[%rem3A_96, %dma_wait3A_122, %dma_wait3A_123] : memref<2x8x80xi32, #tpu.memory_space<vmem>> -> memref<1x8x80xi32, #tpu.memory_space<vmem>>
      %dma_wait3A_125 = tpu.memref_squeeze %dma_wait3A_124 : memref<1x8x80xi32, #tpu.memory_space<vmem>> -> memref<8x80xi32, #tpu.memory_space<vmem>>
      %dma_wait3A_126 = arith.constant 0 : i32
      %dma_wait3A_127 = tpu.memref_slice %arg4[%arg1, %mul3A_114, %dma_wait3A_126] : memref<16x128x80xi32, #tpu.memory_space<hbm>> -> memref<1x8x80xi32, #tpu.memory_space<hbm>>
      %dma_wait3A_128 = tpu.memref_squeeze %dma_wait3A_127 : memref<1x8x80xi32, #tpu.memory_space<hbm>> -> memref<8x80xi32, #tpu.memory_space<hbm>>
      tpu.wait_dma2 semaphore(%arg22 : memref<!tpu.dma_semaphore, #tpu.memory_space<semaphore_mem>>) src(%dma_wait3A_128 : memref<8x80xi32, #tpu.memory_space<hbm>>) dst(%dma_wait3A_125 : memref<8x80xi32, #tpu.memory_space<vmem>>)
      %add3A_129 = arith.constant 1 : i32
      %add3A_130 = arith.addi %scan3A_94, %add3A_129 : i32
      %lt3A = arith.constant 16 : i32
      %lt3A_131 = arith.cmpi slt, %add3A_130, %lt3A : i32
      %convert_element_type3A = arith.extui %lt3A_131 : i1 to i32
      %cond3A = arith.constant 0 : i32
      %cond3A_132 = arith.cmpi ne, %convert_element_type3A, %cond3A : i32
      scf.if %cond3A_132 {
        %add3A_455 = arith.constant 1 : i32
        %add3A_456 = arith.addi %scan3A_94, %add3A_455 : i32
        %sub3A = arith.constant 1 : i32
        %sub3A_457 = arith.subi %sub3A, %rem3A_96 : i32
        %mul3A_458 = arith.constant 8 : i32
        %mul3A_459 = arith.muli %add3A_456, %mul3A_458 : i32
        %dma_start3A_460 = arith.constant 0 : i32
        %dma_start3A_461 = arith.constant 0 : i32
        %dma_start3A_462 = tpu.memref_slice %arg8[%sub3A_457, %dma_start3A_460, %dma_start3A_461] : memref<2x8x80xi32, #tpu.memory_space<vmem>> -> memref<1x8x80xi32, #tpu.memory_space<vmem>>
        %dma_start3A_463 = tpu.memref_squeeze %dma_start3A_462 : memref<1x8x80xi32, #tpu.memory_space<vmem>> -> memref<8x80xi32, #tpu.memory_space<vmem>>
        %dma_start3A_464 = arith.constant 0 : i32
        %dma_start3A_465 = tpu.memref_slice %arg3[%arg1, %mul3A_459, %dma_start3A_464] : memref<16x128x80xi32, #tpu.memory_space<hbm>> -> memref<1x8x80xi32, #tpu.memory_space<hbm>>
        %dma_start3A_466 = tpu.memref_squeeze %dma_start3A_465 : memref<1x8x80xi32, #tpu.memory_space<hbm>> -> memref<8x80xi32, #tpu.memory_space<hbm>>
        %dma_start3A_467 = arith.constant 0 : i32
        %dma_start3A_468 = arith.constant 0 : i32
        %dma_start3A_469 = tpu.memref_slice %arg8[%sub3A_457, %dma_start3A_467, %dma_start3A_468] : memref<2x8x80xi32, #tpu.memory_space<vmem>> -> memref<1x8x80xi32, #tpu.memory_space<vmem>>
        %dma_start3A_470 = tpu.memref_squeeze %dma_start3A_469 : memref<1x8x80xi32, #tpu.memory_space<vmem>> -> memref<8x80xi32, #tpu.memory_space<vmem>>
        %dma_start3A_471 = arith.constant 0 : i32
        %dma_start3A_472 = tpu.memref_slice %arg3[%arg1, %mul3A_459, %dma_start3A_471] : memref<16x128x80xi32, #tpu.memory_space<hbm>> -> memref<1x8x80xi32, #tpu.memory_space<hbm>>
        %dma_start3A_473 = tpu.memref_squeeze %dma_start3A_472 : memref<1x8x80xi32, #tpu.memory_space<hbm>> -> memref<8x80xi32, #tpu.memory_space<hbm>>
        tpu.enqueue_dma source(%dma_start3A_473 : memref<8x80xi32, #tpu.memory_space<hbm>>) target(%dma_start3A_470 : memref<8x80xi32, #tpu.memory_space<vmem>>) target_semaphore(%arg22 : memref<!tpu.dma_semaphore, #tpu.memory_space<semaphore_mem>>)
        %mul3A_474 = arith.constant 8 : i32
        %mul3A_475 = arith.muli %add3A_456, %mul3A_474 : i32
        %dma_start3A_476 = arith.constant 0 : i32
        %dma_start3A_477 = arith.constant 0 : i32
        %dma_start3A_478 = tpu.memref_slice %arg9[%sub3A_457, %dma_start3A_476, %dma_start3A_477] : memref<2x8x80xi32, #tpu.memory_space<vmem>> -> memref<1x8x80xi32, #tpu.memory_space<vmem>>
        %dma_start3A_479 = tpu.memref_squeeze %dma_start3A_478 : memref<1x8x80xi32, #tpu.memory_space<vmem>> -> memref<8x80xi32, #tpu.memory_space<vmem>>
        %dma_start3A_480 = arith.constant 0 : i32
        %dma_start3A_481 = tpu.memref_slice %arg4[%arg1, %mul3A_475, %dma_start3A_480] : memref<16x128x80xi32, #tpu.memory_space<hbm>> -> memref<1x8x80xi32, #tpu.memory_space<hbm>>
        %dma_start3A_482 = tpu.memref_squeeze %dma_start3A_481 : memref<1x8x80xi32, #tpu.memory_space<hbm>> -> memref<8x80xi32, #tpu.memory_space<hbm>>
        %dma_start3A_483 = arith.constant 0 : i32
        %dma_start3A_484 = arith.constant 0 : i32
        %dma_start3A_485 = tpu.memref_slice %arg9[%sub3A_457, %dma_start3A_483, %dma_start3A_484] : memref<2x8x80xi32, #tpu.memory_space<vmem>> -> memref<1x8x80xi32, #tpu.memory_space<vmem>>
        %dma_start3A_486 = tpu.memref_squeeze %dma_start3A_485 : memref<1x8x80xi32, #tpu.memory_space<vmem>> -> memref<8x80xi32, #tpu.memory_space<vmem>>
        %dma_start3A_487 = arith.constant 0 : i32
        %dma_start3A_488 = tpu.memref_slice %arg4[%arg1, %mul3A_475, %dma_start3A_487] : memref<16x128x80xi32, #tpu.memory_space<hbm>> -> memref<1x8x80xi32, #tpu.memory_space<hbm>>
        %dma_start3A_489 = tpu.memref_squeeze %dma_start3A_488 : memref<1x8x80xi32, #tpu.memory_space<hbm>> -> memref<8x80xi32, #tpu.memory_space<hbm>>
        tpu.enqueue_dma source(%dma_start3A_489 : memref<8x80xi32, #tpu.memory_space<hbm>>) target(%dma_start3A_486 : memref<8x80xi32, #tpu.memory_space<vmem>>) target_semaphore(%arg22 : memref<!tpu.dma_semaphore, #tpu.memory_space<semaphore_mem>>)
      } else {
      }
      %scan3A_133 = arith.constant 0 : i32
      %scan3A_134 = arith.constant 0 : i32
      %scan3A_135 = arith.constant 8 : i32
      %scan3A_136 = arith.addi %scan3A_134, %scan3A_135 : i32
      %scan3A_137 = arith.constant 1 : i32
      %scan3A_138 = scf.for %scan3A_455 = %scan3A_134 to %scan3A_136 step %scan3A_137 iter_args(%scan3A_456 = %scan3A_133) -> (i32)  : i32 {
        %get3A = arith.constant 0 : i32
        %get3A_457 = arith.constant 0 : i32
        %get3A_458 = tpu.memref_slice %arg8[%rem3A_96, %get3A, %get3A_457] : memref<2x8x80xi32, #tpu.memory_space<vmem>> -> memref<1x8x80xi32, #tpu.memory_space<vmem>>
        %get3A_459 = tpu.memref_squeeze %get3A_458 : memref<1x8x80xi32, #tpu.memory_space<vmem>> -> memref<8x80xi32, #tpu.memory_space<vmem>>
        %get3A_460 = arith.index_cast %scan3A_455 : i32 to index
        %get3A_461 = arith.constant 0 : index
        %get3A_462 = tpu.vector_load %get3A_459[%get3A_460, %get3A_461] {strides = array<i32>} : memref<8x80xi32, #tpu.memory_space<vmem>>, vector<1x16xi32>,
        %get3A_463 = vector.shape_cast %get3A_462 : vector<1x16xi32> to vector<16xi32>
        %mul3A_464 = arith.constant 2 : i32
        %mul3A_465 = vector.broadcast %mul3A_464 : i32 to vector<16xi32>
        %mul3A_466 = arith.muli %get3A_463, %mul3A_465 : vector<16xi32>
        %add3A_467 = vector.broadcast %arg0 : i32 to vector<16xi32>
        %add3A_468 = arith.addi %mul3A_466, %add3A_467 : vector<16xi32>
        %swap3A = arith.constant 0 : i32
        %swap3A_469 = arith.constant 0 : i32
        %swap3A_470 = tpu.memref_slice %arg8[%rem3A_96, %swap3A, %swap3A_469] : memref<2x8x80xi32, #tpu.memory_space<vmem>> -> memref<1x8x80xi32, #tpu.memory_space<vmem>>
        %swap3A_471 = tpu.memref_squeeze %swap3A_470 : memref<1x8x80xi32, #tpu.memory_space<vmem>> -> memref<8x80xi32, #tpu.memory_space<vmem>>
        %swap3A_472 = arith.index_cast %scan3A_455 : i32 to index
        %swap3A_473 = arith.constant 0 : index
        %swap3A_474 = tpu.vector_load %swap3A_471[%swap3A_472, %swap3A_473] {strides = array<i32>} : memref<8x80xi32, #tpu.memory_space<vmem>>, vector<1x16xi32>,
        %swap3A_475 = vector.shape_cast %swap3A_474 : vector<1x16xi32> to vector<16xi32>
        %swap3A_476 = vector.shape_cast %add3A_468 : vector<16xi32> to vector<1x16xi32>
        tpu.vector_store %swap3A_471[%swap3A_472, %swap3A_473], %swap3A_476 {strides = array<i32>} : memref<8x80xi32, #tpu.memory_space<vmem>>, vector<1x16xi32>,
        %get3A_477 = arith.constant 0 : i32
        %get3A_478 = arith.constant 0 : i32
        %get3A_479 = tpu.memref_slice %arg8[%rem3A_96, %get3A_477, %get3A_478] : memref<2x8x80xi32, #tpu.memory_space<vmem>> -> memref<1x8x80xi32, #tpu.memory_space<vmem>>
        %get3A_480 = tpu.memref_squeeze %get3A_479 : memref<1x8x80xi32, #tpu.memory_space<vmem>> -> memref<8x80xi32, #tpu.memory_space<vmem>>
        %get3A_481 = arith.index_cast %scan3A_455 : i32 to index
        %get3A_482 = arith.constant 16 : index
        %get3A_483 = tpu.vector_load %get3A_480[%get3A_481, %get3A_482] {strides = array<i32>} : memref<8x80xi32, #tpu.memory_space<vmem>>, vector<1x16xi32>,
        %get3A_484 = vector.shape_cast %get3A_483 : vector<1x16xi32> to vector<16xi32>
        %mul3A_485 = arith.constant 2 : i32
        %mul3A_486 = vector.broadcast %mul3A_485 : i32 to vector<16xi32>
        %mul3A_487 = arith.muli %get3A_484, %mul3A_486 : vector<16xi32>
        %add3A_488 = vector.broadcast %arg0 : i32 to vector<16xi32>
        %add3A_489 = arith.addi %mul3A_487, %add3A_488 : vector<16xi32>
        %swap3A_490 = arith.constant 0 : i32
        %swap3A_491 = arith.constant 0 : i32
        %swap3A_492 = tpu.memref_slice %arg8[%rem3A_96, %swap3A_490, %swap3A_491] : memref<2x8x80xi32, #tpu.memory_space<vmem>> -> memref<1x8x80xi32, #tpu.memory_space<vmem>>
        %swap3A_493 = tpu.memref_squeeze %swap3A_492 : memref<1x8x80xi32, #tpu.memory_space<vmem>> -> memref<8x80xi32, #tpu.memory_space<vmem>>
        %swap3A_494 = arith.index_cast %scan3A_455 : i32 to index
        %swap3A_495 = arith.constant 16 : index
        %swap3A_496 = tpu.vector_load %swap3A_493[%swap3A_494, %swap3A_495] {strides = array<i32>} : memref<8x80xi32, #tpu.memory_space<vmem>>, vector<1x16xi32>,
        %swap3A_497 = vector.shape_cast %swap3A_496 : vector<1x16xi32> to vector<16xi32>
        %swap3A_498 = vector.shape_cast %add3A_489 : vector<16xi32> to vector<1x16xi32>
        tpu.vector_store %swap3A_493[%swap3A_494, %swap3A_495], %swap3A_498 {strides = array<i32>} : memref<8x80xi32, #tpu.memory_space<vmem>>, vector<1x16xi32>,
        %get3A_499 = arith.constant 0 : i32
        %get3A_500 = arith.constant 0 : i32
        %get3A_501 = tpu.memref_slice %arg8[%rem3A_96, %get3A_499, %get3A_500] : memref<2x8x80xi32, #tpu.memory_space<vmem>> -> memref<1x8x80xi32, #tpu.memory_space<vmem>>
        %get3A_502 = tpu.memref_squeeze %get3A_501 : memref<1x8x80xi32, #tpu.memory_space<vmem>> -> memref<8x80xi32, #tpu.memory_space<vmem>>
        %get3A_503 = arith.index_cast %scan3A_455 : i32 to index
        %get3A_504 = arith.constant 32 : index
        %get3A_505 = tpu.vector_load %get3A_502[%get3A_503, %get3A_504] {strides = array<i32>} : memref<8x80xi32, #tpu.memory_space<vmem>>, vector<1x16xi32>,
        %get3A_506 = vector.shape_cast %get3A_505 : vector<1x16xi32> to vector<16xi32>
        %mul3A_507 = arith.constant 2 : i32
        %mul3A_508 = vector.broadcast %mul3A_507 : i32 to vector<16xi32>
        %mul3A_509 = arith.muli %get3A_506, %mul3A_508 : vector<16xi32>
        %add3A_510 = vector.broadcast %arg0 : i32 to vector<16xi32>
        %add3A_511 = arith.addi %mul3A_509, %add3A_510 : vector<16xi32>
        %swap3A_512 = arith.constant 0 : i32
        %swap3A_513 = arith.constant 0 : i32
        %swap3A_514 = tpu.memref_slice %arg8[%rem3A_96, %swap3A_512, %swap3A_513] : memref<2x8x80xi32, #tpu.memory_space<vmem>> -> memref<1x8x80xi32, #tpu.memory_space<vmem>>
        %swap3A_515 = tpu.memref_squeeze %swap3A_514 : memref<1x8x80xi32, #tpu.memory_space<vmem>> -> memref<8x80xi32, #tpu.memory_space<vmem>>
        %swap3A_516 = arith.index_cast %scan3A_455 : i32 to index
        %swap3A_517 = arith.constant 32 : index
        %swap3A_518 = tpu.vector_load %swap3A_515[%swap3A_516, %swap3A_517] {strides = array<i32>} : memref<8x80xi32, #tpu.memory_space<vmem>>, vector<1x16xi32>,
        %swap3A_519 = vector.shape_cast %swap3A_518 : vector<1x16xi32> to vector<16xi32>
        %swap3A_520 = vector.shape_cast %add3A_511 : vector<16xi32> to vector<1x16xi32>
        tpu.vector_store %swap3A_515[%swap3A_516, %swap3A_517], %swap3A_520 {strides = array<i32>} : memref<8x80xi32, #tpu.memory_space<vmem>>, vector<1x16xi32>,
        %get3A_521 = arith.constant 0 : i32
        %get3A_522 = arith.constant 0 : i32
        %get3A_523 = tpu.memref_slice %arg8[%rem3A_96, %get3A_521, %get3A_522] : memref<2x8x80xi32, #tpu.memory_space<vmem>> -> memref<1x8x80xi32, #tpu.memory_space<vmem>>
        %get3A_524 = tpu.memref_squeeze %get3A_523 : memref<1x8x80xi32, #tpu.memory_space<vmem>> -> memref<8x80xi32, #tpu.memory_space<vmem>>
        %get3A_525 = arith.index_cast %scan3A_455 : i32 to index
        %get3A_526 = arith.constant 48 : index
        %get3A_527 = tpu.vector_load %get3A_524[%get3A_525, %get3A_526] {strides = array<i32>} : memref<8x80xi32, #tpu.memory_space<vmem>>, vector<1x16xi32>,
        %get3A_528 = vector.shape_cast %get3A_527 : vector<1x16xi32> to vector<16xi32>
        %mul3A_529 = arith.constant 2 : i32
        %mul3A_530 = vector.broadcast %mul3A_529 : i32 to vector<16xi32>
        %mul3A_531 = arith.muli %get3A_528, %mul3A_530 : vector<16xi32>
        %add3A_532 = vector.broadcast %arg0 : i32 to vector<16xi32>
        %add3A_533 = arith.addi %mul3A_531, %add3A_532 : vector<16xi32>
        %swap3A_534 = arith.constant 0 : i32
        %swap3A_535 = arith.constant 0 : i32
        %swap3A_536 = tpu.memref_slice %arg8[%rem3A_96, %swap3A_534, %swap3A_535] : memref<2x8x80xi32, #tpu.memory_space<vmem>> -> memref<1x8x80xi32, #tpu.memory_space<vmem>>
        %swap3A_537 = tpu.memref_squeeze %swap3A_536 : memref<1x8x80xi32, #tpu.memory_space<vmem>> -> memref<8x80xi32, #tpu.memory_space<vmem>>
        %swap3A_538 = arith.index_cast %scan3A_455 : i32 to index
        %swap3A_539 = arith.constant 48 : index
        %swap3A_540 = tpu.vector_load %swap3A_537[%swap3A_538, %swap3A_539] {strides = array<i32>} : memref<8x80xi32, #tpu.memory_space<vmem>>, vector<1x16xi32>,
        %swap3A_541 = vector.shape_cast %swap3A_540 : vector<1x16xi32> to vector<16xi32>
        %swap3A_542 = vector.shape_cast %add3A_533 : vector<16xi32> to vector<1x16xi32>
        tpu.vector_store %swap3A_537[%swap3A_538, %swap3A_539], %swap3A_542 {strides = array<i32>} : memref<8x80xi32, #tpu.memory_space<vmem>>, vector<1x16xi32>,
        %get3A_543 = arith.constant 0 : i32
        %get3A_544 = arith.constant 0 : i32
        %get3A_545 = tpu.memref_slice %arg8[%rem3A_96, %get3A_543, %get3A_544] : memref<2x8x80xi32, #tpu.memory_space<vmem>> -> memref<1x8x80xi32, #tpu.memory_space<vmem>>
        %get3A_546 = tpu.memref_squeeze %get3A_545 : memref<1x8x80xi32, #tpu.memory_space<vmem>> -> memref<8x80xi32, #tpu.memory_space<vmem>>
        %get3A_547 = arith.index_cast %scan3A_455 : i32 to index
        %get3A_548 = arith.constant 64 : index
        %get3A_549 = tpu.vector_load %get3A_546[%get3A_547, %get3A_548] {strides = array<i32>} : memref<8x80xi32, #tpu.memory_space<vmem>>, vector<1x16xi32>,
        %get3A_550 = vector.shape_cast %get3A_549 : vector<1x16xi32> to vector<16xi32>
        %mul3A_551 = arith.constant 2 : i32
        %mul3A_552 = vector.broadcast %mul3A_551 : i32 to vector<16xi32>
        %mul3A_553 = arith.muli %get3A_550, %mul3A_552 : vector<16xi32>
        %add3A_554 = vector.broadcast %arg0 : i32 to vector<16xi32>
        %add3A_555 = arith.addi %mul3A_553, %add3A_554 : vector<16xi32>
        %swap3A_556 = arith.constant 0 : i32
        %swap3A_557 = arith.constant 0 : i32
        %swap3A_558 = tpu.memref_slice %arg8[%rem3A_96, %swap3A_556, %swap3A_557] : memref<2x8x80xi32, #tpu.memory_space<vmem>> -> memref<1x8x80xi32, #tpu.memory_space<vmem>>
        %swap3A_559 = tpu.memref_squeeze %swap3A_558 : memref<1x8x80xi32, #tpu.memory_space<vmem>> -> memref<8x80xi32, #tpu.memory_space<vmem>>
        %swap3A_560 = arith.index_cast %scan3A_455 : i32 to index
        %swap3A_561 = arith.constant 64 : index
        %swap3A_562 = tpu.vector_load %swap3A_559[%swap3A_560, %swap3A_561] {strides = array<i32>} : memref<8x80xi32, #tpu.memory_space<vmem>>, vector<1x16xi32>,
        %swap3A_563 = vector.shape_cast %swap3A_562 : vector<1x16xi32> to vector<16xi32>
        %swap3A_564 = vector.shape_cast %add3A_555 : vector<16xi32> to vector<1x16xi32>
        tpu.vector_store %swap3A_559[%swap3A_560, %swap3A_561], %swap3A_564 {strides = array<i32>} : memref<8x80xi32, #tpu.memory_space<vmem>>, vector<1x16xi32>,
        %scan3A_565 = arith.constant 0 : i32
        scf.yield %scan3A_565 : i32
      }
      %scan3A_139 = arith.constant 8 : i32
      %gt3A = arith.constant 0 : i32
      %gt3A_140 = arith.cmpi sgt, %scan3A_94, %gt3A : i32
      %convert_element_type3A_141 = arith.extui %gt3A_140 : i1 to i32
      %cond3A_142 = arith.constant 0 : i32
      %cond3A_143 = arith.cmpi ne, %convert_element_type3A_141, %cond3A_142 : i32
      scf.if %cond3A_143 {
        %dma_wait3A_455 = arith.constant 0 : i32
        %dma_wait3A_456 = arith.constant 0 : i32
        %dma_wait3A_457 = arith.constant 0 : i32
        %dma_wait3A_458 = tpu.memref_slice %arg9[%rem3A_96, %dma_wait3A_456, %dma_wait3A_457] : memref<2x8x80xi32, #tpu.memory_space<vmem>> -> memref<1x8x80xi32, #tpu.memory_space<vmem>>
        %dma_wait3A_459 = tpu.memref_squeeze %dma_wait3A_458 : memref<1x8x80xi32, #tpu.memory_space<vmem>> -> memref<8x80xi32, #tpu.memory_space<vmem>>
        %dma_wait3A_460 = arith.constant 0 : i32
        %dma_wait3A_461 = tpu.memref_slice %dma_wait3A_459[%dma_wait3A_455, %dma_wait3A_460] : memref<8x80xi32, #tpu.memory_space<vmem>> -> memref<1x80xi32, #tpu.memory_space<vmem>>
        %dma_wait3A_462 = tpu.memref_squeeze %dma_wait3A_461 : memref<1x80xi32, #tpu.memory_space<vmem>> -> memref<80xi32, #tpu.memory_space<vmem>>
        %dma_wait3A_463 = arith.constant 0 : i32
        %dma_wait3A_464 = arith.constant 0 : i32
        %dma_wait3A_465 = tpu.memref_slice %arg7[%dma_wait3A_463, %dma_wait3A_464] : memref<10240x128xf32, #tpu.memory_space<vmem_shared>> -> memref<10240x128xf32, #tpu.memory_space<vmem_shared>>
        tpu.wait_indirect_dma semaphore(%arg18 : memref<!tpu.dma_semaphore, #tpu.memory_space<semaphore_mem>>) src(%arg10 : memref<80x128xf32, #tpu.memory_space<vmem>>) dst(%dma_wait3A_465 : memref<10240x128xf32, #tpu.memory_space<vmem_shared>>)
      } else {
      }
      %dma_start3A_144 = arith.constant 0 : i32
      %dma_start3A_145 = arith.constant 0 : i32
      %dma_start3A_146 = arith.constant 0 : i32
      %dma_start3A_147 = tpu.memref_slice %arg8[%rem3A_96, %dma_start3A_145, %dma_start3A_146] : memref<2x8x80xi32, #tpu.memory_space<vmem>> -> memref<1x8x80xi32, #tpu.memory_space<vmem>>
      %dma_start3A_148 = tpu.memref_squeeze %dma_start3A_147 : memref<1x8x80xi32, #tpu.memory_space<vmem>> -> memref<8x80xi32, #tpu.memory_space<vmem>>
      %dma_start3A_149 = arith.constant 0 : i32
      %dma_start3A_150 = tpu.memref_slice %dma_start3A_148[%dma_start3A_144, %dma_start3A_149] : memref<8x80xi32, #tpu.memory_space<vmem>> -> memref<1x80xi32, #tpu.memory_space<vmem>>
      %dma_start3A_151 = tpu.memref_squeeze %dma_start3A_150 : memref<1x80xi32, #tpu.memory_space<vmem>> -> memref<80xi32, #tpu.memory_space<vmem>>
      %dma_start3A_152 = arith.constant 0 : i32
      %dma_start3A_153 = arith.constant 0 : i32
      %dma_start3A_154 = tpu.memref_slice %arg2[%dma_start3A_152, %dma_start3A_153] : memref<20000x128xf32, #tpu.memory_space<hbm>> -> memref<20000x128xf32, #tpu.memory_space<hbm>>
      tpu.enqueue_indirect_dma source(%dma_start3A_154 : memref<20000x128xf32, #tpu.memory_space<hbm>>) target(%arg10 : memref<80x128xf32, #tpu.memory_space<vmem>>) offsets(%dma_start3A_151 : memref<80xi32, #tpu.memory_space<vmem>>) semaphore(%arg14 : memref<!tpu.dma_semaphore, #tpu.memory_space<semaphore_mem>>)
      %gt3A_155 = arith.constant 0 : i32
      %gt3A_156 = arith.cmpi sgt, %scan3A_94, %gt3A_155 : i32
      %convert_element_type3A_157 = arith.extui %gt3A_156 : i1 to i32
      %cond3A_158 = arith.constant 0 : i32
      %cond3A_159 = arith.cmpi ne, %convert_element_type3A_157, %cond3A_158 : i32
      scf.if %cond3A_159 {
        %dma_wait3A_455 = arith.constant 0 : i32
        %dma_wait3A_456 = arith.constant 0 : i32
        %dma_wait3A_457 = arith.constant 0 : i32
        %dma_wait3A_458 = tpu.memref_slice %arg9[%rem3A_96, %dma_wait3A_456, %dma_wait3A_457] : memref<2x8x80xi32, #tpu.memory_space<vmem>> -> memref<1x8x80xi32, #tpu.memory_space<vmem>>
        %dma_wait3A_459 = tpu.memref_squeeze %dma_wait3A_458 : memref<1x8x80xi32, #tpu.memory_space<vmem>> -> memref<8x80xi32, #tpu.memory_space<vmem>>
        %dma_wait3A_460 = arith.constant 0 : i32
        %dma_wait3A_461 = tpu.memref_slice %dma_wait3A_459[%dma_wait3A_455, %dma_wait3A_460] : memref<8x80xi32, #tpu.memory_space<vmem>> -> memref<1x80xi32, #tpu.memory_space<vmem>>
        %dma_wait3A_462 = tpu.memref_squeeze %dma_wait3A_461 : memref<1x80xi32, #tpu.memory_space<vmem>> -> memref<80xi32, #tpu.memory_space<vmem>>
        %dma_wait3A_463 = arith.constant 0 : i32
        %dma_wait3A_464 = arith.constant 0 : i32
        %dma_wait3A_465 = tpu.memref_slice %arg7[%dma_wait3A_463, %dma_wait3A_464] : memref<10240x128xf32, #tpu.memory_space<vmem_shared>> -> memref<10240x128xf32, #tpu.memory_space<vmem_shared>>
        tpu.wait_indirect_dma semaphore(%arg19 : memref<!tpu.dma_semaphore, #tpu.memory_space<semaphore_mem>>) src(%arg11 : memref<80x128xf32, #tpu.memory_space<vmem>>) dst(%dma_wait3A_465 : memref<10240x128xf32, #tpu.memory_space<vmem_shared>>)
      } else {
      }
      %dma_start3A_160 = arith.constant 1 : i32
      %dma_start3A_161 = arith.constant 0 : i32
      %dma_start3A_162 = arith.constant 0 : i32
      %dma_start3A_163 = tpu.memref_slice %arg8[%rem3A_96, %dma_start3A_161, %dma_start3A_162] : memref<2x8x80xi32, #tpu.memory_space<vmem>> -> memref<1x8x80xi32, #tpu.memory_space<vmem>>
      %dma_start3A_164 = tpu.memref_squeeze %dma_start3A_163 : memref<1x8x80xi32, #tpu.memory_space<vmem>> -> memref<8x80xi32, #tpu.memory_space<vmem>>
      %dma_start3A_165 = arith.constant 0 : i32
      %dma_start3A_166 = tpu.memref_slice %dma_start3A_164[%dma_start3A_160, %dma_start3A_165] : memref<8x80xi32, #tpu.memory_space<vmem>> -> memref<1x80xi32, #tpu.memory_space<vmem>>
      %dma_start3A_167 = tpu.memref_squeeze %dma_start3A_166 : memref<1x80xi32, #tpu.memory_space<vmem>> -> memref<80xi32, #tpu.memory_space<vmem>>
      %dma_start3A_168 = arith.constant 0 : i32
      %dma_start3A_169 = arith.constant 0 : i32
      %dma_start3A_170 = tpu.memref_slice %arg2[%dma_start3A_168, %dma_start3A_169] : memref<20000x128xf32, #tpu.memory_space<hbm>> -> memref<20000x128xf32, #tpu.memory_space<hbm>>
      tpu.enqueue_indirect_dma source(%dma_start3A_170 : memref<20000x128xf32, #tpu.memory_space<hbm>>) target(%arg11 : memref<80x128xf32, #tpu.memory_space<vmem>>) offsets(%dma_start3A_167 : memref<80xi32, #tpu.memory_space<vmem>>) semaphore(%arg15 : memref<!tpu.dma_semaphore, #tpu.memory_space<semaphore_mem>>)
      %dma_wait3A_171 = arith.constant 0 : i32
      %dma_wait3A_172 = arith.constant 0 : i32
      %dma_wait3A_173 = arith.constant 0 : i32
      %dma_wait3A_174 = tpu.memref_slice %arg8[%rem3A_96, %dma_wait3A_172, %dma_wait3A_173] : memref<2x8x80xi32, #tpu.memory_space<vmem>> -> memref<1x8x80xi32, #tpu.memory_space<vmem>>
      %dma_wait3A_175 = tpu.memref_squeeze %dma_wait3A_174 : memref<1x8x80xi32, #tpu.memory_space<vmem>> -> memref<8x80xi32, #tpu.memory_space<vmem>>
      %dma_wait3A_176 = arith.constant 0 : i32
      %dma_wait3A_177 = tpu.memref_slice %dma_wait3A_175[%dma_wait3A_171, %dma_wait3A_176] : memref<8x80xi32, #tpu.memory_space<vmem>> -> memref<1x80xi32, #tpu.memory_space<vmem>>
      %dma_wait3A_178 = tpu.memref_squeeze %dma_wait3A_177 : memref<1x80xi32, #tpu.memory_space<vmem>> -> memref<80xi32, #tpu.memory_space<vmem>>
      %dma_wait3A_179 = arith.constant 0 : i32
      %dma_wait3A_180 = arith.constant 0 : i32
      %dma_wait3A_181 = tpu.memref_slice %arg2[%dma_wait3A_179, %dma_wait3A_180] : memref<20000x128xf32, #tpu.memory_space<hbm>> -> memref<20000x128xf32, #tpu.memory_space<hbm>>
      tpu.wait_indirect_dma semaphore(%arg14 : memref<!tpu.dma_semaphore, #tpu.memory_space<semaphore_mem>>) src(%dma_wait3A_181 : memref<20000x128xf32, #tpu.memory_space<hbm>>) dst(%arg10 : memref<80x128xf32, #tpu.memory_space<vmem>>)
      %dma_start3A_182 = arith.constant 0 : i32
      %dma_start3A_183 = arith.constant 0 : i32
      %dma_start3A_184 = arith.constant 0 : i32
      %dma_start3A_185 = tpu.memref_slice %arg9[%rem3A_96, %dma_start3A_183, %dma_start3A_184] : memref<2x8x80xi32, #tpu.memory_space<vmem>> -> memref<1x8x80xi32, #tpu.memory_space<vmem>>
      %dma_start3A_186 = tpu.memref_squeeze %dma_start3A_185 : memref<1x8x80xi32, #tpu.memory_space<vmem>> -> memref<8x80xi32, #tpu.memory_space<vmem>>
      %dma_start3A_187 = arith.constant 0 : i32
      %dma_start3A_188 = tpu.memref_slice %dma_start3A_186[%dma_start3A_182, %dma_start3A_187] : memref<8x80xi32, #tpu.memory_space<vmem>> -> memref<1x80xi32, #tpu.memory_space<vmem>>
      %dma_start3A_189 = tpu.memref_squeeze %dma_start3A_188 : memref<1x80xi32, #tpu.memory_space<vmem>> -> memref<80xi32, #tpu.memory_space<vmem>>
      %dma_start3A_190 = arith.constant 0 : i32
      %dma_start3A_191 = arith.constant 0 : i32
      %dma_start3A_192 = tpu.memref_slice %arg7[%dma_start3A_190, %dma_start3A_191] : memref<10240x128xf32, #tpu.memory_space<vmem_shared>> -> memref<10240x128xf32, #tpu.memory_space<vmem_shared>>
      tpu.enqueue_indirect_dma source(%arg10 : memref<80x128xf32, #tpu.memory_space<vmem>>) target(%dma_start3A_192 : memref<10240x128xf32, #tpu.memory_space<vmem_shared>>) offsets(%dma_start3A_189 : memref<80xi32, #tpu.memory_space<vmem>>) semaphore(%arg18 : memref<!tpu.dma_semaphore, #tpu.memory_space<semaphore_mem>>) {add = true}
      %gt3A_193 = arith.constant 0 : i32
      %gt3A_194 = arith.cmpi sgt, %scan3A_94, %gt3A_193 : i32
      %or3A = arith.constant false
      %or3A_195 = arith.ori %gt3A_194, %or3A : i1
      %convert_element_type3A_196 = arith.extui %or3A_195 : i1 to i32
      %cond3A_197 = arith.constant 0 : i32
      %cond3A_198 = arith.cmpi ne, %convert_element_type3A_196, %cond3A_197 : i32
      scf.if %cond3A_198 {
        %dma_wait3A_455 = arith.constant 0 : i32
        %dma_wait3A_456 = arith.constant 0 : i32
        %dma_wait3A_457 = arith.constant 0 : i32
        %dma_wait3A_458 = tpu.memref_slice %arg9[%rem3A_96, %dma_wait3A_456, %dma_wait3A_457] : memref<2x8x80xi32, #tpu.memory_space<vmem>> -> memref<1x8x80xi32, #tpu.memory_space<vmem>>
        %dma_wait3A_459 = tpu.memref_squeeze %dma_wait3A_458 : memref<1x8x80xi32, #tpu.memory_space<vmem>> -> memref<8x80xi32, #tpu.memory_space<vmem>>
        %dma_wait3A_460 = arith.constant 0 : i32
        %dma_wait3A_461 = tpu.memref_slice %dma_wait3A_459[%dma_wait3A_455, %dma_wait3A_460] : memref<8x80xi32, #tpu.memory_space<vmem>> -> memref<1x80xi32, #tpu.memory_space<vmem>>
        %dma_wait3A_462 = tpu.memref_squeeze %dma_wait3A_461 : memref<1x80xi32, #tpu.memory_space<vmem>> -> memref<80xi32, #tpu.memory_space<vmem>>
        %dma_wait3A_463 = arith.constant 0 : i32
        %dma_wait3A_464 = arith.constant 0 : i32
        %dma_wait3A_465 = tpu.memref_slice %arg7[%dma_wait3A_463, %dma_wait3A_464] : memref<10240x128xf32, #tpu.memory_space<vmem_shared>> -> memref<10240x128xf32, #tpu.memory_space<vmem_shared>>
        tpu.wait_indirect_dma semaphore(%arg20 : memref<!tpu.dma_semaphore, #tpu.memory_space<semaphore_mem>>) src(%arg12 : memref<80x128xf32, #tpu.memory_space<vmem>>) dst(%dma_wait3A_465 : memref<10240x128xf32, #tpu.memory_space<vmem_shared>>)
      } else {
      }
      %dma_start3A_199 = arith.constant 2 : i32
      %dma_start3A_200 = arith.constant 0 : i32
      %dma_start3A_201 = arith.constant 0 : i32
      %dma_start3A_202 = tpu.memref_slice %arg8[%rem3A_96, %dma_start3A_200, %dma_start3A_201] : memref<2x8x80xi32, #tpu.memory_space<vmem>> -> memref<1x8x80xi32, #tpu.memory_space<vmem>>
      %dma_start3A_203 = tpu.memref_squeeze %dma_start3A_202 : memref<1x8x80xi32, #tpu.memory_space<vmem>> -> memref<8x80xi32, #tpu.memory_space<vmem>>
      %dma_start3A_204 = arith.constant 0 : i32
      %dma_start3A_205 = tpu.memref_slice %dma_start3A_203[%dma_start3A_199, %dma_start3A_204] : memref<8x80xi32, #tpu.memory_space<vmem>> -> memref<1x80xi32, #tpu.memory_space<vmem>>
      %dma_start3A_206 = tpu.memref_squeeze %dma_start3A_205 : memref<1x80xi32, #tpu.memory_space<vmem>> -> memref<80xi32, #tpu.memory_space<vmem>>
      %dma_start3A_207 = arith.constant 0 : i32
      %dma_start3A_208 = arith.constant 0 : i32
      %dma_start3A_209 = tpu.memref_slice %arg2[%dma_start3A_207, %dma_start3A_208] : memref<20000x128xf32, #tpu.memory_space<hbm>> -> memref<20000x128xf32, #tpu.memory_space<hbm>>
      tpu.enqueue_indirect_dma source(%dma_start3A_209 : memref<20000x128xf32, #tpu.memory_space<hbm>>) target(%arg12 : memref<80x128xf32, #tpu.memory_space<vmem>>) offsets(%dma_start3A_206 : memref<80xi32, #tpu.memory_space<vmem>>) semaphore(%arg16 : memref<!tpu.dma_semaphore, #tpu.memory_space<semaphore_mem>>)
      %dma_wait3A_210 = arith.constant 1 : i32
      %dma_wait3A_211 = arith.constant 0 : i32
      %dma_wait3A_212 = arith.constant 0 : i32
      %dma_wait3A_213 = tpu.memref_slice %arg8[%rem3A_96, %dma_wait3A_211, %dma_wait3A_212] : memref<2x8x80xi32, #tpu.memory_space<vmem>> -> memref<1x8x80xi32, #tpu.memory_space<vmem>>
      %dma_wait3A_214 = tpu.memref_squeeze %dma_wait3A_213 : memref<1x8x80xi32, #tpu.memory_space<vmem>> -> memref<8x80xi32, #tpu.memory_space<vmem>>
      %dma_wait3A_215 = arith.constant 0 : i32
      %dma_wait3A_216 = tpu.memref_slice %dma_wait3A_214[%dma_wait3A_210, %dma_wait3A_215] : memref<8x80xi32, #tpu.memory_space<vmem>> -> memref<1x80xi32, #tpu.memory_space<vmem>>
      %dma_wait3A_217 = tpu.memref_squeeze %dma_wait3A_216 : memref<1x80xi32, #tpu.memory_space<vmem>> -> memref<80xi32, #tpu.memory_space<vmem>>
      %dma_wait3A_218 = arith.constant 0 : i32
      %dma_wait3A_219 = arith.constant 0 : i32
      %dma_wait3A_220 = tpu.memref_slice %arg2[%dma_wait3A_218, %dma_wait3A_219] : memref<20000x128xf32, #tpu.memory_space<hbm>> -> memref<20000x128xf32, #tpu.memory_space<hbm>>
      tpu.wait_indirect_dma semaphore(%arg15 : memref<!tpu.dma_semaphore, #tpu.memory_space<semaphore_mem>>) src(%dma_wait3A_220 : memref<20000x128xf32, #tpu.memory_space<hbm>>) dst(%arg11 : memref<80x128xf32, #tpu.memory_space<vmem>>)
      %dma_start3A_221 = arith.constant 1 : i32
      %dma_start3A_222 = arith.constant 0 : i32
      %dma_start3A_223 = arith.constant 0 : i32
      %dma_start3A_224 = tpu.memref_slice %arg9[%rem3A_96, %dma_start3A_222, %dma_start3A_223] : memref<2x8x80xi32, #tpu.memory_space<vmem>> -> memref<1x8x80xi32, #tpu.memory_space<vmem>>
      %dma_start3A_225 = tpu.memref_squeeze %dma_start3A_224 : memref<1x8x80xi32, #tpu.memory_space<vmem>> -> memref<8x80xi32, #tpu.memory_space<vmem>>
      %dma_start3A_226 = arith.constant 0 : i32
      %dma_start3A_227 = tpu.memref_slice %dma_start3A_225[%dma_start3A_221, %dma_start3A_226] : memref<8x80xi32, #tpu.memory_space<vmem>> -> memref<1x80xi32, #tpu.memory_space<vmem>>
      %dma_start3A_228 = tpu.memref_squeeze %dma_start3A_227 : memref<1x80xi32, #tpu.memory_space<vmem>> -> memref<80xi32, #tpu.memory_space<vmem>>
      %dma_start3A_229 = arith.constant 0 : i32
      %dma_start3A_230 = arith.constant 0 : i32
      %dma_start3A_231 = tpu.memref_slice %arg7[%dma_start3A_229, %dma_start3A_230] : memref<10240x128xf32, #tpu.memory_space<vmem_shared>> -> memref<10240x128xf32, #tpu.memory_space<vmem_shared>>
      tpu.enqueue_indirect_dma source(%arg11 : memref<80x128xf32, #tpu.memory_space<vmem>>) target(%dma_start3A_231 : memref<10240x128xf32, #tpu.memory_space<vmem_shared>>) offsets(%dma_start3A_228 : memref<80xi32, #tpu.memory_space<vmem>>) semaphore(%arg19 : memref<!tpu.dma_semaphore, #tpu.memory_space<semaphore_mem>>) {add = true}
      %gt3A_232 = arith.constant 0 : i32
      %gt3A_233 = arith.cmpi sgt, %scan3A_94, %gt3A_232 : i32
      %or3A_234 = arith.constant false
      %or3A_235 = arith.ori %gt3A_233, %or3A_234 : i1
      %convert_element_type3A_236 = arith.extui %or3A_235 : i1 to i32
      %cond3A_237 = arith.constant 0 : i32
      %cond3A_238 = arith.cmpi ne, %convert_element_type3A_236, %cond3A_237 : i32
      scf.if %cond3A_238 {
        %dma_wait3A_455 = arith.constant 0 : i32
        %dma_wait3A_456 = arith.constant 0 : i32
        %dma_wait3A_457 = arith.constant 0 : i32
        %dma_wait3A_458 = tpu.memref_slice %arg9[%rem3A_96, %dma_wait3A_456, %dma_wait3A_457] : memref<2x8x80xi32, #tpu.memory_space<vmem>> -> memref<1x8x80xi32, #tpu.memory_space<vmem>>
        %dma_wait3A_459 = tpu.memref_squeeze %dma_wait3A_458 : memref<1x8x80xi32, #tpu.memory_space<vmem>> -> memref<8x80xi32, #tpu.memory_space<vmem>>
        %dma_wait3A_460 = arith.constant 0 : i32
        %dma_wait3A_461 = tpu.memref_slice %dma_wait3A_459[%dma_wait3A_455, %dma_wait3A_460] : memref<8x80xi32, #tpu.memory_space<vmem>> -> memref<1x80xi32, #tpu.memory_space<vmem>>
        %dma_wait3A_462 = tpu.memref_squeeze %dma_wait3A_461 : memref<1x80xi32, #tpu.memory_space<vmem>> -> memref<80xi32, #tpu.memory_space<vmem>>
        %dma_wait3A_463 = arith.constant 0 : i32
        %dma_wait3A_464 = arith.constant 0 : i32
        %dma_wait3A_465 = tpu.memref_slice %arg7[%dma_wait3A_463, %dma_wait3A_464] : memref<10240x128xf32, #tpu.memory_space<vmem_shared>> -> memref<10240x128xf32, #tpu.memory_space<vmem_shared>>
        tpu.wait_indirect_dma semaphore(%arg21 : memref<!tpu.dma_semaphore, #tpu.memory_space<semaphore_mem>>) src(%arg13 : memref<80x128xf32, #tpu.memory_space<vmem>>) dst(%dma_wait3A_465 : memref<10240x128xf32, #tpu.memory_space<vmem_shared>>)
      } else {
      }
      %dma_start3A_239 = arith.constant 3 : i32
      %dma_start3A_240 = arith.constant 0 : i32
      %dma_start3A_241 = arith.constant 0 : i32
      %dma_start3A_242 = tpu.memref_slice %arg8[%rem3A_96, %dma_start3A_240, %dma_start3A_241] : memref<2x8x80xi32, #tpu.memory_space<vmem>> -> memref<1x8x80xi32, #tpu.memory_space<vmem>>
      %dma_start3A_243 = tpu.memref_squeeze %dma_start3A_242 : memref<1x8x80xi32, #tpu.memory_space<vmem>> -> memref<8x80xi32, #tpu.memory_space<vmem>>
      %dma_start3A_244 = arith.constant 0 : i32
      %dma_start3A_245 = tpu.memref_slice %dma_start3A_243[%dma_start3A_239, %dma_start3A_244] : memref<8x80xi32, #tpu.memory_space<vmem>> -> memref<1x80xi32, #tpu.memory_space<vmem>>
      %dma_start3A_246 = tpu.memref_squeeze %dma_start3A_245 : memref<1x80xi32, #tpu.memory_space<vmem>> -> memref<80xi32, #tpu.memory_space<vmem>>
      %dma_start3A_247 = arith.constant 0 : i32
      %dma_start3A_248 = arith.constant 0 : i32
      %dma_start3A_249 = tpu.memref_slice %arg2[%dma_start3A_247, %dma_start3A_248] : memref<20000x128xf32, #tpu.memory_space<hbm>> -> memref<20000x128xf32, #tpu.memory_space<hbm>>
      tpu.enqueue_indirect_dma source(%dma_start3A_249 : memref<20000x128xf32, #tpu.memory_space<hbm>>) target(%arg13 : memref<80x128xf32, #tpu.memory_space<vmem>>) offsets(%dma_start3A_246 : memref<80xi32, #tpu.memory_space<vmem>>) semaphore(%arg17 : memref<!tpu.dma_semaphore, #tpu.memory_space<semaphore_mem>>)
      %dma_wait3A_250 = arith.constant 2 : i32
      %dma_wait3A_251 = arith.constant 0 : i32
      %dma_wait3A_252 = arith.constant 0 : i32
      %dma_wait3A_253 = tpu.memref_slice %arg8[%rem3A_96, %dma_wait3A_251, %dma_wait3A_252] : memref<2x8x80xi32, #tpu.memory_space<vmem>> -> memref<1x8x80xi32, #tpu.memory_space<vmem>>
      %dma_wait3A_254 = tpu.memref_squeeze %dma_wait3A_253 : memref<1x8x80xi32, #tpu.memory_space<vmem>> -> memref<8x80xi32, #tpu.memory_space<vmem>>
      %dma_wait3A_255 = arith.constant 0 : i32
      %dma_wait3A_256 = tpu.memref_slice %dma_wait3A_254[%dma_wait3A_250, %dma_wait3A_255] : memref<8x80xi32, #tpu.memory_space<vmem>> -> memref<1x80xi32, #tpu.memory_space<vmem>>
      %dma_wait3A_257 = tpu.memref_squeeze %dma_wait3A_256 : memref<1x80xi32, #tpu.memory_space<vmem>> -> memref<80xi32, #tpu.memory_space<vmem>>
      %dma_wait3A_258 = arith.constant 0 : i32
      %dma_wait3A_259 = arith.constant 0 : i32
      %dma_wait3A_260 = tpu.memref_slice %arg2[%dma_wait3A_258, %dma_wait3A_259] : memref<20000x128xf32, #tpu.memory_space<hbm>> -> memref<20000x128xf32, #tpu.memory_space<hbm>>
      tpu.wait_indirect_dma semaphore(%arg16 : memref<!tpu.dma_semaphore, #tpu.memory_space<semaphore_mem>>) src(%dma_wait3A_260 : memref<20000x128xf32, #tpu.memory_space<hbm>>) dst(%arg12 : memref<80x128xf32, #tpu.memory_space<vmem>>)
      %dma_start3A_261 = arith.constant 2 : i32
      %dma_start3A_262 = arith.constant 0 : i32
      %dma_start3A_263 = arith.constant 0 : i32
      %dma_start3A_264 = tpu.memref_slice %arg9[%rem3A_96, %dma_start3A_262, %dma_start3A_263] : memref<2x8x80xi32, #tpu.memory_space<vmem>> -> memref<1x8x80xi32, #tpu.memory_space<vmem>>
      %dma_start3A_265 = tpu.memref_squeeze %dma_start3A_264 : memref<1x8x80xi32, #tpu.memory_space<vmem>> -> memref<8x80xi32, #tpu.memory_space<vmem>>
      %dma_start3A_266 = arith.constant 0 : i32
      %dma_start3A_267 = tpu.memref_slice %dma_start3A_265[%dma_start3A_261, %dma_start3A_266] : memref<8x80xi32, #tpu.memory_space<vmem>> -> memref<1x80xi32, #tpu.memory_space<vmem>>
      %dma_start3A_268 = tpu.memref_squeeze %dma_start3A_267 : memref<1x80xi32, #tpu.memory_space<vmem>> -> memref<80xi32, #tpu.memory_space<vmem>>
      %dma_start3A_269 = arith.constant 0 : i32
      %dma_start3A_270 = arith.constant 0 : i32
      %dma_start3A_271 = tpu.memref_slice %arg7[%dma_start3A_269, %dma_start3A_270] : memref<10240x128xf32, #tpu.memory_space<vmem_shared>> -> memref<10240x128xf32, #tpu.memory_space<vmem_shared>>
      tpu.enqueue_indirect_dma source(%arg12 : memref<80x128xf32, #tpu.memory_space<vmem>>) target(%dma_start3A_271 : memref<10240x128xf32, #tpu.memory_space<vmem_shared>>) offsets(%dma_start3A_268 : memref<80xi32, #tpu.memory_space<vmem>>) semaphore(%arg20 : memref<!tpu.dma_semaphore, #tpu.memory_space<semaphore_mem>>) {add = true}
      %gt3A_272 = arith.constant 0 : i32
      %gt3A_273 = arith.cmpi sgt, %scan3A_94, %gt3A_272 : i32
      %or3A_274 = arith.constant true
      %or3A_275 = arith.ori %gt3A_273, %or3A_274 : i1
      %convert_element_type3A_276 = arith.extui %or3A_275 : i1 to i32
      %cond3A_277 = arith.constant 0 : i32
      %cond3A_278 = arith.cmpi ne, %convert_element_type3A_276, %cond3A_277 : i32
      scf.if %cond3A_278 {
        %dma_wait3A_455 = arith.constant 0 : i32
        %dma_wait3A_456 = arith.constant 0 : i32
        %dma_wait3A_457 = arith.constant 0 : i32
        %dma_wait3A_458 = tpu.memref_slice %arg9[%rem3A_96, %dma_wait3A_456, %dma_wait3A_457] : memref<2x8x80xi32, #tpu.memory_space<vmem>> -> memref<1x8x80xi32, #tpu.memory_space<vmem>>
        %dma_wait3A_459 = tpu.memref_squeeze %dma_wait3A_458 : memref<1x8x80xi32, #tpu.memory_space<vmem>> -> memref<8x80xi32, #tpu.memory_space<vmem>>
        %dma_wait3A_460 = arith.constant 0 : i32
        %dma_wait3A_461 = tpu.memref_slice %dma_wait3A_459[%dma_wait3A_455, %dma_wait3A_460] : memref<8x80xi32, #tpu.memory_space<vmem>> -> memref<1x80xi32, #tpu.memory_space<vmem>>
        %dma_wait3A_462 = tpu.memref_squeeze %dma_wait3A_461 : memref<1x80xi32, #tpu.memory_space<vmem>> -> memref<80xi32, #tpu.memory_space<vmem>>
        %dma_wait3A_463 = arith.constant 0 : i32
        %dma_wait3A_464 = arith.constant 0 : i32
        %dma_wait3A_465 = tpu.memref_slice %arg7[%dma_wait3A_463, %dma_wait3A_464] : memref<10240x128xf32, #tpu.memory_space<vmem_shared>> -> memref<10240x128xf32, #tpu.memory_space<vmem_shared>>
        tpu.wait_indirect_dma semaphore(%arg18 : memref<!tpu.dma_semaphore, #tpu.memory_space<semaphore_mem>>) src(%arg10 : memref<80x128xf32, #tpu.memory_space<vmem>>) dst(%dma_wait3A_465 : memref<10240x128xf32, #tpu.memory_space<vmem_shared>>)
      } else {
      }
      %dma_start3A_279 = arith.constant 4 : i32
      %dma_start3A_280 = arith.constant 0 : i32
      %dma_start3A_281 = arith.constant 0 : i32
      %dma_start3A_282 = tpu.memref_slice %arg8[%rem3A_96, %dma_start3A_280, %dma_start3A_281] : memref<2x8x80xi32, #tpu.memory_space<vmem>> -> memref<1x8x80xi32, #tpu.memory_space<vmem>>
      %dma_start3A_283 = tpu.memref_squeeze %dma_start3A_282 : memref<1x8x80xi32, #tpu.memory_space<vmem>> -> memref<8x80xi32, #tpu.memory_space<vmem>>
      %dma_start3A_284 = arith.constant 0 : i32
      %dma_start3A_285 = tpu.memref_slice %dma_start3A_283[%dma_start3A_279, %dma_start3A_284] : memref<8x80xi32, #tpu.memory_space<vmem>> -> memref<1x80xi32, #tpu.memory_space<vmem>>
      %dma_start3A_286 = tpu.memref_squeeze %dma_start3A_285 : memref<1x80xi32, #tpu.memory_space<vmem>> -> memref<80xi32, #tpu.memory_space<vmem>>
      %dma_start3A_287 = arith.constant 0 : i32
      %dma_start3A_288 = arith.constant 0 : i32
      %dma_start3A_289 = tpu.memref_slice %arg2[%dma_start3A_287, %dma_start3A_288] : memref<20000x128xf32, #tpu.memory_space<hbm>> -> memref<20000x128xf32, #tpu.memory_space<hbm>>
      tpu.enqueue_indirect_dma source(%dma_start3A_289 : memref<20000x128xf32, #tpu.memory_space<hbm>>) target(%arg10 : memref<80x128xf32, #tpu.memory_space<vmem>>) offsets(%dma_start3A_286 : memref<80xi32, #tpu.memory_space<vmem>>) semaphore(%arg14 : memref<!tpu.dma_semaphore, #tpu.memory_space<semaphore_mem>>)
      %dma_wait3A_290 = arith.constant 3 : i32
      %dma_wait3A_291 = arith.constant 0 : i32
      %dma_wait3A_292 = arith.constant 0 : i32
      %dma_wait3A_293 = tpu.memref_slice %arg8[%rem3A_96, %dma_wait3A_291, %dma_wait3A_292] : memref<2x8x80xi32, #tpu.memory_space<vmem>> -> memref<1x8x80xi32, #tpu.memory_space<vmem>>
      %dma_wait3A_294 = tpu.memref_squeeze %dma_wait3A_293 : memref<1x8x80xi32, #tpu.memory_space<vmem>> -> memref<8x80xi32, #tpu.memory_space<vmem>>
      %dma_wait3A_295 = arith.constant 0 : i32
      %dma_wait3A_296 = tpu.memref_slice %dma_wait3A_294[%dma_wait3A_290, %dma_wait3A_295] : memref<8x80xi32, #tpu.memory_space<vmem>> -> memref<1x80xi32, #tpu.memory_space<vmem>>
      %dma_wait3A_297 = tpu.memref_squeeze %dma_wait3A_296 : memref<1x80xi32, #tpu.memory_space<vmem>> -> memref<80xi32, #tpu.memory_space<vmem>>
      %dma_wait3A_298 = arith.constant 0 : i32
      %dma_wait3A_299 = arith.constant 0 : i32
      %dma_wait3A_300 = tpu.memref_slice %arg2[%dma_wait3A_298, %dma_wait3A_299] : memref<20000x128xf32, #tpu.memory_space<hbm>> -> memref<20000x128xf32, #tpu.memory_space<hbm>>
      tpu.wait_indirect_dma semaphore(%arg17 : memref<!tpu.dma_semaphore, #tpu.memory_space<semaphore_mem>>) src(%dma_wait3A_300 : memref<20000x128xf32, #tpu.memory_space<hbm>>) dst(%arg13 : memref<80x128xf32, #tpu.memory_space<vmem>>)
      %dma_start3A_301 = arith.constant 3 : i32
      %dma_start3A_302 = arith.constant 0 : i32
      %dma_start3A_303 = arith.constant 0 : i32
      %dma_start3A_304 = tpu.memref_slice %arg9[%rem3A_96, %dma_start3A_302, %dma_start3A_303] : memref<2x8x80xi32, #tpu.memory_space<vmem>> -> memref<1x8x80xi32, #tpu.memory_space<vmem>>
      %dma_start3A_305 = tpu.memref_squeeze %dma_start3A_304 : memref<1x8x80xi32, #tpu.memory_space<vmem>> -> memref<8x80xi32, #tpu.memory_space<vmem>>
      %dma_start3A_306 = arith.constant 0 : i32
      %dma_start3A_307 = tpu.memref_slice %dma_start3A_305[%dma_start3A_301, %dma_start3A_306] : memref<8x80xi32, #tpu.memory_space<vmem>> -> memref<1x80xi32, #tpu.memory_space<vmem>>
      %dma_start3A_308 = tpu.memref_squeeze %dma_start3A_307 : memref<1x80xi32, #tpu.memory_space<vmem>> -> memref<80xi32, #tpu.memory_space<vmem>>
      %dma_start3A_309 = arith.constant 0 : i32
      %dma_start3A_310 = arith.constant 0 : i32
      %dma_start3A_311 = tpu.memref_slice %arg7[%dma_start3A_309, %dma_start3A_310] : memref<10240x128xf32, #tpu.memory_space<vmem_shared>> -> memref<10240x128xf32, #tpu.memory_space<vmem_shared>>
      tpu.enqueue_indirect_dma source(%arg13 : memref<80x128xf32, #tpu.memory_space<vmem>>) target(%dma_start3A_311 : memref<10240x128xf32, #tpu.memory_space<vmem_shared>>) offsets(%dma_start3A_308 : memref<80xi32, #tpu.memory_space<vmem>>) semaphore(%arg21 : memref<!tpu.dma_semaphore, #tpu.memory_space<semaphore_mem>>) {add = true}
      %gt3A_312 = arith.constant 0 : i32
      %gt3A_313 = arith.cmpi sgt, %scan3A_94, %gt3A_312 : i32
      %or3A_314 = arith.constant true
      %or3A_315 = arith.ori %gt3A_313, %or3A_314 : i1
      %convert_element_type3A_316 = arith.extui %or3A_315 : i1 to i32
      %cond3A_317 = arith.constant 0 : i32
      %cond3A_318 = arith.cmpi ne, %convert_element_type3A_316, %cond3A_317 : i32
      scf.if %cond3A_318 {
        %dma_wait3A_455 = arith.constant 0 : i32
        %dma_wait3A_456 = arith.constant 0 : i32
        %dma_wait3A_457 = arith.constant 0 : i32
        %dma_wait3A_458 = tpu.memref_slice %arg9[%rem3A_96, %dma_wait3A_456, %dma_wait3A_457] : memref<2x8x80xi32, #tpu.memory_space<vmem>> -> memref<1x8x80xi32, #tpu.memory_space<vmem>>
        %dma_wait3A_459 = tpu.memref_squeeze %dma_wait3A_458 : memref<1x8x80xi32, #tpu.memory_space<vmem>> -> memref<8x80xi32, #tpu.memory_space<vmem>>
        %dma_wait3A_460 = arith.constant 0 : i32
        %dma_wait3A_461 = tpu.memref_slice %dma_wait3A_459[%dma_wait3A_455, %dma_wait3A_460] : memref<8x80xi32, #tpu.memory_space<vmem>> -> memref<1x80xi32, #tpu.memory_space<vmem>>
        %dma_wait3A_462 = tpu.memref_squeeze %dma_wait3A_461 : memref<1x80xi32, #tpu.memory_space<vmem>> -> memref<80xi32, #tpu.memory_space<vmem>>
        %dma_wait3A_463 = arith.constant 0 : i32
        %dma_wait3A_464 = arith.constant 0 : i32
        %dma_wait3A_465 = tpu.memref_slice %arg7[%dma_wait3A_463, %dma_wait3A_464] : memref<10240x128xf32, #tpu.memory_space<vmem_shared>> -> memref<10240x128xf32, #tpu.memory_space<vmem_shared>>
        tpu.wait_indirect_dma semaphore(%arg19 : memref<!tpu.dma_semaphore, #tpu.memory_space<semaphore_mem>>) src(%arg11 : memref<80x128xf32, #tpu.memory_space<vmem>>) dst(%dma_wait3A_465 : memref<10240x128xf32, #tpu.memory_space<vmem_shared>>)
      } else {
      }
      %dma_start3A_319 = arith.constant 5 : i32
      %dma_start3A_320 = arith.constant 0 : i32
      %dma_start3A_321 = arith.constant 0 : i32
      %dma_start3A_322 = tpu.memref_slice %arg8[%rem3A_96, %dma_start3A_320, %dma_start3A_321] : memref<2x8x80xi32, #tpu.memory_space<vmem>> -> memref<1x8x80xi32, #tpu.memory_space<vmem>>
      %dma_start3A_323 = tpu.memref_squeeze %dma_start3A_322 : memref<1x8x80xi32, #tpu.memory_space<vmem>> -> memref<8x80xi32, #tpu.memory_space<vmem>>
      %dma_start3A_324 = arith.constant 0 : i32
      %dma_start3A_325 = tpu.memref_slice %dma_start3A_323[%dma_start3A_319, %dma_start3A_324] : memref<8x80xi32, #tpu.memory_space<vmem>> -> memref<1x80xi32, #tpu.memory_space<vmem>>
      %dma_start3A_326 = tpu.memref_squeeze %dma_start3A_325 : memref<1x80xi32, #tpu.memory_space<vmem>> -> memref<80xi32, #tpu.memory_space<vmem>>
      %dma_start3A_327 = arith.constant 0 : i32
      %dma_start3A_328 = arith.constant 0 : i32
      %dma_start3A_329 = tpu.memref_slice %arg2[%dma_start3A_327, %dma_start3A_328] : memref<20000x128xf32, #tpu.memory_space<hbm>> -> memref<20000x128xf32, #tpu.memory_space<hbm>>
      tpu.enqueue_indirect_dma source(%dma_start3A_329 : memref<20000x128xf32, #tpu.memory_space<hbm>>) target(%arg11 : memref<80x128xf32, #tpu.memory_space<vmem>>) offsets(%dma_start3A_326 : memref<80xi32, #tpu.memory_space<vmem>>) semaphore(%arg15 : memref<!tpu.dma_semaphore, #tpu.memory_space<semaphore_mem>>)
      %dma_wait3A_330 = arith.constant 4 : i32
      %dma_wait3A_331 = arith.constant 0 : i32
      %dma_wait3A_332 = arith.constant 0 : i32
      %dma_wait3A_333 = tpu.memref_slice %arg8[%rem3A_96, %dma_wait3A_331, %dma_wait3A_332] : memref<2x8x80xi32, #tpu.memory_space<vmem>> -> memref<1x8x80xi32, #tpu.memory_space<vmem>>
      %dma_wait3A_334 = tpu.memref_squeeze %dma_wait3A_333 : memref<1x8x80xi32, #tpu.memory_space<vmem>> -> memref<8x80xi32, #tpu.memory_space<vmem>>
      %dma_wait3A_335 = arith.constant 0 : i32
      %dma_wait3A_336 = tpu.memref_slice %dma_wait3A_334[%dma_wait3A_330, %dma_wait3A_335] : memref<8x80xi32, #tpu.memory_space<vmem>> -> memref<1x80xi32, #tpu.memory_space<vmem>>
      %dma_wait3A_337 = tpu.memref_squeeze %dma_wait3A_336 : memref<1x80xi32, #tpu.memory_space<vmem>> -> memref<80xi32, #tpu.memory_space<vmem>>
      %dma_wait3A_338 = arith.constant 0 : i32
      %dma_wait3A_339 = arith.constant 0 : i32
      %dma_wait3A_340 = tpu.memref_slice %arg2[%dma_wait3A_338, %dma_wait3A_339] : memref<20000x128xf32, #tpu.memory_space<hbm>> -> memref<20000x128xf32, #tpu.memory_space<hbm>>
      tpu.wait_indirect_dma semaphore(%arg14 : memref<!tpu.dma_semaphore, #tpu.memory_space<semaphore_mem>>) src(%dma_wait3A_340 : memref<20000x128xf32, #tpu.memory_space<hbm>>) dst(%arg10 : memref<80x128xf32, #tpu.memory_space<vmem>>)
      %dma_start3A_341 = arith.constant 4 : i32
      %dma_start3A_342 = arith.constant 0 : i32
      %dma_start3A_343 = arith.constant 0 : i32
      %dma_start3A_344 = tpu.memref_slice %arg9[%rem3A_96, %dma_start3A_342, %dma_start3A_343] : memref<2x8x80xi32, #tpu.memory_space<vmem>> -> memref<1x8x80xi32, #tpu.memory_space<vmem>>
      %dma_start3A_345 = tpu.memref_squeeze %dma_start3A_344 : memref<1x8x80xi32, #tpu.memory_space<vmem>> -> memref<8x80xi32, #tpu.memory_space<vmem>>
      %dma_start3A_346 = arith.constant 0 : i32
      %dma_start3A_347 = tpu.memref_slice %dma_start3A_345[%dma_start3A_341, %dma_start3A_346] : memref<8x80xi32, #tpu.memory_space<vmem>> -> memref<1x80xi32, #tpu.memory_space<vmem>>
      %dma_start3A_348 = tpu.memref_squeeze %dma_start3A_347 : memref<1x80xi32, #tpu.memory_space<vmem>> -> memref<80xi32, #tpu.memory_space<vmem>>
      %dma_start3A_349 = arith.constant 0 : i32
      %dma_start3A_350 = arith.constant 0 : i32
      %dma_start3A_351 = tpu.memref_slice %arg7[%dma_start3A_349, %dma_start3A_350] : memref<10240x128xf32, #tpu.memory_space<vmem_shared>> -> memref<10240x128xf32, #tpu.memory_space<vmem_shared>>
      tpu.enqueue_indirect_dma source(%arg10 : memref<80x128xf32, #tpu.memory_space<vmem>>) target(%dma_start3A_351 : memref<10240x128xf32, #tpu.memory_space<vmem_shared>>) offsets(%dma_start3A_348 : memref<80xi32, #tpu.memory_space<vmem>>) semaphore(%arg18 : memref<!tpu.dma_semaphore, #tpu.memory_space<semaphore_mem>>) {add = true}
      %gt3A_352 = arith.constant 0 : i32
      %gt3A_353 = arith.cmpi sgt, %scan3A_94, %gt3A_352 : i32
      %or3A_354 = arith.constant true
      %or3A_355 = arith.ori %gt3A_353, %or3A_354 : i1
      %convert_element_type3A_356 = arith.extui %or3A_355 : i1 to i32
      %cond3A_357 = arith.constant 0 : i32
      %cond3A_358 = arith.cmpi ne, %convert_element_type3A_356, %cond3A_357 : i32
      scf.if %cond3A_358 {
        %dma_wait3A_455 = arith.constant 0 : i32
        %dma_wait3A_456 = arith.constant 0 : i32
        %dma_wait3A_457 = arith.constant 0 : i32
        %dma_wait3A_458 = tpu.memref_slice %arg9[%rem3A_96, %dma_wait3A_456, %dma_wait3A_457] : memref<2x8x80xi32, #tpu.memory_space<vmem>> -> memref<1x8x80xi32, #tpu.memory_space<vmem>>
        %dma_wait3A_459 = tpu.memref_squeeze %dma_wait3A_458 : memref<1x8x80xi32, #tpu.memory_space<vmem>> -> memref<8x80xi32, #tpu.memory_space<vmem>>
        %dma_wait3A_460 = arith.constant 0 : i32
        %dma_wait3A_461 = tpu.memref_slice %dma_wait3A_459[%dma_wait3A_455, %dma_wait3A_460] : memref<8x80xi32, #tpu.memory_space<vmem>> -> memref<1x80xi32, #tpu.memory_space<vmem>>
        %dma_wait3A_462 = tpu.memref_squeeze %dma_wait3A_461 : memref<1x80xi32, #tpu.memory_space<vmem>> -> memref<80xi32, #tpu.memory_space<vmem>>
        %dma_wait3A_463 = arith.constant 0 : i32
        %dma_wait3A_464 = arith.constant 0 : i32
        %dma_wait3A_465 = tpu.memref_slice %arg7[%dma_wait3A_463, %dma_wait3A_464] : memref<10240x128xf32, #tpu.memory_space<vmem_shared>> -> memref<10240x128xf32, #tpu.memory_space<vmem_shared>>
        tpu.wait_indirect_dma semaphore(%arg20 : memref<!tpu.dma_semaphore, #tpu.memory_space<semaphore_mem>>) src(%arg12 : memref<80x128xf32, #tpu.memory_space<vmem>>) dst(%dma_wait3A_465 : memref<10240x128xf32, #tpu.memory_space<vmem_shared>>)
      } else {
      }
      %dma_start3A_359 = arith.constant 6 : i32
      %dma_start3A_360 = arith.constant 0 : i32
      %dma_start3A_361 = arith.constant 0 : i32
      %dma_start3A_362 = tpu.memref_slice %arg8[%rem3A_96, %dma_start3A_360, %dma_start3A_361] : memref<2x8x80xi32, #tpu.memory_space<vmem>> -> memref<1x8x80xi32, #tpu.memory_space<vmem>>
      %dma_start3A_363 = tpu.memref_squeeze %dma_start3A_362 : memref<1x8x80xi32, #tpu.memory_space<vmem>> -> memref<8x80xi32, #tpu.memory_space<vmem>>
      %dma_start3A_364 = arith.constant 0 : i32
      %dma_start3A_365 = tpu.memref_slice %dma_start3A_363[%dma_start3A_359, %dma_start3A_364] : memref<8x80xi32, #tpu.memory_space<vmem>> -> memref<1x80xi32, #tpu.memory_space<vmem>>
      %dma_start3A_366 = tpu.memref_squeeze %dma_start3A_365 : memref<1x80xi32, #tpu.memory_space<vmem>> -> memref<80xi32, #tpu.memory_space<vmem>>
      %dma_start3A_367 = arith.constant 0 : i32
      %dma_start3A_368 = arith.constant 0 : i32
      %dma_start3A_369 = tpu.memref_slice %arg2[%dma_start3A_367, %dma_start3A_368] : memref<20000x128xf32, #tpu.memory_space<hbm>> -> memref<20000x128xf32, #tpu.memory_space<hbm>>
      tpu.enqueue_indirect_dma source(%dma_start3A_369 : memref<20000x128xf32, #tpu.memory_space<hbm>>) target(%arg12 : memref<80x128xf32, #tpu.memory_space<vmem>>) offsets(%dma_start3A_366 : memref<80xi32, #tpu.memory_space<vmem>>) semaphore(%arg16 : memref<!tpu.dma_semaphore, #tpu.memory_space<semaphore_mem>>)
      %dma_wait3A_370 = arith.constant 5 : i32
      %dma_wait3A_371 = arith.constant 0 : i32
      %dma_wait3A_372 = arith.constant 0 : i32
      %dma_wait3A_373 = tpu.memref_slice %arg8[%rem3A_96, %dma_wait3A_371, %dma_wait3A_372] : memref<2x8x80xi32, #tpu.memory_space<vmem>> -> memref<1x8x80xi32, #tpu.memory_space<vmem>>
      %dma_wait3A_374 = tpu.memref_squeeze %dma_wait3A_373 : memref<1x8x80xi32, #tpu.memory_space<vmem>> -> memref<8x80xi32, #tpu.memory_space<vmem>>
      %dma_wait3A_375 = arith.constant 0 : i32
      %dma_wait3A_376 = tpu.memref_slice %dma_wait3A_374[%dma_wait3A_370, %dma_wait3A_375] : memref<8x80xi32, #tpu.memory_space<vmem>> -> memref<1x80xi32, #tpu.memory_space<vmem>>
      %dma_wait3A_377 = tpu.memref_squeeze %dma_wait3A_376 : memref<1x80xi32, #tpu.memory_space<vmem>> -> memref<80xi32, #tpu.memory_space<vmem>>
      %dma_wait3A_378 = arith.constant 0 : i32
      %dma_wait3A_379 = arith.constant 0 : i32
      %dma_wait3A_380 = tpu.memref_slice %arg2[%dma_wait3A_378, %dma_wait3A_379] : memref<20000x128xf32, #tpu.memory_space<hbm>> -> memref<20000x128xf32, #tpu.memory_space<hbm>>
      tpu.wait_indirect_dma semaphore(%arg15 : memref<!tpu.dma_semaphore, #tpu.memory_space<semaphore_mem>>) src(%dma_wait3A_380 : memref<20000x128xf32, #tpu.memory_space<hbm>>) dst(%arg11 : memref<80x128xf32, #tpu.memory_space<vmem>>)
      %dma_start3A_381 = arith.constant 5 : i32
      %dma_start3A_382 = arith.constant 0 : i32
      %dma_start3A_383 = arith.constant 0 : i32
      %dma_start3A_384 = tpu.memref_slice %arg9[%rem3A_96, %dma_start3A_382, %dma_start3A_383] : memref<2x8x80xi32, #tpu.memory_space<vmem>> -> memref<1x8x80xi32, #tpu.memory_space<vmem>>
      %dma_start3A_385 = tpu.memref_squeeze %dma_start3A_384 : memref<1x8x80xi32, #tpu.memory_space<vmem>> -> memref<8x80xi32, #tpu.memory_space<vmem>>
      %dma_start3A_386 = arith.constant 0 : i32
      %dma_start3A_387 = tpu.memref_slice %dma_start3A_385[%dma_start3A_381, %dma_start3A_386] : memref<8x80xi32, #tpu.memory_space<vmem>> -> memref<1x80xi32, #tpu.memory_space<vmem>>
      %dma_start3A_388 = tpu.memref_squeeze %dma_start3A_387 : memref<1x80xi32, #tpu.memory_space<vmem>> -> memref<80xi32, #tpu.memory_space<vmem>>
      %dma_start3A_389 = arith.constant 0 : i32
      %dma_start3A_390 = arith.constant 0 : i32
      %dma_start3A_391 = tpu.memref_slice %arg7[%dma_start3A_389, %dma_start3A_390] : memref<10240x128xf32, #tpu.memory_space<vmem_shared>> -> memref<10240x128xf32, #tpu.memory_space<vmem_shared>>
      tpu.enqueue_indirect_dma source(%arg11 : memref<80x128xf32, #tpu.memory_space<vmem>>) target(%dma_start3A_391 : memref<10240x128xf32, #tpu.memory_space<vmem_shared>>) offsets(%dma_start3A_388 : memref<80xi32, #tpu.memory_space<vmem>>) semaphore(%arg19 : memref<!tpu.dma_semaphore, #tpu.memory_space<semaphore_mem>>) {add = true}
      %gt3A_392 = arith.constant 0 : i32
      %gt3A_393 = arith.cmpi sgt, %scan3A_94, %gt3A_392 : i32
      %or3A_394 = arith.constant true
      %or3A_395 = arith.ori %gt3A_393, %or3A_394 : i1
      %convert_element_type3A_396 = arith.extui %or3A_395 : i1 to i32
      %cond3A_397 = arith.constant 0 : i32
      %cond3A_398 = arith.cmpi ne, %convert_element_type3A_396, %cond3A_397 : i32
      scf.if %cond3A_398 {
        %dma_wait3A_455 = arith.constant 0 : i32
        %dma_wait3A_456 = arith.constant 0 : i32
        %dma_wait3A_457 = arith.constant 0 : i32
        %dma_wait3A_458 = tpu.memref_slice %arg9[%rem3A_96, %dma_wait3A_456, %dma_wait3A_457] : memref<2x8x80xi32, #tpu.memory_space<vmem>> -> memref<1x8x80xi32, #tpu.memory_space<vmem>>
        %dma_wait3A_459 = tpu.memref_squeeze %dma_wait3A_458 : memref<1x8x80xi32, #tpu.memory_space<vmem>> -> memref<8x80xi32, #tpu.memory_space<vmem>>
        %dma_wait3A_460 = arith.constant 0 : i32
        %dma_wait3A_461 = tpu.memref_slice %dma_wait3A_459[%dma_wait3A_455, %dma_wait3A_460] : memref<8x80xi32, #tpu.memory_space<vmem>> -> memref<1x80xi32, #tpu.memory_space<vmem>>
        %dma_wait3A_462 = tpu.memref_squeeze %dma_wait3A_461 : memref<1x80xi32, #tpu.memory_space<vmem>> -> memref<80xi32, #tpu.memory_space<vmem>>
        %dma_wait3A_463 = arith.constant 0 : i32
        %dma_wait3A_464 = arith.constant 0 : i32
        %dma_wait3A_465 = tpu.memref_slice %arg7[%dma_wait3A_463, %dma_wait3A_464] : memref<10240x128xf32, #tpu.memory_space<vmem_shared>> -> memref<10240x128xf32, #tpu.memory_space<vmem_shared>>
        tpu.wait_indirect_dma semaphore(%arg21 : memref<!tpu.dma_semaphore, #tpu.memory_space<semaphore_mem>>) src(%arg13 : memref<80x128xf32, #tpu.memory_space<vmem>>) dst(%dma_wait3A_465 : memref<10240x128xf32, #tpu.memory_space<vmem_shared>>)
      } else {
      }
      %dma_start3A_399 = arith.constant 7 : i32
      %dma_start3A_400 = arith.constant 0 : i32
      %dma_start3A_401 = arith.constant 0 : i32
      %dma_start3A_402 = tpu.memref_slice %arg8[%rem3A_96, %dma_start3A_400, %dma_start3A_401] : memref<2x8x80xi32, #tpu.memory_space<vmem>> -> memref<1x8x80xi32, #tpu.memory_space<vmem>>
      %dma_start3A_403 = tpu.memref_squeeze %dma_start3A_402 : memref<1x8x80xi32, #tpu.memory_space<vmem>> -> memref<8x80xi32, #tpu.memory_space<vmem>>
      %dma_start3A_404 = arith.constant 0 : i32
      %dma_start3A_405 = tpu.memref_slice %dma_start3A_403[%dma_start3A_399, %dma_start3A_404] : memref<8x80xi32, #tpu.memory_space<vmem>> -> memref<1x80xi32, #tpu.memory_space<vmem>>
      %dma_start3A_406 = tpu.memref_squeeze %dma_start3A_405 : memref<1x80xi32, #tpu.memory_space<vmem>> -> memref<80xi32, #tpu.memory_space<vmem>>
      %dma_start3A_407 = arith.constant 0 : i32
      %dma_start3A_408 = arith.constant 0 : i32
      %dma_start3A_409 = tpu.memref_slice %arg2[%dma_start3A_407, %dma_start3A_408] : memref<20000x128xf32, #tpu.memory_space<hbm>> -> memref<20000x128xf32, #tpu.memory_space<hbm>>
      tpu.enqueue_indirect_dma source(%dma_start3A_409 : memref<20000x128xf32, #tpu.memory_space<hbm>>) target(%arg13 : memref<80x128xf32, #tpu.memory_space<vmem>>) offsets(%dma_start3A_406 : memref<80xi32, #tpu.memory_space<vmem>>) semaphore(%arg17 : memref<!tpu.dma_semaphore, #tpu.memory_space<semaphore_mem>>)
      %dma_wait3A_410 = arith.constant 6 : i32
      %dma_wait3A_411 = arith.constant 0 : i32
      %dma_wait3A_412 = arith.constant 0 : i32
      %dma_wait3A_413 = tpu.memref_slice %arg8[%rem3A_96, %dma_wait3A_411, %dma_wait3A_412] : memref<2x8x80xi32, #tpu.memory_space<vmem>> -> memref<1x8x80xi32, #tpu.memory_space<vmem>>
      %dma_wait3A_414 = tpu.memref_squeeze %dma_wait3A_413 : memref<1x8x80xi32, #tpu.memory_space<vmem>> -> memref<8x80xi32, #tpu.memory_space<vmem>>
      %dma_wait3A_415 = arith.constant 0 : i32
      %dma_wait3A_416 = tpu.memref_slice %dma_wait3A_414[%dma_wait3A_410, %dma_wait3A_415] : memref<8x80xi32, #tpu.memory_space<vmem>> -> memref<1x80xi32, #tpu.memory_space<vmem>>
      %dma_wait3A_417 = tpu.memref_squeeze %dma_wait3A_416 : memref<1x80xi32, #tpu.memory_space<vmem>> -> memref<80xi32, #tpu.memory_space<vmem>>
      %dma_wait3A_418 = arith.constant 0 : i32
      %dma_wait3A_419 = arith.constant 0 : i32
      %dma_wait3A_420 = tpu.memref_slice %arg2[%dma_wait3A_418, %dma_wait3A_419] : memref<20000x128xf32, #tpu.memory_space<hbm>> -> memref<20000x128xf32, #tpu.memory_space<hbm>>
      tpu.wait_indirect_dma semaphore(%arg16 : memref<!tpu.dma_semaphore, #tpu.memory_space<semaphore_mem>>) src(%dma_wait3A_420 : memref<20000x128xf32, #tpu.memory_space<hbm>>) dst(%arg12 : memref<80x128xf32, #tpu.memory_space<vmem>>)
      %dma_start3A_421 = arith.constant 6 : i32
      %dma_start3A_422 = arith.constant 0 : i32
      %dma_start3A_423 = arith.constant 0 : i32
      %dma_start3A_424 = tpu.memref_slice %arg9[%rem3A_96, %dma_start3A_422, %dma_start3A_423] : memref<2x8x80xi32, #tpu.memory_space<vmem>> -> memref<1x8x80xi32, #tpu.memory_space<vmem>>
      %dma_start3A_425 = tpu.memref_squeeze %dma_start3A_424 : memref<1x8x80xi32, #tpu.memory_space<vmem>> -> memref<8x80xi32, #tpu.memory_space<vmem>>
      %dma_start3A_426 = arith.constant 0 : i32
      %dma_start3A_427 = tpu.memref_slice %dma_start3A_425[%dma_start3A_421, %dma_start3A_426] : memref<8x80xi32, #tpu.memory_space<vmem>> -> memref<1x80xi32, #tpu.memory_space<vmem>>
      %dma_start3A_428 = tpu.memref_squeeze %dma_start3A_427 : memref<1x80xi32, #tpu.memory_space<vmem>> -> memref<80xi32, #tpu.memory_space<vmem>>
      %dma_start3A_429 = arith.constant 0 : i32
      %dma_start3A_430 = arith.constant 0 : i32
      %dma_start3A_431 = tpu.memref_slice %arg7[%dma_start3A_429, %dma_start3A_430] : memref<10240x128xf32, #tpu.memory_space<vmem_shared>> -> memref<10240x128xf32, #tpu.memory_space<vmem_shared>>
      tpu.enqueue_indirect_dma source(%arg12 : memref<80x128xf32, #tpu.memory_space<vmem>>) target(%dma_start3A_431 : memref<10240x128xf32, #tpu.memory_space<vmem_shared>>) offsets(%dma_start3A_428 : memref<80xi32, #tpu.memory_space<vmem>>) semaphore(%arg20 : memref<!tpu.dma_semaphore, #tpu.memory_space<semaphore_mem>>) {add = true}
      %dma_wait3A_432 = arith.constant 7 : i32
      %dma_wait3A_433 = arith.constant 0 : i32
      %dma_wait3A_434 = arith.constant 0 : i32
      %dma_wait3A_435 = tpu.memref_slice %arg8[%rem3A_96, %dma_wait3A_433, %dma_wait3A_434] : memref<2x8x80xi32, #tpu.memory_space<vmem>> -> memref<1x8x80xi32, #tpu.memory_space<vmem>>
      %dma_wait3A_436 = tpu.memref_squeeze %dma_wait3A_435 : memref<1x8x80xi32, #tpu.memory_space<vmem>> -> memref<8x80xi32, #tpu.memory_space<vmem>>
      %dma_wait3A_437 = arith.constant 0 : i32
      %dma_wait3A_438 = tpu.memref_slice %dma_wait3A_436[%dma_wait3A_432, %dma_wait3A_437] : memref<8x80xi32, #tpu.memory_space<vmem>> -> memref<1x80xi32, #tpu.memory_space<vmem>>
      %dma_wait3A_439 = tpu.memref_squeeze %dma_wait3A_438 : memref<1x80xi32, #tpu.memory_space<vmem>> -> memref<80xi32, #tpu.memory_space<vmem>>
      %dma_wait3A_440 = arith.constant 0 : i32
      %dma_wait3A_441 = arith.constant 0 : i32
      %dma_wait3A_442 = tpu.memref_slice %arg2[%dma_wait3A_440, %dma_wait3A_441] : memref<20000x128xf32, #tpu.memory_space<hbm>> -> memref<20000x128xf32, #tpu.memory_space<hbm>>
      tpu.wait_indirect_dma semaphore(%arg17 : memref<!tpu.dma_semaphore, #tpu.memory_space<semaphore_mem>>) src(%dma_wait3A_442 : memref<20000x128xf32, #tpu.memory_space<hbm>>) dst(%arg13 : memref<80x128xf32, #tpu.memory_space<vmem>>)
      %dma_start3A_443 = arith.constant 7 : i32
      %dma_start3A_444 = arith.constant 0 : i32
      %dma_start3A_445 = arith.constant 0 : i32
      %dma_start3A_446 = tpu.memref_slice %arg9[%rem3A_96, %dma_start3A_444, %dma_start3A_445] : memref<2x8x80xi32, #tpu.memory_space<vmem>> -> memref<1x8x80xi32, #tpu.memory_space<vmem>>
      %dma_start3A_447 = tpu.memref_squeeze %dma_start3A_446 : memref<1x8x80xi32, #tpu.memory_space<vmem>> -> memref<8x80xi32, #tpu.memory_space<vmem>>
      %dma_start3A_448 = arith.constant 0 : i32
      %dma_start3A_449 = tpu.memref_slice %dma_start3A_447[%dma_start3A_443, %dma_start3A_448] : memref<8x80xi32, #tpu.memory_space<vmem>> -> memref<1x80xi32, #tpu.memory_space<vmem>>
      %dma_start3A_450 = tpu.memref_squeeze %dma_start3A_449 : memref<1x80xi32, #tpu.memory_space<vmem>> -> memref<80xi32, #tpu.memory_space<vmem>>
      %dma_start3A_451 = arith.constant 0 : i32
      %dma_start3A_452 = arith.constant 0 : i32
      %dma_start3A_453 = tpu.memref_slice %arg7[%dma_start3A_451, %dma_start3A_452] : memref<10240x128xf32, #tpu.memory_space<vmem_shared>> -> memref<10240x128xf32, #tpu.memory_space<vmem_shared>>
      tpu.enqueue_indirect_dma source(%arg13 : memref<80x128xf32, #tpu.memory_space<vmem>>) target(%dma_start3A_453 : memref<10240x128xf32, #tpu.memory_space<vmem_shared>>) offsets(%dma_start3A_450 : memref<80xi32, #tpu.memory_space<vmem>>) semaphore(%arg21 : memref<!tpu.dma_semaphore, #tpu.memory_space<semaphore_mem>>) {add = true}
      %scan3A_454 = arith.constant 0 : i32
      scf.yield %scan3A_454 : i32
    }
    %scan3A_61 = arith.constant 16 : i32
    %dma_wait3A = arith.constant 1 : i32
    %dma_wait3A_62 = arith.constant 0 : i32
    %dma_wait3A_63 = arith.constant 0 : i32
    %dma_wait3A_64 = tpu.memref_slice %arg9[%dma_wait3A, %dma_wait3A_62, %dma_wait3A_63] : memref<2x8x80xi32, #tpu.memory_space<vmem>> -> memref<1x1x80xi32, #tpu.memory_space<vmem>>
    %dma_wait3A_65 = tpu.memref_squeeze %dma_wait3A_64 : memref<1x1x80xi32, #tpu.memory_space<vmem>> -> memref<80xi32, #tpu.memory_space<vmem>>
    %dma_wait3A_66 = arith.constant 0 : i32
    %dma_wait3A_67 = arith.constant 0 : i32
    %dma_wait3A_68 = tpu.memref_slice %arg7[%dma_wait3A_66, %dma_wait3A_67] : memref<10240x128xf32, #tpu.memory_space<vmem_shared>> -> memref<10240x128xf32, #tpu.memory_space<vmem_shared>>
    tpu.wait_indirect_dma semaphore(%arg18 : memref<!tpu.dma_semaphore, #tpu.memory_space<semaphore_mem>>) src(%arg10 : memref<80x128xf32, #tpu.memory_space<vmem>>) dst(%dma_wait3A_68 : memref<10240x128xf32, #tpu.memory_space<vmem_shared>>)
    %dma_wait3A_69 = arith.constant 1 : i32
    %dma_wait3A_70 = arith.constant 0 : i32
    %dma_wait3A_71 = arith.constant 0 : i32
    %dma_wait3A_72 = tpu.memref_slice %arg9[%dma_wait3A_69, %dma_wait3A_70, %dma_wait3A_71] : memref<2x8x80xi32, #tpu.memory_space<vmem>> -> memref<1x1x80xi32, #tpu.memory_space<vmem>>
    %dma_wait3A_73 = tpu.memref_squeeze %dma_wait3A_72 : memref<1x1x80xi32, #tpu.memory_space<vmem>> -> memref<80xi32, #tpu.memory_space<vmem>>
    %dma_wait3A_74 = arith.constant 0 : i32
    %dma_wait3A_75 = arith.constant 0 : i32
    %dma_wait3A_76 = tpu.memref_slice %arg7[%dma_wait3A_74, %dma_wait3A_75] : memref<10240x128xf32, #tpu.memory_space<vmem_shared>> -> memref<10240x128xf32, #tpu.memory_space<vmem_shared>>
    tpu.wait_indirect_dma semaphore(%arg19 : memref<!tpu.dma_semaphore, #tpu.memory_space<semaphore_mem>>) src(%arg11 : memref<80x128xf32, #tpu.memory_space<vmem>>) dst(%dma_wait3A_76 : memref<10240x128xf32, #tpu.memory_space<vmem_shared>>)
    %dma_wait3A_77 = arith.constant 1 : i32
    %dma_wait3A_78 = arith.constant 0 : i32
    %dma_wait3A_79 = arith.constant 0 : i32
    %dma_wait3A_80 = tpu.memref_slice %arg9[%dma_wait3A_77, %dma_wait3A_78, %dma_wait3A_79] : memref<2x8x80xi32, #tpu.memory_space<vmem>> -> memref<1x1x80xi32, #tpu.memory_space<vmem>>
    %dma_wait3A_81 = tpu.memref_squeeze %dma_wait3A_80 : memref<1x1x80xi32, #tpu.memory_space<vmem>> -> memref<80xi32, #tpu.memory_space<vmem>>
    %dma_wait3A_82 = arith.constant 0 : i32
    %dma_wait3A_83 = arith.constant 0 : i32
    %dma_wait3A_84 = tpu.memref_slice %arg7[%dma_wait3A_82, %dma_wait3A_83] : memref<10240x128xf32, #tpu.memory_space<vmem_shared>> -> memref<10240x128xf32, #tpu.memory_space<vmem_shared>>
    tpu.wait_indirect_dma semaphore(%arg20 : memref<!tpu.dma_semaphore, #tpu.memory_space<semaphore_mem>>) src(%arg12 : memref<80x128xf32, #tpu.memory_space<vmem>>) dst(%dma_wait3A_84 : memref<10240x128xf32, #tpu.memory_space<vmem_shared>>)
    %dma_wait3A_85 = arith.constant 1 : i32
    %dma_wait3A_86 = arith.constant 0 : i32
    %dma_wait3A_87 = arith.constant 0 : i32
    %dma_wait3A_88 = tpu.memref_slice %arg9[%dma_wait3A_85, %dma_wait3A_86, %dma_wait3A_87] : memref<2x8x80xi32, #tpu.memory_space<vmem>> -> memref<1x1x80xi32, #tpu.memory_space<vmem>>
    %dma_wait3A_89 = tpu.memref_squeeze %dma_wait3A_88 : memref<1x1x80xi32, #tpu.memory_space<vmem>> -> memref<80xi32, #tpu.memory_space<vmem>>
    %dma_wait3A_90 = arith.constant 0 : i32
    %dma_wait3A_91 = arith.constant 0 : i32
    %dma_wait3A_92 = tpu.memref_slice %arg7[%dma_wait3A_90, %dma_wait3A_91] : memref<10240x128xf32, #tpu.memory_space<vmem_shared>> -> memref<10240x128xf32, #tpu.memory_space<vmem_shared>>
    tpu.wait_indirect_dma semaphore(%arg21 : memref<!tpu.dma_semaphore, #tpu.memory_space<semaphore_mem>>) src(%arg13 : memref<80x128xf32, #tpu.memory_space<vmem>>) dst(%dma_wait3A_92 : memref<10240x128xf32, #tpu.memory_space<vmem_shared>>)
    %barrier3A_93 = arith.constant 0 : index
    tpu.barrier barrier_id(%barrier3A_93)
    "tpu.region"() ({
      %run_scoped3A = tpu.sem_alloc : memref<!tpu.dma_semaphore, #tpu.memory_space<semaphore_mem>>
      %dma_start3A_94 = arith.constant 0 : i32
      %dma_start3A_95 = tpu.memref_slice %arg6[%mul3A_0, %arg0, %dma_start3A_94] : memref<10240x2x128xf32, #tpu.memory_space<hbm>> -> memref<640x1x128xf32, #tpu.memory_space<hbm>>
      %dma_start3A_96 = tpu.memref_squeeze %dma_start3A_95 : memref<640x1x128xf32, #tpu.memory_space<hbm>> -> memref<640x128xf32, #tpu.memory_space<hbm>>
      %dma_start3A_97 = arith.constant 0 : i32
      %dma_start3A_98 = tpu.memref_slice %arg7[%mul3A_0, %dma_start3A_97] : memref<10240x128xf32, #tpu.memory_space<vmem_shared>> -> memref<640x128xf32, #tpu.memory_space<vmem_shared>>
      tpu.enqueue_dma source(%dma_start3A_98 : memref<640x128xf32, #tpu.memory_space<vmem_shared>>) target(%dma_start3A_96 : memref<640x128xf32, #tpu.memory_space<hbm>>) target_semaphore(%run_scoped3A : memref<!tpu.dma_semaphore, #tpu.memory_space<semaphore_mem>>)
      %dma_wait3A_99 = arith.constant 0 : i32
      %dma_wait3A_100 = tpu.memref_slice %arg6[%mul3A_0, %arg0, %dma_wait3A_99] : memref<10240x2x128xf32, #tpu.memory_space<hbm>> -> memref<640x1x128xf32, #tpu.memory_space<hbm>>
      %dma_wait3A_101 = tpu.memref_squeeze %dma_wait3A_100 : memref<640x1x128xf32, #tpu.memory_space<hbm>> -> memref<640x128xf32, #tpu.memory_space<hbm>>
      %dma_wait3A_102 = arith.constant 0 : i32
      %dma_wait3A_103 = tpu.memref_slice %arg7[%mul3A_0, %dma_wait3A_102] : memref<10240x128xf32, #tpu.memory_space<vmem_shared>> -> memref<640x128xf32, #tpu.memory_space<vmem_shared>>
      tpu.wait_dma2 semaphore(%run_scoped3A : memref<!tpu.dma_semaphore, #tpu.memory_space<semaphore_mem>>) src(%dma_wait3A_103 : memref<640x128xf32, #tpu.memory_space<vmem_shared>>) dst(%dma_wait3A_101 : memref<640x128xf32, #tpu.memory_space<hbm>>)
      tpu.yield
    }) : () -> ()
    return
  }
}

module attributes {stable_mosaic.version = 14 : i64} {
  func.func @_tc1_body(%arg0: i32, %arg1: memref<400x2x128xf32, #tpu.memory_space<vmem>>, %arg2: memref<400x1xf32, #tpu.memory_space<vmem>>, %arg3: memref<400x256xbf16, #tpu.memory_space<vmem>>, %arg4: memref<256x512xbf16, #tpu.memory_space<vmem>>, %arg5: memref<256x512xbf16, #tpu.memory_space<vmem>>, %arg6: memref<1x512xf32, #tpu.memory_space<vmem>>, %arg7: memref<512x256xbf16, #tpu.memory_space<vmem>>, %arg8: memref<400x512xbf16, #tpu.memory_space<vmem>>, %arg9: memref<400x2x128xf32, #tpu.memory_space<vmem>>) attributes {dimension_semantics = [#tpu.dimension_semantics<arbitrary>], iteration_bounds = array<i64: 25>, scalar_prefetch = 0 : i64, scratch_operands = 0 : i64, tpu.core_type = #tpu.core_type<tc>, window_params = [{transform_indices = @transform_0, window_bounds = array<i64: 400, 2, 128>}, {transform_indices = @transform_1, window_bounds = array<i64: 400, 1>}, {transform_indices = @transform_2, window_bounds = array<i64: 400, 256>}, {pipeline_mode = #tpu.pipeline_mode<synchronous>, transform_indices = @transform_3, window_bounds = array<i64: 256, 512>}, {pipeline_mode = #tpu.pipeline_mode<synchronous>, transform_indices = @transform_4, window_bounds = array<i64: 256, 512>}, {pipeline_mode = #tpu.pipeline_mode<synchronous>, transform_indices = @transform_5, window_bounds = array<i64: 1, 512>}, {pipeline_mode = #tpu.pipeline_mode<synchronous>, transform_indices = @transform_6, window_bounds = array<i64: 512, 256>}, {transform_indices = @transform_7, window_bounds = array<i64: 400, 512>}, {transform_indices = @transform_8, window_bounds = array<i64: 400, 2, 128>}]} {
    %get3A = arith.constant 0 : index
    %get3A_0 = arith.constant 0 : index
    %get3A_1 = vector.load %arg2[%get3A, %get3A_0] : memref<400x1xf32, #tpu.memory_space<vmem>>, vector<400x1xf32>
    %get3A_2 = arith.constant 0 : index
    %get3A_3 = arith.constant 0 : index
    %get3A_4 = arith.constant 0 : index
    %get3A_5 = vector.load %arg1[%get3A_2, %get3A_3, %get3A_4] : memref<400x2x128xf32, #tpu.memory_space<vmem>>, vector<400x1x128xf32>
    %get3A_6 = vector.shape_cast %get3A_5 : vector<400x1x128xf32> to vector<400x128xf32>
    %mul3A = vector.broadcast %get3A_1 : vector<400x1xf32> to vector<400x128xf32>
    %mul3A_7 = arith.mulf %get3A_6, %mul3A : vector<400x128xf32>
    %convert_element_type3A = arith.truncf %mul3A_7 : vector<400x128xf32> to vector<400x128xbf16>
    %get3A_8 = arith.constant 0 : index
    %get3A_9 = arith.constant 0 : index
    %get3A_10 = vector.load %arg4[%get3A_8, %get3A_9] : memref<256x512xbf16, #tpu.memory_space<vmem>>, vector<128x512xbf16>
    %dot_general3A = arith.constant dense<0.000000e+00> : vector<400x512xf32>
    %dot_general3A_11 = tpu.matmul %convert_element_type3A, %get3A_10, %dot_general3A {dimension_numbers = #tpu.dot_dimension_numbers<[1], [0], [0], [1], [0, 0, 1, 1], [], []>, transpose_lhs_hint = false} : vector<400x128xbf16>, vector<128x512xbf16>, vector<400x512xf32> -> vector<400x512xf32>
    %get3A_12 = arith.constant 0 : index
    %get3A_13 = arith.constant 1 : index
    %get3A_14 = arith.constant 0 : index
    %get3A_15 = vector.load %arg1[%get3A_12, %get3A_13, %get3A_14] : memref<400x2x128xf32, #tpu.memory_space<vmem>>, vector<400x1x128xf32>
    %get3A_16 = vector.shape_cast %get3A_15 : vector<400x1x128xf32> to vector<400x128xf32>
    %mul3A_17 = vector.broadcast %get3A_1 : vector<400x1xf32> to vector<400x128xf32>
    %mul3A_18 = arith.mulf %get3A_16, %mul3A_17 : vector<400x128xf32>
    %convert_element_type3A_19 = arith.truncf %mul3A_18 : vector<400x128xf32> to vector<400x128xbf16>
    %get3A_20 = arith.constant 128 : index
    %get3A_21 = arith.constant 0 : index
    %get3A_22 = vector.load %arg4[%get3A_20, %get3A_21] : memref<256x512xbf16, #tpu.memory_space<vmem>>, vector<128x512xbf16>
    %dot_general3A_23 = arith.constant dense<0.000000e+00> : vector<400x512xf32>
    %dot_general3A_24 = tpu.matmul %convert_element_type3A_19, %get3A_22, %dot_general3A_23 {dimension_numbers = #tpu.dot_dimension_numbers<[1], [0], [0], [1], [0, 0, 1, 1], [], []>, transpose_lhs_hint = false} : vector<400x128xbf16>, vector<128x512xbf16>, vector<400x512xf32> -> vector<400x512xf32>
    %add3A = arith.addf %dot_general3A_11, %dot_general3A_24 : vector<400x512xf32>
    %get3A_25 = arith.constant 0 : index
    %get3A_26 = arith.constant 0 : index
    %get3A_27 = vector.load %arg3[%get3A_25, %get3A_26] : memref<400x256xbf16, #tpu.memory_space<vmem>>, vector<400x256xbf16>
    %get3A_28 = arith.constant 0 : index
    %get3A_29 = arith.constant 0 : index
    %get3A_30 = vector.load %arg5[%get3A_28, %get3A_29] : memref<256x512xbf16, #tpu.memory_space<vmem>>, vector<256x512xbf16>
    %dot_general3A_31 = arith.constant dense<0.000000e+00> : vector<400x512xf32>
    %dot_general3A_32 = tpu.matmul %get3A_27, %get3A_30, %dot_general3A_31 {dimension_numbers = #tpu.dot_dimension_numbers<[1], [0], [0], [1], [0, 0, 1, 1], [], []>, transpose_lhs_hint = false} : vector<400x256xbf16>, vector<256x512xbf16>, vector<400x512xf32> -> vector<400x512xf32>
    %add3A_33 = arith.addf %add3A, %dot_general3A_32 : vector<400x512xf32>
    %get3A_34 = arith.constant 0 : index
    %get3A_35 = arith.constant 0 : index
    %get3A_36 = vector.load %arg6[%get3A_34, %get3A_35] : memref<1x512xf32, #tpu.memory_space<vmem>>, vector<1x512xf32>
    %add3A_37 = vector.broadcast %get3A_36 : vector<1x512xf32> to vector<400x512xf32>
    %add3A_38 = arith.addf %add3A_33, %add3A_37 : vector<400x512xf32>
    %max3A = arith.constant 0.000000e+00 : f32
    %max3A_39 = vector.broadcast %max3A : f32 to vector<400x512xf32>
    %max3A_40 = arith.maximumf %add3A_38, %max3A_39 : vector<400x512xf32>
    %convert_element_type3A_41 = arith.truncf %max3A_40 : vector<400x512xf32> to vector<400x512xbf16>
    %swap3A = arith.constant 0 : index
    %swap3A_42 = arith.constant 0 : index
    %swap3A_43 = vector.load %arg8[%swap3A, %swap3A_42] : memref<400x512xbf16, #tpu.memory_space<vmem>>, vector<400x512xbf16>
    tpu.vector_store %arg8[%swap3A, %swap3A_42], %convert_element_type3A_41 {strides = array<i32>} : memref<400x512xbf16, #tpu.memory_space<vmem>>, vector<400x512xbf16>,
    %get3A_44 = arith.constant 0 : index
    %get3A_45 = arith.constant 0 : index
    %get3A_46 = vector.load %arg7[%get3A_44, %get3A_45] : memref<512x256xbf16, #tpu.memory_space<vmem>>, vector<512x256xbf16>
    %dot_general3A_47 = arith.constant dense<0.000000e+00> : vector<400x256xf32>
    %dot_general3A_48 = tpu.matmul %convert_element_type3A_41, %get3A_46, %dot_general3A_47 {dimension_numbers = #tpu.dot_dimension_numbers<[1], [0], [0], [1], [0, 0, 1, 1], [], []>, transpose_lhs_hint = false} : vector<400x512xbf16>, vector<512x256xbf16>, vector<400x256xf32> -> vector<400x256xf32>
    %slice3A = vector.extract_strided_slice %dot_general3A_48 {offsets = [0, 0], sizes = [400, 128], strides = [1, 1]} : vector<400x256xf32> to vector<400x128xf32>
    %swap3A_49 = arith.constant 0 : index
    %swap3A_50 = arith.constant 0 : index
    %swap3A_51 = arith.constant 0 : index
    %swap3A_52 = vector.load %arg9[%swap3A_49, %swap3A_50, %swap3A_51] : memref<400x2x128xf32, #tpu.memory_space<vmem>>, vector<400x1x128xf32>
    %swap3A_53 = vector.shape_cast %swap3A_52 : vector<400x1x128xf32> to vector<400x128xf32>
    %swap3A_54 = vector.shape_cast %slice3A : vector<400x128xf32> to vector<400x1x128xf32>
    tpu.vector_store %arg9[%swap3A_49, %swap3A_50, %swap3A_51], %swap3A_54 {strides = array<i32>} : memref<400x2x128xf32, #tpu.memory_space<vmem>>, vector<400x1x128xf32>,
    %slice3A_55 = vector.extract_strided_slice %dot_general3A_48 {offsets = [0, 128], sizes = [400, 128], strides = [1, 1]} : vector<400x256xf32> to vector<400x128xf32>
    %swap3A_56 = arith.constant 0 : index
    %swap3A_57 = arith.constant 1 : index
    %swap3A_58 = arith.constant 0 : index
    %swap3A_59 = vector.load %arg9[%swap3A_56, %swap3A_57, %swap3A_58] : memref<400x2x128xf32, #tpu.memory_space<vmem>>, vector<400x1x128xf32>
    %swap3A_60 = vector.shape_cast %swap3A_59 : vector<400x1x128xf32> to vector<400x128xf32>
    %swap3A_61 = vector.shape_cast %slice3A_55 : vector<400x128xf32> to vector<400x1x128xf32>
    tpu.vector_store %arg9[%swap3A_56, %swap3A_57, %swap3A_58], %swap3A_61 {strides = array<i32>} : memref<400x2x128xf32, #tpu.memory_space<vmem>>, vector<400x1x128xf32>,
    return
  }
  func.func @transform_0(%arg0: i32) -> (i32, i32, i32) {
    %c0_i32 = arith.constant 0 : i32
    %c0_i32_0 = arith.constant 0 : i32
    %c0_i32_1 = arith.constant 0 : i32
    return %arg0, %c0_i32, %c0_i32_0 : i32, i32, i32
  }
  func.func @transform_1(%arg0: i32) -> (i32, i32) {
    %c0_i32 = arith.constant 0 : i32
    %c0_i32_0 = arith.constant 0 : i32
    return %arg0, %c0_i32 : i32, i32
  }
  func.func @transform_2(%arg0: i32) -> (i32, i32) {
    %c0_i32 = arith.constant 0 : i32
    %c0_i32_0 = arith.constant 0 : i32
    return %arg0, %c0_i32 : i32, i32
  }
  func.func @transform_3(%arg0: i32) -> (i32, i32) {
    %c0_i32 = arith.constant 0 : i32
    %c0_i32_0 = arith.constant 0 : i32
    %c0_i32_1 = arith.constant 0 : i32
    return %c0_i32, %c0_i32_0 : i32, i32
  }
  func.func @transform_4(%arg0: i32) -> (i32, i32) {
    %c0_i32 = arith.constant 0 : i32
    %c0_i32_0 = arith.constant 0 : i32
    %c0_i32_1 = arith.constant 0 : i32
    return %c0_i32, %c0_i32_0 : i32, i32
  }
  func.func @transform_5(%arg0: i32) -> (i32, i32) {
    %c0_i32 = arith.constant 0 : i32
    %c0_i32_0 = arith.constant 0 : i32
    %c0_i32_1 = arith.constant 0 : i32
    return %c0_i32, %c0_i32_0 : i32, i32
  }
  func.func @transform_6(%arg0: i32) -> (i32, i32) {
    %c0_i32 = arith.constant 0 : i32
    %c0_i32_0 = arith.constant 0 : i32
    %c0_i32_1 = arith.constant 0 : i32
    return %c0_i32, %c0_i32_0 : i32, i32
  }
  func.func @transform_7(%arg0: i32) -> (i32, i32) {
    %c0_i32 = arith.constant 0 : i32
    %c0_i32_0 = arith.constant 0 : i32
    return %arg0, %c0_i32 : i32, i32
  }
  func.func @transform_8(%arg0: i32) -> (i32, i32, i32) {
    %c0_i32 = arith.constant 0 : i32
    %c0_i32_0 = arith.constant 0 : i32
    %c0_i32_1 = arith.constant 0 : i32
    return %arg0, %c0_i32, %c0_i32_0 : i32, i32, i32
  }
}

module attributes {stable_mosaic.version = 14 : i64} {
  func.func @_tcinv_body(%arg0: i32, %arg1: memref<400x2x128xf32, #tpu.memory_space<vmem>>, %arg2: memref<400x1xf32, #tpu.memory_space<vmem>>) attributes {dimension_semantics = [#tpu.dimension_semantics<arbitrary>], iteration_bounds = array<i64: 25>, scalar_prefetch = 0 : i64, scratch_operands = 0 : i64, tpu.core_type = #tpu.core_type<tc>, window_params = [{transform_indices = @transform_0, window_bounds = array<i64: 400, 2, 128>}, {transform_indices = @transform_1, window_bounds = array<i64: 400, 1>}]} {
    %get3A = arith.constant 0 : index
    %get3A_0 = arith.constant 0 : index
    %get3A_1 = arith.constant 0 : index
    %get3A_2 = vector.load %arg1[%get3A, %get3A_0, %get3A_1] : memref<400x2x128xf32, #tpu.memory_space<vmem>>, vector<400x1x1xf32>
    %get3A_3 = vector.shape_cast %get3A_2 : vector<400x1x1xf32> to vector<400x1xf32>
    %get3A_4 = arith.constant 0 : index
    %get3A_5 = arith.constant 1 : index
    %get3A_6 = arith.constant 0 : index
    %get3A_7 = vector.load %arg1[%get3A_4, %get3A_5, %get3A_6] : memref<400x2x128xf32, #tpu.memory_space<vmem>>, vector<400x1x1xf32>
    %get3A_8 = vector.shape_cast %get3A_7 : vector<400x1x1xf32> to vector<400x1xf32>
    %add3A = arith.addf %get3A_3, %get3A_8 : vector<400x1xf32>
    %max3A = arith.constant 1.000000e+00 : f32
    %max3A_9 = vector.broadcast %max3A : f32 to vector<400x1xf32>
    %max3A_10 = arith.maximumf %add3A, %max3A_9 : vector<400x1xf32>
    %div3A = arith.constant 1.000000e+00 : f32
    %div3A_11 = vector.broadcast %div3A : f32 to vector<400x1xf32>
    %div3A_12 = arith.divf %div3A_11, %max3A_10 : vector<400x1xf32>
    %swap3A = arith.constant 0 : index
    %swap3A_13 = arith.constant 0 : index
    %swap3A_14 = vector.load %arg2[%swap3A, %swap3A_13] : memref<400x1xf32, #tpu.memory_space<vmem>>, vector<400x1xf32>
    tpu.vector_store %arg2[%swap3A, %swap3A_13], %div3A_12 {strides = array<i32>} : memref<400x1xf32, #tpu.memory_space<vmem>>, vector<400x1xf32>,
    return
  }
  func.func @transform_0(%arg0: i32) -> (i32, i32, i32) {
    %c0_i32 = arith.constant 0 : i32
    %c0_i32_0 = arith.constant 0 : i32
    %c0_i32_1 = arith.constant 0 : i32
    return %arg0, %c0_i32, %c0_i32_0 : i32, i32, i32
  }
  func.func @transform_1(%arg0: i32) -> (i32, i32) {
    %c0_i32 = arith.constant 0 : i32
    %c0_i32_0 = arith.constant 0 : i32
    return %arg0, %c0_i32 : i32, i32
  }
}

module attributes {stable_mosaic.version = 14 : i64} {
  func.func @_tc2r_body(%arg0: i32, %arg1: memref<400x512xbf16, #tpu.memory_space<vmem>>, %arg2: memref<512x256xbf16, #tpu.memory_space<vmem>>, %arg3: memref<1x256xf32, #tpu.memory_space<vmem>>, %arg4: memref<400x2x128xbf16, #tpu.memory_space<vmem>>) attributes {dimension_semantics = [#tpu.dimension_semantics<arbitrary>], iteration_bounds = array<i64: 25>, scalar_prefetch = 0 : i64, scratch_operands = 0 : i64, tpu.core_type = #tpu.core_type<tc>, window_params = [{transform_indices = @transform_0, window_bounds = array<i64: 400, 512>}, {pipeline_mode = #tpu.pipeline_mode<synchronous>, transform_indices = @transform_1, window_bounds = array<i64: 512, 256>}, {pipeline_mode = #tpu.pipeline_mode<synchronous>, transform_indices = @transform_2, window_bounds = array<i64: 1, 256>}, {transform_indices = @transform_3, window_bounds = array<i64: 400, 2, 128>}]} {
    %get3A = arith.constant 0 : index
    %get3A_0 = arith.constant 0 : index
    %get3A_1 = vector.load %arg1[%get3A, %get3A_0] : memref<400x512xbf16, #tpu.memory_space<vmem>>, vector<400x512xbf16>
    %get3A_2 = arith.constant 0 : index
    %get3A_3 = arith.constant 0 : index
    %get3A_4 = vector.load %arg2[%get3A_2, %get3A_3] : memref<512x256xbf16, #tpu.memory_space<vmem>>, vector<512x256xbf16>
    %dot_general3A = arith.constant dense<0.000000e+00> : vector<400x256xf32>
    %dot_general3A_5 = tpu.matmul %get3A_1, %get3A_4, %dot_general3A {dimension_numbers = #tpu.dot_dimension_numbers<[1], [0], [0], [1], [0, 0, 1, 1], [], []>, transpose_lhs_hint = false} : vector<400x512xbf16>, vector<512x256xbf16>, vector<400x256xf32> -> vector<400x256xf32>
    %get3A_6 = arith.constant 0 : index
    %get3A_7 = arith.constant 0 : index
    %get3A_8 = vector.load %arg3[%get3A_6, %get3A_7] : memref<1x256xf32, #tpu.memory_space<vmem>>, vector<1x256xf32>
    %add3A = vector.broadcast %get3A_8 : vector<1x256xf32> to vector<400x256xf32>
    %add3A_9 = arith.addf %dot_general3A_5, %add3A : vector<400x256xf32>
    %slice3A = vector.extract_strided_slice %add3A_9 {offsets = [0, 0], sizes = [400, 128], strides = [1, 1]} : vector<400x256xf32> to vector<400x128xf32>
    %convert_element_type3A = arith.truncf %slice3A : vector<400x128xf32> to vector<400x128xbf16>
    %swap3A = arith.constant 0 : index
    %swap3A_10 = arith.constant 0 : index
    %swap3A_11 = arith.constant 0 : index
    %swap3A_12 = vector.load %arg4[%swap3A, %swap3A_10, %swap3A_11] : memref<400x2x128xbf16, #tpu.memory_space<vmem>>, vector<400x1x128xbf16>
    %swap3A_13 = vector.shape_cast %swap3A_12 : vector<400x1x128xbf16> to vector<400x128xbf16>
    %swap3A_14 = vector.shape_cast %convert_element_type3A : vector<400x128xbf16> to vector<400x1x128xbf16>
    tpu.vector_store %arg4[%swap3A, %swap3A_10, %swap3A_11], %swap3A_14 {strides = array<i32>} : memref<400x2x128xbf16, #tpu.memory_space<vmem>>, vector<400x1x128xbf16>,
    %slice3A_15 = vector.extract_strided_slice %add3A_9 {offsets = [0, 128], sizes = [400, 128], strides = [1, 1]} : vector<400x256xf32> to vector<400x128xf32>
    %convert_element_type3A_16 = arith.truncf %slice3A_15 : vector<400x128xf32> to vector<400x128xbf16>
    %swap3A_17 = arith.constant 0 : index
    %swap3A_18 = arith.constant 1 : index
    %swap3A_19 = arith.constant 0 : index
    %swap3A_20 = vector.load %arg4[%swap3A_17, %swap3A_18, %swap3A_19] : memref<400x2x128xbf16, #tpu.memory_space<vmem>>, vector<400x1x128xbf16>
    %swap3A_21 = vector.shape_cast %swap3A_20 : vector<400x1x128xbf16> to vector<400x128xbf16>
    %swap3A_22 = vector.shape_cast %convert_element_type3A_16 : vector<400x128xbf16> to vector<400x1x128xbf16>
    tpu.vector_store %arg4[%swap3A_17, %swap3A_18, %swap3A_19], %swap3A_22 {strides = array<i32>} : memref<400x2x128xbf16, #tpu.memory_space<vmem>>, vector<400x1x128xbf16>,
    return
  }
  func.func @transform_0(%arg0: i32) -> (i32, i32) {
    %c0_i32 = arith.constant 0 : i32
    %c0_i32_0 = arith.constant 0 : i32
    return %arg0, %c0_i32 : i32, i32
  }
  func.func @transform_1(%arg0: i32) -> (i32, i32) {
    %c0_i32 = arith.constant 0 : i32
    %c0_i32_0 = arith.constant 0 : i32
    %c0_i32_1 = arith.constant 0 : i32
    return %c0_i32, %c0_i32_0 : i32, i32
  }
  func.func @transform_2(%arg0: i32) -> (i32, i32) {
    %c0_i32 = arith.constant 0 : i32
    %c0_i32_0 = arith.constant 0 : i32
    %c0_i32_1 = arith.constant 0 : i32
    return %c0_i32, %c0_i32_0 : i32, i32
  }
  func.func @transform_3(%arg0: i32) -> (i32, i32, i32) {
    %c0_i32 = arith.constant 0 : i32
    %c0_i32_0 = arith.constant 0 : i32
    %c0_i32_1 = arith.constant 0 : i32
    return %arg0, %c0_i32, %c0_i32_0 : i32, i32, i32
  }
}

module attributes {stable_mosaic.version = 14 : i64} {
  func.func @_tc3_body(%arg0: i32, %arg1: memref<400x2x128xf32, #tpu.memory_space<vmem>>, %arg2: memref<400x1xf32, #tpu.memory_space<vmem>>, %arg3: memref<400x2x128xbf16, #tpu.memory_space<vmem>>, %arg4: memref<400x256xf32, #tpu.memory_space<vmem>>) attributes {dimension_semantics = [#tpu.dimension_semantics<arbitrary>], iteration_bounds = array<i64: 25>, scalar_prefetch = 0 : i64, scratch_operands = 0 : i64, tpu.core_type = #tpu.core_type<tc>, window_params = [{transform_indices = @transform_0, window_bounds = array<i64: 400, 2, 128>}, {transform_indices = @transform_1, window_bounds = array<i64: 400, 1>}, {transform_indices = @transform_2, window_bounds = array<i64: 400, 2, 128>}, {transform_indices = @transform_3, window_bounds = array<i64: 400, 256>}]} {
    %get3A = arith.constant 0 : index
    %get3A_0 = arith.constant 0 : index
    %get3A_1 = vector.load %arg2[%get3A, %get3A_0] : memref<400x1xf32, #tpu.memory_space<vmem>>, vector<400x1xf32>
    %get3A_2 = arith.constant 0 : index
    %get3A_3 = arith.constant 0 : index
    %get3A_4 = arith.constant 0 : index
    %get3A_5 = vector.load %arg3[%get3A_2, %get3A_3, %get3A_4] : memref<400x2x128xbf16, #tpu.memory_space<vmem>>, vector<400x2x128xbf16>
    %convert_element_type3A = arith.extf %get3A_5 : vector<400x2x128xbf16> to vector<400x2x128xf32>
    %get3A_6 = arith.constant 0 : index
    %get3A_7 = arith.constant 0 : index
    %get3A_8 = arith.constant 0 : index
    %get3A_9 = vector.load %arg1[%get3A_6, %get3A_7, %get3A_8] : memref<400x2x128xf32, #tpu.memory_space<vmem>>, vector<400x1x128xf32>
    %get3A_10 = vector.shape_cast %get3A_9 : vector<400x1x128xf32> to vector<400x128xf32>
    %mul3A = vector.broadcast %get3A_1 : vector<400x1xf32> to vector<400x128xf32>
    %mul3A_11 = arith.mulf %get3A_10, %mul3A : vector<400x128xf32>
    %slice3A = vector.extract_strided_slice %convert_element_type3A {offsets = [0, 0, 0], sizes = [400, 1, 128], strides = [1, 1, 1]} : vector<400x2x128xf32> to vector<400x1x128xf32>
    %squeeze3A = vector.shape_cast %slice3A : vector<400x1x128xf32> to vector<400x128xf32>
    %add3A = arith.addf %mul3A_11, %squeeze3A : vector<400x128xf32>
    %get3A_12 = arith.constant 0 : index
    %get3A_13 = arith.constant 1 : index
    %get3A_14 = arith.constant 0 : index
    %get3A_15 = vector.load %arg1[%get3A_12, %get3A_13, %get3A_14] : memref<400x2x128xf32, #tpu.memory_space<vmem>>, vector<400x1x128xf32>
    %get3A_16 = vector.shape_cast %get3A_15 : vector<400x1x128xf32> to vector<400x128xf32>
    %mul3A_17 = vector.broadcast %get3A_1 : vector<400x1xf32> to vector<400x128xf32>
    %mul3A_18 = arith.mulf %get3A_16, %mul3A_17 : vector<400x128xf32>
    %slice3A_19 = vector.extract_strided_slice %convert_element_type3A {offsets = [0, 1, 0], sizes = [400, 1, 128], strides = [1, 1, 1]} : vector<400x2x128xf32> to vector<400x1x128xf32>
    %squeeze3A_20 = vector.shape_cast %slice3A_19 : vector<400x1x128xf32> to vector<400x128xf32>
    %add3A_21 = arith.addf %mul3A_18, %squeeze3A_20 : vector<400x128xf32>
    %concatenate3A = tpu.concatenate %add3A, %add3A_21 in 1 : vector<400x128xf32>, vector<400x128xf32> -> vector<400x256xf32>
    %swap3A = arith.constant 0 : index
    %swap3A_22 = arith.constant 0 : index
    %swap3A_23 = vector.load %arg4[%swap3A, %swap3A_22] : memref<400x256xf32, #tpu.memory_space<vmem>>, vector<400x256xf32>
    tpu.vector_store %arg4[%swap3A, %swap3A_22], %concatenate3A {strides = array<i32>} : memref<400x256xf32, #tpu.memory_space<vmem>>, vector<400x256xf32>,
    return
  }
  func.func @transform_0(%arg0: i32) -> (i32, i32, i32) {
    %c0_i32 = arith.constant 0 : i32
    %c0_i32_0 = arith.constant 0 : i32
    %c0_i32_1 = arith.constant 0 : i32
    return %arg0, %c0_i32, %c0_i32_0 : i32, i32, i32
  }
  func.func @transform_1(%arg0: i32) -> (i32, i32) {
    %c0_i32 = arith.constant 0 : i32
    %c0_i32_0 = arith.constant 0 : i32
    return %arg0, %c0_i32 : i32, i32
  }
  func.func @transform_2(%arg0: i32) -> (i32, i32, i32) {
    %c0_i32 = arith.constant 0 : i32
    %c0_i32_0 = arith.constant 0 : i32
    %c0_i32_1 = arith.constant 0 : i32
    return %arg0, %c0_i32, %c0_i32_0 : i32, i32, i32
  }
  func.func @transform_3(%arg0: i32) -> (i32, i32) {
    %c0_i32 = arith.constant 0 : i32
    %c0_i32_0 = arith.constant 0 : i32
    return %arg0, %c0_i32 : i32, i32
  }
}

</mosaic_0001>

<sc_bundles>
// kernel: kernel.12.cloned.1.call-start
scs
__scs_entry_jumppad:
0x0: {  	(pc) =	sbr.rel $0x88, $3  }
0x1: {  	(tag) =	ssettag $0x0;
	lr =	simm.s32 $0x1  }
0x2: {  	[smem:$0x3F99] =	sst lr;
	_ =	strace $0xD0000000  }
0x3: {  	_ = 	snop  }
0x4: {  	_ = 	snop  }
0x5: {  	_ = 	snop  }
0x6: {  	_ = 	snop  }
0x7: {  	_ = 	snop  }
__scs_overlays_trampoline_lowered:
0x8: {  	[smem:$0x3FA8] =	sst s0  }
0x9: {  	[smem:$0x3FA9] =	sst s1  }
0xa: {  	[smem:$0x3FAA] =	sst s2  }
0xb: {  	[smem:$0x3FAB] =	sst s3  }
0xc: {  	[smem:$0x3FAC] =	sst s4  }
0xd: {  	[smem:$0x3FAD] =	sst s5  }
0xe: {  	[smem:$0x3FAE] =	sst s6  }
0xf: {  	[smem:$0x3FAF] =	sst s7  }
0x10: {  	[smem:$0x3FB0] =	sst s8  }
0x11: {  	[smem:$0x3FB1] =	sst s9;
	s0 =	simm.s32 @!p0 $0x0  }
0x12: {  	s1 =	sld [smem:$0x3F97];
	s0 =	simm.s32 @p0 $0x1  }
0x13: {  	[smem:$0x3FB2] =	sst s0;
	s0 =	simm.s32 @!p1 $0x0  }
0x14: {  	s2 =	sld [smem:$0x3F96];
	s0 =	simm.s32 @p1 $0x1  }
0x15: {  	[smem:$0x3FB3] =	sst s0;
	s0 =	simm.s32 @!p2 $0x0  }
0x16: {  	s3 =	sld [smem:$0x3FDB];
	s0 =	simm.s32 @p2 $0x1  }
0x17: {  	s4 =	simm.s32 $0x1BF5;
	[smem:$0x3FB5] =	sst s0  }
0x18: {  	s0 =	sld [smem:$0x3F98];
	_ =	swait.ge [sflag:s4], $0x0  }
0x19: {  	s7 =	sld [smem:$0x3F99]  }
0x1a: {  	s8 =	sadd.s32 $0xFFFFE003, lr  }
0x1b: {  	s9 =	sadd.s32 $0xFFFFFEF7, lr;
	s5 =	simm.s32 $0xFFFFFFFF;
	p2 =	slt.u32 s8, $0xFFFFF086  }
0x1c: {  	p1 =	slt.u32 s9, $0xF7A;
	s5 =	simm.s32 @!p2 $0x0  }
0x1d: {  	s5 =	simm.s32 @p1 $0x1;
	p0 =	seq.s32 s7, s2  }
0x1e: {  	s7 =	smul.u32 @!p0 $0xF7A, s2;
	p2 =	seq.s32 @!p0 s5, $0x0  }
0x1f: {  	s9 =	smul.u32 $0xF7A, s1;
	s8 =	simm.s32 @!p0 $0x1BF5;
	p2 =	por !p2, p0  }
0x20: {  	[sflag:s8] =	ssyncset.s32 @!p0 $0xFFFFF086;
	s6 =	sadd.s32 @!p0 s3, s7;
	s7 =	simm.s32 @!p0 $0x108  }
0x21: {  	s3 =	sadd.s32 s3, s9;
	s6 =	sadd.s32 @!p0 $0x88, s6;
	s7 =	simm.s32 @p2 $0x1082  }
0x22: {  	[simem:s7], [sflag:s8] =	dma.local @!p0 [hbm:s6], $0xF7A  }
0x23: {  	s9 =	sor.u32 $0xD0000000, s2;
	s6 =	simm.s32 $0x108;
	_ =	swait.ge @!p0 [sflag:s8], $0x0  }
0x24: {  	s3 =	sadd.s32 $0x88, s3;
	s6 =	simm.s32 @!p1 $0x1082;
	[sflag:s4] =	ssyncset.s32 $0xFFFFF086  }
0x25: {  	[simem:s6], [sflag:s4] =	dma.local [hbm:s3], $0xF7A  }
0x26: {  	[smem:$0x3F99] =	sst s1;
	(tag) =	ssettag s2;
	_ =	strace s9  }
0x27: {  	s1 =	sld [smem:$0x3FA9]  }
0x28: {  	s2 =	sld [smem:$0x3FAA]  }
0x29: {  	s4 =	sld [smem:$0x3FAC]  }
0x2a: {  	p0 =	seq.s32 s5, $0x0;
	s5 =	sld [smem:$0x3FAD]  }
0x2b: {  	s6 =	sld [smem:$0x3FAE]  }
0x2c: {  	s7 =	sld [smem:$0x3FAF]  }
0x2d: {  	s3 =	simm.s32 $0x108;
	s8 =	sld [smem:$0x3FB0]  }
0x2e: {  	s3 =	simm.s32 @!p0 $0x1082;
	s9 =	sld [smem:$0x3FB1]  }
0x2f: {  	lr =	sadd.s32 s0, s3;
	s0 =	sld [smem:$0x3FA8]  }
0x30: {  	s3 =	sld [smem:$0x3FAB]  }
0x31: {  	[smem:$0x3FB4] =	sst s10  }
0x32: {  	s10 =	sld [smem:$0x3FB2];
	_ =	sdelay $0x3  }
0x33: {  	p0 =	seq.s32 s10, $0x1;
	s10 =	sld [smem:$0x3FB4];
	_ =	sdelay $0x3  }
0x34: {  	[smem:$0x3FB4] =	sst s10  }
0x35: {  	s10 =	sld [smem:$0x3FB3];
	_ =	sdelay $0x3  }
0x36: {  	p1 =	seq.s32 s10, $0x1;
	s10 =	sld [smem:$0x3FB4];
	_ =	sdelay $0x3  }
0x37: {  	[smem:$0x3FB4] =	sst s10  }
0x38: {  	s10 =	sld [smem:$0x3FB5]  }
0x39: {  	_ = 	snop;
	(pc) =	sbr.ind lr, $3  }
0x3a: {  	_ = 	snop  }
0x3b: {  	_ = 	snop  }
0x3c: {  	p2 =	seq.s32 s10, $0x1;
	s10 =	sld [smem:$0x3FB4]  }
0x3d: {  	_ =	shalt  }
0x3e: {  	_ =	shalt  }
0x3f: {  	_ =	shalt  }
0x40: {  	_ =	shalt  }
0x41: {  	_ =	shalt  }
0x42: {  	_ =	shalt  }
0x43: {  	_ =	shalt  }
0x44: {  	_ =	shalt  }
0x45: {  	_ =	shalt  }
0x46: {  	_ =	shalt  }
0x47: {  	_ =	shalt  }
0x48: {  	_ =	shalt  }
0x49: {  	_ =	shalt  }
0x4a: {  	_ =	shalt  }
0x4b: {  	_ =	shalt  }
0x4c: {  	_ =	shalt  }
0x4d: {  	_ =	shalt  }
0x4e: {  	_ =	shalt  }
0x4f: {  	_ =	shalt  }
0x50: {  	_ =	shalt  }
0x51: {  	_ =	shalt  }
0x52: {  	_ =	shalt  }
0x53: {  	_ =	shalt  }
0x54: {  	_ =	shalt  }
0x55: {  	_ =	shalt  }
0x56: {  	_ =	shalt  }
0x57: {  	_ =	shalt  }
0x58: {  	_ =	shalt  }
0x59: {  	_ =	shalt  }
0x5a: {  	_ =	shalt  }
0x5b: {  	_ =	shalt  }
0x5c: {  	_ =	shalt  }
0x5d: {  	_ =	shalt  }
0x5e: {  	_ =	shalt  }
0x5f: {  	_ =	shalt  }
0x60: {  	_ =	shalt  }
0x61: {  	_ =	shalt  }
0x62: {  	_ =	shalt  }
0x63: {  	_ =	shalt  }
0x64: {  	_ =	shalt  }
0x65: {  	_ =	shalt  }
0x66: {  	_ =	shalt  }
0x67: {  	_ =	shalt  }
0x68: {  	_ =	shalt  }
0x69: {  	_ =	shalt  }
0x6a: {  	_ =	shalt  }
0x6b: {  	_ =	shalt  }
0x6c: {  	_ =	shalt  }
0x6d: {  	_ =	shalt  }
0x6e: {  	_ =	shalt  }
0x6f: {  	_ =	shalt  }
0x70: {  	_ =	shalt  }
0x71: {  	_ =	shalt  }
0x72: {  	_ =	shalt  }
0x73: {  	_ =	shalt  }
0x74: {  	_ =	shalt  }
0x75: {  	_ =	shalt  }
0x76: {  	_ =	shalt  }
0x77: {  	_ =	shalt  }
0x78: {  	_ =	shalt  }
0x79: {  	_ =	shalt  }
0x7a: {  	_ =	shalt  }
0x7b: {  	_ =	shalt  }
0x7c: {  	_ =	shalt  }
0x7d: {  	_ =	shalt  }
0x7e: {  	_ =	shalt  }
0x7f: {  	_ =	shalt  }
0x80: {  	_ =	shalt  }
0x81: {  	_ =	shalt  }
0x82: {  	_ =	shalt  }
0x83: {  	_ =	shalt  }
0x84: {  	_ =	shalt  }
0x85: {  	_ =	shalt  }
0x86: {  	_ =	shalt  }
0x87: {  	_ =	shalt  }
.Lfunc_end0:
.L_simem_size_0:
called_computation.1_lowered:
.L_overlay_start_0:
0x88: {  	s2 =	sld [smem:$0x3FD9]  }
0x89: {  	s3 =	sld [smem:$0x3FFE];
	_ =	sdelay $0x1  }
0x8a: {  	s1 =	srdreg.scid  }
0x8b: {  	s0 =	sand.u32 $0x1, s1  }
0x8c: {  	s17 =	sshll.u32 s0, $0xA;
	s2 =	sadd.s32 s3, s2  }
0x8d: {  	s2 =	sadd.s32 s2, s17  }
0x8e: {  	[smem:$0x3FC0] =	sst s2  }
0x8f: {  	_ = 	snop  }
0x90: {  	s2 =	sld [smem:$0x3FD0];
	(tm) =	ssettm $0x1  }
0x91: {  	s18 =	sld [smem:$0x3FFB];
	_ =	sdelay $0x3  }
0x92: {  	_ =	strace s18  }
0x93: {  	s3 =	sld [smem:$0x3FFC];
	_ =	sdelay $0x3  }
0x94: {  	_ =	strace s3  }
0x95: {  	s3 =	sld [smem:$0x3FFD];
	_ =	sdelay $0x3  }
0x96: {  	_ =	strace s3  }
0x97: {  	_ =	strace $0x8FFFFFFF  }
0x98: {  	s19 =	sld [smem:$0x3FDB];
	_ =	sdelay $0x1  }
0x99: {  	s4 =	simm.s32 $_scs_section_size  }
0x9a: {  	s5 =	simm.s32 $_size__tile_overlayer_lowered;
	s6 =	simm.s32 $_tile_overlayer_lowered  }
0x9b: {  	s22 =	simm.s32 $0x1BFF;
	s21 =	sshll.u32 s6, $0x1;
	s3 =	sadd.s32 s4, s19  }
0x9c: {  	s7 =	simm.s32 $0x0;
	s20 =	sshll.u32 s5, $0x1;
	s5 =	sadd.s32 s21, s3  }
0x9d: {  	[timem:s7], [sflag:s22] =	dma.local [hbm:s5], s20  }
0x9e: {  	_ =	swait.ge [sflag:s22], s20  }
0x9f: {  	s4 =	ssub.s32 $0x0, s20;
	[sflag:s22] =	ssyncset.done $0x0  }
0xa0: {  	[sflag:s22] =	ssyncadd.s32 s4;
	_ =	sdelay $0x1  }
0xa1: {  	s23 =	simm.s32 $0x1B8B  }
0xa2: {  	_ =	swait.ge [sflag:s23], $0x1  }
0xa3: {  	[sflag:s23] =	ssyncset.done $0x0  }
0xa4: {  	s25 =	simm.s32 $0x1B8E;
	s24 =	sld [smem:$0x3FFE];
	[sflag:s23] =	ssyncadd.s32 $0xFFFFFFFF  }
0xa5: {  	s26 =	simm.s32 $execute0_lowered;
	[smem:$0x3FD2] =	sst s25  }
0xa6: {  	s5 =	sshll.u32 s26, $0x1;
	_ =	strace $0x80000049;
	[dreg:$0x1] =	wrdreg $0xFFFFFFFF  }
0xa7: {  	s28 =	simm.s32 $_size_execute0_lowered;
	s3 =	sadd.s32 s3, s5;
	[dreg:$0x0] =	wrdreg $0x0  }
0xa8: {  	s5 =	sshll.u32 s28, $0x1;
	[dreg:$0x2] =	wrdreg s3  }
0xa9: {  	[dreg:$0x3] =	wrdreg s5  }
0xaa: {  	[dreg:$0x4] =	wrdreg $0xC0  }
0xab: {  	_ =	task [dreg:s7], $0x5FFFF  }
0xac: {  	[dreg:$0x1] =	wrdreg $0xFFFFFFFF  }
0xad: {  	[dreg:$0x0] =	wrdreg $0x60  }
0xae: {  	[dreg:$0x2] =	wrdreg s2  }
0xaf: {  	[dreg:$0x3] =	wrdreg s24  }
0xb0: {  	[dreg:$0x4] =	wrdreg $0x0  }
0xb1: {  	[dreg:$0x5] =	wrdreg $0x9  }
0xb2: {  	_ =	task.clear_ibuf [dreg:s7], $0x6FFFF;
	_ =	strace $0x90000049  }
0xb3: {  	s29 =	simm.s32 $0x9;
	_ =	strace $0x8000004B  }
0xb4: {  	_ =	swait.ge [sflag:s29], $0x1  }
0xb5: {  	[sflag:s29] =	ssyncadd.s32 $0xFFFFFFFF  }
0xb6: {  	_ =	strace $0x9000004B  }
0xb7: {  	_ =	sfence  }
0xb8: {  	s30 =	sld [smem:$0x0];
	_ =	sdelay $0x2  }
0xb9: {  	s31 =	sshll.u32 s1, $0xD;
	s1 =	sshrl.u32 s1, $0x2  }
0xba: {  	s3 =	sand.u32 $0x4000, s31;
	s1 =	sadd.s32 s1, s30  }
0xbb: {  	s0 =	sor.u32 s3, s0;
	s1 =	sshll.u32 s1, $0x11  }
0xbc: {  	s0 =	sor.u32 s1, s0  }
0xbd: {  	s0 =	sadd.s32 $0x8F2B, s0  }
0xbe: {  	[sflag:s0] =	ssyncadd.remote.s32 $0x1  }
0xbf: {  	_ =	sfence.sel $0xFFFF  }
0xc0: {  	[dreg:$0x0] =	wrdreg $0xFFFFFFFF;
	(pc) =	sbr.abs _section_cstart, $3  }
0xc1: {  	[dreg:$0x1] =	wrdreg $0xFFFFFFFF  }
0xc2: {  	_ =	task.clear_ibuf [dreg:s7], $0x2FFFF;
	_ =	strace $0x9FFFFFFF  }
0xc3: {  	(tm) =	ssettm $0x7FFFFFFF  }
tec
execute0_lowered:
.L_overlay_start_1:
0x0: {  	(tag) =	ssettag $0x1  }
0x1: {  	s1 =	rddreg [dreg:$0x0]  }
0x2: {  	s0 =	rddreg [dreg:$0x1]  }
0x3: {  	s3 =	rddreg [dreg:$0x2];
	s4 =	simm.s32 $0x0;
	s7 =	stileid.u32  }
0x4: {  	s2 =	srdreg.scid;
	s28 =	simm.s32 $0x1A000;
	s29 =	simm.s32 $0x5  }
0x5: {  	s30 =	simm.s32 $0x4;
	s31 =	simm.s32 $0x6;
	[smem:$0x7FF] =	sst s4  }
0x6: {  	s5 =	smul.u32 $0x28000, s7;
	s6 =	sshll.u32 s7, $0xB;
	s2 =	sand.u32 $0x1, s2  }
0x7: {  	s7 =	smul.u32 $0x50000, s7;
	_ =	strace $0x8000004A;
	s8 =	sshll.u32 s2, $0x7  }
0x8: {  	s6 =	sadd.s32 s6, s0;
	s17 =	ssub.s32 $0x2, s2;
	s5 =	sor.u32 s8, s5  }
0x9: {  	s7 =	sshrl.u32 s7, $0x2;
	s16 =	sadd.s32 $0x5B280, s6;
	s26 =	sadd.s32 $0x3280, s6  }
0xa: {  	s9 =	sshrl.u32 s5, $0x3;
	s5 =	sadd.s32 s7, s3;
	[dreg:$0x4] =	wrdreg s16  }
0xb: {  	s10 =	sshrl.u32 s17, $0x1;
	[dreg:$0x5] =	wrdreg s26;
	s19 =	sadd.s32 $0x2800, s5  }
0xc: {  	s13 =	sadd.s32 $0x5B200, s6;
	s20 =	sadd.s32 $0x5000, s5;
	[dreg:$0x6] =	wrdreg s19  }
0xd: {  	s14 =	sadd.s32 $0x3200, s6;
	s21 =	sadd.s32 $0x7800, s5;
	[dreg:$0x7] =	wrdreg s20  }
0xe: {  	s18 =	ssub.s32 s17, s10;
	s22 =	sadd.s32 $0xA000, s5;
	[dreg:$0x8] =	wrdreg s21  }
0xf: {  	s17 =	simm.s32 $0x15000;
	s23 =	sadd.s32 $0xC800, s5;
	[dreg:$0x9] =	wrdreg s22  }
0x10: {  	s26 =	simm.s32 $0x3;
	s24 =	sadd.s32 $0xF000, s5;
	[dreg:$0xa] =	wrdreg s23  }
0x11: {  	s0 =	sadd.s32 s9, s0;
	s25 =	sadd.s32 $0x11800, s5;
	[dreg:$0xb] =	wrdreg s24  }
0x12: {  	s16 =	smax.u32 s18, $0x1;
	s18 =	simm.s32 $0xA;
	[dreg:$0xc] =	wrdreg s25  }
0x13: {  	s15 =	sadd.s32 $0x63200, s0;
	s21 =	simm.s32 $0x9;
	s22 =	simm.s32 $0x50  }
0x14: {  	s23 =	simm.s32 $0x17800;
	s24 =	simm.s32 $0x1;
	s25 =	simm.s32 $0x1C800  }
0x15: {  	v1 =	vimm.f32 $0.0e+00;
	v0 =	vmov s2;
	s0 =	simm.s32 $0x7;
	s19 =	simm.s32 $0x2;
	s20 =	simm.s32 $0x8  }
.LBB2_1:
0x16: {  	s2 =	simm.s32 $0x0;
	s6 =	simm.s32 $0x200  }
.LBB2_2:
0x17: {  	p0 =	sne.s32 s6, $0x9E00;
	[tilespmem:s2+$0x15070] =	vst v1  }
0x18: {  	[tilespmem:s2+$0x15000] =	vst v1  }
0x19: {  	[tilespmem:s2+$0x15010] =	vst v1  }
.Ltmp0:
0x1a: {  	[tilespmem:s2+$0x15020] =	vst v1;
	(pc) =	sbr.rel @p0 .LBB2_2-.Ltmp0, $4  }
0x1b: {  	[tilespmem:s2+$0x15030] =	vst v1  }
0x1c: {  	[tilespmem:s2+$0x15040] =	vst v1  }
0x1d: {  	[tilespmem:s2+$0x15050] =	vst v1  }
0x1e: {  	[tilespmem:s2+$0x15060] =	vst v1;
	s2 =	sshra.s32 s6, $0x2;
	s6 =	sadd.s32 $0x200, s6  }
0x1f: {  	[tilespmem:s2+$0x15070] =	vst v1  }
0x20: {  	[tilespmem:s2+$0x15000] =	vst v1  }
0x21: {  	[tilespmem:s2+$0x15010] =	vst v1  }
0x22: {  	[tilespmem:s2+$0x15020] =	vst v1  }
0x23: {  	[tilespmem:s2+$0x15030] =	vst v1  }
0x24: {  	[tilespmem:s2+$0x15040] =	vst v1  }
0x25: {  	[tilespmem:s2+$0x15050] =	vst v1  }
0x26: {  	[tilespmem:s2+$0x15060] =	vst v1  }
0x27: {  	[spmem:s5] =	stream.linear.scatter [tilespmem:s17], [sflag:$0xA], $0x2800, $0x38;
	[tilespmem:$0x1F000] =	vst v63  }
0x28: {  	_ =	swait.ge [sflag:s18], $0x2800  }
0x29: {  	[sflag:s18] =	ssyncset.done $0x0  }
0x2a: {  	s12 =	rddreg [dreg:$0x6];
	[sflag:s18] =	ssyncadd.s32 $0xFFFFD800  }
0x2b: {  	[spmem:s12] =	stream.linear.scatter [tilespmem:s17], [sflag:$0xA], $0x2800, $0x38;
	[tilespmem:$0x1F000] =	vst v63  }
0x2c: {  	_ =	swait.ge [sflag:s18], $0x2800  }
0x2d: {  	[sflag:s18] =	ssyncset.done $0x0  }
0x2e: {  	s6 =	rddreg [dreg:$0x7];
	[sflag:s18] =	ssyncadd.s32 $0xFFFFD800  }
0x2f: {  	[spmem:s6] =	stream.linear.scatter [tilespmem:s17], [sflag:$0xA], $0x2800, $0x38;
	[tilespmem:$0x1F000] =	vst v63  }
0x30: {  	_ =	swait.ge [sflag:s18], $0x2800  }
0x31: {  	[sflag:s18] =	ssyncset.done $0x0  }
0x32: {  	s7 =	rddreg [dreg:$0x8];
	[sflag:s18] =	ssyncadd.s32 $0xFFFFD800  }
0x33: {  	[spmem:s7] =	stream.linear.scatter [tilespmem:s17], [sflag:$0xA], $0x2800, $0x38;
	[tilespmem:$0x1F000] =	vst v63  }
0x34: {  	_ =	swait.ge [sflag:s18], $0x2800  }
0x35: {  	[sflag:s18] =	ssyncset.done $0x0  }
0x36: {  	s8 =	rddreg [dreg:$0x9];
	[sflag:s18] =	ssyncadd.s32 $0xFFFFD800  }
0x37: {  	[spmem:s8] =	stream.linear.scatter [tilespmem:s17], [sflag:$0xA], $0x2800, $0x38;
	[tilespmem:$0x1F000] =	vst v63  }
0x38: {  	_ =	swait.ge [sflag:s18], $0x2800  }
0x39: {  	[sflag:s18] =	ssyncset.done $0x0  }
0x3a: {  	s9 =	rddreg [dreg:$0xa];
	[sflag:s18] =	ssyncadd.s32 $0xFFFFD800  }
0x3b: {  	[spmem:s9] =	stream.linear.scatter [tilespmem:s17], [sflag:$0xA], $0x2800, $0x38;
	[tilespmem:$0x1F000] =	vst v63  }
0x3c: {  	_ =	swait.ge [sflag:s18], $0x2800  }
0x3d: {  	[sflag:s18] =	ssyncset.done $0x0  }
0x3e: {  	s10 =	rddreg [dreg:$0xb];
	[sflag:s18] =	ssyncadd.s32 $0xFFFFD800  }
0x3f: {  	[spmem:s10] =	stream.linear.scatter [tilespmem:s17], [sflag:$0xA], $0x2800, $0x38;
	[tilespmem:$0x1F000] =	vst v63  }
0x40: {  	_ =	swait.ge [sflag:s18], $0x2800  }
0x41: {  	[sflag:s18] =	ssyncset.done $0x0  }
0x42: {  	s11 =	rddreg [dreg:$0xc];
	[sflag:s18] =	ssyncadd.s32 $0xFFFFD800  }
0x43: {  	[spmem:s11] =	stream.linear.scatter [tilespmem:s17], [sflag:$0xA], $0x2800, $0x38;
	[tilespmem:$0x1F000] =	vst v63  }
0x44: {  	_ =	swait.ge [sflag:s18], $0x2800  }
0x45: {  	[sflag:s18] =	ssyncset.done $0x0  }
0x46: {  	[sflag:s18] =	ssyncadd.s32 $0xFFFFD800  }
0x47: {  	s2 =	simm.s32 $0x0;
	s6 =	simm.s32 $0x14000;
	[bflag:$0x0] =	sbarrier.arrive $0xFFFF  }
0x48: {  	[tilespmem:s6], [sflag:$0x9] =	stream.linear.gather [hbm4b:s13+s2], $0x400, $0x38;
	[tilespmem:$0x1F000] =	vst v63  }
0x49: {  	s12 =	simm.s32 $0x14800;
	s6 =	simm.s32 $0x0  }
0x4a: {  	[tilespmem:s12], [sflag:$0x9] =	stream.linear.gather [hbm4b:s14+s2], $0x400, $0x38;
	[tilespmem:$0x1F000] =	vst v63  }
.LBB2_4:
0x4b: {  	_ =	swait.ge [sflag:s21], $0x400  }
0x4c: {  	[sflag:s21] =	ssyncset.done $0x0  }
0x4d: {  	s7 =	sand.u32 $0x400, s2;
	p0 =	seq.s32 s6, $0x780;
	[sflag:s21] =	ssyncadd.s32 $0xFFFFFC00  }
0x4e: {  	s10 =	ssub.s32 @!p0 $0x14400, s7;
	_ =	swait.ge [sflag:s21], $0x400  }
0x4f: {  	s11 =	simm.s32 @!p0 $0x0;
	s8 =	rddreg [dreg:$0x4];
	[sflag:s21] =	ssyncset.done $0x0  }
0x50: {  	s9 =	rddreg [dreg:$0x5];
	[sflag:s21] =	ssyncadd.s32 $0xFFFFFC00;
	s8 =	sadd.s32 @!p0 s6, s8  }
0x51: {  	[tilespmem:s10], [sflag:$0x9] =	stream.linear.gather @!p0 [hbm4b:s8+s11], $0x400, $0x38;
	[tilespmem:$0x1F000] =	vst v63  }
0x52: {  	s9 =	sadd.s32 @!p0 s6, s9;
	s8 =	ssub.s32 @!p0 $0x14C00, s7  }
0x53: {  	[tilespmem:s8], [sflag:$0x9] =	stream.linear.gather @!p0 [hbm4b:s9+s11], $0x400, $0x38;
	[tilespmem:$0x1F000] =	vst v63  }
0x54: {  	v2 =	vld [tilespmem:s7+$0x14000]  }
0x55: {  	v3 =	vld [tilespmem:s7+$0x14010]  }
0x56: {  	v4 =	vld [tilespmem:s7+$0x14020]  }
0x57: {  	v5 =	vld [tilespmem:s7+$0x14030]  }
0x58: {  	v6 =	vld [tilespmem:s7+$0x14040]  }
0x59: {  	v7 =	vld [tilespmem:s7+$0x14080];
	v2 =	vshll.u32 v2, $0x1  }
0x5a: {  	v8 =	vld [tilespmem:s7+$0x14090];
	v3 =	vshll.u32 v3, $0x1;
	v2 =	vor.u32 v0, v2  }
0x5b: {  	v31 =	vld [tilespmem:s7+$0x140A0];
	[tilespmem:s7+$0x14000] =	vst v2;
	v2 =	vor.u32 v0, v3;
	v3 =	vshll.u32 v4, $0x1  }
0x5c: {  	v32 =	vld [tilespmem:s7+$0x140B0];
	[tilespmem:s7+$0x14010] =	vst v2;
	v2 =	vor.u32 v0, v3;
	v3 =	vshll.u32 v5, $0x1  }
0x5d: {  	v33 =	vld [tilespmem:s7+$0x140C0];
	[tilespmem:s7+$0x14020] =	vst v2;
	v2 =	vor.u32 v0, v3;
	v3 =	vshll.u32 v6, $0x1  }
0x5e: {  	v34 =	vld [tilespmem:s7+$0x14100];
	[tilespmem:s7+$0x14030] =	vst v2;
	v2 =	vor.u32 v0, v3;
	v3 =	vshll.u32 v7, $0x1  }
0x5f: {  	v35 =	vld [tilespmem:s7+$0x14110];
	[tilespmem:s7+$0x14040] =	vst v2;
	v2 =	vor.u32 v0, v3;
	v3 =	vshll.u32 v8, $0x1  }
0x60: {  	v36 =	vld [tilespmem:s7+$0x14120];
	[tilespmem:s7+$0x14080] =	vst v2;
	v2 =	vor.u32 v0, v3;
	v3 =	vshll.u32 v31, $0x1  }
0x61: {  	v37 =	vld [tilespmem:s7+$0x14130];
	[tilespmem:s7+$0x14090] =	vst v2;
	v2 =	vor.u32 v0, v3;
	v3 =	vshll.u32 v32, $0x1  }
0x62: {  	v38 =	vld [tilespmem:s7+$0x14140];
	[tilespmem:s7+$0x140A0] =	vst v2;
	v2 =	vor.u32 v0, v3;
	v3 =	vshll.u32 v33, $0x1  }
0x63: {  	v39 =	vld [tilespmem:s7+$0x14180];
	[tilespmem:s7+$0x140B0] =	vst v2;
	v2 =	vor.u32 v0, v3;
	v3 =	vshll.u32 v34, $0x1  }
0x64: {  	v40 =	vld [tilespmem:s7+$0x14190];
	[tilespmem:s7+$0x140C0] =	vst v2;
	v2 =	vor.u32 v0, v3;
	v3 =	vshll.u32 v35, $0x1  }
0x65: {  	v41 =	vld [tilespmem:s7+$0x141A0];
	[tilespmem:s7+$0x14100] =	vst v2;
	v2 =	vor.u32 v0, v3;
	v3 =	vshll.u32 v36, $0x1  }
0x66: {  	v42 =	vld [tilespmem:s7+$0x141B0];
	[tilespmem:s7+$0x14110] =	vst v2;
	v2 =	vor.u32 v0, v3;
	v3 =	vshll.u32 v37, $0x1  }
0x67: {  	v43 =	vld [tilespmem:s7+$0x141C0];
	[tilespmem:s7+$0x14120] =	vst v2;
	v2 =	vor.u32 v0, v3;
	v3 =	vshll.u32 v38, $0x1  }
0x68: {  	v44 =	vld [tilespmem:s7+$0x14200];
	[tilespmem:s7+$0x14130] =	vst v2;
	v2 =	vor.u32 v0, v3;
	v3 =	vshll.u32 v39, $0x1  }
0x69: {  	v45 =	vld [tilespmem:s7+$0x14210];
	[tilespmem:s7+$0x14140] =	vst v2;
	v2 =	vor.u32 v0, v3;
	v3 =	vshll.u32 v40, $0x1  }
0x6a: {  	v46 =	vld [tilespmem:s7+$0x14220];
	[tilespmem:s7+$0x14180] =	vst v2;
	v2 =	vor.u32 v0, v3;
	v3 =	vshll.u32 v41, $0x1  }
0x6b: {  	v47 =	vld [tilespmem:s7+$0x14230];
	[tilespmem:s7+$0x14190] =	vst v2;
	v2 =	vor.u32 v0, v3;
	v3 =	vshll.u32 v42, $0x1  }
0x6c: {  	v48 =	vld [tilespmem:s7+$0x14240];
	[tilespmem:s7+$0x141A0] =	vst v2;
	v2 =	vor.u32 v0, v3;
	v3 =	vshll.u32 v43, $0x1  }
0x6d: {  	v49 =	vld [tilespmem:s7+$0x14280];
	[tilespmem:s7+$0x141B0] =	vst v2;
	v2 =	vor.u32 v0, v3;
	v3 =	vshll.u32 v44, $0x1  }
0x6e: {  	v50 =	vld [tilespmem:s7+$0x14290];
	[tilespmem:s7+$0x141C0] =	vst v2;
	v2 =	vor.u32 v0, v3;
	v3 =	vshll.u32 v45, $0x1  }
0x6f: {  	v51 =	vld [tilespmem:s7+$0x142A0];
	[tilespmem:s7+$0x14200] =	vst v2;
	v2 =	vor.u32 v0, v3;
	v3 =	vshll.u32 v46, $0x1  }
0x70: {  	v52 =	vld [tilespmem:s7+$0x142B0];
	[tilespmem:s7+$0x14210] =	vst v2;
	v2 =	vor.u32 v0, v3;
	v3 =	vshll.u32 v47, $0x1  }
0x71: {  	v53 =	vld [tilespmem:s7+$0x142C0];
	[tilespmem:s7+$0x14220] =	vst v2;
	v2 =	vor.u32 v0, v3;
	v3 =	vshll.u32 v48, $0x1  }
0x72: {  	v54 =	vld [tilespmem:s7+$0x14300];
	[tilespmem:s7+$0x14230] =	vst v2;
	v2 =	vor.u32 v0, v3;
	v3 =	vshll.u32 v49, $0x1  }
0x73: {  	v55 =	vld [tilespmem:s7+$0x14310];
	[tilespmem:s7+$0x14240] =	vst v2;
	v2 =	vor.u32 v0, v3;
	v3 =	vshll.u32 v50, $0x1  }
0x74: {  	v56 =	vld [tilespmem:s7+$0x14320];
	[tilespmem:s7+$0x14280] =	vst v2;
	v2 =	vor.u32 v0, v3;
	v3 =	vshll.u32 v51, $0x1  }
0x75: {  	v57 =	vld [tilespmem:s7+$0x14330];
	[tilespmem:s7+$0x14290] =	vst v2;
	v2 =	vor.u32 v0, v3;
	v3 =	vshll.u32 v52, $0x1  }
0x76: {  	v58 =	vld [tilespmem:s7+$0x14340];
	[tilespmem:s7+$0x142A0] =	vst v2;
	v2 =	vor.u32 v0, v3;
	v3 =	vshll.u32 v53, $0x1  }
0x77: {  	v59 =	vld [tilespmem:s7+$0x14380];
	[tilespmem:s7+$0x142B0] =	vst v2;
	v2 =	vor.u32 v0, v3;
	v3 =	vshll.u32 v54, $0x1  }
0x78: {  	v60 =	vld [tilespmem:s7+$0x14390];
	[tilespmem:s7+$0x142C0] =	vst v2;
	v2 =	vor.u32 v0, v3;
	v3 =	vshll.u32 v55, $0x1  }
0x79: {  	v61 =	vld [tilespmem:s7+$0x143A0];
	[tilespmem:s7+$0x14300] =	vst v2;
	v2 =	vor.u32 v0, v3;
	v3 =	vshll.u32 v56, $0x1  }
0x7a: {  	v62 =	vld [tilespmem:s7+$0x143B0];
	[tilespmem:s7+$0x14310] =	vst v2;
	v2 =	vor.u32 v0, v3;
	v3 =	vshll.u32 v57, $0x1  }
0x7b: {  	v63 =	vld [tilespmem:s7+$0x143C0];
	[tilespmem:s7+$0x14320] =	vst v2;
	v2 =	vor.u32 v0, v3;
	v3 =	vshll.u32 v58, $0x1  }
0x7c: {  	[tilespmem:s7+$0x14330] =	vst v2;
	v2 =	vor.u32 v0, v3;
	v3 =	vshll.u32 v59, $0x1  }
0x7d: {  	[tilespmem:s7+$0x14340] =	vst v2;
	v2 =	vor.u32 v0, v3;
	v3 =	vshll.u32 v60, $0x1  }
0x7e: {  	[tilespmem:s7+$0x14380] =	vst v2;
	v2 =	vor.u32 v0, v3;
	v3 =	vshll.u32 v61, $0x1  }
0x7f: {  	[tilespmem:s7+$0x14390] =	vst v2;
	v2 =	vor.u32 v0, v3;
	v3 =	vshll.u32 v62, $0x1  }
0x80: {  	[tilespmem:s7+$0x143A0] =	vst v2;
	v2 =	vor.u32 v0, v3;
	v3 =	vshll.u32 v63, $0x1  }
0x81: {  	p0 =	seq.s32 s6, $0x0;
	[tilespmem:s7+$0x143B0] =	vst v2;
	v2 =	vor.u32 v0, v3  }
0x82: {  	s8 =	sor.u32 $0x14000, s7;
	s9 =	simm.s32 @p0 $0x50;
	s10 =	simm.s32 @p0 $0x15000;
	[tilespmem:s7+$0x143C0] =	vst v2  }
0x83: {  	[tilespmem:s10], [sflag:$0x1] =	stream.indirect.gather @p0 [hbm4b:s1+s9], $0x80, s8, s9, $0xb8;
	[tilespmem:$0x1F000] =	vst v63  }
0x84: {  	s10 =	simm.s32 @!p0 $0x5  }
0x85: {  	_ =	swait.ge @!p0 [sflag:s10], $0x2800  }
0x86: {  	[sflag:s10] =	ssyncset.done @!p0 $0x0  }
0x87: {  	s11 =	simm.s32 @!p0 $0x15000;
	[sflag:s10] =	ssyncadd.s32 @!p0 $0xFFFFD800;
	s10 =	simm.s32 @!p0 $0x50  }
0x88: {  	[tilespmem:s11], [sflag:$0x1] =	stream.indirect.gather @!p0 [hbm4b:s1+s10], $0x80, s8, s10, $0xb8;
	[tilespmem:$0x1F000] =	vst v63  }
0x89: {  	s8 =	simm.s32 @!p0 $0x6  }
0x8a: {  	_ =	swait.ge @!p0 [sflag:s8], $0x2800  }
0x8b: {  	[sflag:s8] =	ssyncset.done @!p0 $0x0  }
0x8c: {  	s12 =	sadd.s32 $0x14080, s7;
	[sflag:s8] =	ssyncadd.s32 @!p0 $0xFFFFD800  }
0x8d: {  	[tilespmem:s23], [sflag:$0x2] =	stream.indirect.gather [hbm4b:s1+s22], $0x80, s12, s22, $0xb8;
	[tilespmem:$0x1F000] =	vst v63  }
0x8e: {  	_ =	swait.ge [sflag:s24], $0x2800  }
0x8f: {  	[sflag:s24] =	ssyncset.done $0x0  }
0x90: {  	s12 =	sor.u32 $0x14800, s7;
	[sflag:s24] =	ssyncadd.s32 $0xFFFFD800  }
0x91: {  	[spmem:s3] =	stream.indirect.scatter.add.f32 [tilespmem:s17], [sflag:$0x5], $0x80, s12, s22, $0xb8;
	[tilespmem:$0x1F000] =	vst v63  }
0x92: {  	s11 =	simm.s32 @p0 $0x1A000;
	s8 =	sadd.s32 $0x14100, s7  }
0x93: {  	[tilespmem:s11], [sflag:$0x3] =	stream.indirect.gather @p0 [hbm4b:s1+s9], $0x80, s8, s9, $0xb8;
	[tilespmem:$0x1F000] =	vst v63  }
0x94: {  	s11 =	simm.s32 @p0 $0x2  }
0x95: {  	_ =	swait.ge @p0 [sflag:s11], $0x2800  }
0x96: {  	[sflag:s11] =	ssyncset.done @p0 $0x0  }
0x97: {  	s12 =	simm.s32 @p0 $0x17800;
	[sflag:s11] =	ssyncadd.s32 @p0 $0xFFFFD800;
	s11 =	sadd.s32 @p0 $0x14880, s7  }
0x98: {  	[spmem:s3] =	stream.indirect.scatter.add.f32 @p0 [tilespmem:s12], [sflag:$0x6], $0x80, s11, s9, $0xb8;
	[tilespmem:$0x1F000] =	vst v63  }
0x99: {  	s9 =	simm.s32 @!p0 $0x7  }
0x9a: {  	_ =	swait.ge @!p0 [sflag:s9], $0x2800  }
0x9b: {  	[sflag:s9] =	ssyncset.done @!p0 $0x0  }
0x9c: {  	[sflag:s9] =	ssyncadd.s32 @!p0 $0xFFFFD800;
	s9 =	simm.s32 @!p0 $0x1A000  }
0x9d: {  	[tilespmem:s9], [sflag:$0x3] =	stream.indirect.gather @!p0 [hbm4b:s1+s10], $0x80, s8, s10, $0xb8;
	[tilespmem:$0x1F000] =	vst v63  }
0x9e: {  	s8 =	simm.s32 @!p0 $0x2  }
0x9f: {  	_ =	swait.ge @!p0 [sflag:s8], $0x2800  }
0xa0: {  	[sflag:s8] =	ssyncset.done @!p0 $0x0  }
0xa1: {  	s9 =	simm.s32 @!p0 $0x17800;
	[sflag:s8] =	ssyncadd.s32 @!p0 $0xFFFFD800;
	s8 =	sadd.s32 @!p0 $0x14880, s7  }
0xa2: {  	[spmem:s3] =	stream.indirect.scatter.add.f32 @!p0 [tilespmem:s9], [sflag:$0x6], $0x80, s8, s10, $0xb8;
	[tilespmem:$0x1F000] =	vst v63  }
0xa3: {  	s8 =	simm.s32 @!p0 $0x8  }
0xa4: {  	_ =	swait.ge @!p0 [sflag:s8], $0x2800  }
0xa5: {  	[sflag:s8] =	ssyncset.done @!p0 $0x0  }
0xa6: {  	s11 =	sadd.s32 $0x14180, s7;
	[sflag:s8] =	ssyncadd.s32 @!p0 $0xFFFFD800  }
0xa7: {  	[tilespmem:s25], [sflag:$0x4] =	stream.indirect.gather [hbm4b:s1+s22], $0x80, s11, s22, $0xb8;
	[tilespmem:$0x1F000] =	vst v63  }
0xa8: {  	_ =	swait.ge [sflag:s26], $0x2800  }
0xa9: {  	[sflag:s26] =	ssyncset.done $0x0  }
0xaa: {  	s12 =	sadd.s32 $0x14900, s7;
	[sflag:s26] =	ssyncadd.s32 $0xFFFFD800  }
0xab: {  	[spmem:s3] =	stream.indirect.scatter.add.f32 [tilespmem:s28], [sflag:$0x7], $0x80, s12, s22, $0xb8;
	[tilespmem:$0x1F000] =	vst v63  }
0xac: {  	_ =	swait.ge [sflag:s29], $0x2800  }
0xad: {  	[sflag:s29] =	ssyncset.done $0x0  }
0xae: {  	s9 =	sadd.s32 $0x14200, s7;
	[sflag:s29] =	ssyncadd.s32 $0xFFFFD800  }
0xaf: {  	[tilespmem:s17], [sflag:$0x1] =	stream.indirect.gather [hbm4b:s1+s22], $0x80, s9, s22, $0xb8;
	[tilespmem:$0x1F000] =	vst v63  }
0xb0: {  	_ =	swait.ge [sflag:s30], $0x2800  }
0xb1: {  	[sflag:s30] =	ssyncset.done $0x0  }
0xb2: {  	s10 =	sadd.s32 $0x14980, s7;
	[sflag:s30] =	ssyncadd.s32 $0xFFFFD800  }
0xb3: {  	[spmem:s3] =	stream.indirect.scatter.add.f32 [tilespmem:s25], [sflag:$0x8], $0x80, s10, s22, $0xb8;
	[tilespmem:$0x1F000] =	vst v63  }
0xb4: {  	_ =	swait.ge [sflag:s31], $0x2800  }
0xb5: {  	[sflag:s31] =	ssyncset.done $0x0  }
0xb6: {  	s11 =	sadd.s32 $0x14280, s7;
	[sflag:s31] =	ssyncadd.s32 $0xFFFFD800  }
0xb7: {  	[tilespmem:s23], [sflag:$0x2] =	stream.indirect.gather [hbm4b:s1+s22], $0x80, s11, s22, $0xb8;
	[tilespmem:$0x1F000] =	vst v63  }
0xb8: {  	_ =	swait.ge [sflag:s24], $0x2800  }
0xb9: {  	[sflag:s24] =	ssyncset.done $0x0  }
0xba: {  	s12 =	sadd.s32 $0x14A00, s7;
	[sflag:s24] =	ssyncadd.s32 $0xFFFFD800  }
0xbb: {  	[spmem:s3] =	stream.indirect.scatter.add.f32 [tilespmem:s17], [sflag:$0x5], $0x80, s12, s22, $0xb8;
	[tilespmem:$0x1F000] =	vst v63  }
0xbc: {  	_ =	swait.ge [sflag:s0], $0x2800  }
0xbd: {  	[sflag:s0] =	ssyncset.done $0x0  }
0xbe: {  	s9 =	sadd.s32 $0x14300, s7;
	[sflag:s0] =	ssyncadd.s32 $0xFFFFD800  }
0xbf: {  	[tilespmem:s28], [sflag:$0x3] =	stream.indirect.gather [hbm4b:s1+s22], $0x80, s9, s22, $0xb8;
	[tilespmem:$0x1F000] =	vst v63  }
0xc0: {  	_ =	swait.ge [sflag:s19], $0x2800  }
0xc1: {  	[sflag:s19] =	ssyncset.done $0x0  }
0xc2: {  	s10 =	sadd.s32 $0x14A80, s7;
	[sflag:s19] =	ssyncadd.s32 $0xFFFFD800  }
0xc3: {  	[spmem:s3] =	stream.indirect.scatter.add.f32 [tilespmem:s23], [sflag:$0x6], $0x80, s10, s22, $0xb8;
	[tilespmem:$0x1F000] =	vst v63  }
0xc4: {  	_ =	swait.ge [sflag:s20], $0x2800  }
0xc5: {  	[sflag:s20] =	ssyncset.done $0x0  }
0xc6: {  	s11 =	sadd.s32 $0x14380, s7;
	[sflag:s20] =	ssyncadd.s32 $0xFFFFD800  }
0xc7: {  	[tilespmem:s25], [sflag:$0x4] =	stream.indirect.gather [hbm4b:s1+s22], $0x80, s11, s22, $0xb8;
	[tilespmem:$0x1F000] =	vst v63  }
0xc8: {  	_ =	swait.ge [sflag:s26], $0x2800  }
0xc9: {  	s6 =	sadd.s32 $0x80, s6;
	[sflag:s26] =	ssyncset.done $0x0  }
0xca: {  	p0 =	sne.s32 s6, $0x800;
	s12 =	sadd.s32 $0x14B00, s7;
	[sflag:s26] =	ssyncadd.s32 $0xFFFFD800  }
0xcb: {  	[spmem:s3] =	stream.indirect.scatter.add.f32 [tilespmem:s28], [sflag:$0x7], $0x80, s12, s22, $0xb8;
	[tilespmem:$0x1F000] =	vst v63  }
.Ltmp1:
0xcc: {  	_ = 	snop;
	(pc) =	sbr.rel @p0 .LBB2_4-.Ltmp1, $4  }
0xcd: {  	_ =	swait.ge [sflag:s30], $0x2800  }
0xce: {  	[sflag:s30] =	ssyncset.done $0x0  }
0xcf: {  	s2 =	sadd.s32 $0x400, s2;
	s7 =	sadd.s32 $0x14B80, s7;
	[sflag:s30] =	ssyncadd.s32 $0xFFFFD800  }
0xd0: {  	[spmem:s3] =	stream.indirect.scatter.add.f32 [tilespmem:s25], [sflag:$0x8], $0x80, s7, s22, $0xb8;
	[tilespmem:$0x1F000] =	vst v63  }
0xd1: {  	_ =	swait.ge [sflag:s29], $0x2800  }
0xd2: {  	[sflag:s29] =	ssyncset.done $0x0  }
0xd3: {  	[sflag:s29] =	ssyncadd.s32 $0xFFFFD800  }
0xd4: {  	_ =	swait.ge [sflag:s31], $0x2800  }
0xd5: {  	[sflag:s31] =	ssyncset.done $0x0  }
0xd6: {  	[sflag:s31] =	ssyncadd.s32 $0xFFFFD800  }
0xd7: {  	_ =	swait.ge [sflag:s0], $0x2800  }
0xd8: {  	[sflag:s0] =	ssyncset.done $0x0  }
0xd9: {  	s2 =	stileid.u32;
	[sflag:s0] =	ssyncadd.s32 $0xFFFFD800  }
0xda: {  	s6 =	sshrl.u32 s5, $0x3;
	s7 =	simm.s32 $0x20;
	_ =	swait.ge [sflag:s20], $0x2800  }
0xdb: {  	s8 =	simm.s32 $0x10;
	s4 =	sadd.s32 $0x1, s4;
	[sflag:s20] =	ssyncset.done $0x0  }
0xdc: {  	s2 =	sshll.u32 s2, $0x6;
	p0 =	sne.s32 s4, s16;
	[sflag:s20] =	ssyncadd.s32 $0xFFFFD800  }
.Ltmp2:
0xdd: {  	s2 =	sor.u32 $0x1C0A, s2;
	[bflag:$0x0] =	sbarrier.arrive $0xFFFF;
	(pc) =	sbr.rel @p0 .LBB2_1-.Ltmp2, $4  }
0xde: {  	[hbm:s15@s7], [sflag:s2] =	dma.strided [spmem:s6@s8], $0x2800, s24, $0x10   }
0xdf: {  	_ =	swait.ge [sflag:s18], $0x2800  }
0xe0: {  	[sflag:s18] =	ssyncset.done $0x0  }
0xe1: {  	[sflag:s18] =	ssyncadd.s32 $0xFFFFD800  }
0xe2: {  	_ =	sfence.sel $0x180000  }
0xe3: {  	[bflag:$0x0] =	sbarrier.arrive $0xFFFF  }
0xe4: {  	_ =	strace $0x9000004A  }
0xe5: {  	s0 =	stileid.u32;
	[bflag:$0x2] =	sbarrier.arrive $0xFFFF  }
0xe6: {  	p0 =	sne.s32 s0, $0x0;
	s0 =	rddreg [dreg:$0x3]  }
0xe7: {  	s0 =	sadd.s32 @!p0 $0x100000, s0  }
0xe8: {  	[sflag:s0] =	ssyncadd.tile.s32 @!p0 $0x1;
	_ =	shalt  }
.Lfunc_end2:
_tile_overlayer_lowered:
.L_overlay_start_2:
0xe9: {  	(tag) =	ssettag $0x2  }
0xea: {  	s0 =	rddreg [dreg:$0x0];
	s2 =	stileid.u32  }
0xeb: {  	s1 =	rddreg [dreg:$0x1];
	p0 =	sne.s32 s2, $0x0  }
0xec: {  	s3 =	rddreg [dreg:$0x2];
	[bflag:$0x3] =	sbarrier.arrive $0xFFFF;
	s2 =	simm.s32 @!p0 $0x1C0A  }
0xed: {  	[timem:s3], [sflag:s2] =	dma.local @!p0 [hbm:s0], s1  }
0xee: {  	s0 =	simm.s32 @!p0 $0xA  }
0xef: {  	_ =	swait.ge @!p0 [sflag:s0], s1  }
0xf0: {  	s1 =	ssub.s32 @!p0 $0x0, s1;
	[sflag:s0] =	ssyncset.done @!p0 $0x0  }
0xf1: {  	[sflag:s0] =	ssyncadd.s32 @!p0 s1  }
0xf2: {  	[bflag:$0x3] =	sbarrier.arrive $0xFFFF  }
0xf3: {  	_ =	shalt  }

// kernel: kernel.15.cloned.1.call-start
scs
__scs_entry_jumppad:
0x0: {  	(pc) =	sbr.rel $0x88, $3  }
0x1: {  	(tag) =	ssettag $0x0;
	lr =	simm.s32 $0x1  }
0x2: {  	[smem:$0x3F99] =	sst lr;
	_ =	strace $0xD0000000  }
0x3: {  	_ = 	snop  }
0x4: {  	_ = 	snop  }
0x5: {  	_ = 	snop  }
0x6: {  	_ = 	snop  }
0x7: {  	_ = 	snop  }
__scs_overlays_trampoline_lowered:
0x8: {  	[smem:$0x3FA8] =	sst s0  }
0x9: {  	[smem:$0x3FA9] =	sst s1  }
0xa: {  	[smem:$0x3FAA] =	sst s2  }
0xb: {  	[smem:$0x3FAB] =	sst s3  }
0xc: {  	[smem:$0x3FAC] =	sst s4  }
0xd: {  	[smem:$0x3FAD] =	sst s5  }
0xe: {  	[smem:$0x3FAE] =	sst s6  }
0xf: {  	[smem:$0x3FAF] =	sst s7  }
0x10: {  	[smem:$0x3FB0] =	sst s8  }
0x11: {  	[smem:$0x3FB1] =	sst s9;
	s0 =	simm.s32 @!p0 $0x0  }
0x12: {  	s1 =	sld [smem:$0x3F97];
	s0 =	simm.s32 @p0 $0x1  }
0x13: {  	[smem:$0x3FB2] =	sst s0;
	s0 =	simm.s32 @!p1 $0x0  }
0x14: {  	s2 =	sld [smem:$0x3F96];
	s0 =	simm.s32 @p1 $0x1  }
0x15: {  	[smem:$0x3FB3] =	sst s0;
	s0 =	simm.s32 @!p2 $0x0  }
0x16: {  	s3 =	sld [smem:$0x3FDB];
	s0 =	simm.s32 @p2 $0x1  }
0x17: {  	s4 =	simm.s32 $0x1BF5;
	[smem:$0x3FB5] =	sst s0  }
0x18: {  	s0 =	sld [smem:$0x3F98];
	_ =	swait.ge [sflag:s4], $0x0  }
0x19: {  	s7 =	sld [smem:$0x3F99]  }
0x1a: {  	s8 =	sadd.s32 $0xFFFFE003, lr  }
0x1b: {  	s9 =	sadd.s32 $0xFFFFFEF7, lr;
	s5 =	simm.s32 $0xFFFFFFFF;
	p2 =	slt.u32 s8, $0xFFFFF086  }
0x1c: {  	p1 =	slt.u32 s9, $0xF7A;
	s5 =	simm.s32 @!p2 $0x0  }
0x1d: {  	s5 =	simm.s32 @p1 $0x1;
	p0 =	seq.s32 s7, s2  }
0x1e: {  	s7 =	smul.u32 @!p0 $0xF7A, s2;
	p2 =	seq.s32 @!p0 s5, $0x0  }
0x1f: {  	s9 =	smul.u32 $0xF7A, s1;
	s8 =	simm.s32 @!p0 $0x1BF5;
	p2 =	por !p2, p0  }
0x20: {  	[sflag:s8] =	ssyncset.s32 @!p0 $0xFFFFF086;
	s6 =	sadd.s32 @!p0 s3, s7;
	s7 =	simm.s32 @!p0 $0x108  }
0x21: {  	s3 =	sadd.s32 s3, s9;
	s6 =	sadd.s32 @!p0 $0x88, s6;
	s7 =	simm.s32 @p2 $0x1082  }
0x22: {  	[simem:s7], [sflag:s8] =	dma.local @!p0 [hbm:s6], $0xF7A  }
0x23: {  	s9 =	sor.u32 $0xD0000000, s2;
	s6 =	simm.s32 $0x108;
	_ =	swait.ge @!p0 [sflag:s8], $0x0  }
0x24: {  	s3 =	sadd.s32 $0x88, s3;
	s6 =	simm.s32 @!p1 $0x1082;
	[sflag:s4] =	ssyncset.s32 $0xFFFFF086  }
0x25: {  	[simem:s6], [sflag:s4] =	dma.local [hbm:s3], $0xF7A  }
0x26: {  	[smem:$0x3F99] =	sst s1;
	(tag) =	ssettag s2;
	_ =	strace s9  }
0x27: {  	s1 =	sld [smem:$0x3FA9]  }
0x28: {  	s2 =	sld [smem:$0x3FAA]  }
0x29: {  	s4 =	sld [smem:$0x3FAC]  }
0x2a: {  	p0 =	seq.s32 s5, $0x0;
	s5 =	sld [smem:$0x3FAD]  }
0x2b: {  	s6 =	sld [smem:$0x3FAE]  }
0x2c: {  	s7 =	sld [smem:$0x3FAF]  }
0x2d: {  	s3 =	simm.s32 $0x108;
	s8 =	sld [smem:$0x3FB0]  }
0x2e: {  	s3 =	simm.s32 @!p0 $0x1082;
	s9 =	sld [smem:$0x3FB1]  }
0x2f: {  	lr =	sadd.s32 s0, s3;
	s0 =	sld [smem:$0x3FA8]  }
0x30: {  	s3 =	sld [smem:$0x3FAB]  }
0x31: {  	[smem:$0x3FB4] =	sst s10  }
0x32: {  	s10 =	sld [smem:$0x3FB2];
	_ =	sdelay $0x3  }
0x33: {  	p0 =	seq.s32 s10, $0x1;
	s10 =	sld [smem:$0x3FB4];
	_ =	sdelay $0x3  }
0x34: {  	[smem:$0x3FB4] =	sst s10  }
0x35: {  	s10 =	sld [smem:$0x3FB3];
	_ =	sdelay $0x3  }
0x36: {  	p1 =	seq.s32 s10, $0x1;
	s10 =	sld [smem:$0x3FB4];
	_ =	sdelay $0x3  }
0x37: {  	[smem:$0x3FB4] =	sst s10  }
0x38: {  	s10 =	sld [smem:$0x3FB5]  }
0x39: {  	_ = 	snop;
	(pc) =	sbr.ind lr, $3  }
0x3a: {  	_ = 	snop  }
0x3b: {  	_ = 	snop  }
0x3c: {  	p2 =	seq.s32 s10, $0x1;
	s10 =	sld [smem:$0x3FB4]  }
0x3d: {  	_ =	shalt  }
0x3e: {  	_ =	shalt  }
0x3f: {  	_ =	shalt  }
0x40: {  	_ =	shalt  }
0x41: {  	_ =	shalt  }
0x42: {  	_ =	shalt  }
0x43: {  	_ =	shalt  }
0x44: {  	_ =	shalt  }
0x45: {  	_ =	shalt  }
0x46: {  	_ =	shalt  }
0x47: {  	_ =	shalt  }
0x48: {  	_ =	shalt  }
0x49: {  	_ =	shalt  }
0x4a: {  	_ =	shalt  }
0x4b: {  	_ =	shalt  }
0x4c: {  	_ =	shalt  }
0x4d: {  	_ =	shalt  }
0x4e: {  	_ =	shalt  }
0x4f: {  	_ =	shalt  }
0x50: {  	_ =	shalt  }
0x51: {  	_ =	shalt  }
0x52: {  	_ =	shalt  }
0x53: {  	_ =	shalt  }
0x54: {  	_ =	shalt  }
0x55: {  	_ =	shalt  }
0x56: {  	_ =	shalt  }
0x57: {  	_ =	shalt  }
0x58: {  	_ =	shalt  }
0x59: {  	_ =	shalt  }
0x5a: {  	_ =	shalt  }
0x5b: {  	_ =	shalt  }
0x5c: {  	_ =	shalt  }
0x5d: {  	_ =	shalt  }
0x5e: {  	_ =	shalt  }
0x5f: {  	_ =	shalt  }
0x60: {  	_ =	shalt  }
0x61: {  	_ =	shalt  }
0x62: {  	_ =	shalt  }
0x63: {  	_ =	shalt  }
0x64: {  	_ =	shalt  }
0x65: {  	_ =	shalt  }
0x66: {  	_ =	shalt  }
0x67: {  	_ =	shalt  }
0x68: {  	_ =	shalt  }
0x69: {  	_ =	shalt  }
0x6a: {  	_ =	shalt  }
0x6b: {  	_ =	shalt  }
0x6c: {  	_ =	shalt  }
0x6d: {  	_ =	shalt  }
0x6e: {  	_ =	shalt  }
0x6f: {  	_ =	shalt  }
0x70: {  	_ =	shalt  }
0x71: {  	_ =	shalt  }
0x72: {  	_ =	shalt  }
0x73: {  	_ =	shalt  }
0x74: {  	_ =	shalt  }
0x75: {  	_ =	shalt  }
0x76: {  	_ =	shalt  }
0x77: {  	_ =	shalt  }
0x78: {  	_ =	shalt  }
0x79: {  	_ =	shalt  }
0x7a: {  	_ =	shalt  }
0x7b: {  	_ =	shalt  }
0x7c: {  	_ =	shalt  }
0x7d: {  	_ =	shalt  }
0x7e: {  	_ =	shalt  }
0x7f: {  	_ =	shalt  }
0x80: {  	_ =	shalt  }
0x81: {  	_ =	shalt  }
0x82: {  	_ =	shalt  }
0x83: {  	_ =	shalt  }
0x84: {  	_ =	shalt  }
0x85: {  	_ =	shalt  }
0x86: {  	_ =	shalt  }
0x87: {  	_ =	shalt  }
.Lfunc_end0:
.L_simem_size_0:
called_computation.2_lowered:
.L_overlay_start_0:
0x88: {  	s2 =	sld [smem:$0x3FD9]  }
0x89: {  	s3 =	sld [smem:$0x3FFE];
	_ =	sdelay $0x1  }
0x8a: {  	s1 =	srdreg.scid  }
0x8b: {  	s0 =	sand.u32 $0x1, s1  }
0x8c: {  	s17 =	sshll.u32 s0, $0xA;
	s2 =	sadd.s32 s3, s2  }
0x8d: {  	s2 =	sadd.s32 s2, s17  }
0x8e: {  	[smem:$0x3FC0] =	sst s2  }
0x8f: {  	_ = 	snop  }
0x90: {  	s2 =	sld [smem:$0x3FD0];
	(tm) =	ssettm $0x1  }
0x91: {  	s18 =	sld [smem:$0x3FFB];
	_ =	sdelay $0x3  }
0x92: {  	_ =	strace s18  }
0x93: {  	s3 =	sld [smem:$0x3FFC];
	_ =	sdelay $0x3  }
0x94: {  	_ =	strace s3  }
0x95: {  	s3 =	sld [smem:$0x3FFD];
	_ =	sdelay $0x3  }
0x96: {  	_ =	strace s3  }
0x97: {  	_ =	strace $0x8FFFFFFF  }
0x98: {  	s19 =	sld [smem:$0x3FDB];
	_ =	sdelay $0x1  }
0x99: {  	s4 =	simm.s32 $_scs_section_size  }
0x9a: {  	s5 =	simm.s32 $_size__tile_overlayer_lowered;
	s6 =	simm.s32 $_tile_overlayer_lowered  }
0x9b: {  	s22 =	simm.s32 $0x1BFF;
	s21 =	sshll.u32 s6, $0x1;
	s3 =	sadd.s32 s4, s19  }
0x9c: {  	s7 =	simm.s32 $0x0;
	s20 =	sshll.u32 s5, $0x1;
	s5 =	sadd.s32 s21, s3  }
0x9d: {  	[timem:s7], [sflag:s22] =	dma.local [hbm:s5], s20  }
0x9e: {  	_ =	swait.ge [sflag:s22], s20  }
0x9f: {  	s4 =	ssub.s32 $0x0, s20;
	[sflag:s22] =	ssyncset.done $0x0  }
0xa0: {  	[sflag:s22] =	ssyncadd.s32 s4;
	_ =	sdelay $0x1  }
0xa1: {  	s23 =	simm.s32 $0x1B8B  }
0xa2: {  	_ =	swait.ge [sflag:s23], $0x1  }
0xa3: {  	[sflag:s23] =	ssyncset.done $0x0  }
0xa4: {  	s25 =	simm.s32 $0x1B8E;
	s24 =	sld [smem:$0x3FFE];
	[sflag:s23] =	ssyncadd.s32 $0xFFFFFFFF  }
0xa5: {  	s26 =	simm.s32 $execute0_lowered;
	[smem:$0x3FD2] =	sst s25  }
0xa6: {  	s5 =	sshll.u32 s26, $0x1;
	_ =	strace $0x8000004C;
	[dreg:$0x1] =	wrdreg $0xFFFFFFFF  }
0xa7: {  	s28 =	simm.s32 $_size_execute0_lowered;
	s3 =	sadd.s32 s3, s5;
	[dreg:$0x0] =	wrdreg $0x0  }
0xa8: {  	s5 =	sshll.u32 s28, $0x1;
	[dreg:$0x2] =	wrdreg s3  }
0xa9: {  	[dreg:$0x3] =	wrdreg s5  }
0xaa: {  	[dreg:$0x4] =	wrdreg $0xC0  }
0xab: {  	_ =	task [dreg:s7], $0x5FFFF  }
0xac: {  	[dreg:$0x1] =	wrdreg $0xFFFFFFFF  }
0xad: {  	[dreg:$0x0] =	wrdreg $0x60  }
0xae: {  	[dreg:$0x2] =	wrdreg s2  }
0xaf: {  	[dreg:$0x3] =	wrdreg s24  }
0xb0: {  	[dreg:$0x4] =	wrdreg $0x0  }
0xb1: {  	[dreg:$0x5] =	wrdreg $0x9  }
0xb2: {  	_ =	task.clear_ibuf [dreg:s7], $0x6FFFF;
	_ =	strace $0x9000004C  }
0xb3: {  	s29 =	simm.s32 $0x9;
	_ =	strace $0x8000004E  }
0xb4: {  	_ =	swait.ge [sflag:s29], $0x1  }
0xb5: {  	[sflag:s29] =	ssyncadd.s32 $0xFFFFFFFF  }
0xb6: {  	_ =	strace $0x9000004E  }
0xb7: {  	_ =	sfence  }
0xb8: {  	s30 =	sld [smem:$0x0];
	_ =	sdelay $0x2  }
0xb9: {  	s31 =	sshll.u32 s1, $0xD;
	s1 =	sshrl.u32 s1, $0x2  }
0xba: {  	s3 =	sand.u32 $0x4000, s31;
	s1 =	sadd.s32 s1, s30  }
0xbb: {  	s0 =	sor.u32 s3, s0;
	s1 =	sshll.u32 s1, $0x11  }
0xbc: {  	s0 =	sor.u32 s1, s0  }
0xbd: {  	s0 =	sadd.s32 $0x8F2B, s0  }
0xbe: {  	[sflag:s0] =	ssyncadd.remote.s32 $0x1  }
0xbf: {  	_ =	sfence.sel $0xFFFF  }
0xc0: {  	[dreg:$0x0] =	wrdreg $0xFFFFFFFF;
	(pc) =	sbr.abs _section_cstart, $3  }
0xc1: {  	[dreg:$0x1] =	wrdreg $0xFFFFFFFF  }
0xc2: {  	_ =	task.clear_ibuf [dreg:s7], $0x2FFFF;
	_ =	strace $0x9FFFFFFF  }
0xc3: {  	(tm) =	ssettm $0x7FFFFFFF  }
tec
execute0_lowered:
.L_overlay_start_1:
0x0: {  	(tag) =	ssettag $0x1  }
0x1: {  	s1 =	rddreg [dreg:$0x0]  }
0x2: {  	s0 =	rddreg [dreg:$0x1]  }
0x3: {  	s3 =	rddreg [dreg:$0x2];
	s4 =	simm.s32 $0x0;
	s7 =	stileid.u32  }
0x4: {  	s2 =	srdreg.scid;
	s28 =	simm.s32 $0x1A000;
	s29 =	simm.s32 $0x5  }
0x5: {  	s30 =	simm.s32 $0x4;
	s31 =	simm.s32 $0x6;
	[smem:$0x7FF] =	sst s4  }
0x6: {  	s5 =	smul.u32 $0x28000, s7;
	s6 =	sshll.u32 s7, $0xB;
	s2 =	sand.u32 $0x1, s2  }
0x7: {  	s7 =	smul.u32 $0x50000, s7;
	_ =	strace $0x8000004D;
	s8 =	sshll.u32 s2, $0x7  }
0x8: {  	s6 =	sadd.s32 s6, s0;
	s17 =	ssub.s32 $0x2, s2;
	s5 =	sor.u32 s8, s5  }
0x9: {  	s7 =	sshrl.u32 s7, $0x2;
	s16 =	sadd.s32 $0x5B280, s6;
	s26 =	sadd.s32 $0x3280, s6  }
0xa: {  	s9 =	sshrl.u32 s5, $0x3;
	s5 =	sadd.s32 s7, s3;
	[dreg:$0x4] =	wrdreg s16  }
0xb: {  	s10 =	sshrl.u32 s17, $0x1;
	[dreg:$0x5] =	wrdreg s26;
	s19 =	sadd.s32 $0x2800, s5  }
0xc: {  	s13 =	sadd.s32 $0x5B200, s6;
	s20 =	sadd.s32 $0x5000, s5;
	[dreg:$0x6] =	wrdreg s19  }
0xd: {  	s14 =	sadd.s32 $0x3200, s6;
	s21 =	sadd.s32 $0x7800, s5;
	[dreg:$0x7] =	wrdreg s20  }
0xe: {  	s18 =	ssub.s32 s17, s10;
	s22 =	sadd.s32 $0xA000, s5;
	[dreg:$0x8] =	wrdreg s21  }
0xf: {  	s17 =	simm.s32 $0x15000;
	s23 =	sadd.s32 $0xC800, s5;
	[dreg:$0x9] =	wrdreg s22  }
0x10: {  	s26 =	simm.s32 $0x3;
	s24 =	sadd.s32 $0xF000, s5;
	[dreg:$0xa] =	wrdreg s23  }
0x11: {  	s0 =	sadd.s32 s9, s0;
	s25 =	sadd.s32 $0x11800, s5;
	[dreg:$0xb] =	wrdreg s24  }
0x12: {  	s16 =	smax.u32 s18, $0x1;
	s18 =	simm.s32 $0xA;
	[dreg:$0xc] =	wrdreg s25  }
0x13: {  	s15 =	sadd.s32 $0xDA400, s0;
	s21 =	simm.s32 $0x9;
	s22 =	simm.s32 $0x50  }
0x14: {  	s23 =	simm.s32 $0x17800;
	s24 =	simm.s32 $0x1;
	s25 =	simm.s32 $0x1C800  }
0x15: {  	v1 =	vimm.f32 $0.0e+00;
	v0 =	vmov s2;
	s0 =	simm.s32 $0x7;
	s19 =	simm.s32 $0x2;
	s20 =	simm.s32 $0x8  }
.LBB2_1:
0x16: {  	s2 =	simm.s32 $0x0;
	s6 =	simm.s32 $0x200  }
.LBB2_2:
0x17: {  	p0 =	sne.s32 s6, $0x9E00;
	[tilespmem:s2+$0x15070] =	vst v1  }
0x18: {  	[tilespmem:s2+$0x15000] =	vst v1  }
0x19: {  	[tilespmem:s2+$0x15010] =	vst v1  }
.Ltmp0:
0x1a: {  	[tilespmem:s2+$0x15020] =	vst v1;
	(pc) =	sbr.rel @p0 .LBB2_2-.Ltmp0, $4  }
0x1b: {  	[tilespmem:s2+$0x15030] =	vst v1  }
0x1c: {  	[tilespmem:s2+$0x15040] =	vst v1  }
0x1d: {  	[tilespmem:s2+$0x15050] =	vst v1  }
0x1e: {  	[tilespmem:s2+$0x15060] =	vst v1;
	s2 =	sshra.s32 s6, $0x2;
	s6 =	sadd.s32 $0x200, s6  }
0x1f: {  	[tilespmem:s2+$0x15070] =	vst v1  }
0x20: {  	[tilespmem:s2+$0x15000] =	vst v1  }
0x21: {  	[tilespmem:s2+$0x15010] =	vst v1  }
0x22: {  	[tilespmem:s2+$0x15020] =	vst v1  }
0x23: {  	[tilespmem:s2+$0x15030] =	vst v1  }
0x24: {  	[tilespmem:s2+$0x15040] =	vst v1  }
0x25: {  	[tilespmem:s2+$0x15050] =	vst v1  }
0x26: {  	[tilespmem:s2+$0x15060] =	vst v1  }
0x27: {  	[spmem:s5] =	stream.linear.scatter [tilespmem:s17], [sflag:$0xA], $0x2800, $0x38;
	[tilespmem:$0x1F000] =	vst v63  }
0x28: {  	_ =	swait.ge [sflag:s18], $0x2800  }
0x29: {  	[sflag:s18] =	ssyncset.done $0x0  }
0x2a: {  	s12 =	rddreg [dreg:$0x6];
	[sflag:s18] =	ssyncadd.s32 $0xFFFFD800  }
0x2b: {  	[spmem:s12] =	stream.linear.scatter [tilespmem:s17], [sflag:$0xA], $0x2800, $0x38;
	[tilespmem:$0x1F000] =	vst v63  }
0x2c: {  	_ =	swait.ge [sflag:s18], $0x2800  }
0x2d: {  	[sflag:s18] =	ssyncset.done $0x0  }
0x2e: {  	s6 =	rddreg [dreg:$0x7];
	[sflag:s18] =	ssyncadd.s32 $0xFFFFD800  }
0x2f: {  	[spmem:s6] =	stream.linear.scatter [tilespmem:s17], [sflag:$0xA], $0x2800, $0x38;
	[tilespmem:$0x1F000] =	vst v63  }
0x30: {  	_ =	swait.ge [sflag:s18], $0x2800  }
0x31: {  	[sflag:s18] =	ssyncset.done $0x0  }
0x32: {  	s7 =	rddreg [dreg:$0x8];
	[sflag:s18] =	ssyncadd.s32 $0xFFFFD800  }
0x33: {  	[spmem:s7] =	stream.linear.scatter [tilespmem:s17], [sflag:$0xA], $0x2800, $0x38;
	[tilespmem:$0x1F000] =	vst v63  }
0x34: {  	_ =	swait.ge [sflag:s18], $0x2800  }
0x35: {  	[sflag:s18] =	ssyncset.done $0x0  }
0x36: {  	s8 =	rddreg [dreg:$0x9];
	[sflag:s18] =	ssyncadd.s32 $0xFFFFD800  }
0x37: {  	[spmem:s8] =	stream.linear.scatter [tilespmem:s17], [sflag:$0xA], $0x2800, $0x38;
	[tilespmem:$0x1F000] =	vst v63  }
0x38: {  	_ =	swait.ge [sflag:s18], $0x2800  }
0x39: {  	[sflag:s18] =	ssyncset.done $0x0  }
0x3a: {  	s9 =	rddreg [dreg:$0xa];
	[sflag:s18] =	ssyncadd.s32 $0xFFFFD800  }
0x3b: {  	[spmem:s9] =	stream.linear.scatter [tilespmem:s17], [sflag:$0xA], $0x2800, $0x38;
	[tilespmem:$0x1F000] =	vst v63  }
0x3c: {  	_ =	swait.ge [sflag:s18], $0x2800  }
0x3d: {  	[sflag:s18] =	ssyncset.done $0x0  }
0x3e: {  	s10 =	rddreg [dreg:$0xb];
	[sflag:s18] =	ssyncadd.s32 $0xFFFFD800  }
0x3f: {  	[spmem:s10] =	stream.linear.scatter [tilespmem:s17], [sflag:$0xA], $0x2800, $0x38;
	[tilespmem:$0x1F000] =	vst v63  }
0x40: {  	_ =	swait.ge [sflag:s18], $0x2800  }
0x41: {  	[sflag:s18] =	ssyncset.done $0x0  }
0x42: {  	s11 =	rddreg [dreg:$0xc];
	[sflag:s18] =	ssyncadd.s32 $0xFFFFD800  }
0x43: {  	[spmem:s11] =	stream.linear.scatter [tilespmem:s17], [sflag:$0xA], $0x2800, $0x38;
	[tilespmem:$0x1F000] =	vst v63  }
0x44: {  	_ =	swait.ge [sflag:s18], $0x2800  }
0x45: {  	[sflag:s18] =	ssyncset.done $0x0  }
0x46: {  	[sflag:s18] =	ssyncadd.s32 $0xFFFFD800  }
0x47: {  	s2 =	simm.s32 $0x0;
	s6 =	simm.s32 $0x14000;
	[bflag:$0x0] =	sbarrier.arrive $0xFFFF  }
0x48: {  	[tilespmem:s6], [sflag:$0x9] =	stream.linear.gather [hbm4b:s13+s2], $0x400, $0x38;
	[tilespmem:$0x1F000] =	vst v63  }
0x49: {  	s12 =	simm.s32 $0x14800;
	s6 =	simm.s32 $0x0  }
0x4a: {  	[tilespmem:s12], [sflag:$0x9] =	stream.linear.gather [hbm4b:s14+s2], $0x400, $0x38;
	[tilespmem:$0x1F000] =	vst v63  }
.LBB2_4:
0x4b: {  	_ =	swait.ge [sflag:s21], $0x400  }
0x4c: {  	[sflag:s21] =	ssyncset.done $0x0  }
0x4d: {  	s7 =	sand.u32 $0x400, s2;
	p0 =	seq.s32 s6, $0x780;
	[sflag:s21] =	ssyncadd.s32 $0xFFFFFC00  }
0x4e: {  	s10 =	ssub.s32 @!p0 $0x14400, s7;
	_ =	swait.ge [sflag:s21], $0x400  }
0x4f: {  	s11 =	simm.s32 @!p0 $0x0;
	s8 =	rddreg [dreg:$0x4];
	[sflag:s21] =	ssyncset.done $0x0  }
0x50: {  	s9 =	rddreg [dreg:$0x5];
	[sflag:s21] =	ssyncadd.s32 $0xFFFFFC00;
	s8 =	sadd.s32 @!p0 s6, s8  }
0x51: {  	[tilespmem:s10], [sflag:$0x9] =	stream.linear.gather @!p0 [hbm4b:s8+s11], $0x400, $0x38;
	[tilespmem:$0x1F000] =	vst v63  }
0x52: {  	s9 =	sadd.s32 @!p0 s6, s9;
	s8 =	ssub.s32 @!p0 $0x14C00, s7  }
0x53: {  	[tilespmem:s8], [sflag:$0x9] =	stream.linear.gather @!p0 [hbm4b:s9+s11], $0x400, $0x38;
	[tilespmem:$0x1F000] =	vst v63  }
0x54: {  	v2 =	vld [tilespmem:s7+$0x14000]  }
0x55: {  	v3 =	vld [tilespmem:s7+$0x14010]  }
0x56: {  	v4 =	vld [tilespmem:s7+$0x14020]  }
0x57: {  	v5 =	vld [tilespmem:s7+$0x14030]  }
0x58: {  	v6 =	vld [tilespmem:s7+$0x14040]  }
0x59: {  	v7 =	vld [tilespmem:s7+$0x14080];
	v2 =	vshll.u32 v2, $0x1  }
0x5a: {  	v8 =	vld [tilespmem:s7+$0x14090];
	v3 =	vshll.u32 v3, $0x1;
	v2 =	vor.u32 v0, v2  }
0x5b: {  	v31 =	vld [tilespmem:s7+$0x140A0];
	[tilespmem:s7+$0x14000] =	vst v2;
	v2 =	vor.u32 v0, v3;
	v3 =	vshll.u32 v4, $0x1  }
0x5c: {  	v32 =	vld [tilespmem:s7+$0x140B0];
	[tilespmem:s7+$0x14010] =	vst v2;
	v2 =	vor.u32 v0, v3;
	v3 =	vshll.u32 v5, $0x1  }
0x5d: {  	v33 =	vld [tilespmem:s7+$0x140C0];
	[tilespmem:s7+$0x14020] =	vst v2;
	v2 =	vor.u32 v0, v3;
	v3 =	vshll.u32 v6, $0x1  }
0x5e: {  	v34 =	vld [tilespmem:s7+$0x14100];
	[tilespmem:s7+$0x14030] =	vst v2;
	v2 =	vor.u32 v0, v3;
	v3 =	vshll.u32 v7, $0x1  }
0x5f: {  	v35 =	vld [tilespmem:s7+$0x14110];
	[tilespmem:s7+$0x14040] =	vst v2;
	v2 =	vor.u32 v0, v3;
	v3 =	vshll.u32 v8, $0x1  }
0x60: {  	v36 =	vld [tilespmem:s7+$0x14120];
	[tilespmem:s7+$0x14080] =	vst v2;
	v2 =	vor.u32 v0, v3;
	v3 =	vshll.u32 v31, $0x1  }
0x61: {  	v37 =	vld [tilespmem:s7+$0x14130];
	[tilespmem:s7+$0x14090] =	vst v2;
	v2 =	vor.u32 v0, v3;
	v3 =	vshll.u32 v32, $0x1  }
0x62: {  	v38 =	vld [tilespmem:s7+$0x14140];
	[tilespmem:s7+$0x140A0] =	vst v2;
	v2 =	vor.u32 v0, v3;
	v3 =	vshll.u32 v33, $0x1  }
0x63: {  	v39 =	vld [tilespmem:s7+$0x14180];
	[tilespmem:s7+$0x140B0] =	vst v2;
	v2 =	vor.u32 v0, v3;
	v3 =	vshll.u32 v34, $0x1  }
0x64: {  	v40 =	vld [tilespmem:s7+$0x14190];
	[tilespmem:s7+$0x140C0] =	vst v2;
	v2 =	vor.u32 v0, v3;
	v3 =	vshll.u32 v35, $0x1  }
0x65: {  	v41 =	vld [tilespmem:s7+$0x141A0];
	[tilespmem:s7+$0x14100] =	vst v2;
	v2 =	vor.u32 v0, v3;
	v3 =	vshll.u32 v36, $0x1  }
0x66: {  	v42 =	vld [tilespmem:s7+$0x141B0];
	[tilespmem:s7+$0x14110] =	vst v2;
	v2 =	vor.u32 v0, v3;
	v3 =	vshll.u32 v37, $0x1  }
0x67: {  	v43 =	vld [tilespmem:s7+$0x141C0];
	[tilespmem:s7+$0x14120] =	vst v2;
	v2 =	vor.u32 v0, v3;
	v3 =	vshll.u32 v38, $0x1  }
0x68: {  	v44 =	vld [tilespmem:s7+$0x14200];
	[tilespmem:s7+$0x14130] =	vst v2;
	v2 =	vor.u32 v0, v3;
	v3 =	vshll.u32 v39, $0x1  }
0x69: {  	v45 =	vld [tilespmem:s7+$0x14210];
	[tilespmem:s7+$0x14140] =	vst v2;
	v2 =	vor.u32 v0, v3;
	v3 =	vshll.u32 v40, $0x1  }
0x6a: {  	v46 =	vld [tilespmem:s7+$0x14220];
	[tilespmem:s7+$0x14180] =	vst v2;
	v2 =	vor.u32 v0, v3;
	v3 =	vshll.u32 v41, $0x1  }
0x6b: {  	v47 =	vld [tilespmem:s7+$0x14230];
	[tilespmem:s7+$0x14190] =	vst v2;
	v2 =	vor.u32 v0, v3;
	v3 =	vshll.u32 v42, $0x1  }
0x6c: {  	v48 =	vld [tilespmem:s7+$0x14240];
	[tilespmem:s7+$0x141A0] =	vst v2;
	v2 =	vor.u32 v0, v3;
	v3 =	vshll.u32 v43, $0x1  }
0x6d: {  	v49 =	vld [tilespmem:s7+$0x14280];
	[tilespmem:s7+$0x141B0] =	vst v2;
	v2 =	vor.u32 v0, v3;
	v3 =	vshll.u32 v44, $0x1  }
0x6e: {  	v50 =	vld [tilespmem:s7+$0x14290];
	[tilespmem:s7+$0x141C0] =	vst v2;
	v2 =	vor.u32 v0, v3;
	v3 =	vshll.u32 v45, $0x1  }
0x6f: {  	v51 =	vld [tilespmem:s7+$0x142A0];
	[tilespmem:s7+$0x14200] =	vst v2;
	v2 =	vor.u32 v0, v3;
	v3 =	vshll.u32 v46, $0x1  }
0x70: {  	v52 =	vld [tilespmem:s7+$0x142B0];
	[tilespmem:s7+$0x14210] =	vst v2;
	v2 =	vor.u32 v0, v3;
	v3 =	vshll.u32 v47, $0x1  }
0x71: {  	v53 =	vld [tilespmem:s7+$0x142C0];
	[tilespmem:s7+$0x14220] =	vst v2;
	v2 =	vor.u32 v0, v3;
	v3 =	vshll.u32 v48, $0x1  }
0x72: {  	v54 =	vld [tilespmem:s7+$0x14300];
	[tilespmem:s7+$0x14230] =	vst v2;
	v2 =	vor.u32 v0, v3;
	v3 =	vshll.u32 v49, $0x1  }
0x73: {  	v55 =	vld [tilespmem:s7+$0x14310];
	[tilespmem:s7+$0x14240] =	vst v2;
	v2 =	vor.u32 v0, v3;
	v3 =	vshll.u32 v50, $0x1  }
0x74: {  	v56 =	vld [tilespmem:s7+$0x14320];
	[tilespmem:s7+$0x14280] =	vst v2;
	v2 =	vor.u32 v0, v3;
	v3 =	vshll.u32 v51, $0x1  }
0x75: {  	v57 =	vld [tilespmem:s7+$0x14330];
	[tilespmem:s7+$0x14290] =	vst v2;
	v2 =	vor.u32 v0, v3;
	v3 =	vshll.u32 v52, $0x1  }
0x76: {  	v58 =	vld [tilespmem:s7+$0x14340];
	[tilespmem:s7+$0x142A0] =	vst v2;
	v2 =	vor.u32 v0, v3;
	v3 =	vshll.u32 v53, $0x1  }
0x77: {  	v59 =	vld [tilespmem:s7+$0x14380];
	[tilespmem:s7+$0x142B0] =	vst v2;
	v2 =	vor.u32 v0, v3;
	v3 =	vshll.u32 v54, $0x1  }
0x78: {  	v60 =	vld [tilespmem:s7+$0x14390];
	[tilespmem:s7+$0x142C0] =	vst v2;
	v2 =	vor.u32 v0, v3;
	v3 =	vshll.u32 v55, $0x1  }
0x79: {  	v61 =	vld [tilespmem:s7+$0x143A0];
	[tilespmem:s7+$0x14300] =	vst v2;
	v2 =	vor.u32 v0, v3;
	v3 =	vshll.u32 v56, $0x1  }
0x7a: {  	v62 =	vld [tilespmem:s7+$0x143B0];
	[tilespmem:s7+$0x14310] =	vst v2;
	v2 =	vor.u32 v0, v3;
	v3 =	vshll.u32 v57, $0x1  }
0x7b: {  	v63 =	vld [tilespmem:s7+$0x143C0];
	[tilespmem:s7+$0x14320] =	vst v2;
	v2 =	vor.u32 v0, v3;
	v3 =	vshll.u32 v58, $0x1  }
0x7c: {  	[tilespmem:s7+$0x14330] =	vst v2;
	v2 =	vor.u32 v0, v3;
	v3 =	vshll.u32 v59, $0x1  }
0x7d: {  	[tilespmem:s7+$0x14340] =	vst v2;
	v2 =	vor.u32 v0, v3;
	v3 =	vshll.u32 v60, $0x1  }
0x7e: {  	[tilespmem:s7+$0x14380] =	vst v2;
	v2 =	vor.u32 v0, v3;
	v3 =	vshll.u32 v61, $0x1  }
0x7f: {  	[tilespmem:s7+$0x14390] =	vst v2;
	v2 =	vor.u32 v0, v3;
	v3 =	vshll.u32 v62, $0x1  }
0x80: {  	[tilespmem:s7+$0x143A0] =	vst v2;
	v2 =	vor.u32 v0, v3;
	v3 =	vshll.u32 v63, $0x1  }
0x81: {  	p0 =	seq.s32 s6, $0x0;
	[tilespmem:s7+$0x143B0] =	vst v2;
	v2 =	vor.u32 v0, v3  }
0x82: {  	s8 =	sor.u32 $0x14000, s7;
	s9 =	simm.s32 @p0 $0x50;
	s10 =	simm.s32 @p0 $0x15000;
	[tilespmem:s7+$0x143C0] =	vst v2  }
0x83: {  	[tilespmem:s10], [sflag:$0x1] =	stream.indirect.gather @p0 [hbm4b:s1+s9], $0x80, s8, s9, $0xb8;
	[tilespmem:$0x1F000] =	vst v63  }
0x84: {  	s10 =	simm.s32 @!p0 $0x5  }
0x85: {  	_ =	swait.ge @!p0 [sflag:s10], $0x2800  }
0x86: {  	[sflag:s10] =	ssyncset.done @!p0 $0x0  }
0x87: {  	s11 =	simm.s32 @!p0 $0x15000;
	[sflag:s10] =	ssyncadd.s32 @!p0 $0xFFFFD800;
	s10 =	simm.s32 @!p0 $0x50  }
0x88: {  	[tilespmem:s11], [sflag:$0x1] =	stream.indirect.gather @!p0 [hbm4b:s1+s10], $0x80, s8, s10, $0xb8;
	[tilespmem:$0x1F000] =	vst v63  }
0x89: {  	s8 =	simm.s32 @!p0 $0x6  }
0x8a: {  	_ =	swait.ge @!p0 [sflag:s8], $0x2800  }
0x8b: {  	[sflag:s8] =	ssyncset.done @!p0 $0x0  }
0x8c: {  	s12 =	sadd.s32 $0x14080, s7;
	[sflag:s8] =	ssyncadd.s32 @!p0 $0xFFFFD800  }
0x8d: {  	[tilespmem:s23], [sflag:$0x2] =	stream.indirect.gather [hbm4b:s1+s22], $0x80, s12, s22, $0xb8;
	[tilespmem:$0x1F000] =	vst v63  }
0x8e: {  	_ =	swait.ge [sflag:s24], $0x2800  }
0x8f: {  	[sflag:s24] =	ssyncset.done $0x0  }
0x90: {  	s12 =	sor.u32 $0x14800, s7;
	[sflag:s24] =	ssyncadd.s32 $0xFFFFD800  }
0x91: {  	[spmem:s3] =	stream.indirect.scatter.add.f32 [tilespmem:s17], [sflag:$0x5], $0x80, s12, s22, $0xb8;
	[tilespmem:$0x1F000] =	vst v63  }
0x92: {  	s11 =	simm.s32 @p0 $0x1A000;
	s8 =	sadd.s32 $0x14100, s7  }
0x93: {  	[tilespmem:s11], [sflag:$0x3] =	stream.indirect.gather @p0 [hbm4b:s1+s9], $0x80, s8, s9, $0xb8;
	[tilespmem:$0x1F000] =	vst v63  }
0x94: {  	s11 =	simm.s32 @p0 $0x2  }
0x95: {  	_ =	swait.ge @p0 [sflag:s11], $0x2800  }
0x96: {  	[sflag:s11] =	ssyncset.done @p0 $0x0  }
0x97: {  	s12 =	simm.s32 @p0 $0x17800;
	[sflag:s11] =	ssyncadd.s32 @p0 $0xFFFFD800;
	s11 =	sadd.s32 @p0 $0x14880, s7  }
0x98: {  	[spmem:s3] =	stream.indirect.scatter.add.f32 @p0 [tilespmem:s12], [sflag:$0x6], $0x80, s11, s9, $0xb8;
	[tilespmem:$0x1F000] =	vst v63  }
0x99: {  	s9 =	simm.s32 @!p0 $0x7  }
0x9a: {  	_ =	swait.ge @!p0 [sflag:s9], $0x2800  }
0x9b: {  	[sflag:s9] =	ssyncset.done @!p0 $0x0  }
0x9c: {  	[sflag:s9] =	ssyncadd.s32 @!p0 $0xFFFFD800;
	s9 =	simm.s32 @!p0 $0x1A000  }
0x9d: {  	[tilespmem:s9], [sflag:$0x3] =	stream.indirect.gather @!p0 [hbm4b:s1+s10], $0x80, s8, s10, $0xb8;
	[tilespmem:$0x1F000] =	vst v63  }
0x9e: {  	s8 =	simm.s32 @!p0 $0x2  }
0x9f: {  	_ =	swait.ge @!p0 [sflag:s8], $0x2800  }
0xa0: {  	[sflag:s8] =	ssyncset.done @!p0 $0x0  }
0xa1: {  	s9 =	simm.s32 @!p0 $0x17800;
	[sflag:s8] =	ssyncadd.s32 @!p0 $0xFFFFD800;
	s8 =	sadd.s32 @!p0 $0x14880, s7  }
0xa2: {  	[spmem:s3] =	stream.indirect.scatter.add.f32 @!p0 [tilespmem:s9], [sflag:$0x6], $0x80, s8, s10, $0xb8;
	[tilespmem:$0x1F000] =	vst v63  }
0xa3: {  	s8 =	simm.s32 @!p0 $0x8  }
0xa4: {  	_ =	swait.ge @!p0 [sflag:s8], $0x2800  }
0xa5: {  	[sflag:s8] =	ssyncset.done @!p0 $0x0  }
0xa6: {  	s11 =	sadd.s32 $0x14180, s7;
	[sflag:s8] =	ssyncadd.s32 @!p0 $0xFFFFD800  }
0xa7: {  	[tilespmem:s25], [sflag:$0x4] =	stream.indirect.gather [hbm4b:s1+s22], $0x80, s11, s22, $0xb8;
	[tilespmem:$0x1F000] =	vst v63  }
0xa8: {  	_ =	swait.ge [sflag:s26], $0x2800  }
0xa9: {  	[sflag:s26] =	ssyncset.done $0x0  }
0xaa: {  	s12 =	sadd.s32 $0x14900, s7;
	[sflag:s26] =	ssyncadd.s32 $0xFFFFD800  }
0xab: {  	[spmem:s3] =	stream.indirect.scatter.add.f32 [tilespmem:s28], [sflag:$0x7], $0x80, s12, s22, $0xb8;
	[tilespmem:$0x1F000] =	vst v63  }
0xac: {  	_ =	swait.ge [sflag:s29], $0x2800  }
0xad: {  	[sflag:s29] =	ssyncset.done $0x0  }
0xae: {  	s9 =	sadd.s32 $0x14200, s7;
	[sflag:s29] =	ssyncadd.s32 $0xFFFFD800  }
0xaf: {  	[tilespmem:s17], [sflag:$0x1] =	stream.indirect.gather [hbm4b:s1+s22], $0x80, s9, s22, $0xb8;
	[tilespmem:$0x1F000] =	vst v63  }
0xb0: {  	_ =	swait.ge [sflag:s30], $0x2800  }
0xb1: {  	[sflag:s30] =	ssyncset.done $0x0  }
0xb2: {  	s10 =	sadd.s32 $0x14980, s7;
	[sflag:s30] =	ssyncadd.s32 $0xFFFFD800  }
0xb3: {  	[spmem:s3] =	stream.indirect.scatter.add.f32 [tilespmem:s25], [sflag:$0x8], $0x80, s10, s22, $0xb8;
	[tilespmem:$0x1F000] =	vst v63  }
0xb4: {  	_ =	swait.ge [sflag:s31], $0x2800  }
0xb5: {  	[sflag:s31] =	ssyncset.done $0x0  }
0xb6: {  	s11 =	sadd.s32 $0x14280, s7;
	[sflag:s31] =	ssyncadd.s32 $0xFFFFD800  }
0xb7: {  	[tilespmem:s23], [sflag:$0x2] =	stream.indirect.gather [hbm4b:s1+s22], $0x80, s11, s22, $0xb8;
	[tilespmem:$0x1F000] =	vst v63  }
0xb8: {  	_ =	swait.ge [sflag:s24], $0x2800  }
0xb9: {  	[sflag:s24] =	ssyncset.done $0x0  }
0xba: {  	s12 =	sadd.s32 $0x14A00, s7;
	[sflag:s24] =	ssyncadd.s32 $0xFFFFD800  }
0xbb: {  	[spmem:s3] =	stream.indirect.scatter.add.f32 [tilespmem:s17], [sflag:$0x5], $0x80, s12, s22, $0xb8;
	[tilespmem:$0x1F000] =	vst v63  }
0xbc: {  	_ =	swait.ge [sflag:s0], $0x2800  }
0xbd: {  	[sflag:s0] =	ssyncset.done $0x0  }
0xbe: {  	s9 =	sadd.s32 $0x14300, s7;
	[sflag:s0] =	ssyncadd.s32 $0xFFFFD800  }
0xbf: {  	[tilespmem:s28], [sflag:$0x3] =	stream.indirect.gather [hbm4b:s1+s22], $0x80, s9, s22, $0xb8;
	[tilespmem:$0x1F000] =	vst v63  }
0xc0: {  	_ =	swait.ge [sflag:s19], $0x2800  }
0xc1: {  	[sflag:s19] =	ssyncset.done $0x0  }
0xc2: {  	s10 =	sadd.s32 $0x14A80, s7;
	[sflag:s19] =	ssyncadd.s32 $0xFFFFD800  }
0xc3: {  	[spmem:s3] =	stream.indirect.scatter.add.f32 [tilespmem:s23], [sflag:$0x6], $0x80, s10, s22, $0xb8;
	[tilespmem:$0x1F000] =	vst v63  }
0xc4: {  	_ =	swait.ge [sflag:s20], $0x2800  }
0xc5: {  	[sflag:s20] =	ssyncset.done $0x0  }
0xc6: {  	s11 =	sadd.s32 $0x14380, s7;
	[sflag:s20] =	ssyncadd.s32 $0xFFFFD800  }
0xc7: {  	[tilespmem:s25], [sflag:$0x4] =	stream.indirect.gather [hbm4b:s1+s22], $0x80, s11, s22, $0xb8;
	[tilespmem:$0x1F000] =	vst v63  }
0xc8: {  	_ =	swait.ge [sflag:s26], $0x2800  }
0xc9: {  	s6 =	sadd.s32 $0x80, s6;
	[sflag:s26] =	ssyncset.done $0x0  }
0xca: {  	p0 =	sne.s32 s6, $0x800;
	s12 =	sadd.s32 $0x14B00, s7;
	[sflag:s26] =	ssyncadd.s32 $0xFFFFD800  }
0xcb: {  	[spmem:s3] =	stream.indirect.scatter.add.f32 [tilespmem:s28], [sflag:$0x7], $0x80, s12, s22, $0xb8;
	[tilespmem:$0x1F000] =	vst v63  }
.Ltmp1:
0xcc: {  	_ = 	snop;
	(pc) =	sbr.rel @p0 .LBB2_4-.Ltmp1, $4  }
0xcd: {  	_ =	swait.ge [sflag:s30], $0x2800  }
0xce: {  	[sflag:s30] =	ssyncset.done $0x0  }
0xcf: {  	s2 =	sadd.s32 $0x400, s2;
	s7 =	sadd.s32 $0x14B80, s7;
	[sflag:s30] =	ssyncadd.s32 $0xFFFFD800  }
0xd0: {  	[spmem:s3] =	stream.indirect.scatter.add.f32 [tilespmem:s25], [sflag:$0x8], $0x80, s7, s22, $0xb8;
	[tilespmem:$0x1F000] =	vst v63  }
0xd1: {  	_ =	swait.ge [sflag:s29], $0x2800  }
0xd2: {  	[sflag:s29] =	ssyncset.done $0x0  }
0xd3: {  	[sflag:s29] =	ssyncadd.s32 $0xFFFFD800  }
0xd4: {  	_ =	swait.ge [sflag:s31], $0x2800  }
0xd5: {  	[sflag:s31] =	ssyncset.done $0x0  }
0xd6: {  	[sflag:s31] =	ssyncadd.s32 $0xFFFFD800  }
0xd7: {  	_ =	swait.ge [sflag:s0], $0x2800  }
0xd8: {  	[sflag:s0] =	ssyncset.done $0x0  }
0xd9: {  	s2 =	stileid.u32;
	[sflag:s0] =	ssyncadd.s32 $0xFFFFD800  }
0xda: {  	s6 =	sshrl.u32 s5, $0x3;
	s7 =	simm.s32 $0x20;
	_ =	swait.ge [sflag:s20], $0x2800  }
0xdb: {  	s8 =	simm.s32 $0x10;
	s4 =	sadd.s32 $0x1, s4;
	[sflag:s20] =	ssyncset.done $0x0  }
0xdc: {  	s2 =	sshll.u32 s2, $0x6;
	p0 =	sne.s32 s4, s16;
	[sflag:s20] =	ssyncadd.s32 $0xFFFFD800  }
.Ltmp2:
0xdd: {  	s2 =	sor.u32 $0x1C0A, s2;
	[bflag:$0x0] =	sbarrier.arrive $0xFFFF;
	(pc) =	sbr.rel @p0 .LBB2_1-.Ltmp2, $4  }
0xde: {  	[hbm:s15@s7], [sflag:s2] =	dma.strided [spmem:s6@s8], $0x2800, s24, $0x10   }
0xdf: {  	_ =	swait.ge [sflag:s18], $0x2800  }
0xe0: {  	[sflag:s18] =	ssyncset.done $0x0  }
0xe1: {  	[sflag:s18] =	ssyncadd.s32 $0xFFFFD800  }
0xe2: {  	_ =	sfence.sel $0x180000  }
0xe3: {  	[bflag:$0x0] =	sbarrier.arrive $0xFFFF  }
0xe4: {  	_ =	strace $0x9000004D  }
0xe5: {  	s0 =	stileid.u32;
	[bflag:$0x2] =	sbarrier.arrive $0xFFFF  }
0xe6: {  	p0 =	sne.s32 s0, $0x0;
	s0 =	rddreg [dreg:$0x3]  }
0xe7: {  	s0 =	sadd.s32 @!p0 $0x100000, s0  }
0xe8: {  	[sflag:s0] =	ssyncadd.tile.s32 @!p0 $0x1;
	_ =	shalt  }
.Lfunc_end2:
_tile_overlayer_lowered:
.L_overlay_start_2:
0xe9: {  	(tag) =	ssettag $0x2  }
0xea: {  	s0 =	rddreg [dreg:$0x0];
	s2 =	stileid.u32  }
0xeb: {  	s1 =	rddreg [dreg:$0x1];
	p0 =	sne.s32 s2, $0x0  }
0xec: {  	s3 =	rddreg [dreg:$0x2];
	[bflag:$0x3] =	sbarrier.arrive $0xFFFF;
	s2 =	simm.s32 @!p0 $0x1C0A  }
0xed: {  	[timem:s3], [sflag:s2] =	dma.local @!p0 [hbm:s0], s1  }
0xee: {  	s0 =	simm.s32 @!p0 $0xA  }
0xef: {  	_ =	swait.ge @!p0 [sflag:s0], s1  }
0xf0: {  	s1 =	ssub.s32 @!p0 $0x0, s1;
	[sflag:s0] =	ssyncset.done @!p0 $0x0  }
0xf1: {  	[sflag:s0] =	ssyncadd.s32 @!p0 s1  }
0xf2: {  	[bflag:$0x3] =	sbarrier.arrive $0xFFFF  }
0xf3: {  	_ =	shalt  }

// kernel: kernel.9.cloned.1.call-start
scs
__scs_entry_jumppad:
0x0: {  	(pc) =	sbr.rel $0x88, $3  }
0x1: {  	(tag) =	ssettag $0x0;
	lr =	simm.s32 $0x1  }
0x2: {  	[smem:$0x3F99] =	sst lr;
	_ =	strace $0xD0000000  }
0x3: {  	_ = 	snop  }
0x4: {  	_ = 	snop  }
0x5: {  	_ = 	snop  }
0x6: {  	_ = 	snop  }
0x7: {  	_ = 	snop  }
__scs_overlays_trampoline_lowered:
0x8: {  	[smem:$0x3FA8] =	sst s0  }
0x9: {  	[smem:$0x3FA9] =	sst s1  }
0xa: {  	[smem:$0x3FAA] =	sst s2  }
0xb: {  	[smem:$0x3FAB] =	sst s3  }
0xc: {  	[smem:$0x3FAC] =	sst s4  }
0xd: {  	[smem:$0x3FAD] =	sst s5  }
0xe: {  	[smem:$0x3FAE] =	sst s6  }
0xf: {  	[smem:$0x3FAF] =	sst s7  }
0x10: {  	[smem:$0x3FB0] =	sst s8  }
0x11: {  	[smem:$0x3FB1] =	sst s9;
	s0 =	simm.s32 @!p0 $0x0  }
0x12: {  	s1 =	sld [smem:$0x3F97];
	s0 =	simm.s32 @p0 $0x1  }
0x13: {  	[smem:$0x3FB2] =	sst s0;
	s0 =	simm.s32 @!p1 $0x0  }
0x14: {  	s2 =	sld [smem:$0x3F96];
	s0 =	simm.s32 @p1 $0x1  }
0x15: {  	[smem:$0x3FB3] =	sst s0;
	s0 =	simm.s32 @!p2 $0x0  }
0x16: {  	s3 =	sld [smem:$0x3FDB];
	s0 =	simm.s32 @p2 $0x1  }
0x17: {  	s4 =	simm.s32 $0x1BF5;
	[smem:$0x3FB5] =	sst s0  }
0x18: {  	s0 =	sld [smem:$0x3F98];
	_ =	swait.ge [sflag:s4], $0x0  }
0x19: {  	s7 =	sld [smem:$0x3F99]  }
0x1a: {  	s8 =	sadd.s32 $0xFFFFE003, lr  }
0x1b: {  	s9 =	sadd.s32 $0xFFFFFEF7, lr;
	s5 =	simm.s32 $0xFFFFFFFF;
	p2 =	slt.u32 s8, $0xFFFFF086  }
0x1c: {  	p1 =	slt.u32 s9, $0xF7A;
	s5 =	simm.s32 @!p2 $0x0  }
0x1d: {  	s5 =	simm.s32 @p1 $0x1;
	p0 =	seq.s32 s7, s2  }
0x1e: {  	s7 =	smul.u32 @!p0 $0xF7A, s2;
	p2 =	seq.s32 @!p0 s5, $0x0  }
0x1f: {  	s9 =	smul.u32 $0xF7A, s1;
	s8 =	simm.s32 @!p0 $0x1BF5;
	p2 =	por !p2, p0  }
0x20: {  	[sflag:s8] =	ssyncset.s32 @!p0 $0xFFFFF086;
	s6 =	sadd.s32 @!p0 s3, s7;
	s7 =	simm.s32 @!p0 $0x108  }
0x21: {  	s3 =	sadd.s32 s3, s9;
	s6 =	sadd.s32 @!p0 $0x88, s6;
	s7 =	simm.s32 @p2 $0x1082  }
0x22: {  	[simem:s7], [sflag:s8] =	dma.local @!p0 [hbm:s6], $0xF7A  }
0x23: {  	s9 =	sor.u32 $0xD0000000, s2;
	s6 =	simm.s32 $0x108;
	_ =	swait.ge @!p0 [sflag:s8], $0x0  }
0x24: {  	s3 =	sadd.s32 $0x88, s3;
	s6 =	simm.s32 @!p1 $0x1082;
	[sflag:s4] =	ssyncset.s32 $0xFFFFF086  }
0x25: {  	[simem:s6], [sflag:s4] =	dma.local [hbm:s3], $0xF7A  }
0x26: {  	[smem:$0x3F99] =	sst s1;
	(tag) =	ssettag s2;
	_ =	strace s9  }
0x27: {  	s1 =	sld [smem:$0x3FA9]  }
0x28: {  	s2 =	sld [smem:$0x3FAA]  }
0x29: {  	s4 =	sld [smem:$0x3FAC]  }
0x2a: {  	p0 =	seq.s32 s5, $0x0;
	s5 =	sld [smem:$0x3FAD]  }
0x2b: {  	s6 =	sld [smem:$0x3FAE]  }
0x2c: {  	s7 =	sld [smem:$0x3FAF]  }
0x2d: {  	s3 =	simm.s32 $0x108;
	s8 =	sld [smem:$0x3FB0]  }
0x2e: {  	s3 =	simm.s32 @!p0 $0x1082;
	s9 =	sld [smem:$0x3FB1]  }
0x2f: {  	lr =	sadd.s32 s0, s3;
	s0 =	sld [smem:$0x3FA8]  }
0x30: {  	s3 =	sld [smem:$0x3FAB]  }
0x31: {  	[smem:$0x3FB4] =	sst s10  }
0x32: {  	s10 =	sld [smem:$0x3FB2];
	_ =	sdelay $0x3  }
0x33: {  	p0 =	seq.s32 s10, $0x1;
	s10 =	sld [smem:$0x3FB4];
	_ =	sdelay $0x3  }
0x34: {  	[smem:$0x3FB4] =	sst s10  }
0x35: {  	s10 =	sld [smem:$0x3FB3];
	_ =	sdelay $0x3  }
0x36: {  	p1 =	seq.s32 s10, $0x1;
	s10 =	sld [smem:$0x3FB4];
	_ =	sdelay $0x3  }
0x37: {  	[smem:$0x3FB4] =	sst s10  }
0x38: {  	s10 =	sld [smem:$0x3FB5]  }
0x39: {  	_ = 	snop;
	(pc) =	sbr.ind lr, $3  }
0x3a: {  	_ = 	snop  }
0x3b: {  	_ = 	snop  }
0x3c: {  	p2 =	seq.s32 s10, $0x1;
	s10 =	sld [smem:$0x3FB4]  }
0x3d: {  	_ =	shalt  }
0x3e: {  	_ =	shalt  }
0x3f: {  	_ =	shalt  }
0x40: {  	_ =	shalt  }
0x41: {  	_ =	shalt  }
0x42: {  	_ =	shalt  }
0x43: {  	_ =	shalt  }
0x44: {  	_ =	shalt  }
0x45: {  	_ =	shalt  }
0x46: {  	_ =	shalt  }
0x47: {  	_ =	shalt  }
0x48: {  	_ =	shalt  }
0x49: {  	_ =	shalt  }
0x4a: {  	_ =	shalt  }
0x4b: {  	_ =	shalt  }
0x4c: {  	_ =	shalt  }
0x4d: {  	_ =	shalt  }
0x4e: {  	_ =	shalt  }
0x4f: {  	_ =	shalt  }
0x50: {  	_ =	shalt  }
0x51: {  	_ =	shalt  }
0x52: {  	_ =	shalt  }
0x53: {  	_ =	shalt  }
0x54: {  	_ =	shalt  }
0x55: {  	_ =	shalt  }
0x56: {  	_ =	shalt  }
0x57: {  	_ =	shalt  }
0x58: {  	_ =	shalt  }
0x59: {  	_ =	shalt  }
0x5a: {  	_ =	shalt  }
0x5b: {  	_ =	shalt  }
0x5c: {  	_ =	shalt  }
0x5d: {  	_ =	shalt  }
0x5e: {  	_ =	shalt  }
0x5f: {  	_ =	shalt  }
0x60: {  	_ =	shalt  }
0x61: {  	_ =	shalt  }
0x62: {  	_ =	shalt  }
0x63: {  	_ =	shalt  }
0x64: {  	_ =	shalt  }
0x65: {  	_ =	shalt  }
0x66: {  	_ =	shalt  }
0x67: {  	_ =	shalt  }
0x68: {  	_ =	shalt  }
0x69: {  	_ =	shalt  }
0x6a: {  	_ =	shalt  }
0x6b: {  	_ =	shalt  }
0x6c: {  	_ =	shalt  }
0x6d: {  	_ =	shalt  }
0x6e: {  	_ =	shalt  }
0x6f: {  	_ =	shalt  }
0x70: {  	_ =	shalt  }
0x71: {  	_ =	shalt  }
0x72: {  	_ =	shalt  }
0x73: {  	_ =	shalt  }
0x74: {  	_ =	shalt  }
0x75: {  	_ =	shalt  }
0x76: {  	_ =	shalt  }
0x77: {  	_ =	shalt  }
0x78: {  	_ =	shalt  }
0x79: {  	_ =	shalt  }
0x7a: {  	_ =	shalt  }
0x7b: {  	_ =	shalt  }
0x7c: {  	_ =	shalt  }
0x7d: {  	_ =	shalt  }
0x7e: {  	_ =	shalt  }
0x7f: {  	_ =	shalt  }
0x80: {  	_ =	shalt  }
0x81: {  	_ =	shalt  }
0x82: {  	_ =	shalt  }
0x83: {  	_ =	shalt  }
0x84: {  	_ =	shalt  }
0x85: {  	_ =	shalt  }
0x86: {  	_ =	shalt  }
0x87: {  	_ =	shalt  }
.Lfunc_end0:
.L_simem_size_0:
called_computation_lowered:
.L_overlay_start_0:
0x88: {  	s2 =	sld [smem:$0x3FD9]  }
0x89: {  	s3 =	sld [smem:$0x3FFE];
	_ =	sdelay $0x1  }
0x8a: {  	s1 =	srdreg.scid  }
0x8b: {  	s0 =	sand.u32 $0x1, s1  }
0x8c: {  	s16 =	sshll.u32 s0, $0xA;
	s2 =	sadd.s32 s3, s2  }
0x8d: {  	s2 =	sadd.s32 s2, s16  }
0x8e: {  	[smem:$0x3FC0] =	sst s2  }
0x8f: {  	_ = 	snop  }
0x90: {  	(tm) =	ssettm $0x1  }
0x91: {  	s17 =	sld [smem:$0x3FFB];
	_ =	sdelay $0x3  }
0x92: {  	_ =	strace s17  }
0x93: {  	s2 =	sld [smem:$0x3FFC];
	_ =	sdelay $0x3  }
0x94: {  	_ =	strace s2  }
0x95: {  	s2 =	sld [smem:$0x3FFD];
	_ =	sdelay $0x3  }
0x96: {  	_ =	strace s2  }
0x97: {  	_ =	strace $0x8FFFFFFF  }
0x98: {  	s18 =	sld [smem:$0x3FDB];
	_ =	sdelay $0x1  }
0x99: {  	s19 =	simm.s32 $_scs_section_size  }
0x9a: {  	s4 =	simm.s32 $_size__tile_overlayer_lowered;
	s5 =	simm.s32 $_tile_overlayer_lowered  }
0x9b: {  	s22 =	simm.s32 $0x1BFF;
	s21 =	sshll.u32 s5, $0x1;
	s2 =	sadd.s32 s19, s18  }
0x9c: {  	s6 =	simm.s32 $0x0;
	s20 =	sshll.u32 s4, $0x1;
	s4 =	sadd.s32 s21, s2  }
0x9d: {  	[timem:s6], [sflag:s22] =	dma.local [hbm:s4], s20  }
0x9e: {  	_ =	swait.ge [sflag:s22], s20  }
0x9f: {  	s3 =	ssub.s32 $0x0, s20;
	[sflag:s22] =	ssyncset.done $0x0  }
0xa0: {  	[sflag:s22] =	ssyncadd.s32 s3;
	_ =	sdelay $0x1  }
0xa1: {  	s23 =	simm.s32 $0x1B8B  }
0xa2: {  	_ =	swait.ge [sflag:s23], $0x1  }
0xa3: {  	[sflag:s23] =	ssyncset.done $0x0  }
0xa4: {  	s25 =	simm.s32 $0x1B8E;
	s24 =	sld [smem:$0x3FFE];
	[sflag:s23] =	ssyncadd.s32 $0xFFFFFFFF  }
0xa5: {  	s26 =	simm.s32 $execute0_lowered;
	[smem:$0x3FD2] =	sst s25  }
0xa6: {  	s4 =	sshll.u32 s26, $0x1;
	_ =	strace $0x80000046;
	[dreg:$0x1] =	wrdreg $0xFFFFFFFF  }
0xa7: {  	s28 =	simm.s32 $_size_execute0_lowered;
	s2 =	sadd.s32 s2, s4;
	[dreg:$0x0] =	wrdreg $0x0  }
0xa8: {  	s4 =	sshll.u32 s28, $0x1;
	[dreg:$0x2] =	wrdreg s2  }
0xa9: {  	[dreg:$0x3] =	wrdreg s4  }
0xaa: {  	[dreg:$0x4] =	wrdreg $0xC0  }
0xab: {  	_ =	task [dreg:s6], $0x5FFFF  }
0xac: {  	[dreg:$0x1] =	wrdreg $0xFFFFFFFF  }
0xad: {  	[dreg:$0x0] =	wrdreg $0x60  }
0xae: {  	[dreg:$0x2] =	wrdreg s24  }
0xaf: {  	[dreg:$0x3] =	wrdreg $0x0  }
0xb0: {  	[dreg:$0x4] =	wrdreg $0x9  }
0xb1: {  	_ =	task.clear_ibuf [dreg:s6], $0x5FFFF;
	_ =	strace $0x90000046  }
0xb2: {  	s29 =	simm.s32 $0x9;
	_ =	strace $0x80000048  }
0xb3: {  	_ =	swait.ge [sflag:s29], $0x1  }
0xb4: {  	[sflag:s29] =	ssyncadd.s32 $0xFFFFFFFF  }
0xb5: {  	_ =	strace $0x90000048  }
0xb6: {  	_ =	sfence  }
0xb7: {  	s30 =	sld [smem:$0x0];
	_ =	sdelay $0x2  }
0xb8: {  	s31 =	sshll.u32 s1, $0xD;
	s1 =	sshrl.u32 s1, $0x2  }
0xb9: {  	s3 =	sand.u32 $0x4000, s31;
	s1 =	sadd.s32 s1, s30  }
0xba: {  	s0 =	sor.u32 s3, s0;
	s1 =	sshll.u32 s1, $0x11  }
0xbb: {  	s0 =	sor.u32 s1, s0  }
0xbc: {  	s0 =	sadd.s32 $0x8F2B, s0  }
0xbd: {  	[sflag:s0] =	ssyncadd.remote.s32 $0x1  }
0xbe: {  	_ =	sfence.sel $0xFFFF  }
0xbf: {  	[dreg:$0x0] =	wrdreg $0xFFFFFFFF;
	(pc) =	sbr.abs _section_cstart, $3  }
0xc0: {  	[dreg:$0x1] =	wrdreg $0xFFFFFFFF  }
0xc1: {  	_ =	task.clear_ibuf [dreg:s6], $0x2FFFF;
	_ =	strace $0x9FFFFFFF  }
0xc2: {  	(tm) =	ssettm $0x7FFFFFFF  }
0xc3: {  	_ =	shalt  }
tec
execute0_lowered:
.L_overlay_start_1:
0x0: {  	(tag) =	ssettag $0x1  }
0x1: {  	s0 =	rddreg [dreg:$0x0]  }
0x2: {  	s2 =	rddreg [dreg:$0x1]  }
0x3: {  	s3 =	simm.s32 $0x0;
	s7 =	stileid.u32;
	s1 =	srdreg.scid  }
0x4: {  	s15 =	simm.s32 $0x14400;
	s16 =	simm.s32 $0x2;
	s17 =	simm.s32 $0x14000  }
0x5: {  	s18 =	simm.s32 $0x50;
	s19 =	simm.s32 $0x14080;
	s20 =	simm.s32 $0x14100  }
0x6: {  	s21 =	simm.s32 $0x14180;
	s22 =	simm.s32 $0x14200;
	s23 =	simm.s32 $0x14280  }
0x7: {  	s24 =	simm.s32 $0x14300;
	s25 =	simm.s32 $0x14380;
	s26 =	simm.s32 $0x1  }
0x8: {  	s29 =	simm.s32 $0x10;
	s30 =	simm.s32 $0x0;
	[smem:$0x7FF] =	sst s3  }
0x9: {  	s1 =	sand.u32 $0x1, s1;
	s4 =	smul.u32 $0x28000, s7;
	s5 =	sshll.u32 s7, $0xB  }
0xa: {  	s7 =	smul.u32 $0x50000, s7;
	_ =	strace $0x80000047;
	s6 =	sshll.u32 s1, $0x7  }
0xb: {  	s12 =	sadd.s32 s5, s0;
	s28 =	ssub.s32 $0x2, s1;
	s1 =	sshll.u32 s1, $0xA  }
0xc: {  	s4 =	sor.u32 s6, s4;
	s31 =	sshrl.u32 s28, $0x1;
	s7 =	sshrl.u32 s7, $0x2  }
0xd: {  	s1 =	sadd.s32 s1, s12;
	s4 =	sshrl.u32 s4, $0x3;
	s13 =	ssub.s32 s28, s31  }
0xe: {  	s14 =	sadd.s32 $0x3200, s1;
	s0 =	sadd.s32 s4, s0;
	s4 =	sadd.s32 s7, s2  }
0xf: {  	s13 =	smax.u32 s13, $0x1;
	s5 =	sadd.s32 $0x2800, s4;
	s6 =	sadd.s32 $0x5000, s4  }
0x10: {  	s7 =	sadd.s32 $0x7800, s4;
	s8 =	sadd.s32 $0xA000, s4;
	s9 =	sadd.s32 $0xC800, s4  }
0x11: {  	v0 =	vimm.f32 $0.0e+00;
	v1 =	vimm.f32 $1.000000000e+00;
	s10 =	sadd.s32 $0xF000, s4;
	s11 =	sadd.s32 $0x11800, s4;
	s12 =	sadd.s32 $0xB200, s0  }
.LBB2_1:
0x12: {  	s0 =	simm.s32 $0x0;
	s31 =	simm.s32 $0x200  }
.LBB2_2:
0x13: {  	p0 =	sne.s32 s31, $0x9E00;
	[tilespmem:s0+$0x14470] =	vst v0  }
0x14: {  	[tilespmem:s0+$0x14400] =	vst v0  }
0x15: {  	[tilespmem:s0+$0x14410] =	vst v0  }
.Ltmp0:
0x16: {  	[tilespmem:s0+$0x14420] =	vst v0;
	(pc) =	sbr.rel @p0 .LBB2_2-.Ltmp0, $4  }
0x17: {  	[tilespmem:s0+$0x14430] =	vst v0  }
0x18: {  	[tilespmem:s0+$0x14440] =	vst v0  }
0x19: {  	[tilespmem:s0+$0x14450] =	vst v0  }
0x1a: {  	[tilespmem:s0+$0x14460] =	vst v0;
	s0 =	sshra.s32 s31, $0x2;
	s31 =	sadd.s32 $0x200, s31  }
0x1b: {  	[tilespmem:s0+$0x14470] =	vst v0  }
0x1c: {  	[tilespmem:s0+$0x14400] =	vst v0  }
0x1d: {  	[tilespmem:s0+$0x14410] =	vst v0  }
0x1e: {  	[tilespmem:s0+$0x14420] =	vst v0  }
0x1f: {  	[tilespmem:s0+$0x14430] =	vst v0  }
0x20: {  	[tilespmem:s0+$0x14440] =	vst v0  }
0x21: {  	[tilespmem:s0+$0x14450] =	vst v0  }
0x22: {  	[tilespmem:s0+$0x14460] =	vst v0  }
0x23: {  	[spmem:s4] =	stream.linear.scatter [tilespmem:s15], [sflag:$0x2], $0x2800, $0x38;
	[tilespmem:$0x16C00] =	vst v63  }
0x24: {  	_ =	swait.ge [sflag:s16], $0x2800  }
0x25: {  	[sflag:s16] =	ssyncset.done $0x0  }
0x26: {  	[sflag:s16] =	ssyncadd.s32 $0xFFFFD800  }
0x27: {  	[spmem:s5] =	stream.linear.scatter [tilespmem:s15], [sflag:$0x2], $0x2800, $0x38;
	[tilespmem:$0x16C00] =	vst v63  }
0x28: {  	_ =	swait.ge [sflag:s16], $0x2800  }
0x29: {  	[sflag:s16] =	ssyncset.done $0x0  }
0x2a: {  	[sflag:s16] =	ssyncadd.s32 $0xFFFFD800  }
0x2b: {  	[spmem:s6] =	stream.linear.scatter [tilespmem:s15], [sflag:$0x2], $0x2800, $0x38;
	[tilespmem:$0x16C00] =	vst v63  }
0x2c: {  	_ =	swait.ge [sflag:s16], $0x2800  }
0x2d: {  	[sflag:s16] =	ssyncset.done $0x0  }
0x2e: {  	[sflag:s16] =	ssyncadd.s32 $0xFFFFD800  }
0x2f: {  	[spmem:s7] =	stream.linear.scatter [tilespmem:s15], [sflag:$0x2], $0x2800, $0x38;
	[tilespmem:$0x16C00] =	vst v63  }
0x30: {  	_ =	swait.ge [sflag:s16], $0x2800  }
0x31: {  	[sflag:s16] =	ssyncset.done $0x0  }
0x32: {  	[sflag:s16] =	ssyncadd.s32 $0xFFFFD800  }
0x33: {  	[spmem:s8] =	stream.linear.scatter [tilespmem:s15], [sflag:$0x2], $0x2800, $0x38;
	[tilespmem:$0x16C00] =	vst v63  }
0x34: {  	_ =	swait.ge [sflag:s16], $0x2800  }
0x35: {  	[sflag:s16] =	ssyncset.done $0x0  }
0x36: {  	[sflag:s16] =	ssyncadd.s32 $0xFFFFD800  }
0x37: {  	[spmem:s9] =	stream.linear.scatter [tilespmem:s15], [sflag:$0x2], $0x2800, $0x38;
	[tilespmem:$0x16C00] =	vst v63  }
0x38: {  	_ =	swait.ge [sflag:s16], $0x2800  }
0x39: {  	[sflag:s16] =	ssyncset.done $0x0  }
0x3a: {  	[sflag:s16] =	ssyncadd.s32 $0xFFFFD800  }
0x3b: {  	[spmem:s10] =	stream.linear.scatter [tilespmem:s15], [sflag:$0x2], $0x2800, $0x38;
	[tilespmem:$0x16C00] =	vst v63  }
0x3c: {  	_ =	swait.ge [sflag:s16], $0x2800  }
0x3d: {  	[sflag:s16] =	ssyncset.done $0x0  }
0x3e: {  	[sflag:s16] =	ssyncadd.s32 $0xFFFFD800  }
0x3f: {  	[spmem:s11] =	stream.linear.scatter [tilespmem:s15], [sflag:$0x2], $0x2800, $0x38;
	[tilespmem:$0x16C00] =	vst v63  }
0x40: {  	_ =	swait.ge [sflag:s16], $0x2800  }
0x41: {  	[sflag:s16] =	ssyncset.done $0x0  }
0x42: {  	s0 =	simm.s32 $0x0;
	s31 =	simm.s32 $0x200;
	[sflag:s16] =	ssyncadd.s32 $0xFFFFD800  }
.LBB2_4:
0x43: {  	p0 =	sne.s32 s31, $0x9E00;
	[tilespmem:s0+$0x14470] =	vst v1  }
0x44: {  	[tilespmem:s0+$0x14400] =	vst v1  }
0x45: {  	[tilespmem:s0+$0x14410] =	vst v1  }
.Ltmp1:
0x46: {  	[tilespmem:s0+$0x14420] =	vst v1;
	(pc) =	sbr.rel @p0 .LBB2_4-.Ltmp1, $4  }
0x47: {  	[tilespmem:s0+$0x14430] =	vst v1  }
0x48: {  	[tilespmem:s0+$0x14440] =	vst v1  }
0x49: {  	[tilespmem:s0+$0x14450] =	vst v1  }
0x4a: {  	[tilespmem:s0+$0x14460] =	vst v1;
	s0 =	sshra.s32 s31, $0x2;
	s31 =	sadd.s32 $0x200, s31  }
0x4b: {  	[tilespmem:s0+$0x14470] =	vst v1  }
0x4c: {  	[tilespmem:s0+$0x14400] =	vst v1  }
0x4d: {  	[tilespmem:s0+$0x14410] =	vst v1  }
0x4e: {  	[tilespmem:s0+$0x14420] =	vst v1  }
0x4f: {  	[tilespmem:s0+$0x14430] =	vst v1  }
0x50: {  	[tilespmem:s0+$0x14440] =	vst v1  }
0x51: {  	[tilespmem:s0+$0x14450] =	vst v1  }
0x52: {  	[tilespmem:s0+$0x14460] =	vst v1  }
0x53: {  	s28 =	sadd.s32 $0x0, s14;
	[bflag:$0x0] =	sbarrier.arrive $0xFFFF  }
0x54: {  	[tilespmem:s17], [sflag:$0x2] =	stream.linear.gather [hbm4b:s28+s3], $0x400, $0x38;
	[tilespmem:$0x16C00] =	vst v63  }
0x55: {  	_ =	swait.ge [sflag:s16], $0x400  }
0x56: {  	[sflag:s16] =	ssyncset.done $0x0  }
0x57: {  	[sflag:s16] =	ssyncadd.s32 $0xFFFFFC00  }
0x58: {  	[spmem:s2] =	stream.indirect.scatter.add.f32 [tilespmem:s15], [sflag:$0x1], $0x80, s17, s18, $0xb8;
	[tilespmem:$0x16C00] =	vst v63  }
0x59: {  	_ = 	snop  }
0x5a: {  	[spmem:s2] =	stream.indirect.scatter.add.f32 [tilespmem:s15], [sflag:$0x1], $0x80, s19, s18, $0xb8;
	[tilespmem:$0x16C00] =	vst v63  }
0x5b: {  	_ = 	snop  }
0x5c: {  	[spmem:s2] =	stream.indirect.scatter.add.f32 [tilespmem:s15], [sflag:$0x1], $0x80, s20, s18, $0xb8;
	[tilespmem:$0x16C00] =	vst v63  }
0x5d: {  	_ = 	snop  }
0x5e: {  	[spmem:s2] =	stream.indirect.scatter.add.f32 [tilespmem:s15], [sflag:$0x1], $0x80, s21, s18, $0xb8;
	[tilespmem:$0x16C00] =	vst v63  }
0x5f: {  	_ = 	snop  }
0x60: {  	[spmem:s2] =	stream.indirect.scatter.add.f32 [tilespmem:s15], [sflag:$0x1], $0x80, s22, s18, $0xb8;
	[tilespmem:$0x16C00] =	vst v63  }
0x61: {  	_ = 	snop  }
0x62: {  	[spmem:s2] =	stream.indirect.scatter.add.f32 [tilespmem:s15], [sflag:$0x1], $0x80, s23, s18, $0xb8;
	[tilespmem:$0x16C00] =	vst v63  }
0x63: {  	_ = 	snop  }
0x64: {  	[spmem:s2] =	stream.indirect.scatter.add.f32 [tilespmem:s15], [sflag:$0x1], $0x80, s24, s18, $0xb8;
	[tilespmem:$0x16C00] =	vst v63  }
0x65: {  	_ = 	snop  }
0x66: {  	[spmem:s2] =	stream.indirect.scatter.add.f32 [tilespmem:s15], [sflag:$0x1], $0x80, s25, s18, $0xb8;
	[tilespmem:$0x16C00] =	vst v63  }
0x67: {  	_ =	swait.ge [sflag:s26], $0x2800  }
0x68: {  	[sflag:s26] =	ssyncset.done $0x0  }
0x69: {  	[sflag:s26] =	ssyncadd.s32 $0xFFFFD800  }
0x6a: {  	_ =	swait.ge [sflag:s26], $0x2800  }
0x6b: {  	[sflag:s26] =	ssyncset.done $0x0  }
0x6c: {  	[sflag:s26] =	ssyncadd.s32 $0xFFFFD800  }
0x6d: {  	_ =	swait.ge [sflag:s26], $0x2800  }
0x6e: {  	[sflag:s26] =	ssyncset.done $0x0  }
0x6f: {  	[sflag:s26] =	ssyncadd.s32 $0xFFFFD800  }
0x70: {  	_ =	swait.ge [sflag:s26], $0x2800  }
0x71: {  	[sflag:s26] =	ssyncset.done $0x0  }
0x72: {  	[sflag:s26] =	ssyncadd.s32 $0xFFFFD800  }
0x73: {  	_ =	swait.ge [sflag:s26], $0x2800  }
0x74: {  	[sflag:s26] =	ssyncset.done $0x0  }
0x75: {  	[sflag:s26] =	ssyncadd.s32 $0xFFFFD800  }
0x76: {  	_ =	swait.ge [sflag:s26], $0x2800  }
0x77: {  	[sflag:s26] =	ssyncset.done $0x0  }
0x78: {  	[sflag:s26] =	ssyncadd.s32 $0xFFFFD800  }
0x79: {  	_ =	swait.ge [sflag:s26], $0x2800  }
0x7a: {  	[sflag:s26] =	ssyncset.done $0x0  }
0x7b: {  	[sflag:s26] =	ssyncadd.s32 $0xFFFFD800  }
0x7c: {  	_ =	swait.ge [sflag:s26], $0x2800  }
0x7d: {  	s31 =	simm.s32 $0x80;
	s0 =	simm.s32 $0x100;
	[sflag:s26] =	ssyncset.done $0x0  }
.LBB2_6:
0x7e: {  	s28 =	sadd.s32 s31, s14  }
0x7f: {  	[sflag:s26] =	ssyncadd.s32 $0xFFFFD800;
	s31 =	smov.u32 s0;
	s1 =	sadd.s32 $0x80, s0  }
0x80: {  	[tilespmem:s17], [sflag:$0x2] =	stream.linear.gather [hbm4b:s28+s3], $0x400, $0x38;
	[tilespmem:$0x16C00] =	vst v63  }
0x81: {  	p0 =	sne.s32 s0, $0x380;
	_ =	swait.ge [sflag:s16], $0x400  }
0x82: {  	[sflag:s16] =	ssyncset.done $0x0  }
0x83: {  	[sflag:s16] =	ssyncadd.s32 $0xFFFFFC00  }
0x84: {  	[spmem:s2] =	stream.indirect.scatter.add.f32 [tilespmem:s15], [sflag:$0x1], $0x80, s17, s18, $0xb8;
	[tilespmem:$0x16C00] =	vst v63  }
0x85: {  	_ = 	snop  }
0x86: {  	[spmem:s2] =	stream.indirect.scatter.add.f32 [tilespmem:s15], [sflag:$0x1], $0x80, s19, s18, $0xb8;
	[tilespmem:$0x16C00] =	vst v63  }
0x87: {  	_ = 	snop  }
0x88: {  	[spmem:s2] =	stream.indirect.scatter.add.f32 [tilespmem:s15], [sflag:$0x1], $0x80, s20, s18, $0xb8;
	[tilespmem:$0x16C00] =	vst v63  }
0x89: {  	_ = 	snop  }
0x8a: {  	[spmem:s2] =	stream.indirect.scatter.add.f32 [tilespmem:s15], [sflag:$0x1], $0x80, s21, s18, $0xb8;
	[tilespmem:$0x16C00] =	vst v63  }
0x8b: {  	_ = 	snop  }
0x8c: {  	[spmem:s2] =	stream.indirect.scatter.add.f32 [tilespmem:s15], [sflag:$0x1], $0x80, s22, s18, $0xb8;
	[tilespmem:$0x16C00] =	vst v63  }
0x8d: {  	_ = 	snop  }
0x8e: {  	[spmem:s2] =	stream.indirect.scatter.add.f32 [tilespmem:s15], [sflag:$0x1], $0x80, s23, s18, $0xb8;
	[tilespmem:$0x16C00] =	vst v63  }
0x8f: {  	_ = 	snop  }
0x90: {  	[spmem:s2] =	stream.indirect.scatter.add.f32 [tilespmem:s15], [sflag:$0x1], $0x80, s24, s18, $0xb8;
	[tilespmem:$0x16C00] =	vst v63  }
0x91: {  	_ = 	snop  }
0x92: {  	[spmem:s2] =	stream.indirect.scatter.add.f32 [tilespmem:s15], [sflag:$0x1], $0x80, s25, s18, $0xb8;
	[tilespmem:$0x16C00] =	vst v63  }
0x93: {  	_ =	swait.ge [sflag:s26], $0x2800  }
0x94: {  	[sflag:s26] =	ssyncset.done $0x0  }
0x95: {  	[sflag:s26] =	ssyncadd.s32 $0xFFFFD800  }
0x96: {  	_ =	swait.ge [sflag:s26], $0x2800  }
0x97: {  	[sflag:s26] =	ssyncset.done $0x0  }
0x98: {  	[sflag:s26] =	ssyncadd.s32 $0xFFFFD800  }
0x99: {  	_ =	swait.ge [sflag:s26], $0x2800  }
0x9a: {  	[sflag:s26] =	ssyncset.done $0x0  }
0x9b: {  	[sflag:s26] =	ssyncadd.s32 $0xFFFFD800  }
0x9c: {  	_ =	swait.ge [sflag:s26], $0x2800  }
0x9d: {  	[sflag:s26] =	ssyncset.done $0x0  }
0x9e: {  	[sflag:s26] =	ssyncadd.s32 $0xFFFFD800  }
0x9f: {  	_ =	swait.ge [sflag:s26], $0x2800  }
0xa0: {  	[sflag:s26] =	ssyncset.done $0x0  }
0xa1: {  	[sflag:s26] =	ssyncadd.s32 $0xFFFFD800  }
0xa2: {  	_ =	swait.ge [sflag:s26], $0x2800  }
0xa3: {  	[sflag:s26] =	ssyncset.done $0x0  }
0xa4: {  	[sflag:s26] =	ssyncadd.s32 $0xFFFFD800  }
.Ltmp2:
0xa5: {  	_ =	swait.ge [sflag:s26], $0x2800;
	(pc) =	sbr.rel @p0 .LBB2_6-.Ltmp2, $4  }
0xa6: {  	[sflag:s26] =	ssyncset.done $0x0  }
0xa7: {  	[sflag:s26] =	ssyncadd.s32 $0xFFFFD800  }
0xa8: {  	_ =	swait.ge [sflag:s26], $0x2800  }
0xa9: {  	s0 =	smov.u32 s1;
	[sflag:s26] =	ssyncset.done $0x0  }
0xaa: {  	s0 =	sadd.s32 s31, s14;
	[sflag:s26] =	ssyncadd.s32 $0xFFFFD800  }
0xab: {  	[tilespmem:s17], [sflag:$0x2] =	stream.linear.gather [hbm4b:s0+s3], $0x400, $0x38;
	[tilespmem:$0x16C00] =	vst v63  }
0xac: {  	_ =	swait.ge [sflag:s16], $0x400  }
0xad: {  	[sflag:s16] =	ssyncset.done $0x0  }
0xae: {  	[sflag:s16] =	ssyncadd.s32 $0xFFFFFC00  }
0xaf: {  	[spmem:s2] =	stream.indirect.scatter.add.f32 [tilespmem:s15], [sflag:$0x1], $0x80, s17, s18, $0xb8;
	[tilespmem:$0x16C00] =	vst v63  }
0xb0: {  	_ = 	snop  }
0xb1: {  	[spmem:s2] =	stream.indirect.scatter.add.f32 [tilespmem:s15], [sflag:$0x1], $0x80, s19, s18, $0xb8;
	[tilespmem:$0x16C00] =	vst v63  }
0xb2: {  	_ = 	snop  }
0xb3: {  	[spmem:s2] =	stream.indirect.scatter.add.f32 [tilespmem:s15], [sflag:$0x1], $0x80, s20, s18, $0xb8;
	[tilespmem:$0x16C00] =	vst v63  }
0xb4: {  	_ = 	snop  }
0xb5: {  	[spmem:s2] =	stream.indirect.scatter.add.f32 [tilespmem:s15], [sflag:$0x1], $0x80, s21, s18, $0xb8;
	[tilespmem:$0x16C00] =	vst v63  }
0xb6: {  	_ = 	snop  }
0xb7: {  	[spmem:s2] =	stream.indirect.scatter.add.f32 [tilespmem:s15], [sflag:$0x1], $0x80, s22, s18, $0xb8;
	[tilespmem:$0x16C00] =	vst v63  }
0xb8: {  	_ = 	snop  }
0xb9: {  	[spmem:s2] =	stream.indirect.scatter.add.f32 [tilespmem:s15], [sflag:$0x1], $0x80, s23, s18, $0xb8;
	[tilespmem:$0x16C00] =	vst v63  }
0xba: {  	_ = 	snop  }
0xbb: {  	[spmem:s2] =	stream.indirect.scatter.add.f32 [tilespmem:s15], [sflag:$0x1], $0x80, s24, s18, $0xb8;
	[tilespmem:$0x16C00] =	vst v63  }
0xbc: {  	_ = 	snop  }
0xbd: {  	[spmem:s2] =	stream.indirect.scatter.add.f32 [tilespmem:s15], [sflag:$0x1], $0x80, s25, s18, $0xb8;
	[tilespmem:$0x16C00] =	vst v63  }
0xbe: {  	_ =	swait.ge [sflag:s26], $0x2800  }
0xbf: {  	[sflag:s26] =	ssyncset.done $0x0  }
0xc0: {  	[sflag:s26] =	ssyncadd.s32 $0xFFFFD800  }
0xc1: {  	_ =	swait.ge [sflag:s26], $0x2800  }
0xc2: {  	[sflag:s26] =	ssyncset.done $0x0  }
0xc3: {  	[sflag:s26] =	ssyncadd.s32 $0xFFFFD800  }
0xc4: {  	_ =	swait.ge [sflag:s26], $0x2800  }
0xc5: {  	[sflag:s26] =	ssyncset.done $0x0  }
0xc6: {  	[sflag:s26] =	ssyncadd.s32 $0xFFFFD800  }
0xc7: {  	_ =	swait.ge [sflag:s26], $0x2800  }
0xc8: {  	[sflag:s26] =	ssyncset.done $0x0  }
0xc9: {  	[sflag:s26] =	ssyncadd.s32 $0xFFFFD800  }
0xca: {  	_ =	swait.ge [sflag:s26], $0x2800  }
0xcb: {  	[sflag:s26] =	ssyncset.done $0x0  }
0xcc: {  	[sflag:s26] =	ssyncadd.s32 $0xFFFFD800  }
0xcd: {  	_ =	swait.ge [sflag:s26], $0x2800  }
0xce: {  	[sflag:s26] =	ssyncset.done $0x0  }
0xcf: {  	[sflag:s26] =	ssyncadd.s32 $0xFFFFD800  }
0xd0: {  	_ =	swait.ge [sflag:s26], $0x2800  }
0xd1: {  	[sflag:s26] =	ssyncset.done $0x0  }
0xd2: {  	[sflag:s26] =	ssyncadd.s32 $0xFFFFD800  }
0xd3: {  	s31 =	stileid.u32;
	s1 =	sshrl.u32 s4, $0x3;
	_ =	swait.ge [sflag:s26], $0x2800  }
0xd4: {  	s28 =	simm.s32 $0x20;
	s30 =	sadd.s32 $0x1, s30;
	[sflag:s26] =	ssyncset.done $0x0  }
0xd5: {  	s0 =	sshll.u32 s31, $0x6;
	p0 =	sne.s32 s30, s13;
	[sflag:s26] =	ssyncadd.s32 $0xFFFFD800  }
.Ltmp3:
0xd6: {  	s0 =	sor.u32 $0x1C02, s0;
	[bflag:$0x0] =	sbarrier.arrive $0xFFFF;
	(pc) =	sbr.rel @p0 .LBB2_1-.Ltmp3, $4  }
0xd7: {  	[hbm:s12@s28], [sflag:s0] =	dma.strided [spmem:s1@s29], $0x2800, s26, $0x10   }
0xd8: {  	_ =	swait.ge [sflag:s16], $0x2800  }
0xd9: {  	[sflag:s16] =	ssyncset.done $0x0  }
0xda: {  	[sflag:s16] =	ssyncadd.s32 $0xFFFFD800  }
0xdb: {  	_ =	sfence.sel $0x180000  }
0xdc: {  	[bflag:$0x0] =	sbarrier.arrive $0xFFFF  }
0xdd: {  	_ =	strace $0x90000047  }
0xde: {  	s0 =	stileid.u32;
	[bflag:$0x2] =	sbarrier.arrive $0xFFFF  }
0xdf: {  	p0 =	sne.s32 s0, $0x0;
	s0 =	rddreg [dreg:$0x2]  }
0xe0: {  	s0 =	sadd.s32 @!p0 $0x100000, s0  }
0xe1: {  	[sflag:s0] =	ssyncadd.tile.s32 @!p0 $0x1;
	_ =	shalt  }
.Lfunc_end2:
_tile_overlayer_lowered:
.L_overlay_start_2:
0xe2: {  	(tag) =	ssettag $0x2  }
0xe3: {  	s0 =	rddreg [dreg:$0x0];
	s2 =	stileid.u32  }
0xe4: {  	s1 =	rddreg [dreg:$0x1];
	p0 =	sne.s32 s2, $0x0  }
0xe5: {  	s3 =	rddreg [dreg:$0x2];
	[bflag:$0x3] =	sbarrier.arrive $0xFFFF;
	s2 =	simm.s32 @!p0 $0x1C02  }
0xe6: {  	[timem:s3], [sflag:s2] =	dma.local @!p0 [hbm:s0], s1  }
0xe7: {  	s0 =	simm.s32 @!p0 $0x2  }
0xe8: {  	_ =	swait.ge @!p0 [sflag:s0], s1  }
0xe9: {  	s1 =	ssub.s32 @!p0 $0x0, s1;
	[sflag:s0] =	ssyncset.done @!p0 $0x0  }
0xea: {  	[sflag:s0] =	ssyncadd.s32 @!p0 s1  }
0xeb: {  	[bflag:$0x3] =	sbarrier.arrive $0xFFFF  }
0xec: {  	_ =	shalt  }

</sc_bundles>
